<compile_context>
chip_gen: v7x
topology: tpu7x:2x2x1
jax: 0.10.2.dev20260603
libtpu: 0.0.44.dev20260713+nightly
codegen_flags: <defaults>
</compile_context>

<pallas_src>
import dataclasses
import functools

import jax
import jax.numpy as jnp
from jax import lax
from jax.experimental import pallas as pl
from jax.experimental.pallas import tpu as pltpu
from jax.experimental.pallas import tpu_sc as plsc

N = 10000
NP = 10240
D_IN = 128
D_H = 128
D_OUT = 64
E = 320000
NC = 2
NS = 16
NW = NC * NS
WIN = 128
WPW = 80
EP = NW * WPW * WIN
ROWS_PER_SUB = NP // NS

_mesh = plsc.VectorSubcoreMesh(core_axis_name="c", subcore_axis_name="s")

_no_layout_cp = pltpu.CompilerParams()
if "needs_layout_passes" in pltpu.CompilerParams.__dataclass_fields__:
    _no_layout_cp = dataclasses.replace(_no_layout_cp, needs_layout_passes=False)



def _deg_body(islab_hbm, outs_hbm, outd_hbm,
              idx_v, hs_v, hd_v, tmp_v, acc_v, hist_sh):
    c = lax.axis_index("c")
    s = lax.axis_index("s")
    wid = s * NC + c
    zeros16 = jnp.zeros((16,), jnp.float32)
    ones16 = jnp.ones((16,), jnp.float32)

    @pl.loop(0, NP, step=16)
    def _(i):
        hs_v[pl.ds(i, 16)] = zeros16
        hd_v[pl.ds(i, 16)] = zeros16

    pltpu.sync_copy(islab_hbm.at[wid], idx_v)

    @pl.loop(0, WPW)
    def _(j):
        @pl.loop(0, WIN, step=16)
        def _(k):
            plsc.addupdate_scatter(hs_v, [idx_v[j, 0, pl.ds(k, 16)]], ones16)
            plsc.addupdate_scatter(hd_v, [idx_v[j, 1, pl.ds(k, 16)]], ones16)

    pltpu.sync_copy(hs_v, hist_sh.at[0, s])
    pltpu.sync_copy(hd_v, hist_sh.at[1, s])
    plsc.subcore_barrier()

    base = s * ROWS_PER_SUB
    for which, out_hbm in ((0, outs_hbm), (1, outd_hbm)):
        @pl.loop(0, ROWS_PER_SUB, step=16)
        def _(i):
            acc_v[pl.ds(i, 16)] = zeros16

        @pl.loop(0, NS)
        def _(t):
            pltpu.sync_copy(hist_sh.at[which, t, pl.ds(base, ROWS_PER_SUB)],
                            tmp_v)

            @pl.loop(0, ROWS_PER_SUB, step=16)
            def _(i):
                acc_v[pl.ds(i, 16)] = acc_v[pl.ds(i, 16)] + tmp_v[pl.ds(i, 16)]

        pltpu.sync_copy(acc_v, out_hbm.at[c, pl.ds(base, ROWS_PER_SUB)])


def _degrees(islab):
    f = pl.kernel(
        _deg_body,
        out_type=[jax.ShapeDtypeStruct((NC, NP), jnp.float32),
                  jax.ShapeDtypeStruct((NC, NP), jnp.float32)],
        mesh=_mesh,
        scratch_types=[
            pltpu.VMEM((WPW, 2, WIN), jnp.int32),
            pltpu.VMEM((NP,), jnp.float32),
            pltpu.VMEM((NP,), jnp.float32),
            pltpu.VMEM((ROWS_PER_SUB,), jnp.float32),
            pltpu.VMEM((ROWS_PER_SUB,), jnp.float32),
            pltpu.VMEM_SHARED((2, NS, NP), jnp.float32),
        ],
        compiler_params=_no_layout_cp,
    )
    return f(islab)


def _msg_body(d, h_hbm, islab_hbm, msgs_hbm, out_hbm,
              i0, i1, i2, i3, msg0, msg1, sh,
              is0, is1, is2, is3, ds0, ds1):
    c = lax.axis_index("c")
    s = lax.axis_index("s")
    wid = s * NC + c
    ibufs = (i0, i1, i2, i3)
    isems = (is0, is1, is2, is3)
    msgs = (msg0, msg1)
    dsems = (ds0, ds1)

    base0 = s * ROWS_PER_SUB
    pltpu.sync_copy(h_hbm.at[pl.ds(base0, ROWS_PER_SUB)],
                    sh.at[pl.ds(base0, ROWS_PER_SUB)])
    plsc.subcore_barrier()

    pltpu.make_async_copy(islab_hbm.at[wid, 0], i0, is0).start()
    pltpu.make_async_copy(islab_hbm.at[wid, 1], i1, is1).start()

    @pl.loop(0, WPW, step=4)
    def _(w4):
        for i in range(4):
            gw = w4 + i
            a = i % 2
            msg, dsem = msgs[a], dsems[a]
            qp = (i + 2) % 4

            @pl.when(gw < WPW - 2)
            def _():
                pltpu.make_async_copy(
                    islab_hbm.at[wid, gw + 2], ibufs[qp], isems[qp]).start()

            @pl.when(gw >= 2)
            def _():
                pltpu.make_async_copy(
                    msg, msgs_hbm.at[wid, gw - 2], dsem).wait()

            pltpu.make_async_copy(
                islab_hbm.at[wid, gw], ibufs[i], isems[i]).wait()
            pltpu.sync_copy(sh.at[ibufs[i].at[0]], msg)
            pltpu.make_async_copy(msg, msgs_hbm.at[wid, gw], dsem).start()

    pltpu.make_async_copy(msg0, msgs_hbm.at[wid, WPW - 2], ds0).wait()
    pltpu.make_async_copy(msg1, msgs_hbm.at[wid, WPW - 1], ds1).wait()
    plsc.subcore_barrier()

    @pl.loop(0, WIN)
    def _(i):
        @pl.loop(0, d, step=16)
        def _(k):
            msg0[i, pl.ds(k, 16)] = jnp.zeros((16,), jnp.float32)

    @pl.loop(0, ROWS_PER_SUB // WIN)
    def _(k):
        pltpu.sync_copy(msg0, sh.at[pl.ds(s * ROWS_PER_SUB + k * WIN, WIN)])
    plsc.subcore_barrier()

    pltpu.make_async_copy(islab_hbm.at[wid, 0], i0, is0).start()
    pltpu.make_async_copy(islab_hbm.at[wid, 1], i1, is1).start()
    pltpu.make_async_copy(msgs_hbm.at[wid, 0], msg0, ds0).start()
    pltpu.make_async_copy(msgs_hbm.at[wid, 1], msg1, ds1).start()

    @pl.loop(0, WPW, step=4)
    def _(w4):
        for i in range(4):
            gw = w4 + i
            a = i % 2
            msg, dsem = msgs[a], dsems[a]
            qp = (i + 2) % 4

            @pl.when(gw < WPW - 2)
            def _():
                pltpu.make_async_copy(
                    islab_hbm.at[wid, gw + 2], ibufs[qp], isems[qp]).start()

            pltpu.make_async_copy(
                islab_hbm.at[wid, gw], ibufs[i], isems[i]).wait()
            pltpu.make_async_copy(msgs_hbm.at[wid, gw], msg, dsem).wait()
            pltpu.sync_copy(msg, sh.at[ibufs[i].at[1]], add=True)

            @pl.when(gw < WPW - 2)
            def _():
                pltpu.make_async_copy(
                    msgs_hbm.at[wid, gw + 2], msg, dsem).start()

    plsc.subcore_barrier()

    pltpu.sync_copy(sh.at[pl.ds(base0, ROWS_PER_SUB)],
                    out_hbm.at[c, pl.ds(base0, ROWS_PER_SUB)])


def _aggregate(h, islab, d):
    f = pl.kernel(
        functools.partial(_msg_body, d),
        out_type=[jax.ShapeDtypeStruct((NW, WPW, WIN, d), jnp.float32),
                  jax.ShapeDtypeStruct((NC, NP, d), jnp.float32)],
        mesh=_mesh,
        scratch_types=[
            pltpu.VMEM((2, WIN), jnp.int32),
            pltpu.VMEM((2, WIN), jnp.int32),
            pltpu.VMEM((2, WIN), jnp.int32),
            pltpu.VMEM((2, WIN), jnp.int32),
            pltpu.VMEM((WIN, d), jnp.float32),
            pltpu.VMEM((WIN, d), jnp.float32),
            pltpu.VMEM_SHARED((NP, d), jnp.float32),
            pltpu.SemaphoreType.DMA,
            pltpu.SemaphoreType.DMA,
            pltpu.SemaphoreType.DMA,
            pltpu.SemaphoreType.DMA,
            pltpu.SemaphoreType.DMA,
            pltpu.SemaphoreType.DMA,
        ],
    )
    _, out = f(h, islab)
    return out



def _norm_from(deg_ref):
    deg = (deg_ref[0, :] + deg_ref[1, :]).reshape(NP, 1)
    rows = lax.broadcasted_iota(jnp.int32, (NP, 1), 0)
    ok = jnp.logical_and(rows < N, deg > 0.0)
    return jnp.where(ok, lax.rsqrt(jnp.maximum(deg, 1.0)), 0.0)


def _tc_matmul_body(x_ref, w_ref, h_ref):
    h_ref[...] = jnp.dot(x_ref[...], w_ref[...],
                         preferred_element_type=jnp.float32)


def _tc_matmul(x_pad, w0):
    return pl.pallas_call(
        _tc_matmul_body,
        out_shape=jax.ShapeDtypeStruct((NP, D_H), jnp.float32),
    )(x_pad, w0)


def _tc_scale_body(xw_ref, degs_ref, h_ref):
    h_ref[...] = xw_ref[...] * _norm_from(degs_ref)


def _tc_scale(xw, degs):
    return pl.pallas_call(
        _tc_scale_body,
        out_shape=jax.ShapeDtypeStruct((NP, D_H), jnp.float32),
    )(xw, degs)


def _tc_mid_body(aggp_ref, degs_ref, degd_ref, b_ref, g_ref, be_ref, w_ref,
                 h_ref):
    norm_s = _norm_from(degs_ref)
    norm_d = _norm_from(degd_ref)
    rows = lax.broadcasted_iota(jnp.int32, aggp_ref.shape[1:], 0)
    y = (aggp_ref[0] + aggp_ref[1]) * norm_d + b_ref[...][None, :]
    y = jnp.where(rows < N, y, 0.0)
    mu = jnp.sum(y, axis=0, keepdims=True) / N
    dy = jnp.where(rows < N, y - mu, 0.0)
    var = jnp.sum(dy * dy, axis=0, keepdims=True) / N
    bn = (y - mu) * lax.rsqrt(var + 1e-5) * g_ref[...][None, :] + be_ref[...][None, :]
    h = jnp.maximum(bn, 0.0) * norm_s
    h_ref[...] = jnp.dot(h, w_ref[...], preferred_element_type=jnp.float32)


def _tc_mid(aggp, degs, degd, b, g, be, w):
    return pl.pallas_call(
        _tc_mid_body,
        out_shape=jax.ShapeDtypeStruct((NP, w.shape[1]), jnp.float32),
    )(aggp, degs, degd, b, g, be, w)


def _tc_last_body(aggp_ref, degd_ref, b_ref, o_ref):
    norm_d = _norm_from(degd_ref)
    y = (aggp_ref[0, :, :D_OUT] + aggp_ref[1, :, :D_OUT]) * norm_d \
        + b_ref[...][None, :]
    m = jnp.max(y, axis=1, keepdims=True)
    lse = jnp.log(jnp.sum(jnp.exp(y - m), axis=1, keepdims=True)) + m
    o_ref[...] = y - lse


def _tc_last(aggp, degd, b):
    return pl.pallas_call(
        _tc_last_body,
        out_shape=jax.ShapeDtypeStruct((NP, D_OUT), jnp.float32),
    )(aggp, degd, b)



def kernel(x, edge_index, W0, b0, g0, be0, W1, b1, g1, be1, W2, b2):
    pad = EP - E
    src = jnp.concatenate([edge_index[0], jnp.full((pad,), N, jnp.int32)])
    dst = jnp.concatenate([edge_index[1], jnp.full((pad,), N, jnp.int32)])
    islab = jnp.stack([src.reshape(NW, WPW, WIN),
                       dst.reshape(NW, WPW, WIN)], axis=2)
    x_pad = jnp.pad(x, ((0, NP - N), (0, 0)))

    degs, degd = _degrees(islab)
    xw0 = _tc_matmul(x_pad, W0)
    h0 = _tc_scale(xw0, degs)
    agg0 = _aggregate(h0, islab, D_H)
    h1 = _tc_mid(agg0, degs, degd, b0, g0, be0, W1)
    agg1 = _aggregate(h1, islab, D_H)
    W2p = jnp.pad(W2, ((0, 0), (0, D_H - D_OUT)))
    h2 = _tc_mid(agg1, degs, degd, b1, g1, be1, W2p)
    agg2 = _aggregate(h2, islab, D_H)
    out = _tc_last(agg2, degd, b2)
    return out[:N]

# --- scband reference (transcript-rebuilt; emitter-appended) ---
"""Pipeline reference for scband-gcn-11879879541045 (READ-ONLY COPY).

The authoritative reference and input builder live on the scoring server;
editing this copy changes nothing except your own understanding.
"""

import jax, jax.numpy as jnp
import numpy as np

N = 10000
E = 320000
D_IN = 128
D_H = 128
D_OUT = 64


def setup_inputs(seed: int = 0) -> dict:
    key = jax.random.key(seed)
    ks = jax.random.split(key, 16)
    x = jax.random.normal(ks[0], (N, D_IN), dtype=jnp.float32)
    edge_index = jax.random.randint(ks[1], (2, E), 0, N, dtype=jnp.int32)
    W0 = jax.random.normal(ks[2], (D_IN, D_H), dtype=jnp.float32) / np.sqrt(D_IN)
    b0 = jnp.zeros((D_H,), dtype=jnp.float32)
    g0 = jnp.ones((D_H,), dtype=jnp.float32)
    be0 = jnp.zeros((D_H,), dtype=jnp.float32)
    W1 = jax.random.normal(ks[3], (D_H, D_H), dtype=jnp.float32) / np.sqrt(D_H)
    b1 = jnp.zeros((D_H,), dtype=jnp.float32)
    g1 = jnp.ones((D_H,), dtype=jnp.float32)
    be1 = jnp.zeros((D_H,), dtype=jnp.float32)
    W2 = jax.random.normal(ks[4], (D_H, D_OUT), dtype=jnp.float32) / np.sqrt(D_H)
    b2 = jnp.zeros((D_OUT,), dtype=jnp.float32)
    return {"x": x, "edge_index": edge_index, "W0": W0, "b0": b0, "g0": g0, "be0": be0,
            "W1": W1, "b1": b1, "g1": g1, "be1": be1, "W2": W2, "b2": b2}


def _graph_conv(x, W, b, src, dst):
    # DGL GraphConv with norm='both': D_out^{-1/2} on src, sum-aggregate, D_in^{-1/2} on dst
    ones = jnp.ones((E,), dtype=jnp.float32)
    deg_out = jax.ops.segment_sum(ones, src, num_segments=N)
    deg_in = jax.ops.segment_sum(ones, dst, num_segments=N)
    norm_s = jnp.where(deg_out > 0, jax.lax.rsqrt(jnp.maximum(deg_out, 1.0)), 0.0)
    norm_d = jnp.where(deg_in > 0, jax.lax.rsqrt(jnp.maximum(deg_in, 1.0)), 0.0)
    h = (x * norm_s[:, None]) @ W
    msgs = jnp.take(h, src, axis=0)
    agg = jax.ops.segment_sum(msgs, dst, num_segments=N)
    return agg * norm_d[:, None] + b


def _bn(h, gamma, beta):
    mu = jnp.mean(h, axis=0)
    var = jnp.var(h, axis=0)
    return (h - mu) * jax.lax.rsqrt(var + 1e-5) * gamma + beta


def reference(x, edge_index, W0, b0, g0, be0, W1, b1, g1, be1, W2, b2):
    src = edge_index[0]
    dst = edge_index[1]
    h = _graph_conv(x, W0, b0, src, dst)
    h = jax.nn.relu(_bn(h, g0, be0))
    # dropout: module has self.training = None -> treated as eval (identity)
    h = _graph_conv(h, W1, b1, src, dst)
    h = jax.nn.relu(_bn(h, g1, be1))
    h = _graph_conv(h, W2, b2, src, dst)
    return jax.nn.log_softmax(h, axis=-1)

if __name__ == "__main__":
    import jax
    _d = setup_inputs()
    print(jax.jit(kernel)(*tuple(_d.values())))

</pallas_src>

<mosaic_0001>
#map = affine_map<(d0, d1) -> (0, 0)>
#map1 = affine_map<(d0, d1) -> (0, 0, 0, 0)>
#map2 = affine_map<(d0, d1) -> (0, 0, 0)>
module attributes {stable_mosaic.version = 14 : i64} {
  func.func @_msg_body(%arg0: i32, %arg1: i32, %arg2: memref<10240x128xf32, #tpu.memory_space<hbm>>, %arg3: memref<32x80x2x128xi32, #tpu.memory_space<hbm>>, %arg4: memref<32x80x128x128xf32, #tpu.memory_space<hbm>>, %arg5: memref<2x10240x128xf32, #tpu.memory_space<hbm>>, %arg6: memref<2x128xi32, #tpu.memory_space<vmem>>, %arg7: memref<2x128xi32, #tpu.memory_space<vmem>>, %arg8: memref<2x128xi32, #tpu.memory_space<vmem>>, %arg9: memref<2x128xi32, #tpu.memory_space<vmem>>, %arg10: memref<128x128xf32, #tpu.memory_space<vmem>>, %arg11: memref<128x128xf32, #tpu.memory_space<vmem>>, %arg12: memref<10240x128xf32, #tpu.memory_space<vmem_shared>>, %arg13: memref<!tpu.dma_semaphore, #tpu.memory_space<semaphore_mem>>, %arg14: memref<!tpu.dma_semaphore, #tpu.memory_space<semaphore_mem>>, %arg15: memref<!tpu.dma_semaphore, #tpu.memory_space<semaphore_mem>>, %arg16: memref<!tpu.dma_semaphore, #tpu.memory_space<semaphore_mem>>, %arg17: memref<!tpu.dma_semaphore, #tpu.memory_space<semaphore_mem>>, %arg18: memref<!tpu.dma_semaphore, #tpu.memory_space<semaphore_mem>>) attributes {dimension_semantics = [#tpu.dimension_semantics<core_parallel>, #tpu.dimension_semantics<subcore_parallel>], iteration_bounds = array<i64: 2, 16>, scalar_prefetch = 0 : i64, scratch_operands = 13 : i64, tpu.core_type = #tpu.core_type<sc_vector_subcore>, window_params = [{transform_indices = #map}, {transform_indices = #map1}, {transform_indices = #map1}, {transform_indices = #map2}]} {
    %mul3A = arith.constant 2 : i32
    %mul3A_0 = arith.muli %arg1, %mul3A : i32
    %add3A = arith.addi %mul3A_0, %arg0 : i32
    %mul3A_1 = arith.constant 640 : i32
    %mul3A_2 = arith.muli %arg1, %mul3A_1 : i32
    "tpu.region"() ({
      %run_scoped3A = tpu.sem_alloc : memref<!tpu.dma_semaphore, #tpu.memory_space<semaphore_mem>>
      %dma_start3A_95 = arith.constant 0 : i32
      %dma_start3A_96 = tpu.memref_slice %arg12[%mul3A_2, %dma_start3A_95] : memref<10240x128xf32, #tpu.memory_space<vmem_shared>> -> memref<640x128xf32, #tpu.memory_space<vmem_shared>>
      %dma_start3A_97 = arith.constant 0 : i32
      %dma_start3A_98 = tpu.memref_slice %arg2[%mul3A_2, %dma_start3A_97] : memref<10240x128xf32, #tpu.memory_space<hbm>> -> memref<640x128xf32, #tpu.memory_space<hbm>>
      tpu.enqueue_dma source(%dma_start3A_98 : memref<640x128xf32, #tpu.memory_space<hbm>>) target(%dma_start3A_96 : memref<640x128xf32, #tpu.memory_space<vmem_shared>>) target_semaphore(%run_scoped3A : memref<!tpu.dma_semaphore, #tpu.memory_space<semaphore_mem>>)
      %dma_wait3A_99 = arith.constant 0 : i32
      %dma_wait3A_100 = tpu.memref_slice %arg12[%mul3A_2, %dma_wait3A_99] : memref<10240x128xf32, #tpu.memory_space<vmem_shared>> -> memref<640x128xf32, #tpu.memory_space<vmem_shared>>
      %dma_wait3A_101 = arith.constant 0 : i32
      %dma_wait3A_102 = tpu.memref_slice %arg2[%mul3A_2, %dma_wait3A_101] : memref<10240x128xf32, #tpu.memory_space<hbm>> -> memref<640x128xf32, #tpu.memory_space<hbm>>
      tpu.wait_dma2 semaphore(%run_scoped3A : memref<!tpu.dma_semaphore, #tpu.memory_space<semaphore_mem>>) src(%dma_wait3A_102 : memref<640x128xf32, #tpu.memory_space<hbm>>) dst(%dma_wait3A_100 : memref<640x128xf32, #tpu.memory_space<vmem_shared>>)
      tpu.yield
    }) : () -> ()
    %barrier3A = arith.constant 0 : index
    tpu.barrier barrier_id(%barrier3A)
    %dma_start3A = arith.constant 0 : i32
    %dma_start3A_3 = arith.constant 0 : i32
    %dma_start3A_4 = arith.constant 0 : i32
    %dma_start3A_5 = tpu.memref_slice %arg3[%add3A, %dma_start3A, %dma_start3A_3, %dma_start3A_4] : memref<32x80x2x128xi32, #tpu.memory_space<hbm>> -> memref<1x1x2x128xi32, #tpu.memory_space<hbm>>
    %dma_start3A_6 = tpu.memref_squeeze %dma_start3A_5 : memref<1x1x2x128xi32, #tpu.memory_space<hbm>> -> memref<2x128xi32, #tpu.memory_space<hbm>>
    %dma_start3A_7 = arith.constant 0 : i32
    %dma_start3A_8 = arith.constant 0 : i32
    %dma_start3A_9 = tpu.memref_slice %arg3[%add3A, %dma_start3A, %dma_start3A_7, %dma_start3A_8] : memref<32x80x2x128xi32, #tpu.memory_space<hbm>> -> memref<1x1x2x128xi32, #tpu.memory_space<hbm>>
    %dma_start3A_10 = tpu.memref_squeeze %dma_start3A_9 : memref<1x1x2x128xi32, #tpu.memory_space<hbm>> -> memref<2x128xi32, #tpu.memory_space<hbm>>
    tpu.enqueue_dma source(%dma_start3A_10 : memref<2x128xi32, #tpu.memory_space<hbm>>) target(%arg6 : memref<2x128xi32, #tpu.memory_space<vmem>>) target_semaphore(%arg13 : memref<!tpu.dma_semaphore, #tpu.memory_space<semaphore_mem>>)
    %dma_start3A_11 = arith.constant 1 : i32
    %dma_start3A_12 = arith.constant 0 : i32
    %dma_start3A_13 = arith.constant 0 : i32
    %dma_start3A_14 = tpu.memref_slice %arg3[%add3A, %dma_start3A_11, %dma_start3A_12, %dma_start3A_13] : memref<32x80x2x128xi32, #tpu.memory_space<hbm>> -> memref<1x1x2x128xi32, #tpu.memory_space<hbm>>
    %dma_start3A_15 = tpu.memref_squeeze %dma_start3A_14 : memref<1x1x2x128xi32, #tpu.memory_space<hbm>> -> memref<2x128xi32, #tpu.memory_space<hbm>>
    %dma_start3A_16 = arith.constant 0 : i32
    %dma_start3A_17 = arith.constant 0 : i32
    %dma_start3A_18 = tpu.memref_slice %arg3[%add3A, %dma_start3A_11, %dma_start3A_16, %dma_start3A_17] : memref<32x80x2x128xi32, #tpu.memory_space<hbm>> -> memref<1x1x2x128xi32, #tpu.memory_space<hbm>>
    %dma_start3A_19 = tpu.memref_squeeze %dma_start3A_18 : memref<1x1x2x128xi32, #tpu.memory_space<hbm>> -> memref<2x128xi32, #tpu.memory_space<hbm>>
    tpu.enqueue_dma source(%dma_start3A_19 : memref<2x128xi32, #tpu.memory_space<hbm>>) target(%arg7 : memref<2x128xi32, #tpu.memory_space<vmem>>) target_semaphore(%arg14 : memref<!tpu.dma_semaphore, #tpu.memory_space<semaphore_mem>>)
    %scan3A = arith.constant 0 : i32
    %scan3A_20 = arith.constant 20 : i32
    %scan3A_21 = arith.addi %scan3A, %scan3A_20 : i32
    %scan3A_22 = arith.constant 1 : i32
    scf.for %scan3A_95 = %scan3A to %scan3A_21 step %scan3A_22  : i32 {
      %mul3A_96 = arith.constant 4 : i32
      %mul3A_97 = arith.muli %scan3A_95, %mul3A_96 : i32
      %add3A_98 = arith.constant 0 : i32
      %add3A_99 = arith.addi %add3A_98, %mul3A_97 : i32
      %add3A_100 = arith.constant 0 : i32
      %add3A_101 = arith.addi %add3A_99, %add3A_100 : i32
      %lt3A = arith.constant 78 : i32
      %lt3A_102 = arith.cmpi slt, %add3A_101, %lt3A : i32
      %convert_element_type3A = arith.extui %lt3A_102 : i1 to i32
      %cond3A = arith.constant 0 : i32
      %cond3A_103 = arith.cmpi ne, %convert_element_type3A, %cond3A : i32
      scf.if %cond3A_103 {
        %add3A_211 = arith.constant 2 : i32
        %add3A_212 = arith.addi %add3A_101, %add3A_211 : i32
        %dma_start3A_213 = arith.constant 0 : i32
        %dma_start3A_214 = arith.constant 0 : i32
        %dma_start3A_215 = tpu.memref_slice %arg3[%add3A, %add3A_212, %dma_start3A_213, %dma_start3A_214] : memref<32x80x2x128xi32, #tpu.memory_space<hbm>> -> memref<1x1x2x128xi32, #tpu.memory_space<hbm>>
        %dma_start3A_216 = tpu.memref_squeeze %dma_start3A_215 : memref<1x1x2x128xi32, #tpu.memory_space<hbm>> -> memref<2x128xi32, #tpu.memory_space<hbm>>
        %dma_start3A_217 = arith.constant 0 : i32
        %dma_start3A_218 = arith.constant 0 : i32
        %dma_start3A_219 = tpu.memref_slice %arg3[%add3A, %add3A_212, %dma_start3A_217, %dma_start3A_218] : memref<32x80x2x128xi32, #tpu.memory_space<hbm>> -> memref<1x1x2x128xi32, #tpu.memory_space<hbm>>
        %dma_start3A_220 = tpu.memref_squeeze %dma_start3A_219 : memref<1x1x2x128xi32, #tpu.memory_space<hbm>> -> memref<2x128xi32, #tpu.memory_space<hbm>>
        tpu.enqueue_dma source(%dma_start3A_220 : memref<2x128xi32, #tpu.memory_space<hbm>>) target(%arg8 : memref<2x128xi32, #tpu.memory_space<vmem>>) target_semaphore(%arg15 : memref<!tpu.dma_semaphore, #tpu.memory_space<semaphore_mem>>)
      } else {
      }
      %ge3A = arith.constant 2 : i32
      %ge3A_104 = arith.cmpi sge, %add3A_101, %ge3A : i32
      %convert_element_type3A_105 = arith.extui %ge3A_104 : i1 to i32
      %cond3A_106 = arith.constant 0 : i32
      %cond3A_107 = arith.cmpi ne, %convert_element_type3A_105, %cond3A_106 : i32
      scf.if %cond3A_107 {
        %sub3A = arith.constant 2 : i32
        %sub3A_211 = arith.subi %add3A_101, %sub3A : i32
        %dma_wait3A_212 = arith.constant 0 : i32
        %dma_wait3A_213 = arith.constant 0 : i32
        %dma_wait3A_214 = tpu.memref_slice %arg4[%add3A, %sub3A_211, %dma_wait3A_212, %dma_wait3A_213] : memref<32x80x128x128xf32, #tpu.memory_space<hbm>> -> memref<1x1x128x128xf32, #tpu.memory_space<hbm>>
        %dma_wait3A_215 = tpu.memref_squeeze %dma_wait3A_214 : memref<1x1x128x128xf32, #tpu.memory_space<hbm>> -> memref<128x128xf32, #tpu.memory_space<hbm>>
        %dma_wait3A_216 = arith.constant 0 : i32
        %dma_wait3A_217 = arith.constant 0 : i32
        %dma_wait3A_218 = tpu.memref_slice %arg4[%add3A, %sub3A_211, %dma_wait3A_216, %dma_wait3A_217] : memref<32x80x128x128xf32, #tpu.memory_space<hbm>> -> memref<1x1x128x128xf32, #tpu.memory_space<hbm>>
        %dma_wait3A_219 = tpu.memref_squeeze %dma_wait3A_218 : memref<1x1x128x128xf32, #tpu.memory_space<hbm>> -> memref<128x128xf32, #tpu.memory_space<hbm>>
        tpu.wait_dma2 semaphore(%arg17 : memref<!tpu.dma_semaphore, #tpu.memory_space<semaphore_mem>>) src(%arg10 : memref<128x128xf32, #tpu.memory_space<vmem>>) dst(%dma_wait3A_219 : memref<128x128xf32, #tpu.memory_space<hbm>>)
      } else {
      }
      %dma_wait3A_108 = arith.constant 0 : i32
      %dma_wait3A_109 = arith.constant 0 : i32
      %dma_wait3A_110 = tpu.memref_slice %arg3[%add3A, %add3A_101, %dma_wait3A_108, %dma_wait3A_109] : memref<32x80x2x128xi32, #tpu.memory_space<hbm>> -> memref<1x1x2x128xi32, #tpu.memory_space<hbm>>
      %dma_wait3A_111 = tpu.memref_squeeze %dma_wait3A_110 : memref<1x1x2x128xi32, #tpu.memory_space<hbm>> -> memref<2x128xi32, #tpu.memory_space<hbm>>
      %dma_wait3A_112 = arith.constant 0 : i32
      %dma_wait3A_113 = arith.constant 0 : i32
      %dma_wait3A_114 = tpu.memref_slice %arg3[%add3A, %add3A_101, %dma_wait3A_112, %dma_wait3A_113] : memref<32x80x2x128xi32, #tpu.memory_space<hbm>> -> memref<1x1x2x128xi32, #tpu.memory_space<hbm>>
      %dma_wait3A_115 = tpu.memref_squeeze %dma_wait3A_114 : memref<1x1x2x128xi32, #tpu.memory_space<hbm>> -> memref<2x128xi32, #tpu.memory_space<hbm>>
      tpu.wait_dma2 semaphore(%arg13 : memref<!tpu.dma_semaphore, #tpu.memory_space<semaphore_mem>>) src(%dma_wait3A_115 : memref<2x128xi32, #tpu.memory_space<hbm>>) dst(%arg6 : memref<2x128xi32, #tpu.memory_space<vmem>>)
      %run_scoped3A = arith.constant 0 : i32
      "tpu.region"() ({
        %run_scoped3A_211 = tpu.sem_alloc : memref<!tpu.dma_semaphore, #tpu.memory_space<semaphore_mem>>
        %dma_start3A_212 = arith.constant 0 : i32
        %dma_start3A_213 = tpu.memref_slice %arg6[%run_scoped3A, %dma_start3A_212] : memref<2x128xi32, #tpu.memory_space<vmem>> -> memref<1x128xi32, #tpu.memory_space<vmem>>
        %dma_start3A_214 = tpu.memref_squeeze %dma_start3A_213 : memref<1x128xi32, #tpu.memory_space<vmem>> -> memref<128xi32, #tpu.memory_space<vmem>>
        %dma_start3A_215 = arith.constant 0 : i32
        %dma_start3A_216 = arith.constant 0 : i32
        %dma_start3A_217 = tpu.memref_slice %arg12[%dma_start3A_215, %dma_start3A_216] : memref<10240x128xf32, #tpu.memory_space<vmem_shared>> -> memref<10240x128xf32, #tpu.memory_space<vmem_shared>>
        tpu.enqueue_indirect_dma source(%dma_start3A_217 : memref<10240x128xf32, #tpu.memory_space<vmem_shared>>) target(%arg10 : memref<128x128xf32, #tpu.memory_space<vmem>>) offsets(%dma_start3A_214 : memref<128xi32, #tpu.memory_space<vmem>>) semaphore(%run_scoped3A_211 : memref<!tpu.dma_semaphore, #tpu.memory_space<semaphore_mem>>)
        %dma_wait3A_218 = arith.constant 0 : i32
        %dma_wait3A_219 = tpu.memref_slice %arg6[%run_scoped3A, %dma_wait3A_218] : memref<2x128xi32, #tpu.memory_space<vmem>> -> memref<1x128xi32, #tpu.memory_space<vmem>>
        %dma_wait3A_220 = tpu.memref_squeeze %dma_wait3A_219 : memref<1x128xi32, #tpu.memory_space<vmem>> -> memref<128xi32, #tpu.memory_space<vmem>>
        %dma_wait3A_221 = arith.constant 0 : i32
        %dma_wait3A_222 = arith.constant 0 : i32
        %dma_wait3A_223 = tpu.memref_slice %arg12[%dma_wait3A_221, %dma_wait3A_222] : memref<10240x128xf32, #tpu.memory_space<vmem_shared>> -> memref<10240x128xf32, #tpu.memory_space<vmem_shared>>
        tpu.wait_indirect_dma semaphore(%run_scoped3A_211 : memref<!tpu.dma_semaphore, #tpu.memory_space<semaphore_mem>>) src(%dma_wait3A_223 : memref<10240x128xf32, #tpu.memory_space<vmem_shared>>) dst(%arg10 : memref<128x128xf32, #tpu.memory_space<vmem>>)
        tpu.yield
      }) : () -> ()
      %dma_start3A_116 = arith.constant 0 : i32
      %dma_start3A_117 = arith.constant 0 : i32
      %dma_start3A_118 = tpu.memref_slice %arg4[%add3A, %add3A_101, %dma_start3A_116, %dma_start3A_117] : memref<32x80x128x128xf32, #tpu.memory_space<hbm>> -> memref<1x1x128x128xf32, #tpu.memory_space<hbm>>
      %dma_start3A_119 = tpu.memref_squeeze %dma_start3A_118 : memref<1x1x128x128xf32, #tpu.memory_space<hbm>> -> memref<128x128xf32, #tpu.memory_space<hbm>>
      %dma_start3A_120 = arith.constant 0 : i32
      %dma_start3A_121 = arith.constant 0 : i32
      %dma_start3A_122 = tpu.memref_slice %arg4[%add3A, %add3A_101, %dma_start3A_120, %dma_start3A_121] : memref<32x80x128x128xf32, #tpu.memory_space<hbm>> -> memref<1x1x128x128xf32, #tpu.memory_space<hbm>>
      %dma_start3A_123 = tpu.memref_squeeze %dma_start3A_122 : memref<1x1x128x128xf32, #tpu.memory_space<hbm>> -> memref<128x128xf32, #tpu.memory_space<hbm>>
      tpu.enqueue_dma source(%arg10 : memref<128x128xf32, #tpu.memory_space<vmem>>) target(%dma_start3A_123 : memref<128x128xf32, #tpu.memory_space<hbm>>) target_semaphore(%arg17 : memref<!tpu.dma_semaphore, #tpu.memory_space<semaphore_mem>>)
      %add3A_124 = arith.constant 1 : i32
      %add3A_125 = arith.addi %add3A_99, %add3A_124 : i32
      %lt3A_126 = arith.constant 78 : i32
      %lt3A_127 = arith.cmpi slt, %add3A_125, %lt3A_126 : i32
      %convert_element_type3A_128 = arith.extui %lt3A_127 : i1 to i32
      %cond3A_129 = arith.constant 0 : i32
      %cond3A_130 = arith.cmpi ne, %convert_element_type3A_128, %cond3A_129 : i32
      scf.if %cond3A_130 {
        %add3A_211 = arith.constant 2 : i32
        %add3A_212 = arith.addi %add3A_125, %add3A_211 : i32
        %dma_start3A_213 = arith.constant 0 : i32
        %dma_start3A_214 = arith.constant 0 : i32
        %dma_start3A_215 = tpu.memref_slice %arg3[%add3A, %add3A_212, %dma_start3A_213, %dma_start3A_214] : memref<32x80x2x128xi32, #tpu.memory_space<hbm>> -> memref<1x1x2x128xi32, #tpu.memory_space<hbm>>
        %dma_start3A_216 = tpu.memref_squeeze %dma_start3A_215 : memref<1x1x2x128xi32, #tpu.memory_space<hbm>> -> memref<2x128xi32, #tpu.memory_space<hbm>>
        %dma_start3A_217 = arith.constant 0 : i32
        %dma_start3A_218 = arith.constant 0 : i32
        %dma_start3A_219 = tpu.memref_slice %arg3[%add3A, %add3A_212, %dma_start3A_217, %dma_start3A_218] : memref<32x80x2x128xi32, #tpu.memory_space<hbm>> -> memref<1x1x2x128xi32, #tpu.memory_space<hbm>>
        %dma_start3A_220 = tpu.memref_squeeze %dma_start3A_219 : memref<1x1x2x128xi32, #tpu.memory_space<hbm>> -> memref<2x128xi32, #tpu.memory_space<hbm>>
        tpu.enqueue_dma source(%dma_start3A_220 : memref<2x128xi32, #tpu.memory_space<hbm>>) target(%arg9 : memref<2x128xi32, #tpu.memory_space<vmem>>) target_semaphore(%arg16 : memref<!tpu.dma_semaphore, #tpu.memory_space<semaphore_mem>>)
      } else {
      }
      %ge3A_131 = arith.constant 2 : i32
      %ge3A_132 = arith.cmpi sge, %add3A_125, %ge3A_131 : i32
      %convert_element_type3A_133 = arith.extui %ge3A_132 : i1 to i32
      %cond3A_134 = arith.constant 0 : i32
      %cond3A_135 = arith.cmpi ne, %convert_element_type3A_133, %cond3A_134 : i32
      scf.if %cond3A_135 {
        %sub3A = arith.constant 2 : i32
        %sub3A_211 = arith.subi %add3A_125, %sub3A : i32
        %dma_wait3A_212 = arith.constant 0 : i32
        %dma_wait3A_213 = arith.constant 0 : i32
        %dma_wait3A_214 = tpu.memref_slice %arg4[%add3A, %sub3A_211, %dma_wait3A_212, %dma_wait3A_213] : memref<32x80x128x128xf32, #tpu.memory_space<hbm>> -> memref<1x1x128x128xf32, #tpu.memory_space<hbm>>
        %dma_wait3A_215 = tpu.memref_squeeze %dma_wait3A_214 : memref<1x1x128x128xf32, #tpu.memory_space<hbm>> -> memref<128x128xf32, #tpu.memory_space<hbm>>
        %dma_wait3A_216 = arith.constant 0 : i32
        %dma_wait3A_217 = arith.constant 0 : i32
        %dma_wait3A_218 = tpu.memref_slice %arg4[%add3A, %sub3A_211, %dma_wait3A_216, %dma_wait3A_217] : memref<32x80x128x128xf32, #tpu.memory_space<hbm>> -> memref<1x1x128x128xf32, #tpu.memory_space<hbm>>
        %dma_wait3A_219 = tpu.memref_squeeze %dma_wait3A_218 : memref<1x1x128x128xf32, #tpu.memory_space<hbm>> -> memref<128x128xf32, #tpu.memory_space<hbm>>
        tpu.wait_dma2 semaphore(%arg18 : memref<!tpu.dma_semaphore, #tpu.memory_space<semaphore_mem>>) src(%arg11 : memref<128x128xf32, #tpu.memory_space<vmem>>) dst(%dma_wait3A_219 : memref<128x128xf32, #tpu.memory_space<hbm>>)
      } else {
      }
      %dma_wait3A_136 = arith.constant 0 : i32
      %dma_wait3A_137 = arith.constant 0 : i32
      %dma_wait3A_138 = tpu.memref_slice %arg3[%add3A, %add3A_125, %dma_wait3A_136, %dma_wait3A_137] : memref<32x80x2x128xi32, #tpu.memory_space<hbm>> -> memref<1x1x2x128xi32, #tpu.memory_space<hbm>>
      %dma_wait3A_139 = tpu.memref_squeeze %dma_wait3A_138 : memref<1x1x2x128xi32, #tpu.memory_space<hbm>> -> memref<2x128xi32, #tpu.memory_space<hbm>>
      %dma_wait3A_140 = arith.constant 0 : i32
      %dma_wait3A_141 = arith.constant 0 : i32
      %dma_wait3A_142 = tpu.memref_slice %arg3[%add3A, %add3A_125, %dma_wait3A_140, %dma_wait3A_141] : memref<32x80x2x128xi32, #tpu.memory_space<hbm>> -> memref<1x1x2x128xi32, #tpu.memory_space<hbm>>
      %dma_wait3A_143 = tpu.memref_squeeze %dma_wait3A_142 : memref<1x1x2x128xi32, #tpu.memory_space<hbm>> -> memref<2x128xi32, #tpu.memory_space<hbm>>
      tpu.wait_dma2 semaphore(%arg14 : memref<!tpu.dma_semaphore, #tpu.memory_space<semaphore_mem>>) src(%dma_wait3A_143 : memref<2x128xi32, #tpu.memory_space<hbm>>) dst(%arg7 : memref<2x128xi32, #tpu.memory_space<vmem>>)
      %run_scoped3A_144 = arith.constant 0 : i32
      "tpu.region"() ({
        %run_scoped3A_211 = tpu.sem_alloc : memref<!tpu.dma_semaphore, #tpu.memory_space<semaphore_mem>>
        %dma_start3A_212 = arith.constant 0 : i32
        %dma_start3A_213 = tpu.memref_slice %arg7[%run_scoped3A_144, %dma_start3A_212] : memref<2x128xi32, #tpu.memory_space<vmem>> -> memref<1x128xi32, #tpu.memory_space<vmem>>
        %dma_start3A_214 = tpu.memref_squeeze %dma_start3A_213 : memref<1x128xi32, #tpu.memory_space<vmem>> -> memref<128xi32, #tpu.memory_space<vmem>>
        %dma_start3A_215 = arith.constant 0 : i32
        %dma_start3A_216 = arith.constant 0 : i32
        %dma_start3A_217 = tpu.memref_slice %arg12[%dma_start3A_215, %dma_start3A_216] : memref<10240x128xf32, #tpu.memory_space<vmem_shared>> -> memref<10240x128xf32, #tpu.memory_space<vmem_shared>>
        tpu.enqueue_indirect_dma source(%dma_start3A_217 : memref<10240x128xf32, #tpu.memory_space<vmem_shared>>) target(%arg11 : memref<128x128xf32, #tpu.memory_space<vmem>>) offsets(%dma_start3A_214 : memref<128xi32, #tpu.memory_space<vmem>>) semaphore(%run_scoped3A_211 : memref<!tpu.dma_semaphore, #tpu.memory_space<semaphore_mem>>)
        %dma_wait3A_218 = arith.constant 0 : i32
        %dma_wait3A_219 = tpu.memref_slice %arg7[%run_scoped3A_144, %dma_wait3A_218] : memref<2x128xi32, #tpu.memory_space<vmem>> -> memref<1x128xi32, #tpu.memory_space<vmem>>
        %dma_wait3A_220 = tpu.memref_squeeze %dma_wait3A_219 : memref<1x128xi32, #tpu.memory_space<vmem>> -> memref<128xi32, #tpu.memory_space<vmem>>
        %dma_wait3A_221 = arith.constant 0 : i32
        %dma_wait3A_222 = arith.constant 0 : i32
        %dma_wait3A_223 = tpu.memref_slice %arg12[%dma_wait3A_221, %dma_wait3A_222] : memref<10240x128xf32, #tpu.memory_space<vmem_shared>> -> memref<10240x128xf32, #tpu.memory_space<vmem_shared>>
        tpu.wait_indirect_dma semaphore(%run_scoped3A_211 : memref<!tpu.dma_semaphore, #tpu.memory_space<semaphore_mem>>) src(%dma_wait3A_223 : memref<10240x128xf32, #tpu.memory_space<vmem_shared>>) dst(%arg11 : memref<128x128xf32, #tpu.memory_space<vmem>>)
        tpu.yield
      }) : () -> ()
      %dma_start3A_145 = arith.constant 0 : i32
      %dma_start3A_146 = arith.constant 0 : i32
      %dma_start3A_147 = tpu.memref_slice %arg4[%add3A, %add3A_125, %dma_start3A_145, %dma_start3A_146] : memref<32x80x128x128xf32, #tpu.memory_space<hbm>> -> memref<1x1x128x128xf32, #tpu.memory_space<hbm>>
      %dma_start3A_148 = tpu.memref_squeeze %dma_start3A_147 : memref<1x1x128x128xf32, #tpu.memory_space<hbm>> -> memref<128x128xf32, #tpu.memory_space<hbm>>
      %dma_start3A_149 = arith.constant 0 : i32
      %dma_start3A_150 = arith.constant 0 : i32
      %dma_start3A_151 = tpu.memref_slice %arg4[%add3A, %add3A_125, %dma_start3A_149, %dma_start3A_150] : memref<32x80x128x128xf32, #tpu.memory_space<hbm>> -> memref<1x1x128x128xf32, #tpu.memory_space<hbm>>
      %dma_start3A_152 = tpu.memref_squeeze %dma_start3A_151 : memref<1x1x128x128xf32, #tpu.memory_space<hbm>> -> memref<128x128xf32, #tpu.memory_space<hbm>>
      tpu.enqueue_dma source(%arg11 : memref<128x128xf32, #tpu.memory_space<vmem>>) target(%dma_start3A_152 : memref<128x128xf32, #tpu.memory_space<hbm>>) target_semaphore(%arg18 : memref<!tpu.dma_semaphore, #tpu.memory_space<semaphore_mem>>)
      %add3A_153 = arith.constant 2 : i32
      %add3A_154 = arith.addi %add3A_99, %add3A_153 : i32
      %lt3A_155 = arith.constant 78 : i32
      %lt3A_156 = arith.cmpi slt, %add3A_154, %lt3A_155 : i32
      %convert_element_type3A_157 = arith.extui %lt3A_156 : i1 to i32
      %cond3A_158 = arith.constant 0 : i32
      %cond3A_159 = arith.cmpi ne, %convert_element_type3A_157, %cond3A_158 : i32
      scf.if %cond3A_159 {
        %add3A_211 = arith.constant 2 : i32
        %add3A_212 = arith.addi %add3A_154, %add3A_211 : i32
        %dma_start3A_213 = arith.constant 0 : i32
        %dma_start3A_214 = arith.constant 0 : i32
        %dma_start3A_215 = tpu.memref_slice %arg3[%add3A, %add3A_212, %dma_start3A_213, %dma_start3A_214] : memref<32x80x2x128xi32, #tpu.memory_space<hbm>> -> memref<1x1x2x128xi32, #tpu.memory_space<hbm>>
        %dma_start3A_216 = tpu.memref_squeeze %dma_start3A_215 : memref<1x1x2x128xi32, #tpu.memory_space<hbm>> -> memref<2x128xi32, #tpu.memory_space<hbm>>
        %dma_start3A_217 = arith.constant 0 : i32
        %dma_start3A_218 = arith.constant 0 : i32
        %dma_start3A_219 = tpu.memref_slice %arg3[%add3A, %add3A_212, %dma_start3A_217, %dma_start3A_218] : memref<32x80x2x128xi32, #tpu.memory_space<hbm>> -> memref<1x1x2x128xi32, #tpu.memory_space<hbm>>
        %dma_start3A_220 = tpu.memref_squeeze %dma_start3A_219 : memref<1x1x2x128xi32, #tpu.memory_space<hbm>> -> memref<2x128xi32, #tpu.memory_space<hbm>>
        tpu.enqueue_dma source(%dma_start3A_220 : memref<2x128xi32, #tpu.memory_space<hbm>>) target(%arg6 : memref<2x128xi32, #tpu.memory_space<vmem>>) target_semaphore(%arg13 : memref<!tpu.dma_semaphore, #tpu.memory_space<semaphore_mem>>)
      } else {
      }
      %ge3A_160 = arith.constant 2 : i32
      %ge3A_161 = arith.cmpi sge, %add3A_154, %ge3A_160 : i32
      %convert_element_type3A_162 = arith.extui %ge3A_161 : i1 to i32
      %cond3A_163 = arith.constant 0 : i32
      %cond3A_164 = arith.cmpi ne, %convert_element_type3A_162, %cond3A_163 : i32
      scf.if %cond3A_164 {
        %sub3A = arith.constant 2 : i32
        %sub3A_211 = arith.subi %add3A_154, %sub3A : i32
        %dma_wait3A_212 = arith.constant 0 : i32
        %dma_wait3A_213 = arith.constant 0 : i32
        %dma_wait3A_214 = tpu.memref_slice %arg4[%add3A, %sub3A_211, %dma_wait3A_212, %dma_wait3A_213] : memref<32x80x128x128xf32, #tpu.memory_space<hbm>> -> memref<1x1x128x128xf32, #tpu.memory_space<hbm>>
        %dma_wait3A_215 = tpu.memref_squeeze %dma_wait3A_214 : memref<1x1x128x128xf32, #tpu.memory_space<hbm>> -> memref<128x128xf32, #tpu.memory_space<hbm>>
        %dma_wait3A_216 = arith.constant 0 : i32
        %dma_wait3A_217 = arith.constant 0 : i32
        %dma_wait3A_218 = tpu.memref_slice %arg4[%add3A, %sub3A_211, %dma_wait3A_216, %dma_wait3A_217] : memref<32x80x128x128xf32, #tpu.memory_space<hbm>> -> memref<1x1x128x128xf32, #tpu.memory_space<hbm>>
        %dma_wait3A_219 = tpu.memref_squeeze %dma_wait3A_218 : memref<1x1x128x128xf32, #tpu.memory_space<hbm>> -> memref<128x128xf32, #tpu.memory_space<hbm>>
        tpu.wait_dma2 semaphore(%arg17 : memref<!tpu.dma_semaphore, #tpu.memory_space<semaphore_mem>>) src(%arg10 : memref<128x128xf32, #tpu.memory_space<vmem>>) dst(%dma_wait3A_219 : memref<128x128xf32, #tpu.memory_space<hbm>>)
      } else {
      }
      %dma_wait3A_165 = arith.constant 0 : i32
      %dma_wait3A_166 = arith.constant 0 : i32
      %dma_wait3A_167 = tpu.memref_slice %arg3[%add3A, %add3A_154, %dma_wait3A_165, %dma_wait3A_166] : memref<32x80x2x128xi32, #tpu.memory_space<hbm>> -> memref<1x1x2x128xi32, #tpu.memory_space<hbm>>
      %dma_wait3A_168 = tpu.memref_squeeze %dma_wait3A_167 : memref<1x1x2x128xi32, #tpu.memory_space<hbm>> -> memref<2x128xi32, #tpu.memory_space<hbm>>
      %dma_wait3A_169 = arith.constant 0 : i32
      %dma_wait3A_170 = arith.constant 0 : i32
      %dma_wait3A_171 = tpu.memref_slice %arg3[%add3A, %add3A_154, %dma_wait3A_169, %dma_wait3A_170] : memref<32x80x2x128xi32, #tpu.memory_space<hbm>> -> memref<1x1x2x128xi32, #tpu.memory_space<hbm>>
      %dma_wait3A_172 = tpu.memref_squeeze %dma_wait3A_171 : memref<1x1x2x128xi32, #tpu.memory_space<hbm>> -> memref<2x128xi32, #tpu.memory_space<hbm>>
      tpu.wait_dma2 semaphore(%arg15 : memref<!tpu.dma_semaphore, #tpu.memory_space<semaphore_mem>>) src(%dma_wait3A_172 : memref<2x128xi32, #tpu.memory_space<hbm>>) dst(%arg8 : memref<2x128xi32, #tpu.memory_space<vmem>>)
      %run_scoped3A_173 = arith.constant 0 : i32
      "tpu.region"() ({
        %run_scoped3A_211 = tpu.sem_alloc : memref<!tpu.dma_semaphore, #tpu.memory_space<semaphore_mem>>
        %dma_start3A_212 = arith.constant 0 : i32
        %dma_start3A_213 = tpu.memref_slice %arg8[%run_scoped3A_173, %dma_start3A_212] : memref<2x128xi32, #tpu.memory_space<vmem>> -> memref<1x128xi32, #tpu.memory_space<vmem>>
        %dma_start3A_214 = tpu.memref_squeeze %dma_start3A_213 : memref<1x128xi32, #tpu.memory_space<vmem>> -> memref<128xi32, #tpu.memory_space<vmem>>
        %dma_start3A_215 = arith.constant 0 : i32
        %dma_start3A_216 = arith.constant 0 : i32
        %dma_start3A_217 = tpu.memref_slice %arg12[%dma_start3A_215, %dma_start3A_216] : memref<10240x128xf32, #tpu.memory_space<vmem_shared>> -> memref<10240x128xf32, #tpu.memory_space<vmem_shared>>
        tpu.enqueue_indirect_dma source(%dma_start3A_217 : memref<10240x128xf32, #tpu.memory_space<vmem_shared>>) target(%arg10 : memref<128x128xf32, #tpu.memory_space<vmem>>) offsets(%dma_start3A_214 : memref<128xi32, #tpu.memory_space<vmem>>) semaphore(%run_scoped3A_211 : memref<!tpu.dma_semaphore, #tpu.memory_space<semaphore_mem>>)
        %dma_wait3A_218 = arith.constant 0 : i32
        %dma_wait3A_219 = tpu.memref_slice %arg8[%run_scoped3A_173, %dma_wait3A_218] : memref<2x128xi32, #tpu.memory_space<vmem>> -> memref<1x128xi32, #tpu.memory_space<vmem>>
        %dma_wait3A_220 = tpu.memref_squeeze %dma_wait3A_219 : memref<1x128xi32, #tpu.memory_space<vmem>> -> memref<128xi32, #tpu.memory_space<vmem>>
        %dma_wait3A_221 = arith.constant 0 : i32
        %dma_wait3A_222 = arith.constant 0 : i32
        %dma_wait3A_223 = tpu.memref_slice %arg12[%dma_wait3A_221, %dma_wait3A_222] : memref<10240x128xf32, #tpu.memory_space<vmem_shared>> -> memref<10240x128xf32, #tpu.memory_space<vmem_shared>>
        tpu.wait_indirect_dma semaphore(%run_scoped3A_211 : memref<!tpu.dma_semaphore, #tpu.memory_space<semaphore_mem>>) src(%dma_wait3A_223 : memref<10240x128xf32, #tpu.memory_space<vmem_shared>>) dst(%arg10 : memref<128x128xf32, #tpu.memory_space<vmem>>)
        tpu.yield
      }) : () -> ()
      %dma_start3A_174 = arith.constant 0 : i32
      %dma_start3A_175 = arith.constant 0 : i32
      %dma_start3A_176 = tpu.memref_slice %arg4[%add3A, %add3A_154, %dma_start3A_174, %dma_start3A_175] : memref<32x80x128x128xf32, #tpu.memory_space<hbm>> -> memref<1x1x128x128xf32, #tpu.memory_space<hbm>>
      %dma_start3A_177 = tpu.memref_squeeze %dma_start3A_176 : memref<1x1x128x128xf32, #tpu.memory_space<hbm>> -> memref<128x128xf32, #tpu.memory_space<hbm>>
      %dma_start3A_178 = arith.constant 0 : i32
      %dma_start3A_179 = arith.constant 0 : i32
      %dma_start3A_180 = tpu.memref_slice %arg4[%add3A, %add3A_154, %dma_start3A_178, %dma_start3A_179] : memref<32x80x128x128xf32, #tpu.memory_space<hbm>> -> memref<1x1x128x128xf32, #tpu.memory_space<hbm>>
      %dma_start3A_181 = tpu.memref_squeeze %dma_start3A_180 : memref<1x1x128x128xf32, #tpu.memory_space<hbm>> -> memref<128x128xf32, #tpu.memory_space<hbm>>
      tpu.enqueue_dma source(%arg10 : memref<128x128xf32, #tpu.memory_space<vmem>>) target(%dma_start3A_181 : memref<128x128xf32, #tpu.memory_space<hbm>>) target_semaphore(%arg17 : memref<!tpu.dma_semaphore, #tpu.memory_space<semaphore_mem>>)
      %add3A_182 = arith.constant 3 : i32
      %add3A_183 = arith.addi %add3A_99, %add3A_182 : i32
      %lt3A_184 = arith.constant 78 : i32
      %lt3A_185 = arith.cmpi slt, %add3A_183, %lt3A_184 : i32
      %convert_element_type3A_186 = arith.extui %lt3A_185 : i1 to i32
      %cond3A_187 = arith.constant 0 : i32
      %cond3A_188 = arith.cmpi ne, %convert_element_type3A_186, %cond3A_187 : i32
      scf.if %cond3A_188 {
        %add3A_211 = arith.constant 2 : i32
        %add3A_212 = arith.addi %add3A_183, %add3A_211 : i32
        %dma_start3A_213 = arith.constant 0 : i32
        %dma_start3A_214 = arith.constant 0 : i32
        %dma_start3A_215 = tpu.memref_slice %arg3[%add3A, %add3A_212, %dma_start3A_213, %dma_start3A_214] : memref<32x80x2x128xi32, #tpu.memory_space<hbm>> -> memref<1x1x2x128xi32, #tpu.memory_space<hbm>>
        %dma_start3A_216 = tpu.memref_squeeze %dma_start3A_215 : memref<1x1x2x128xi32, #tpu.memory_space<hbm>> -> memref<2x128xi32, #tpu.memory_space<hbm>>
        %dma_start3A_217 = arith.constant 0 : i32
        %dma_start3A_218 = arith.constant 0 : i32
        %dma_start3A_219 = tpu.memref_slice %arg3[%add3A, %add3A_212, %dma_start3A_217, %dma_start3A_218] : memref<32x80x2x128xi32, #tpu.memory_space<hbm>> -> memref<1x1x2x128xi32, #tpu.memory_space<hbm>>
        %dma_start3A_220 = tpu.memref_squeeze %dma_start3A_219 : memref<1x1x2x128xi32, #tpu.memory_space<hbm>> -> memref<2x128xi32, #tpu.memory_space<hbm>>
        tpu.enqueue_dma source(%dma_start3A_220 : memref<2x128xi32, #tpu.memory_space<hbm>>) target(%arg7 : memref<2x128xi32, #tpu.memory_space<vmem>>) target_semaphore(%arg14 : memref<!tpu.dma_semaphore, #tpu.memory_space<semaphore_mem>>)
      } else {
      }
      %ge3A_189 = arith.constant 2 : i32
      %ge3A_190 = arith.cmpi sge, %add3A_183, %ge3A_189 : i32
      %convert_element_type3A_191 = arith.extui %ge3A_190 : i1 to i32
      %cond3A_192 = arith.constant 0 : i32
      %cond3A_193 = arith.cmpi ne, %convert_element_type3A_191, %cond3A_192 : i32
      scf.if %cond3A_193 {
        %sub3A = arith.constant 2 : i32
        %sub3A_211 = arith.subi %add3A_183, %sub3A : i32
        %dma_wait3A_212 = arith.constant 0 : i32
        %dma_wait3A_213 = arith.constant 0 : i32
        %dma_wait3A_214 = tpu.memref_slice %arg4[%add3A, %sub3A_211, %dma_wait3A_212, %dma_wait3A_213] : memref<32x80x128x128xf32, #tpu.memory_space<hbm>> -> memref<1x1x128x128xf32, #tpu.memory_space<hbm>>
        %dma_wait3A_215 = tpu.memref_squeeze %dma_wait3A_214 : memref<1x1x128x128xf32, #tpu.memory_space<hbm>> -> memref<128x128xf32, #tpu.memory_space<hbm>>
        %dma_wait3A_216 = arith.constant 0 : i32
        %dma_wait3A_217 = arith.constant 0 : i32
        %dma_wait3A_218 = tpu.memref_slice %arg4[%add3A, %sub3A_211, %dma_wait3A_216, %dma_wait3A_217] : memref<32x80x128x128xf32, #tpu.memory_space<hbm>> -> memref<1x1x128x128xf32, #tpu.memory_space<hbm>>
        %dma_wait3A_219 = tpu.memref_squeeze %dma_wait3A_218 : memref<1x1x128x128xf32, #tpu.memory_space<hbm>> -> memref<128x128xf32, #tpu.memory_space<hbm>>
        tpu.wait_dma2 semaphore(%arg18 : memref<!tpu.dma_semaphore, #tpu.memory_space<semaphore_mem>>) src(%arg11 : memref<128x128xf32, #tpu.memory_space<vmem>>) dst(%dma_wait3A_219 : memref<128x128xf32, #tpu.memory_space<hbm>>)
      } else {
      }
      %dma_wait3A_194 = arith.constant 0 : i32
      %dma_wait3A_195 = arith.constant 0 : i32
      %dma_wait3A_196 = tpu.memref_slice %arg3[%add3A, %add3A_183, %dma_wait3A_194, %dma_wait3A_195] : memref<32x80x2x128xi32, #tpu.memory_space<hbm>> -> memref<1x1x2x128xi32, #tpu.memory_space<hbm>>
      %dma_wait3A_197 = tpu.memref_squeeze %dma_wait3A_196 : memref<1x1x2x128xi32, #tpu.memory_space<hbm>> -> memref<2x128xi32, #tpu.memory_space<hbm>>
      %dma_wait3A_198 = arith.constant 0 : i32
      %dma_wait3A_199 = arith.constant 0 : i32
      %dma_wait3A_200 = tpu.memref_slice %arg3[%add3A, %add3A_183, %dma_wait3A_198, %dma_wait3A_199] : memref<32x80x2x128xi32, #tpu.memory_space<hbm>> -> memref<1x1x2x128xi32, #tpu.memory_space<hbm>>
      %dma_wait3A_201 = tpu.memref_squeeze %dma_wait3A_200 : memref<1x1x2x128xi32, #tpu.memory_space<hbm>> -> memref<2x128xi32, #tpu.memory_space<hbm>>
      tpu.wait_dma2 semaphore(%arg16 : memref<!tpu.dma_semaphore, #tpu.memory_space<semaphore_mem>>) src(%dma_wait3A_201 : memref<2x128xi32, #tpu.memory_space<hbm>>) dst(%arg9 : memref<2x128xi32, #tpu.memory_space<vmem>>)
      %run_scoped3A_202 = arith.constant 0 : i32
      "tpu.region"() ({
        %run_scoped3A_211 = tpu.sem_alloc : memref<!tpu.dma_semaphore, #tpu.memory_space<semaphore_mem>>
        %dma_start3A_212 = arith.constant 0 : i32
        %dma_start3A_213 = tpu.memref_slice %arg9[%run_scoped3A_202, %dma_start3A_212] : memref<2x128xi32, #tpu.memory_space<vmem>> -> memref<1x128xi32, #tpu.memory_space<vmem>>
        %dma_start3A_214 = tpu.memref_squeeze %dma_start3A_213 : memref<1x128xi32, #tpu.memory_space<vmem>> -> memref<128xi32, #tpu.memory_space<vmem>>
        %dma_start3A_215 = arith.constant 0 : i32
        %dma_start3A_216 = arith.constant 0 : i32
        %dma_start3A_217 = tpu.memref_slice %arg12[%dma_start3A_215, %dma_start3A_216] : memref<10240x128xf32, #tpu.memory_space<vmem_shared>> -> memref<10240x128xf32, #tpu.memory_space<vmem_shared>>
        tpu.enqueue_indirect_dma source(%dma_start3A_217 : memref<10240x128xf32, #tpu.memory_space<vmem_shared>>) target(%arg11 : memref<128x128xf32, #tpu.memory_space<vmem>>) offsets(%dma_start3A_214 : memref<128xi32, #tpu.memory_space<vmem>>) semaphore(%run_scoped3A_211 : memref<!tpu.dma_semaphore, #tpu.memory_space<semaphore_mem>>)
        %dma_wait3A_218 = arith.constant 0 : i32
        %dma_wait3A_219 = tpu.memref_slice %arg9[%run_scoped3A_202, %dma_wait3A_218] : memref<2x128xi32, #tpu.memory_space<vmem>> -> memref<1x128xi32, #tpu.memory_space<vmem>>
        %dma_wait3A_220 = tpu.memref_squeeze %dma_wait3A_219 : memref<1x128xi32, #tpu.memory_space<vmem>> -> memref<128xi32, #tpu.memory_space<vmem>>
        %dma_wait3A_221 = arith.constant 0 : i32
        %dma_wait3A_222 = arith.constant 0 : i32
        %dma_wait3A_223 = tpu.memref_slice %arg12[%dma_wait3A_221, %dma_wait3A_222] : memref<10240x128xf32, #tpu.memory_space<vmem_shared>> -> memref<10240x128xf32, #tpu.memory_space<vmem_shared>>
        tpu.wait_indirect_dma semaphore(%run_scoped3A_211 : memref<!tpu.dma_semaphore, #tpu.memory_space<semaphore_mem>>) src(%dma_wait3A_223 : memref<10240x128xf32, #tpu.memory_space<vmem_shared>>) dst(%arg11 : memref<128x128xf32, #tpu.memory_space<vmem>>)
        tpu.yield
      }) : () -> ()
      %dma_start3A_203 = arith.constant 0 : i32
      %dma_start3A_204 = arith.constant 0 : i32
      %dma_start3A_205 = tpu.memref_slice %arg4[%add3A, %add3A_183, %dma_start3A_203, %dma_start3A_204] : memref<32x80x128x128xf32, #tpu.memory_space<hbm>> -> memref<1x1x128x128xf32, #tpu.memory_space<hbm>>
      %dma_start3A_206 = tpu.memref_squeeze %dma_start3A_205 : memref<1x1x128x128xf32, #tpu.memory_space<hbm>> -> memref<128x128xf32, #tpu.memory_space<hbm>>
      %dma_start3A_207 = arith.constant 0 : i32
      %dma_start3A_208 = arith.constant 0 : i32
      %dma_start3A_209 = tpu.memref_slice %arg4[%add3A, %add3A_183, %dma_start3A_207, %dma_start3A_208] : memref<32x80x128x128xf32, #tpu.memory_space<hbm>> -> memref<1x1x128x128xf32, #tpu.memory_space<hbm>>
      %dma_start3A_210 = tpu.memref_squeeze %dma_start3A_209 : memref<1x1x128x128xf32, #tpu.memory_space<hbm>> -> memref<128x128xf32, #tpu.memory_space<hbm>>
      tpu.enqueue_dma source(%arg11 : memref<128x128xf32, #tpu.memory_space<vmem>>) target(%dma_start3A_210 : memref<128x128xf32, #tpu.memory_space<hbm>>) target_semaphore(%arg18 : memref<!tpu.dma_semaphore, #tpu.memory_space<semaphore_mem>>)
    }
    %scan3A_23 = arith.constant 20 : i32
    %dma_wait3A = arith.constant 78 : i32
    %dma_wait3A_24 = arith.constant 0 : i32
    %dma_wait3A_25 = arith.constant 0 : i32
    %dma_wait3A_26 = tpu.memref_slice %arg4[%add3A, %dma_wait3A, %dma_wait3A_24, %dma_wait3A_25] : memref<32x80x128x128xf32, #tpu.memory_space<hbm>> -> memref<1x1x128x128xf32, #tpu.memory_space<hbm>>
    %dma_wait3A_27 = tpu.memref_squeeze %dma_wait3A_26 : memref<1x1x128x128xf32, #tpu.memory_space<hbm>> -> memref<128x128xf32, #tpu.memory_space<hbm>>
    %dma_wait3A_28 = arith.constant 0 : i32
    %dma_wait3A_29 = arith.constant 0 : i32
    %dma_wait3A_30 = tpu.memref_slice %arg4[%add3A, %dma_wait3A, %dma_wait3A_28, %dma_wait3A_29] : memref<32x80x128x128xf32, #tpu.memory_space<hbm>> -> memref<1x1x128x128xf32, #tpu.memory_space<hbm>>
    %dma_wait3A_31 = tpu.memref_squeeze %dma_wait3A_30 : memref<1x1x128x128xf32, #tpu.memory_space<hbm>> -> memref<128x128xf32, #tpu.memory_space<hbm>>
    tpu.wait_dma2 semaphore(%arg17 : memref<!tpu.dma_semaphore, #tpu.memory_space<semaphore_mem>>) src(%arg10 : memref<128x128xf32, #tpu.memory_space<vmem>>) dst(%dma_wait3A_31 : memref<128x128xf32, #tpu.memory_space<hbm>>)
    %dma_wait3A_32 = arith.constant 79 : i32
    %dma_wait3A_33 = arith.constant 0 : i32
    %dma_wait3A_34 = arith.constant 0 : i32
    %dma_wait3A_35 = tpu.memref_slice %arg4[%add3A, %dma_wait3A_32, %dma_wait3A_33, %dma_wait3A_34] : memref<32x80x128x128xf32, #tpu.memory_space<hbm>> -> memref<1x1x128x128xf32, #tpu.memory_space<hbm>>
    %dma_wait3A_36 = tpu.memref_squeeze %dma_wait3A_35 : memref<1x1x128x128xf32, #tpu.memory_space<hbm>> -> memref<128x128xf32, #tpu.memory_space<hbm>>
    %dma_wait3A_37 = arith.constant 0 : i32
    %dma_wait3A_38 = arith.constant 0 : i32
    %dma_wait3A_39 = tpu.memref_slice %arg4[%add3A, %dma_wait3A_32, %dma_wait3A_37, %dma_wait3A_38] : memref<32x80x128x128xf32, #tpu.memory_space<hbm>> -> memref<1x1x128x128xf32, #tpu.memory_space<hbm>>
    %dma_wait3A_40 = tpu.memref_squeeze %dma_wait3A_39 : memref<1x1x128x128xf32, #tpu.memory_space<hbm>> -> memref<128x128xf32, #tpu.memory_space<hbm>>
    tpu.wait_dma2 semaphore(%arg18 : memref<!tpu.dma_semaphore, #tpu.memory_space<semaphore_mem>>) src(%arg11 : memref<128x128xf32, #tpu.memory_space<vmem>>) dst(%dma_wait3A_40 : memref<128x128xf32, #tpu.memory_space<hbm>>)
    %barrier3A_41 = arith.constant 0 : index
    tpu.barrier barrier_id(%barrier3A_41)
    %scan3A_42 = arith.constant 0 : i32
    %scan3A_43 = arith.constant 128 : i32
    %scan3A_44 = arith.addi %scan3A_42, %scan3A_43 : i32
    %scan3A_45 = arith.constant 1 : i32
    scf.for %scan3A_95 = %scan3A_42 to %scan3A_44 step %scan3A_45  : i32 {
      %mul3A_96 = arith.constant 1 : i32
      %mul3A_97 = arith.muli %scan3A_95, %mul3A_96 : i32
      %add3A_98 = arith.constant 0 : i32
      %add3A_99 = arith.addi %add3A_98, %mul3A_97 : i32
      %scan3A_100 = arith.constant 0 : i32
      %scan3A_101 = arith.constant 8 : i32
      %scan3A_102 = arith.addi %scan3A_100, %scan3A_101 : i32
      %scan3A_103 = arith.constant 1 : i32
      scf.for %scan3A_105 = %scan3A_100 to %scan3A_102 step %scan3A_103  : i32 {
        %mul3A_106 = arith.constant 16 : i32
        %mul3A_107 = arith.muli %scan3A_105, %mul3A_106 : i32
        %add3A_108 = arith.constant 0 : i32
        %add3A_109 = arith.addi %add3A_108, %mul3A_107 : i32
        %broadcast_in_dim3A = arith.constant 0.000000e+00 : f32
        %broadcast_in_dim3A_110 = vector.broadcast %broadcast_in_dim3A : f32 to vector<16xf32>
        %swap3A = arith.index_cast %add3A_99 : i32 to index
        %swap3A_111 = arith.index_cast %add3A_109 : i32 to index
        %swap3A_112 = tpu.vector_load %arg10[%swap3A, %swap3A_111] {strides = array<i32>} : memref<128x128xf32, #tpu.memory_space<vmem>>, vector<1x16xf32>,
        %swap3A_113 = vector.shape_cast %swap3A_112 : vector<1x16xf32> to vector<16xf32>
        %swap3A_114 = vector.shape_cast %broadcast_in_dim3A_110 : vector<16xf32> to vector<1x16xf32>
        tpu.vector_store %arg10[%swap3A, %swap3A_111], %swap3A_114 {strides = array<i32>} : memref<128x128xf32, #tpu.memory_space<vmem>>, vector<1x16xf32>,
      }
      %scan3A_104 = arith.constant 8 : i32
    }
    %scan3A_46 = arith.constant 128 : i32
    %scan3A_47 = arith.constant 0 : i32
    %scan3A_48 = arith.constant 5 : i32
    %scan3A_49 = arith.addi %scan3A_47, %scan3A_48 : i32
    %scan3A_50 = arith.constant 1 : i32
    scf.for %scan3A_95 = %scan3A_47 to %scan3A_49 step %scan3A_50  : i32 {
      %mul3A_96 = arith.constant 1 : i32
      %mul3A_97 = arith.muli %scan3A_95, %mul3A_96 : i32
      %add3A_98 = arith.constant 0 : i32
      %add3A_99 = arith.addi %add3A_98, %mul3A_97 : i32
      %mul3A_100 = arith.constant 640 : i32
      %mul3A_101 = arith.muli %arg1, %mul3A_100 : i32
      %mul3A_102 = arith.constant 128 : i32
      %mul3A_103 = arith.muli %add3A_99, %mul3A_102 : i32
      %add3A_104 = arith.addi %mul3A_101, %mul3A_103 : i32
      "tpu.region"() ({
        %run_scoped3A = tpu.sem_alloc : memref<!tpu.dma_semaphore, #tpu.memory_space<semaphore_mem>>
        %dma_start3A_105 = arith.constant 0 : i32
        %dma_start3A_106 = tpu.memref_slice %arg12[%add3A_104, %dma_start3A_105] : memref<10240x128xf32, #tpu.memory_space<vmem_shared>> -> memref<128x128xf32, #tpu.memory_space<vmem_shared>>
        %dma_start3A_107 = arith.constant 0 : i32
        %dma_start3A_108 = tpu.memref_slice %arg12[%add3A_104, %dma_start3A_107] : memref<10240x128xf32, #tpu.memory_space<vmem_shared>> -> memref<128x128xf32, #tpu.memory_space<vmem_shared>>
        tpu.enqueue_dma source(%arg10 : memref<128x128xf32, #tpu.memory_space<vmem>>) target(%dma_start3A_108 : memref<128x128xf32, #tpu.memory_space<vmem_shared>>) target_semaphore(%run_scoped3A : memref<!tpu.dma_semaphore, #tpu.memory_space<semaphore_mem>>)
        %dma_wait3A_109 = arith.constant 0 : i32
        %dma_wait3A_110 = tpu.memref_slice %arg12[%add3A_104, %dma_wait3A_109] : memref<10240x128xf32, #tpu.memory_space<vmem_shared>> -> memref<128x128xf32, #tpu.memory_space<vmem_shared>>
        %dma_wait3A_111 = arith.constant 0 : i32
        %dma_wait3A_112 = tpu.memref_slice %arg12[%add3A_104, %dma_wait3A_111] : memref<10240x128xf32, #tpu.memory_space<vmem_shared>> -> memref<128x128xf32, #tpu.memory_space<vmem_shared>>
        tpu.wait_dma2 semaphore(%run_scoped3A : memref<!tpu.dma_semaphore, #tpu.memory_space<semaphore_mem>>) src(%arg10 : memref<128x128xf32, #tpu.memory_space<vmem>>) dst(%dma_wait3A_112 : memref<128x128xf32, #tpu.memory_space<vmem_shared>>)
        tpu.yield
      }) : () -> ()
    }
    %scan3A_51 = arith.constant 5 : i32
    %barrier3A_52 = arith.constant 0 : index
    tpu.barrier barrier_id(%barrier3A_52)
    %dma_start3A_53 = arith.constant 0 : i32
    %dma_start3A_54 = arith.constant 0 : i32
    %dma_start3A_55 = arith.constant 0 : i32
    %dma_start3A_56 = tpu.memref_slice %arg3[%add3A, %dma_start3A_53, %dma_start3A_54, %dma_start3A_55] : memref<32x80x2x128xi32, #tpu.memory_space<hbm>> -> memref<1x1x2x128xi32, #tpu.memory_space<hbm>>
    %dma_start3A_57 = tpu.memref_squeeze %dma_start3A_56 : memref<1x1x2x128xi32, #tpu.memory_space<hbm>> -> memref<2x128xi32, #tpu.memory_space<hbm>>
    %dma_start3A_58 = arith.constant 0 : i32
    %dma_start3A_59 = arith.constant 0 : i32
    %dma_start3A_60 = tpu.memref_slice %arg3[%add3A, %dma_start3A_53, %dma_start3A_58, %dma_start3A_59] : memref<32x80x2x128xi32, #tpu.memory_space<hbm>> -> memref<1x1x2x128xi32, #tpu.memory_space<hbm>>
    %dma_start3A_61 = tpu.memref_squeeze %dma_start3A_60 : memref<1x1x2x128xi32, #tpu.memory_space<hbm>> -> memref<2x128xi32, #tpu.memory_space<hbm>>
    tpu.enqueue_dma source(%dma_start3A_61 : memref<2x128xi32, #tpu.memory_space<hbm>>) target(%arg6 : memref<2x128xi32, #tpu.memory_space<vmem>>) target_semaphore(%arg13 : memref<!tpu.dma_semaphore, #tpu.memory_space<semaphore_mem>>)
    %dma_start3A_62 = arith.constant 1 : i32
    %dma_start3A_63 = arith.constant 0 : i32
    %dma_start3A_64 = arith.constant 0 : i32
    %dma_start3A_65 = tpu.memref_slice %arg3[%add3A, %dma_start3A_62, %dma_start3A_63, %dma_start3A_64] : memref<32x80x2x128xi32, #tpu.memory_space<hbm>> -> memref<1x1x2x128xi32, #tpu.memory_space<hbm>>
    %dma_start3A_66 = tpu.memref_squeeze %dma_start3A_65 : memref<1x1x2x128xi32, #tpu.memory_space<hbm>> -> memref<2x128xi32, #tpu.memory_space<hbm>>
    %dma_start3A_67 = arith.constant 0 : i32
    %dma_start3A_68 = arith.constant 0 : i32
    %dma_start3A_69 = tpu.memref_slice %arg3[%add3A, %dma_start3A_62, %dma_start3A_67, %dma_start3A_68] : memref<32x80x2x128xi32, #tpu.memory_space<hbm>> -> memref<1x1x2x128xi32, #tpu.memory_space<hbm>>
    %dma_start3A_70 = tpu.memref_squeeze %dma_start3A_69 : memref<1x1x2x128xi32, #tpu.memory_space<hbm>> -> memref<2x128xi32, #tpu.memory_space<hbm>>
    tpu.enqueue_dma source(%dma_start3A_70 : memref<2x128xi32, #tpu.memory_space<hbm>>) target(%arg7 : memref<2x128xi32, #tpu.memory_space<vmem>>) target_semaphore(%arg14 : memref<!tpu.dma_semaphore, #tpu.memory_space<semaphore_mem>>)
    %dma_start3A_71 = arith.constant 0 : i32
    %dma_start3A_72 = arith.constant 0 : i32
    %dma_start3A_73 = arith.constant 0 : i32
    %dma_start3A_74 = tpu.memref_slice %arg4[%add3A, %dma_start3A_71, %dma_start3A_72, %dma_start3A_73] : memref<32x80x128x128xf32, #tpu.memory_space<hbm>> -> memref<1x1x128x128xf32, #tpu.memory_space<hbm>>
    %dma_start3A_75 = tpu.memref_squeeze %dma_start3A_74 : memref<1x1x128x128xf32, #tpu.memory_space<hbm>> -> memref<128x128xf32, #tpu.memory_space<hbm>>
    %dma_start3A_76 = arith.constant 0 : i32
    %dma_start3A_77 = arith.constant 0 : i32
    %dma_start3A_78 = tpu.memref_slice %arg4[%add3A, %dma_start3A_71, %dma_start3A_76, %dma_start3A_77] : memref<32x80x128x128xf32, #tpu.memory_space<hbm>> -> memref<1x1x128x128xf32, #tpu.memory_space<hbm>>
    %dma_start3A_79 = tpu.memref_squeeze %dma_start3A_78 : memref<1x1x128x128xf32, #tpu.memory_space<hbm>> -> memref<128x128xf32, #tpu.memory_space<hbm>>
    tpu.enqueue_dma source(%dma_start3A_79 : memref<128x128xf32, #tpu.memory_space<hbm>>) target(%arg10 : memref<128x128xf32, #tpu.memory_space<vmem>>) target_semaphore(%arg17 : memref<!tpu.dma_semaphore, #tpu.memory_space<semaphore_mem>>)
    %dma_start3A_80 = arith.constant 1 : i32
    %dma_start3A_81 = arith.constant 0 : i32
    %dma_start3A_82 = arith.constant 0 : i32
    %dma_start3A_83 = tpu.memref_slice %arg4[%add3A, %dma_start3A_80, %dma_start3A_81, %dma_start3A_82] : memref<32x80x128x128xf32, #tpu.memory_space<hbm>> -> memref<1x1x128x128xf32, #tpu.memory_space<hbm>>
    %dma_start3A_84 = tpu.memref_squeeze %dma_start3A_83 : memref<1x1x128x128xf32, #tpu.memory_space<hbm>> -> memref<128x128xf32, #tpu.memory_space<hbm>>
    %dma_start3A_85 = arith.constant 0 : i32
    %dma_start3A_86 = arith.constant 0 : i32
    %dma_start3A_87 = tpu.memref_slice %arg4[%add3A, %dma_start3A_80, %dma_start3A_85, %dma_start3A_86] : memref<32x80x128x128xf32, #tpu.memory_space<hbm>> -> memref<1x1x128x128xf32, #tpu.memory_space<hbm>>
    %dma_start3A_88 = tpu.memref_squeeze %dma_start3A_87 : memref<1x1x128x128xf32, #tpu.memory_space<hbm>> -> memref<128x128xf32, #tpu.memory_space<hbm>>
    tpu.enqueue_dma source(%dma_start3A_88 : memref<128x128xf32, #tpu.memory_space<hbm>>) target(%arg11 : memref<128x128xf32, #tpu.memory_space<vmem>>) target_semaphore(%arg18 : memref<!tpu.dma_semaphore, #tpu.memory_space<semaphore_mem>>)
    %scan3A_89 = arith.constant 0 : i32
    %scan3A_90 = arith.constant 20 : i32
    %scan3A_91 = arith.addi %scan3A_89, %scan3A_90 : i32
    %scan3A_92 = arith.constant 1 : i32
    scf.for %scan3A_95 = %scan3A_89 to %scan3A_91 step %scan3A_92  : i32 {
      %mul3A_96 = arith.constant 4 : i32
      %mul3A_97 = arith.muli %scan3A_95, %mul3A_96 : i32
      %add3A_98 = arith.constant 0 : i32
      %add3A_99 = arith.addi %add3A_98, %mul3A_97 : i32
      %add3A_100 = arith.constant 0 : i32
      %add3A_101 = arith.addi %add3A_99, %add3A_100 : i32
      %lt3A = arith.constant 78 : i32
      %lt3A_102 = arith.cmpi slt, %add3A_101, %lt3A : i32
      %convert_element_type3A = arith.extui %lt3A_102 : i1 to i32
      %cond3A = arith.constant 0 : i32
      %cond3A_103 = arith.cmpi ne, %convert_element_type3A, %cond3A : i32
      scf.if %cond3A_103 {
        %add3A_212 = arith.constant 2 : i32
        %add3A_213 = arith.addi %add3A_101, %add3A_212 : i32
        %dma_start3A_214 = arith.constant 0 : i32
        %dma_start3A_215 = arith.constant 0 : i32
        %dma_start3A_216 = tpu.memref_slice %arg3[%add3A, %add3A_213, %dma_start3A_214, %dma_start3A_215] : memref<32x80x2x128xi32, #tpu.memory_space<hbm>> -> memref<1x1x2x128xi32, #tpu.memory_space<hbm>>
        %dma_start3A_217 = tpu.memref_squeeze %dma_start3A_216 : memref<1x1x2x128xi32, #tpu.memory_space<hbm>> -> memref<2x128xi32, #tpu.memory_space<hbm>>
        %dma_start3A_218 = arith.constant 0 : i32
        %dma_start3A_219 = arith.constant 0 : i32
        %dma_start3A_220 = tpu.memref_slice %arg3[%add3A, %add3A_213, %dma_start3A_218, %dma_start3A_219] : memref<32x80x2x128xi32, #tpu.memory_space<hbm>> -> memref<1x1x2x128xi32, #tpu.memory_space<hbm>>
        %dma_start3A_221 = tpu.memref_squeeze %dma_start3A_220 : memref<1x1x2x128xi32, #tpu.memory_space<hbm>> -> memref<2x128xi32, #tpu.memory_space<hbm>>
        tpu.enqueue_dma source(%dma_start3A_221 : memref<2x128xi32, #tpu.memory_space<hbm>>) target(%arg8 : memref<2x128xi32, #tpu.memory_space<vmem>>) target_semaphore(%arg15 : memref<!tpu.dma_semaphore, #tpu.memory_space<semaphore_mem>>)
      } else {
      }
      %dma_wait3A_104 = arith.constant 0 : i32
      %dma_wait3A_105 = arith.constant 0 : i32
      %dma_wait3A_106 = tpu.memref_slice %arg3[%add3A, %add3A_101, %dma_wait3A_104, %dma_wait3A_105] : memref<32x80x2x128xi32, #tpu.memory_space<hbm>> -> memref<1x1x2x128xi32, #tpu.memory_space<hbm>>
      %dma_wait3A_107 = tpu.memref_squeeze %dma_wait3A_106 : memref<1x1x2x128xi32, #tpu.memory_space<hbm>> -> memref<2x128xi32, #tpu.memory_space<hbm>>
      %dma_wait3A_108 = arith.constant 0 : i32
      %dma_wait3A_109 = arith.constant 0 : i32
      %dma_wait3A_110 = tpu.memref_slice %arg3[%add3A, %add3A_101, %dma_wait3A_108, %dma_wait3A_109] : memref<32x80x2x128xi32, #tpu.memory_space<hbm>> -> memref<1x1x2x128xi32, #tpu.memory_space<hbm>>
      %dma_wait3A_111 = tpu.memref_squeeze %dma_wait3A_110 : memref<1x1x2x128xi32, #tpu.memory_space<hbm>> -> memref<2x128xi32, #tpu.memory_space<hbm>>
      tpu.wait_dma2 semaphore(%arg13 : memref<!tpu.dma_semaphore, #tpu.memory_space<semaphore_mem>>) src(%dma_wait3A_111 : memref<2x128xi32, #tpu.memory_space<hbm>>) dst(%arg6 : memref<2x128xi32, #tpu.memory_space<vmem>>)
      %dma_wait3A_112 = arith.constant 0 : i32
      %dma_wait3A_113 = arith.constant 0 : i32
      %dma_wait3A_114 = tpu.memref_slice %arg4[%add3A, %add3A_101, %dma_wait3A_112, %dma_wait3A_113] : memref<32x80x128x128xf32, #tpu.memory_space<hbm>> -> memref<1x1x128x128xf32, #tpu.memory_space<hbm>>
      %dma_wait3A_115 = tpu.memref_squeeze %dma_wait3A_114 : memref<1x1x128x128xf32, #tpu.memory_space<hbm>> -> memref<128x128xf32, #tpu.memory_space<hbm>>
      %dma_wait3A_116 = arith.constant 0 : i32
      %dma_wait3A_117 = arith.constant 0 : i32
      %dma_wait3A_118 = tpu.memref_slice %arg4[%add3A, %add3A_101, %dma_wait3A_116, %dma_wait3A_117] : memref<32x80x128x128xf32, #tpu.memory_space<hbm>> -> memref<1x1x128x128xf32, #tpu.memory_space<hbm>>
      %dma_wait3A_119 = tpu.memref_squeeze %dma_wait3A_118 : memref<1x1x128x128xf32, #tpu.memory_space<hbm>> -> memref<128x128xf32, #tpu.memory_space<hbm>>
      tpu.wait_dma2 semaphore(%arg17 : memref<!tpu.dma_semaphore, #tpu.memory_space<semaphore_mem>>) src(%dma_wait3A_119 : memref<128x128xf32, #tpu.memory_space<hbm>>) dst(%arg10 : memref<128x128xf32, #tpu.memory_space<vmem>>)
      %run_scoped3A = arith.constant 1 : i32
      "tpu.region"() ({
        %run_scoped3A_212 = tpu.sem_alloc : memref<!tpu.dma_semaphore, #tpu.memory_space<semaphore_mem>>
        %dma_start3A_213 = arith.constant 0 : i32
        %dma_start3A_214 = tpu.memref_slice %arg6[%run_scoped3A, %dma_start3A_213] : memref<2x128xi32, #tpu.memory_space<vmem>> -> memref<1x128xi32, #tpu.memory_space<vmem>>
        %dma_start3A_215 = tpu.memref_squeeze %dma_start3A_214 : memref<1x128xi32, #tpu.memory_space<vmem>> -> memref<128xi32, #tpu.memory_space<vmem>>
        %dma_start3A_216 = arith.constant 0 : i32
        %dma_start3A_217 = arith.constant 0 : i32
        %dma_start3A_218 = tpu.memref_slice %arg12[%dma_start3A_216, %dma_start3A_217] : memref<10240x128xf32, #tpu.memory_space<vmem_shared>> -> memref<10240x128xf32, #tpu.memory_space<vmem_shared>>
        tpu.enqueue_indirect_dma source(%arg10 : memref<128x128xf32, #tpu.memory_space<vmem>>) target(%dma_start3A_218 : memref<10240x128xf32, #tpu.memory_space<vmem_shared>>) offsets(%dma_start3A_215 : memref<128xi32, #tpu.memory_space<vmem>>) semaphore(%run_scoped3A_212 : memref<!tpu.dma_semaphore, #tpu.memory_space<semaphore_mem>>) {add = true}
        %dma_wait3A_219 = arith.constant 0 : i32
        %dma_wait3A_220 = tpu.memref_slice %arg6[%run_scoped3A, %dma_wait3A_219] : memref<2x128xi32, #tpu.memory_space<vmem>> -> memref<1x128xi32, #tpu.memory_space<vmem>>
        %dma_wait3A_221 = tpu.memref_squeeze %dma_wait3A_220 : memref<1x128xi32, #tpu.memory_space<vmem>> -> memref<128xi32, #tpu.memory_space<vmem>>
        %dma_wait3A_222 = arith.constant 0 : i32
        %dma_wait3A_223 = arith.constant 0 : i32
        %dma_wait3A_224 = tpu.memref_slice %arg12[%dma_wait3A_222, %dma_wait3A_223] : memref<10240x128xf32, #tpu.memory_space<vmem_shared>> -> memref<10240x128xf32, #tpu.memory_space<vmem_shared>>
        tpu.wait_indirect_dma semaphore(%run_scoped3A_212 : memref<!tpu.dma_semaphore, #tpu.memory_space<semaphore_mem>>) src(%arg10 : memref<128x128xf32, #tpu.memory_space<vmem>>) dst(%dma_wait3A_224 : memref<10240x128xf32, #tpu.memory_space<vmem_shared>>)
        tpu.yield
      }) : () -> ()
      %lt3A_120 = arith.constant 78 : i32
      %lt3A_121 = arith.cmpi slt, %add3A_101, %lt3A_120 : i32
      %convert_element_type3A_122 = arith.extui %lt3A_121 : i1 to i32
      %cond3A_123 = arith.constant 0 : i32
      %cond3A_124 = arith.cmpi ne, %convert_element_type3A_122, %cond3A_123 : i32
      scf.if %cond3A_124 {
        %add3A_212 = arith.constant 2 : i32
        %add3A_213 = arith.addi %add3A_101, %add3A_212 : i32
        %dma_start3A_214 = arith.constant 0 : i32
        %dma_start3A_215 = arith.constant 0 : i32
        %dma_start3A_216 = tpu.memref_slice %arg4[%add3A, %add3A_213, %dma_start3A_214, %dma_start3A_215] : memref<32x80x128x128xf32, #tpu.memory_space<hbm>> -> memref<1x1x128x128xf32, #tpu.memory_space<hbm>>
        %dma_start3A_217 = tpu.memref_squeeze %dma_start3A_216 : memref<1x1x128x128xf32, #tpu.memory_space<hbm>> -> memref<128x128xf32, #tpu.memory_space<hbm>>
        %dma_start3A_218 = arith.constant 0 : i32
        %dma_start3A_219 = arith.constant 0 : i32
        %dma_start3A_220 = tpu.memref_slice %arg4[%add3A, %add3A_213, %dma_start3A_218, %dma_start3A_219] : memref<32x80x128x128xf32, #tpu.memory_space<hbm>> -> memref<1x1x128x128xf32, #tpu.memory_space<hbm>>
        %dma_start3A_221 = tpu.memref_squeeze %dma_start3A_220 : memref<1x1x128x128xf32, #tpu.memory_space<hbm>> -> memref<128x128xf32, #tpu.memory_space<hbm>>
        tpu.enqueue_dma source(%dma_start3A_221 : memref<128x128xf32, #tpu.memory_space<hbm>>) target(%arg10 : memref<128x128xf32, #tpu.memory_space<vmem>>) target_semaphore(%arg17 : memref<!tpu.dma_semaphore, #tpu.memory_space<semaphore_mem>>)
      } else {
      }
      %add3A_125 = arith.constant 1 : i32
      %add3A_126 = arith.addi %add3A_99, %add3A_125 : i32
      %lt3A_127 = arith.constant 78 : i32
      %lt3A_128 = arith.cmpi slt, %add3A_126, %lt3A_127 : i32
      %convert_element_type3A_129 = arith.extui %lt3A_128 : i1 to i32
      %cond3A_130 = arith.constant 0 : i32
      %cond3A_131 = arith.cmpi ne, %convert_element_type3A_129, %cond3A_130 : i32
      scf.if %cond3A_131 {
        %add3A_212 = arith.constant 2 : i32
        %add3A_213 = arith.addi %add3A_126, %add3A_212 : i32
        %dma_start3A_214 = arith.constant 0 : i32
        %dma_start3A_215 = arith.constant 0 : i32
        %dma_start3A_216 = tpu.memref_slice %arg3[%add3A, %add3A_213, %dma_start3A_214, %dma_start3A_215] : memref<32x80x2x128xi32, #tpu.memory_space<hbm>> -> memref<1x1x2x128xi32, #tpu.memory_space<hbm>>
        %dma_start3A_217 = tpu.memref_squeeze %dma_start3A_216 : memref<1x1x2x128xi32, #tpu.memory_space<hbm>> -> memref<2x128xi32, #tpu.memory_space<hbm>>
        %dma_start3A_218 = arith.constant 0 : i32
        %dma_start3A_219 = arith.constant 0 : i32
        %dma_start3A_220 = tpu.memref_slice %arg3[%add3A, %add3A_213, %dma_start3A_218, %dma_start3A_219] : memref<32x80x2x128xi32, #tpu.memory_space<hbm>> -> memref<1x1x2x128xi32, #tpu.memory_space<hbm>>
        %dma_start3A_221 = tpu.memref_squeeze %dma_start3A_220 : memref<1x1x2x128xi32, #tpu.memory_space<hbm>> -> memref<2x128xi32, #tpu.memory_space<hbm>>
        tpu.enqueue_dma source(%dma_start3A_221 : memref<2x128xi32, #tpu.memory_space<hbm>>) target(%arg9 : memref<2x128xi32, #tpu.memory_space<vmem>>) target_semaphore(%arg16 : memref<!tpu.dma_semaphore, #tpu.memory_space<semaphore_mem>>)
      } else {
      }
      %dma_wait3A_132 = arith.constant 0 : i32
      %dma_wait3A_133 = arith.constant 0 : i32
      %dma_wait3A_134 = tpu.memref_slice %arg3[%add3A, %add3A_126, %dma_wait3A_132, %dma_wait3A_133] : memref<32x80x2x128xi32, #tpu.memory_space<hbm>> -> memref<1x1x2x128xi32, #tpu.memory_space<hbm>>
      %dma_wait3A_135 = tpu.memref_squeeze %dma_wait3A_134 : memref<1x1x2x128xi32, #tpu.memory_space<hbm>> -> memref<2x128xi32, #tpu.memory_space<hbm>>
      %dma_wait3A_136 = arith.constant 0 : i32
      %dma_wait3A_137 = arith.constant 0 : i32
      %dma_wait3A_138 = tpu.memref_slice %arg3[%add3A, %add3A_126, %dma_wait3A_136, %dma_wait3A_137] : memref<32x80x2x128xi32, #tpu.memory_space<hbm>> -> memref<1x1x2x128xi32, #tpu.memory_space<hbm>>
      %dma_wait3A_139 = tpu.memref_squeeze %dma_wait3A_138 : memref<1x1x2x128xi32, #tpu.memory_space<hbm>> -> memref<2x128xi32, #tpu.memory_space<hbm>>
      tpu.wait_dma2 semaphore(%arg14 : memref<!tpu.dma_semaphore, #tpu.memory_space<semaphore_mem>>) src(%dma_wait3A_139 : memref<2x128xi32, #tpu.memory_space<hbm>>) dst(%arg7 : memref<2x128xi32, #tpu.memory_space<vmem>>)
      %dma_wait3A_140 = arith.constant 0 : i32
      %dma_wait3A_141 = arith.constant 0 : i32
      %dma_wait3A_142 = tpu.memref_slice %arg4[%add3A, %add3A_126, %dma_wait3A_140, %dma_wait3A_141] : memref<32x80x128x128xf32, #tpu.memory_space<hbm>> -> memref<1x1x128x128xf32, #tpu.memory_space<hbm>>
      %dma_wait3A_143 = tpu.memref_squeeze %dma_wait3A_142 : memref<1x1x128x128xf32, #tpu.memory_space<hbm>> -> memref<128x128xf32, #tpu.memory_space<hbm>>
      %dma_wait3A_144 = arith.constant 0 : i32
      %dma_wait3A_145 = arith.constant 0 : i32
      %dma_wait3A_146 = tpu.memref_slice %arg4[%add3A, %add3A_126, %dma_wait3A_144, %dma_wait3A_145] : memref<32x80x128x128xf32, #tpu.memory_space<hbm>> -> memref<1x1x128x128xf32, #tpu.memory_space<hbm>>
      %dma_wait3A_147 = tpu.memref_squeeze %dma_wait3A_146 : memref<1x1x128x128xf32, #tpu.memory_space<hbm>> -> memref<128x128xf32, #tpu.memory_space<hbm>>
      tpu.wait_dma2 semaphore(%arg18 : memref<!tpu.dma_semaphore, #tpu.memory_space<semaphore_mem>>) src(%dma_wait3A_147 : memref<128x128xf32, #tpu.memory_space<hbm>>) dst(%arg11 : memref<128x128xf32, #tpu.memory_space<vmem>>)
      %run_scoped3A_148 = arith.constant 1 : i32
      "tpu.region"() ({
        %run_scoped3A_212 = tpu.sem_alloc : memref<!tpu.dma_semaphore, #tpu.memory_space<semaphore_mem>>
        %dma_start3A_213 = arith.constant 0 : i32
        %dma_start3A_214 = tpu.memref_slice %arg7[%run_scoped3A_148, %dma_start3A_213] : memref<2x128xi32, #tpu.memory_space<vmem>> -> memref<1x128xi32, #tpu.memory_space<vmem>>
        %dma_start3A_215 = tpu.memref_squeeze %dma_start3A_214 : memref<1x128xi32, #tpu.memory_space<vmem>> -> memref<128xi32, #tpu.memory_space<vmem>>
        %dma_start3A_216 = arith.constant 0 : i32
        %dma_start3A_217 = arith.constant 0 : i32
        %dma_start3A_218 = tpu.memref_slice %arg12[%dma_start3A_216, %dma_start3A_217] : memref<10240x128xf32, #tpu.memory_space<vmem_shared>> -> memref<10240x128xf32, #tpu.memory_space<vmem_shared>>
        tpu.enqueue_indirect_dma source(%arg11 : memref<128x128xf32, #tpu.memory_space<vmem>>) target(%dma_start3A_218 : memref<10240x128xf32, #tpu.memory_space<vmem_shared>>) offsets(%dma_start3A_215 : memref<128xi32, #tpu.memory_space<vmem>>) semaphore(%run_scoped3A_212 : memref<!tpu.dma_semaphore, #tpu.memory_space<semaphore_mem>>) {add = true}
        %dma_wait3A_219 = arith.constant 0 : i32
        %dma_wait3A_220 = tpu.memref_slice %arg7[%run_scoped3A_148, %dma_wait3A_219] : memref<2x128xi32, #tpu.memory_space<vmem>> -> memref<1x128xi32, #tpu.memory_space<vmem>>
        %dma_wait3A_221 = tpu.memref_squeeze %dma_wait3A_220 : memref<1x128xi32, #tpu.memory_space<vmem>> -> memref<128xi32, #tpu.memory_space<vmem>>
        %dma_wait3A_222 = arith.constant 0 : i32
        %dma_wait3A_223 = arith.constant 0 : i32
        %dma_wait3A_224 = tpu.memref_slice %arg12[%dma_wait3A_222, %dma_wait3A_223] : memref<10240x128xf32, #tpu.memory_space<vmem_shared>> -> memref<10240x128xf32, #tpu.memory_space<vmem_shared>>
        tpu.wait_indirect_dma semaphore(%run_scoped3A_212 : memref<!tpu.dma_semaphore, #tpu.memory_space<semaphore_mem>>) src(%arg11 : memref<128x128xf32, #tpu.memory_space<vmem>>) dst(%dma_wait3A_224 : memref<10240x128xf32, #tpu.memory_space<vmem_shared>>)
        tpu.yield
      }) : () -> ()
      %lt3A_149 = arith.constant 78 : i32
      %lt3A_150 = arith.cmpi slt, %add3A_126, %lt3A_149 : i32
      %convert_element_type3A_151 = arith.extui %lt3A_150 : i1 to i32
      %cond3A_152 = arith.constant 0 : i32
      %cond3A_153 = arith.cmpi ne, %convert_element_type3A_151, %cond3A_152 : i32
      scf.if %cond3A_153 {
        %add3A_212 = arith.constant 2 : i32
        %add3A_213 = arith.addi %add3A_126, %add3A_212 : i32
        %dma_start3A_214 = arith.constant 0 : i32
        %dma_start3A_215 = arith.constant 0 : i32
        %dma_start3A_216 = tpu.memref_slice %arg4[%add3A, %add3A_213, %dma_start3A_214, %dma_start3A_215] : memref<32x80x128x128xf32, #tpu.memory_space<hbm>> -> memref<1x1x128x128xf32, #tpu.memory_space<hbm>>
        %dma_start3A_217 = tpu.memref_squeeze %dma_start3A_216 : memref<1x1x128x128xf32, #tpu.memory_space<hbm>> -> memref<128x128xf32, #tpu.memory_space<hbm>>
        %dma_start3A_218 = arith.constant 0 : i32
        %dma_start3A_219 = arith.constant 0 : i32
        %dma_start3A_220 = tpu.memref_slice %arg4[%add3A, %add3A_213, %dma_start3A_218, %dma_start3A_219] : memref<32x80x128x128xf32, #tpu.memory_space<hbm>> -> memref<1x1x128x128xf32, #tpu.memory_space<hbm>>
        %dma_start3A_221 = tpu.memref_squeeze %dma_start3A_220 : memref<1x1x128x128xf32, #tpu.memory_space<hbm>> -> memref<128x128xf32, #tpu.memory_space<hbm>>
        tpu.enqueue_dma source(%dma_start3A_221 : memref<128x128xf32, #tpu.memory_space<hbm>>) target(%arg11 : memref<128x128xf32, #tpu.memory_space<vmem>>) target_semaphore(%arg18 : memref<!tpu.dma_semaphore, #tpu.memory_space<semaphore_mem>>)
      } else {
      }
      %add3A_154 = arith.constant 2 : i32
      %add3A_155 = arith.addi %add3A_99, %add3A_154 : i32
      %lt3A_156 = arith.constant 78 : i32
      %lt3A_157 = arith.cmpi slt, %add3A_155, %lt3A_156 : i32
      %convert_element_type3A_158 = arith.extui %lt3A_157 : i1 to i32
      %cond3A_159 = arith.constant 0 : i32
      %cond3A_160 = arith.cmpi ne, %convert_element_type3A_158, %cond3A_159 : i32
      scf.if %cond3A_160 {
        %add3A_212 = arith.constant 2 : i32
        %add3A_213 = arith.addi %add3A_155, %add3A_212 : i32
        %dma_start3A_214 = arith.constant 0 : i32
        %dma_start3A_215 = arith.constant 0 : i32
        %dma_start3A_216 = tpu.memref_slice %arg3[%add3A, %add3A_213, %dma_start3A_214, %dma_start3A_215] : memref<32x80x2x128xi32, #tpu.memory_space<hbm>> -> memref<1x1x2x128xi32, #tpu.memory_space<hbm>>
        %dma_start3A_217 = tpu.memref_squeeze %dma_start3A_216 : memref<1x1x2x128xi32, #tpu.memory_space<hbm>> -> memref<2x128xi32, #tpu.memory_space<hbm>>
        %dma_start3A_218 = arith.constant 0 : i32
        %dma_start3A_219 = arith.constant 0 : i32
        %dma_start3A_220 = tpu.memref_slice %arg3[%add3A, %add3A_213, %dma_start3A_218, %dma_start3A_219] : memref<32x80x2x128xi32, #tpu.memory_space<hbm>> -> memref<1x1x2x128xi32, #tpu.memory_space<hbm>>
        %dma_start3A_221 = tpu.memref_squeeze %dma_start3A_220 : memref<1x1x2x128xi32, #tpu.memory_space<hbm>> -> memref<2x128xi32, #tpu.memory_space<hbm>>
        tpu.enqueue_dma source(%dma_start3A_221 : memref<2x128xi32, #tpu.memory_space<hbm>>) target(%arg6 : memref<2x128xi32, #tpu.memory_space<vmem>>) target_semaphore(%arg13 : memref<!tpu.dma_semaphore, #tpu.memory_space<semaphore_mem>>)
      } else {
      }
      %dma_wait3A_161 = arith.constant 0 : i32
      %dma_wait3A_162 = arith.constant 0 : i32
      %dma_wait3A_163 = tpu.memref_slice %arg3[%add3A, %add3A_155, %dma_wait3A_161, %dma_wait3A_162] : memref<32x80x2x128xi32, #tpu.memory_space<hbm>> -> memref<1x1x2x128xi32, #tpu.memory_space<hbm>>
      %dma_wait3A_164 = tpu.memref_squeeze %dma_wait3A_163 : memref<1x1x2x128xi32, #tpu.memory_space<hbm>> -> memref<2x128xi32, #tpu.memory_space<hbm>>
      %dma_wait3A_165 = arith.constant 0 : i32
      %dma_wait3A_166 = arith.constant 0 : i32
      %dma_wait3A_167 = tpu.memref_slice %arg3[%add3A, %add3A_155, %dma_wait3A_165, %dma_wait3A_166] : memref<32x80x2x128xi32, #tpu.memory_space<hbm>> -> memref<1x1x2x128xi32, #tpu.memory_space<hbm>>
      %dma_wait3A_168 = tpu.memref_squeeze %dma_wait3A_167 : memref<1x1x2x128xi32, #tpu.memory_space<hbm>> -> memref<2x128xi32, #tpu.memory_space<hbm>>
      tpu.wait_dma2 semaphore(%arg15 : memref<!tpu.dma_semaphore, #tpu.memory_space<semaphore_mem>>) src(%dma_wait3A_168 : memref<2x128xi32, #tpu.memory_space<hbm>>) dst(%arg8 : memref<2x128xi32, #tpu.memory_space<vmem>>)
      %dma_wait3A_169 = arith.constant 0 : i32
      %dma_wait3A_170 = arith.constant 0 : i32
      %dma_wait3A_171 = tpu.memref_slice %arg4[%add3A, %add3A_155, %dma_wait3A_169, %dma_wait3A_170] : memref<32x80x128x128xf32, #tpu.memory_space<hbm>> -> memref<1x1x128x128xf32, #tpu.memory_space<hbm>>
      %dma_wait3A_172 = tpu.memref_squeeze %dma_wait3A_171 : memref<1x1x128x128xf32, #tpu.memory_space<hbm>> -> memref<128x128xf32, #tpu.memory_space<hbm>>
      %dma_wait3A_173 = arith.constant 0 : i32
      %dma_wait3A_174 = arith.constant 0 : i32
      %dma_wait3A_175 = tpu.memref_slice %arg4[%add3A, %add3A_155, %dma_wait3A_173, %dma_wait3A_174] : memref<32x80x128x128xf32, #tpu.memory_space<hbm>> -> memref<1x1x128x128xf32, #tpu.memory_space<hbm>>
      %dma_wait3A_176 = tpu.memref_squeeze %dma_wait3A_175 : memref<1x1x128x128xf32, #tpu.memory_space<hbm>> -> memref<128x128xf32, #tpu.memory_space<hbm>>
      tpu.wait_dma2 semaphore(%arg17 : memref<!tpu.dma_semaphore, #tpu.memory_space<semaphore_mem>>) src(%dma_wait3A_176 : memref<128x128xf32, #tpu.memory_space<hbm>>) dst(%arg10 : memref<128x128xf32, #tpu.memory_space<vmem>>)
      %run_scoped3A_177 = arith.constant 1 : i32
      "tpu.region"() ({
        %run_scoped3A_212 = tpu.sem_alloc : memref<!tpu.dma_semaphore, #tpu.memory_space<semaphore_mem>>
        %dma_start3A_213 = arith.constant 0 : i32
        %dma_start3A_214 = tpu.memref_slice %arg8[%run_scoped3A_177, %dma_start3A_213] : memref<2x128xi32, #tpu.memory_space<vmem>> -> memref<1x128xi32, #tpu.memory_space<vmem>>
        %dma_start3A_215 = tpu.memref_squeeze %dma_start3A_214 : memref<1x128xi32, #tpu.memory_space<vmem>> -> memref<128xi32, #tpu.memory_space<vmem>>
        %dma_start3A_216 = arith.constant 0 : i32
        %dma_start3A_217 = arith.constant 0 : i32
        %dma_start3A_218 = tpu.memref_slice %arg12[%dma_start3A_216, %dma_start3A_217] : memref<10240x128xf32, #tpu.memory_space<vmem_shared>> -> memref<10240x128xf32, #tpu.memory_space<vmem_shared>>
        tpu.enqueue_indirect_dma source(%arg10 : memref<128x128xf32, #tpu.memory_space<vmem>>) target(%dma_start3A_218 : memref<10240x128xf32, #tpu.memory_space<vmem_shared>>) offsets(%dma_start3A_215 : memref<128xi32, #tpu.memory_space<vmem>>) semaphore(%run_scoped3A_212 : memref<!tpu.dma_semaphore, #tpu.memory_space<semaphore_mem>>) {add = true}
        %dma_wait3A_219 = arith.constant 0 : i32
        %dma_wait3A_220 = tpu.memref_slice %arg8[%run_scoped3A_177, %dma_wait3A_219] : memref<2x128xi32, #tpu.memory_space<vmem>> -> memref<1x128xi32, #tpu.memory_space<vmem>>
        %dma_wait3A_221 = tpu.memref_squeeze %dma_wait3A_220 : memref<1x128xi32, #tpu.memory_space<vmem>> -> memref<128xi32, #tpu.memory_space<vmem>>
        %dma_wait3A_222 = arith.constant 0 : i32
        %dma_wait3A_223 = arith.constant 0 : i32
        %dma_wait3A_224 = tpu.memref_slice %arg12[%dma_wait3A_222, %dma_wait3A_223] : memref<10240x128xf32, #tpu.memory_space<vmem_shared>> -> memref<10240x128xf32, #tpu.memory_space<vmem_shared>>
        tpu.wait_indirect_dma semaphore(%run_scoped3A_212 : memref<!tpu.dma_semaphore, #tpu.memory_space<semaphore_mem>>) src(%arg10 : memref<128x128xf32, #tpu.memory_space<vmem>>) dst(%dma_wait3A_224 : memref<10240x128xf32, #tpu.memory_space<vmem_shared>>)
        tpu.yield
      }) : () -> ()
      %lt3A_178 = arith.constant 78 : i32
      %lt3A_179 = arith.cmpi slt, %add3A_155, %lt3A_178 : i32
      %convert_element_type3A_180 = arith.extui %lt3A_179 : i1 to i32
      %cond3A_181 = arith.constant 0 : i32
      %cond3A_182 = arith.cmpi ne, %convert_element_type3A_180, %cond3A_181 : i32
      scf.if %cond3A_182 {
        %add3A_212 = arith.constant 2 : i32
        %add3A_213 = arith.addi %add3A_155, %add3A_212 : i32
        %dma_start3A_214 = arith.constant 0 : i32
        %dma_start3A_215 = arith.constant 0 : i32
        %dma_start3A_216 = tpu.memref_slice %arg4[%add3A, %add3A_213, %dma_start3A_214, %dma_start3A_215] : memref<32x80x128x128xf32, #tpu.memory_space<hbm>> -> memref<1x1x128x128xf32, #tpu.memory_space<hbm>>
        %dma_start3A_217 = tpu.memref_squeeze %dma_start3A_216 : memref<1x1x128x128xf32, #tpu.memory_space<hbm>> -> memref<128x128xf32, #tpu.memory_space<hbm>>
        %dma_start3A_218 = arith.constant 0 : i32
        %dma_start3A_219 = arith.constant 0 : i32
        %dma_start3A_220 = tpu.memref_slice %arg4[%add3A, %add3A_213, %dma_start3A_218, %dma_start3A_219] : memref<32x80x128x128xf32, #tpu.memory_space<hbm>> -> memref<1x1x128x128xf32, #tpu.memory_space<hbm>>
        %dma_start3A_221 = tpu.memref_squeeze %dma_start3A_220 : memref<1x1x128x128xf32, #tpu.memory_space<hbm>> -> memref<128x128xf32, #tpu.memory_space<hbm>>
        tpu.enqueue_dma source(%dma_start3A_221 : memref<128x128xf32, #tpu.memory_space<hbm>>) target(%arg10 : memref<128x128xf32, #tpu.memory_space<vmem>>) target_semaphore(%arg17 : memref<!tpu.dma_semaphore, #tpu.memory_space<semaphore_mem>>)
      } else {
      }
      %add3A_183 = arith.constant 3 : i32
      %add3A_184 = arith.addi %add3A_99, %add3A_183 : i32
      %lt3A_185 = arith.constant 78 : i32
      %lt3A_186 = arith.cmpi slt, %add3A_184, %lt3A_185 : i32
      %convert_element_type3A_187 = arith.extui %lt3A_186 : i1 to i32
      %cond3A_188 = arith.constant 0 : i32
      %cond3A_189 = arith.cmpi ne, %convert_element_type3A_187, %cond3A_188 : i32
      scf.if %cond3A_189 {
        %add3A_212 = arith.constant 2 : i32
        %add3A_213 = arith.addi %add3A_184, %add3A_212 : i32
        %dma_start3A_214 = arith.constant 0 : i32
        %dma_start3A_215 = arith.constant 0 : i32
        %dma_start3A_216 = tpu.memref_slice %arg3[%add3A, %add3A_213, %dma_start3A_214, %dma_start3A_215] : memref<32x80x2x128xi32, #tpu.memory_space<hbm>> -> memref<1x1x2x128xi32, #tpu.memory_space<hbm>>
        %dma_start3A_217 = tpu.memref_squeeze %dma_start3A_216 : memref<1x1x2x128xi32, #tpu.memory_space<hbm>> -> memref<2x128xi32, #tpu.memory_space<hbm>>
        %dma_start3A_218 = arith.constant 0 : i32
        %dma_start3A_219 = arith.constant 0 : i32
        %dma_start3A_220 = tpu.memref_slice %arg3[%add3A, %add3A_213, %dma_start3A_218, %dma_start3A_219] : memref<32x80x2x128xi32, #tpu.memory_space<hbm>> -> memref<1x1x2x128xi32, #tpu.memory_space<hbm>>
        %dma_start3A_221 = tpu.memref_squeeze %dma_start3A_220 : memref<1x1x2x128xi32, #tpu.memory_space<hbm>> -> memref<2x128xi32, #tpu.memory_space<hbm>>
        tpu.enqueue_dma source(%dma_start3A_221 : memref<2x128xi32, #tpu.memory_space<hbm>>) target(%arg7 : memref<2x128xi32, #tpu.memory_space<vmem>>) target_semaphore(%arg14 : memref<!tpu.dma_semaphore, #tpu.memory_space<semaphore_mem>>)
      } else {
      }
      %dma_wait3A_190 = arith.constant 0 : i32
      %dma_wait3A_191 = arith.constant 0 : i32
      %dma_wait3A_192 = tpu.memref_slice %arg3[%add3A, %add3A_184, %dma_wait3A_190, %dma_wait3A_191] : memref<32x80x2x128xi32, #tpu.memory_space<hbm>> -> memref<1x1x2x128xi32, #tpu.memory_space<hbm>>
      %dma_wait3A_193 = tpu.memref_squeeze %dma_wait3A_192 : memref<1x1x2x128xi32, #tpu.memory_space<hbm>> -> memref<2x128xi32, #tpu.memory_space<hbm>>
      %dma_wait3A_194 = arith.constant 0 : i32
      %dma_wait3A_195 = arith.constant 0 : i32
      %dma_wait3A_196 = tpu.memref_slice %arg3[%add3A, %add3A_184, %dma_wait3A_194, %dma_wait3A_195] : memref<32x80x2x128xi32, #tpu.memory_space<hbm>> -> memref<1x1x2x128xi32, #tpu.memory_space<hbm>>
      %dma_wait3A_197 = tpu.memref_squeeze %dma_wait3A_196 : memref<1x1x2x128xi32, #tpu.memory_space<hbm>> -> memref<2x128xi32, #tpu.memory_space<hbm>>
      tpu.wait_dma2 semaphore(%arg16 : memref<!tpu.dma_semaphore, #tpu.memory_space<semaphore_mem>>) src(%dma_wait3A_197 : memref<2x128xi32, #tpu.memory_space<hbm>>) dst(%arg9 : memref<2x128xi32, #tpu.memory_space<vmem>>)
      %dma_wait3A_198 = arith.constant 0 : i32
      %dma_wait3A_199 = arith.constant 0 : i32
      %dma_wait3A_200 = tpu.memref_slice %arg4[%add3A, %add3A_184, %dma_wait3A_198, %dma_wait3A_199] : memref<32x80x128x128xf32, #tpu.memory_space<hbm>> -> memref<1x1x128x128xf32, #tpu.memory_space<hbm>>
      %dma_wait3A_201 = tpu.memref_squeeze %dma_wait3A_200 : memref<1x1x128x128xf32, #tpu.memory_space<hbm>> -> memref<128x128xf32, #tpu.memory_space<hbm>>
      %dma_wait3A_202 = arith.constant 0 : i32
      %dma_wait3A_203 = arith.constant 0 : i32
      %dma_wait3A_204 = tpu.memref_slice %arg4[%add3A, %add3A_184, %dma_wait3A_202, %dma_wait3A_203] : memref<32x80x128x128xf32, #tpu.memory_space<hbm>> -> memref<1x1x128x128xf32, #tpu.memory_space<hbm>>
      %dma_wait3A_205 = tpu.memref_squeeze %dma_wait3A_204 : memref<1x1x128x128xf32, #tpu.memory_space<hbm>> -> memref<128x128xf32, #tpu.memory_space<hbm>>
      tpu.wait_dma2 semaphore(%arg18 : memref<!tpu.dma_semaphore, #tpu.memory_space<semaphore_mem>>) src(%dma_wait3A_205 : memref<128x128xf32, #tpu.memory_space<hbm>>) dst(%arg11 : memref<128x128xf32, #tpu.memory_space<vmem>>)
      %run_scoped3A_206 = arith.constant 1 : i32
      "tpu.region"() ({
        %run_scoped3A_212 = tpu.sem_alloc : memref<!tpu.dma_semaphore, #tpu.memory_space<semaphore_mem>>
        %dma_start3A_213 = arith.constant 0 : i32
        %dma_start3A_214 = tpu.memref_slice %arg9[%run_scoped3A_206, %dma_start3A_213] : memref<2x128xi32, #tpu.memory_space<vmem>> -> memref<1x128xi32, #tpu.memory_space<vmem>>
        %dma_start3A_215 = tpu.memref_squeeze %dma_start3A_214 : memref<1x128xi32, #tpu.memory_space<vmem>> -> memref<128xi32, #tpu.memory_space<vmem>>
        %dma_start3A_216 = arith.constant 0 : i32
        %dma_start3A_217 = arith.constant 0 : i32
        %dma_start3A_218 = tpu.memref_slice %arg12[%dma_start3A_216, %dma_start3A_217] : memref<10240x128xf32, #tpu.memory_space<vmem_shared>> -> memref<10240x128xf32, #tpu.memory_space<vmem_shared>>
        tpu.enqueue_indirect_dma source(%arg11 : memref<128x128xf32, #tpu.memory_space<vmem>>) target(%dma_start3A_218 : memref<10240x128xf32, #tpu.memory_space<vmem_shared>>) offsets(%dma_start3A_215 : memref<128xi32, #tpu.memory_space<vmem>>) semaphore(%run_scoped3A_212 : memref<!tpu.dma_semaphore, #tpu.memory_space<semaphore_mem>>) {add = true}
        %dma_wait3A_219 = arith.constant 0 : i32
        %dma_wait3A_220 = tpu.memref_slice %arg9[%run_scoped3A_206, %dma_wait3A_219] : memref<2x128xi32, #tpu.memory_space<vmem>> -> memref<1x128xi32, #tpu.memory_space<vmem>>
        %dma_wait3A_221 = tpu.memref_squeeze %dma_wait3A_220 : memref<1x128xi32, #tpu.memory_space<vmem>> -> memref<128xi32, #tpu.memory_space<vmem>>
        %dma_wait3A_222 = arith.constant 0 : i32
        %dma_wait3A_223 = arith.constant 0 : i32
        %dma_wait3A_224 = tpu.memref_slice %arg12[%dma_wait3A_222, %dma_wait3A_223] : memref<10240x128xf32, #tpu.memory_space<vmem_shared>> -> memref<10240x128xf32, #tpu.memory_space<vmem_shared>>
        tpu.wait_indirect_dma semaphore(%run_scoped3A_212 : memref<!tpu.dma_semaphore, #tpu.memory_space<semaphore_mem>>) src(%arg11 : memref<128x128xf32, #tpu.memory_space<vmem>>) dst(%dma_wait3A_224 : memref<10240x128xf32, #tpu.memory_space<vmem_shared>>)
        tpu.yield
      }) : () -> ()
      %lt3A_207 = arith.constant 78 : i32
      %lt3A_208 = arith.cmpi slt, %add3A_184, %lt3A_207 : i32
      %convert_element_type3A_209 = arith.extui %lt3A_208 : i1 to i32
      %cond3A_210 = arith.constant 0 : i32
      %cond3A_211 = arith.cmpi ne, %convert_element_type3A_209, %cond3A_210 : i32
      scf.if %cond3A_211 {
        %add3A_212 = arith.constant 2 : i32
        %add3A_213 = arith.addi %add3A_184, %add3A_212 : i32
        %dma_start3A_214 = arith.constant 0 : i32
        %dma_start3A_215 = arith.constant 0 : i32
        %dma_start3A_216 = tpu.memref_slice %arg4[%add3A, %add3A_213, %dma_start3A_214, %dma_start3A_215] : memref<32x80x128x128xf32, #tpu.memory_space<hbm>> -> memref<1x1x128x128xf32, #tpu.memory_space<hbm>>
        %dma_start3A_217 = tpu.memref_squeeze %dma_start3A_216 : memref<1x1x128x128xf32, #tpu.memory_space<hbm>> -> memref<128x128xf32, #tpu.memory_space<hbm>>
        %dma_start3A_218 = arith.constant 0 : i32
        %dma_start3A_219 = arith.constant 0 : i32
        %dma_start3A_220 = tpu.memref_slice %arg4[%add3A, %add3A_213, %dma_start3A_218, %dma_start3A_219] : memref<32x80x128x128xf32, #tpu.memory_space<hbm>> -> memref<1x1x128x128xf32, #tpu.memory_space<hbm>>
        %dma_start3A_221 = tpu.memref_squeeze %dma_start3A_220 : memref<1x1x128x128xf32, #tpu.memory_space<hbm>> -> memref<128x128xf32, #tpu.memory_space<hbm>>
        tpu.enqueue_dma source(%dma_start3A_221 : memref<128x128xf32, #tpu.memory_space<hbm>>) target(%arg11 : memref<128x128xf32, #tpu.memory_space<vmem>>) target_semaphore(%arg18 : memref<!tpu.dma_semaphore, #tpu.memory_space<semaphore_mem>>)
      } else {
      }
    }
    %scan3A_93 = arith.constant 20 : i32
    %barrier3A_94 = arith.constant 0 : index
    tpu.barrier barrier_id(%barrier3A_94)
    "tpu.region"() ({
      %run_scoped3A = tpu.sem_alloc : memref<!tpu.dma_semaphore, #tpu.memory_space<semaphore_mem>>
      %dma_start3A_95 = arith.constant 0 : i32
      %dma_start3A_96 = tpu.memref_slice %arg5[%arg0, %mul3A_2, %dma_start3A_95] : memref<2x10240x128xf32, #tpu.memory_space<hbm>> -> memref<1x640x128xf32, #tpu.memory_space<hbm>>
      %dma_start3A_97 = tpu.memref_squeeze %dma_start3A_96 : memref<1x640x128xf32, #tpu.memory_space<hbm>> -> memref<640x128xf32, #tpu.memory_space<hbm>>
      %dma_start3A_98 = arith.constant 0 : i32
      %dma_start3A_99 = tpu.memref_slice %arg12[%mul3A_2, %dma_start3A_98] : memref<10240x128xf32, #tpu.memory_space<vmem_shared>> -> memref<640x128xf32, #tpu.memory_space<vmem_shared>>
      tpu.enqueue_dma source(%dma_start3A_99 : memref<640x128xf32, #tpu.memory_space<vmem_shared>>) target(%dma_start3A_97 : memref<640x128xf32, #tpu.memory_space<hbm>>) target_semaphore(%run_scoped3A : memref<!tpu.dma_semaphore, #tpu.memory_space<semaphore_mem>>)
      %dma_wait3A_100 = arith.constant 0 : i32
      %dma_wait3A_101 = tpu.memref_slice %arg5[%arg0, %mul3A_2, %dma_wait3A_100] : memref<2x10240x128xf32, #tpu.memory_space<hbm>> -> memref<1x640x128xf32, #tpu.memory_space<hbm>>
      %dma_wait3A_102 = tpu.memref_squeeze %dma_wait3A_101 : memref<1x640x128xf32, #tpu.memory_space<hbm>> -> memref<640x128xf32, #tpu.memory_space<hbm>>
      %dma_wait3A_103 = arith.constant 0 : i32
      %dma_wait3A_104 = tpu.memref_slice %arg12[%mul3A_2, %dma_wait3A_103] : memref<10240x128xf32, #tpu.memory_space<vmem_shared>> -> memref<640x128xf32, #tpu.memory_space<vmem_shared>>
      tpu.wait_dma2 semaphore(%run_scoped3A : memref<!tpu.dma_semaphore, #tpu.memory_space<semaphore_mem>>) src(%dma_wait3A_104 : memref<640x128xf32, #tpu.memory_space<vmem_shared>>) dst(%dma_wait3A_102 : memref<640x128xf32, #tpu.memory_space<hbm>>)
      tpu.yield
    }) : () -> ()
    return
  }
}

#map = affine_map<(d0, d1) -> (0, 0, 0, 0)>
#map1 = affine_map<(d0, d1) -> (0, 0)>
module attributes {stable_mosaic.version = 14 : i64} {
  func.func @_deg_body(%arg0: i32, %arg1: i32, %arg2: memref<32x80x2x128xi32, #tpu.memory_space<hbm>>, %arg3: memref<2x10240xf32, #tpu.memory_space<hbm>>, %arg4: memref<2x10240xf32, #tpu.memory_space<hbm>>, %arg5: memref<80x2x128xi32, #tpu.memory_space<vmem>>, %arg6: memref<10240xf32, #tpu.memory_space<vmem>>, %arg7: memref<10240xf32, #tpu.memory_space<vmem>>, %arg8: memref<640xf32, #tpu.memory_space<vmem>>, %arg9: memref<640xf32, #tpu.memory_space<vmem>>, %arg10: memref<2x16x10240xf32, #tpu.memory_space<vmem_shared>>) attributes {dimension_semantics = [#tpu.dimension_semantics<core_parallel>, #tpu.dimension_semantics<subcore_parallel>], iteration_bounds = array<i64: 2, 16>, scalar_prefetch = 0 : i64, scratch_operands = 6 : i64, tpu.core_type = #tpu.core_type<sc_vector_subcore>, window_params = [{transform_indices = #map}, {transform_indices = #map1}, {transform_indices = #map1}]} {
    %mul3A = arith.constant 2 : i32
    %mul3A_0 = arith.muli %arg1, %mul3A : i32
    %add3A = arith.addi %mul3A_0, %arg0 : i32
    %broadcast_in_dim3A = arith.constant 0.000000e+00 : f32
    %broadcast_in_dim3A_1 = vector.broadcast %broadcast_in_dim3A : f32 to vector<16xf32>
    %broadcast_in_dim3A_2 = arith.constant 1.000000e+00 : f32
    %broadcast_in_dim3A_3 = vector.broadcast %broadcast_in_dim3A_2 : f32 to vector<16xf32>
    %scan3A = arith.constant 0 : i32
    %scan3A_4 = arith.constant 640 : i32
    %scan3A_5 = arith.addi %scan3A, %scan3A_4 : i32
    %scan3A_6 = arith.constant 1 : i32
    scf.for %scan3A_36 = %scan3A to %scan3A_5 step %scan3A_6  : i32 {
      %mul3A_37 = arith.constant 16 : i32
      %mul3A_38 = arith.muli %scan3A_36, %mul3A_37 : i32
      %add3A_39 = arith.constant 0 : i32
      %add3A_40 = arith.addi %add3A_39, %mul3A_38 : i32
      %swap3A = arith.index_cast %add3A_40 : i32 to index
      %swap3A_41 = tpu.vector_load %arg6[%swap3A] {strides = array<i32>} : memref<10240xf32, #tpu.memory_space<vmem>>, vector<16xf32>,
      tpu.vector_store %arg6[%swap3A], %broadcast_in_dim3A_1 {strides = array<i32>} : memref<10240xf32, #tpu.memory_space<vmem>>, vector<16xf32>,
      %swap3A_42 = arith.index_cast %add3A_40 : i32 to index
      %swap3A_43 = tpu.vector_load %arg7[%swap3A_42] {strides = array<i32>} : memref<10240xf32, #tpu.memory_space<vmem>>, vector<16xf32>,
      tpu.vector_store %arg7[%swap3A_42], %broadcast_in_dim3A_1 {strides = array<i32>} : memref<10240xf32, #tpu.memory_space<vmem>>, vector<16xf32>,
    }
    %scan3A_7 = arith.constant 640 : i32
    "tpu.region"() ({
      %run_scoped3A_36 = tpu.sem_alloc : memref<!tpu.dma_semaphore, #tpu.memory_space<semaphore_mem>>
      %dma_start3A = arith.constant 0 : i32
      %dma_start3A_37 = arith.constant 0 : i32
      %dma_start3A_38 = arith.constant 0 : i32
      %dma_start3A_39 = tpu.memref_slice %arg2[%add3A, %dma_start3A, %dma_start3A_37, %dma_start3A_38] : memref<32x80x2x128xi32, #tpu.memory_space<hbm>> -> memref<1x80x2x128xi32, #tpu.memory_space<hbm>>
      %dma_start3A_40 = tpu.memref_squeeze %dma_start3A_39 : memref<1x80x2x128xi32, #tpu.memory_space<hbm>> -> memref<80x2x128xi32, #tpu.memory_space<hbm>>
      %dma_start3A_41 = arith.constant 0 : i32
      %dma_start3A_42 = arith.constant 0 : i32
      %dma_start3A_43 = arith.constant 0 : i32
      %dma_start3A_44 = tpu.memref_slice %arg2[%add3A, %dma_start3A_41, %dma_start3A_42, %dma_start3A_43] : memref<32x80x2x128xi32, #tpu.memory_space<hbm>> -> memref<1x80x2x128xi32, #tpu.memory_space<hbm>>
      %dma_start3A_45 = tpu.memref_squeeze %dma_start3A_44 : memref<1x80x2x128xi32, #tpu.memory_space<hbm>> -> memref<80x2x128xi32, #tpu.memory_space<hbm>>
      tpu.enqueue_dma source(%dma_start3A_45 : memref<80x2x128xi32, #tpu.memory_space<hbm>>) target(%arg5 : memref<80x2x128xi32, #tpu.memory_space<vmem>>) target_semaphore(%run_scoped3A_36 : memref<!tpu.dma_semaphore, #tpu.memory_space<semaphore_mem>>)
      %dma_wait3A = arith.constant 0 : i32
      %dma_wait3A_46 = arith.constant 0 : i32
      %dma_wait3A_47 = arith.constant 0 : i32
      %dma_wait3A_48 = tpu.memref_slice %arg2[%add3A, %dma_wait3A, %dma_wait3A_46, %dma_wait3A_47] : memref<32x80x2x128xi32, #tpu.memory_space<hbm>> -> memref<1x80x2x128xi32, #tpu.memory_space<hbm>>
      %dma_wait3A_49 = tpu.memref_squeeze %dma_wait3A_48 : memref<1x80x2x128xi32, #tpu.memory_space<hbm>> -> memref<80x2x128xi32, #tpu.memory_space<hbm>>
      %dma_wait3A_50 = arith.constant 0 : i32
      %dma_wait3A_51 = arith.constant 0 : i32
      %dma_wait3A_52 = arith.constant 0 : i32
      %dma_wait3A_53 = tpu.memref_slice %arg2[%add3A, %dma_wait3A_50, %dma_wait3A_51, %dma_wait3A_52] : memref<32x80x2x128xi32, #tpu.memory_space<hbm>> -> memref<1x80x2x128xi32, #tpu.memory_space<hbm>>
      %dma_wait3A_54 = tpu.memref_squeeze %dma_wait3A_53 : memref<1x80x2x128xi32, #tpu.memory_space<hbm>> -> memref<80x2x128xi32, #tpu.memory_space<hbm>>
      tpu.wait_dma2 semaphore(%run_scoped3A_36 : memref<!tpu.dma_semaphore, #tpu.memory_space<semaphore_mem>>) src(%dma_wait3A_54 : memref<80x2x128xi32, #tpu.memory_space<hbm>>) dst(%arg5 : memref<80x2x128xi32, #tpu.memory_space<vmem>>)
      tpu.yield
    }) : () -> ()
    %scan3A_8 = arith.constant 0 : i32
    %scan3A_9 = arith.constant 80 : i32
    %scan3A_10 = arith.addi %scan3A_8, %scan3A_9 : i32
    %scan3A_11 = arith.constant 1 : i32
    scf.for %scan3A_36 = %scan3A_8 to %scan3A_10 step %scan3A_11  : i32 {
      %mul3A_37 = arith.constant 1 : i32
      %mul3A_38 = arith.muli %scan3A_36, %mul3A_37 : i32
      %add3A_39 = arith.constant 0 : i32
      %add3A_40 = arith.addi %add3A_39, %mul3A_38 : i32
      %scan3A_41 = arith.constant 0 : i32
      %scan3A_42 = arith.constant 8 : i32
      %scan3A_43 = arith.addi %scan3A_41, %scan3A_42 : i32
      %scan3A_44 = arith.constant 1 : i32
      scf.for %scan3A_46 = %scan3A_41 to %scan3A_43 step %scan3A_44  : i32 {
        %mul3A_47 = arith.constant 16 : i32
        %mul3A_48 = arith.muli %scan3A_46, %mul3A_47 : i32
        %add3A_49 = arith.constant 0 : i32
        %add3A_50 = arith.addi %add3A_49, %mul3A_48 : i32
        %get3A = arith.constant 0 : i32
        %get3A_51 = arith.index_cast %add3A_40 : i32 to index
        %get3A_52 = arith.index_cast %get3A : i32 to index
        %get3A_53 = arith.index_cast %add3A_50 : i32 to index
        %get3A_54 = tpu.vector_load %arg5[%get3A_51, %get3A_52, %get3A_53] {strides = array<i32>} : memref<80x2x128xi32, #tpu.memory_space<vmem>>, vector<16xi32>,
        tpu.vector_store_idx %arg6[%get3A_54], %broadcast_in_dim3A_3 {add = true} : memref<10240xf32, #tpu.memory_space<vmem>>[vector<16xi32>], vector<16xf32>,
        %get3A_55 = arith.constant 1 : i32
        %get3A_56 = arith.index_cast %add3A_40 : i32 to index
        %get3A_57 = arith.index_cast %get3A_55 : i32 to index
        %get3A_58 = arith.index_cast %add3A_50 : i32 to index
        %get3A_59 = tpu.vector_load %arg5[%get3A_56, %get3A_57, %get3A_58] {strides = array<i32>} : memref<80x2x128xi32, #tpu.memory_space<vmem>>, vector<16xi32>,
        tpu.vector_store_idx %arg7[%get3A_59], %broadcast_in_dim3A_3 {add = true} : memref<10240xf32, #tpu.memory_space<vmem>>[vector<16xi32>], vector<16xf32>,
      }
      %scan3A_45 = arith.constant 8 : i32
    }
    %scan3A_12 = arith.constant 80 : i32
    %run_scoped3A = arith.constant 0 : i32
    "tpu.region"() ({
      %run_scoped3A_36 = tpu.sem_alloc : memref<!tpu.dma_semaphore, #tpu.memory_space<semaphore_mem>>
      %dma_start3A = arith.constant 0 : i32
      %dma_start3A_37 = tpu.memref_slice %arg10[%run_scoped3A, %arg1, %dma_start3A] : memref<2x16x10240xf32, #tpu.memory_space<vmem_shared>> -> memref<1x1x10240xf32, #tpu.memory_space<vmem_shared>>
      %dma_start3A_38 = tpu.memref_squeeze %dma_start3A_37 : memref<1x1x10240xf32, #tpu.memory_space<vmem_shared>> -> memref<10240xf32, #tpu.memory_space<vmem_shared>>
      %dma_start3A_39 = arith.constant 0 : i32
      %dma_start3A_40 = tpu.memref_slice %arg10[%run_scoped3A, %arg1, %dma_start3A_39] : memref<2x16x10240xf32, #tpu.memory_space<vmem_shared>> -> memref<1x1x10240xf32, #tpu.memory_space<vmem_shared>>
      %dma_start3A_41 = tpu.memref_squeeze %dma_start3A_40 : memref<1x1x10240xf32, #tpu.memory_space<vmem_shared>> -> memref<10240xf32, #tpu.memory_space<vmem_shared>>
      tpu.enqueue_dma source(%arg6 : memref<10240xf32, #tpu.memory_space<vmem>>) target(%dma_start3A_41 : memref<10240xf32, #tpu.memory_space<vmem_shared>>) target_semaphore(%run_scoped3A_36 : memref<!tpu.dma_semaphore, #tpu.memory_space<semaphore_mem>>)
      %dma_wait3A = arith.constant 0 : i32
      %dma_wait3A_42 = tpu.memref_slice %arg10[%run_scoped3A, %arg1, %dma_wait3A] : memref<2x16x10240xf32, #tpu.memory_space<vmem_shared>> -> memref<1x1x10240xf32, #tpu.memory_space<vmem_shared>>
      %dma_wait3A_43 = tpu.memref_squeeze %dma_wait3A_42 : memref<1x1x10240xf32, #tpu.memory_space<vmem_shared>> -> memref<10240xf32, #tpu.memory_space<vmem_shared>>
      %dma_wait3A_44 = arith.constant 0 : i32
      %dma_wait3A_45 = tpu.memref_slice %arg10[%run_scoped3A, %arg1, %dma_wait3A_44] : memref<2x16x10240xf32, #tpu.memory_space<vmem_shared>> -> memref<1x1x10240xf32, #tpu.memory_space<vmem_shared>>
      %dma_wait3A_46 = tpu.memref_squeeze %dma_wait3A_45 : memref<1x1x10240xf32, #tpu.memory_space<vmem_shared>> -> memref<10240xf32, #tpu.memory_space<vmem_shared>>
      tpu.wait_dma2 semaphore(%run_scoped3A_36 : memref<!tpu.dma_semaphore, #tpu.memory_space<semaphore_mem>>) src(%arg6 : memref<10240xf32, #tpu.memory_space<vmem>>) dst(%dma_wait3A_46 : memref<10240xf32, #tpu.memory_space<vmem_shared>>)
      tpu.yield
    }) : () -> ()
    %run_scoped3A_13 = arith.constant 1 : i32
    "tpu.region"() ({
      %run_scoped3A_36 = tpu.sem_alloc : memref<!tpu.dma_semaphore, #tpu.memory_space<semaphore_mem>>
      %dma_start3A = arith.constant 0 : i32
      %dma_start3A_37 = tpu.memref_slice %arg10[%run_scoped3A_13, %arg1, %dma_start3A] : memref<2x16x10240xf32, #tpu.memory_space<vmem_shared>> -> memref<1x1x10240xf32, #tpu.memory_space<vmem_shared>>
      %dma_start3A_38 = tpu.memref_squeeze %dma_start3A_37 : memref<1x1x10240xf32, #tpu.memory_space<vmem_shared>> -> memref<10240xf32, #tpu.memory_space<vmem_shared>>
      %dma_start3A_39 = arith.constant 0 : i32
      %dma_start3A_40 = tpu.memref_slice %arg10[%run_scoped3A_13, %arg1, %dma_start3A_39] : memref<2x16x10240xf32, #tpu.memory_space<vmem_shared>> -> memref<1x1x10240xf32, #tpu.memory_space<vmem_shared>>
      %dma_start3A_41 = tpu.memref_squeeze %dma_start3A_40 : memref<1x1x10240xf32, #tpu.memory_space<vmem_shared>> -> memref<10240xf32, #tpu.memory_space<vmem_shared>>
      tpu.enqueue_dma source(%arg7 : memref<10240xf32, #tpu.memory_space<vmem>>) target(%dma_start3A_41 : memref<10240xf32, #tpu.memory_space<vmem_shared>>) target_semaphore(%run_scoped3A_36 : memref<!tpu.dma_semaphore, #tpu.memory_space<semaphore_mem>>)
      %dma_wait3A = arith.constant 0 : i32
      %dma_wait3A_42 = tpu.memref_slice %arg10[%run_scoped3A_13, %arg1, %dma_wait3A] : memref<2x16x10240xf32, #tpu.memory_space<vmem_shared>> -> memref<1x1x10240xf32, #tpu.memory_space<vmem_shared>>
      %dma_wait3A_43 = tpu.memref_squeeze %dma_wait3A_42 : memref<1x1x10240xf32, #tpu.memory_space<vmem_shared>> -> memref<10240xf32, #tpu.memory_space<vmem_shared>>
      %dma_wait3A_44 = arith.constant 0 : i32
      %dma_wait3A_45 = tpu.memref_slice %arg10[%run_scoped3A_13, %arg1, %dma_wait3A_44] : memref<2x16x10240xf32, #tpu.memory_space<vmem_shared>> -> memref<1x1x10240xf32, #tpu.memory_space<vmem_shared>>
      %dma_wait3A_46 = tpu.memref_squeeze %dma_wait3A_45 : memref<1x1x10240xf32, #tpu.memory_space<vmem_shared>> -> memref<10240xf32, #tpu.memory_space<vmem_shared>>
      tpu.wait_dma2 semaphore(%run_scoped3A_36 : memref<!tpu.dma_semaphore, #tpu.memory_space<semaphore_mem>>) src(%arg7 : memref<10240xf32, #tpu.memory_space<vmem>>) dst(%dma_wait3A_46 : memref<10240xf32, #tpu.memory_space<vmem_shared>>)
      tpu.yield
    }) : () -> ()
    %barrier3A = arith.constant 0 : index
    tpu.barrier barrier_id(%barrier3A)
    %mul3A_14 = arith.constant 640 : i32
    %mul3A_15 = arith.muli %arg1, %mul3A_14 : i32
    %scan3A_16 = arith.constant 0 : i32
    %scan3A_17 = arith.constant 40 : i32
    %scan3A_18 = arith.addi %scan3A_16, %scan3A_17 : i32
    %scan3A_19 = arith.constant 1 : i32
    scf.for %scan3A_36 = %scan3A_16 to %scan3A_18 step %scan3A_19  : i32 {
      %mul3A_37 = arith.constant 16 : i32
      %mul3A_38 = arith.muli %scan3A_36, %mul3A_37 : i32
      %add3A_39 = arith.constant 0 : i32
      %add3A_40 = arith.addi %add3A_39, %mul3A_38 : i32
      %swap3A = arith.index_cast %add3A_40 : i32 to index
      %swap3A_41 = tpu.vector_load %arg9[%swap3A] {strides = array<i32>} : memref<640xf32, #tpu.memory_space<vmem>>, vector<16xf32>,
      tpu.vector_store %arg9[%swap3A], %broadcast_in_dim3A_1 {strides = array<i32>} : memref<640xf32, #tpu.memory_space<vmem>>, vector<16xf32>,
    }
    %scan3A_20 = arith.constant 40 : i32
    %scan3A_21 = arith.constant 0 : i32
    %scan3A_22 = arith.constant 16 : i32
    %scan3A_23 = arith.addi %scan3A_21, %scan3A_22 : i32
    %scan3A_24 = arith.constant 1 : i32
    scf.for %scan3A_36 = %scan3A_21 to %scan3A_23 step %scan3A_24  : i32 {
      %mul3A_37 = arith.constant 1 : i32
      %mul3A_38 = arith.muli %scan3A_36, %mul3A_37 : i32
      %add3A_39 = arith.constant 0 : i32
      %add3A_40 = arith.addi %add3A_39, %mul3A_38 : i32
      %run_scoped3A_41 = arith.constant 0 : i32
      "tpu.region"() ({
        %run_scoped3A_47 = tpu.sem_alloc : memref<!tpu.dma_semaphore, #tpu.memory_space<semaphore_mem>>
        %dma_start3A = tpu.memref_slice %arg10[%run_scoped3A_41, %add3A_40, %mul3A_15] : memref<2x16x10240xf32, #tpu.memory_space<vmem_shared>> -> memref<1x1x640xf32, #tpu.memory_space<vmem_shared>>
        %dma_start3A_48 = tpu.memref_squeeze %dma_start3A : memref<1x1x640xf32, #tpu.memory_space<vmem_shared>> -> memref<640xf32, #tpu.memory_space<vmem_shared>>
        %dma_start3A_49 = tpu.memref_slice %arg10[%run_scoped3A_41, %add3A_40, %mul3A_15] : memref<2x16x10240xf32, #tpu.memory_space<vmem_shared>> -> memref<1x1x640xf32, #tpu.memory_space<vmem_shared>>
        %dma_start3A_50 = tpu.memref_squeeze %dma_start3A_49 : memref<1x1x640xf32, #tpu.memory_space<vmem_shared>> -> memref<640xf32, #tpu.memory_space<vmem_shared>>
        tpu.enqueue_dma source(%dma_start3A_50 : memref<640xf32, #tpu.memory_space<vmem_shared>>) target(%arg8 : memref<640xf32, #tpu.memory_space<vmem>>) target_semaphore(%run_scoped3A_47 : memref<!tpu.dma_semaphore, #tpu.memory_space<semaphore_mem>>)
        %dma_wait3A = tpu.memref_slice %arg10[%run_scoped3A_41, %add3A_40, %mul3A_15] : memref<2x16x10240xf32, #tpu.memory_space<vmem_shared>> -> memref<1x1x640xf32, #tpu.memory_space<vmem_shared>>
        %dma_wait3A_51 = tpu.memref_squeeze %dma_wait3A : memref<1x1x640xf32, #tpu.memory_space<vmem_shared>> -> memref<640xf32, #tpu.memory_space<vmem_shared>>
        %dma_wait3A_52 = tpu.memref_slice %arg10[%run_scoped3A_41, %add3A_40, %mul3A_15] : memref<2x16x10240xf32, #tpu.memory_space<vmem_shared>> -> memref<1x1x640xf32, #tpu.memory_space<vmem_shared>>
        %dma_wait3A_53 = tpu.memref_squeeze %dma_wait3A_52 : memref<1x1x640xf32, #tpu.memory_space<vmem_shared>> -> memref<640xf32, #tpu.memory_space<vmem_shared>>
        tpu.wait_dma2 semaphore(%run_scoped3A_47 : memref<!tpu.dma_semaphore, #tpu.memory_space<semaphore_mem>>) src(%dma_wait3A_53 : memref<640xf32, #tpu.memory_space<vmem_shared>>) dst(%arg8 : memref<640xf32, #tpu.memory_space<vmem>>)
        tpu.yield
      }) : () -> ()
      %scan3A_42 = arith.constant 0 : i32
      %scan3A_43 = arith.constant 40 : i32
      %scan3A_44 = arith.addi %scan3A_42, %scan3A_43 : i32
      %scan3A_45 = arith.constant 1 : i32
      scf.for %scan3A_47 = %scan3A_42 to %scan3A_44 step %scan3A_45  : i32 {
        %mul3A_48 = arith.constant 16 : i32
        %mul3A_49 = arith.muli %scan3A_47, %mul3A_48 : i32
        %add3A_50 = arith.constant 0 : i32
        %add3A_51 = arith.addi %add3A_50, %mul3A_49 : i32
        %get3A = arith.index_cast %add3A_51 : i32 to index
        %get3A_52 = tpu.vector_load %arg9[%get3A] {strides = array<i32>} : memref<640xf32, #tpu.memory_space<vmem>>, vector<16xf32>,
        %get3A_53 = arith.index_cast %add3A_51 : i32 to index
        %get3A_54 = tpu.vector_load %arg8[%get3A_53] {strides = array<i32>} : memref<640xf32, #tpu.memory_space<vmem>>, vector<16xf32>,
        %add3A_55 = arith.addf %get3A_52, %get3A_54 : vector<16xf32>
        %swap3A = arith.index_cast %add3A_51 : i32 to index
        %swap3A_56 = tpu.vector_load %arg9[%swap3A] {strides = array<i32>} : memref<640xf32, #tpu.memory_space<vmem>>, vector<16xf32>,
        tpu.vector_store %arg9[%swap3A], %add3A_55 {strides = array<i32>} : memref<640xf32, #tpu.memory_space<vmem>>, vector<16xf32>,
      }
      %scan3A_46 = arith.constant 40 : i32
    }
    %scan3A_25 = arith.constant 16 : i32
    "tpu.region"() ({
      %run_scoped3A_36 = tpu.sem_alloc : memref<!tpu.dma_semaphore, #tpu.memory_space<semaphore_mem>>
      %dma_start3A = tpu.memref_slice %arg3[%arg0, %mul3A_15] : memref<2x10240xf32, #tpu.memory_space<hbm>> -> memref<1x640xf32, #tpu.memory_space<hbm>>
      %dma_start3A_37 = tpu.memref_squeeze %dma_start3A : memref<1x640xf32, #tpu.memory_space<hbm>> -> memref<640xf32, #tpu.memory_space<hbm>>
      %dma_start3A_38 = tpu.memref_slice %arg3[%arg0, %mul3A_15] : memref<2x10240xf32, #tpu.memory_space<hbm>> -> memref<1x640xf32, #tpu.memory_space<hbm>>
      %dma_start3A_39 = tpu.memref_squeeze %dma_start3A_38 : memref<1x640xf32, #tpu.memory_space<hbm>> -> memref<640xf32, #tpu.memory_space<hbm>>
      tpu.enqueue_dma source(%arg9 : memref<640xf32, #tpu.memory_space<vmem>>) target(%dma_start3A_39 : memref<640xf32, #tpu.memory_space<hbm>>) target_semaphore(%run_scoped3A_36 : memref<!tpu.dma_semaphore, #tpu.memory_space<semaphore_mem>>)
      %dma_wait3A = tpu.memref_slice %arg3[%arg0, %mul3A_15] : memref<2x10240xf32, #tpu.memory_space<hbm>> -> memref<1x640xf32, #tpu.memory_space<hbm>>
      %dma_wait3A_40 = tpu.memref_squeeze %dma_wait3A : memref<1x640xf32, #tpu.memory_space<hbm>> -> memref<640xf32, #tpu.memory_space<hbm>>
      %dma_wait3A_41 = tpu.memref_slice %arg3[%arg0, %mul3A_15] : memref<2x10240xf32, #tpu.memory_space<hbm>> -> memref<1x640xf32, #tpu.memory_space<hbm>>
      %dma_wait3A_42 = tpu.memref_squeeze %dma_wait3A_41 : memref<1x640xf32, #tpu.memory_space<hbm>> -> memref<640xf32, #tpu.memory_space<hbm>>
      tpu.wait_dma2 semaphore(%run_scoped3A_36 : memref<!tpu.dma_semaphore, #tpu.memory_space<semaphore_mem>>) src(%arg9 : memref<640xf32, #tpu.memory_space<vmem>>) dst(%dma_wait3A_42 : memref<640xf32, #tpu.memory_space<hbm>>)
      tpu.yield
    }) : () -> ()
    %scan3A_26 = arith.constant 0 : i32
    %scan3A_27 = arith.constant 40 : i32
    %scan3A_28 = arith.addi %scan3A_26, %scan3A_27 : i32
    %scan3A_29 = arith.constant 1 : i32
    scf.for %scan3A_36 = %scan3A_26 to %scan3A_28 step %scan3A_29  : i32 {
      %mul3A_37 = arith.constant 16 : i32
      %mul3A_38 = arith.muli %scan3A_36, %mul3A_37 : i32
      %add3A_39 = arith.constant 0 : i32
      %add3A_40 = arith.addi %add3A_39, %mul3A_38 : i32
      %swap3A = arith.index_cast %add3A_40 : i32 to index
      %swap3A_41 = tpu.vector_load %arg9[%swap3A] {strides = array<i32>} : memref<640xf32, #tpu.memory_space<vmem>>, vector<16xf32>,
      tpu.vector_store %arg9[%swap3A], %broadcast_in_dim3A_1 {strides = array<i32>} : memref<640xf32, #tpu.memory_space<vmem>>, vector<16xf32>,
    }
    %scan3A_30 = arith.constant 40 : i32
    %scan3A_31 = arith.constant 0 : i32
    %scan3A_32 = arith.constant 16 : i32
    %scan3A_33 = arith.addi %scan3A_31, %scan3A_32 : i32
    %scan3A_34 = arith.constant 1 : i32
    scf.for %scan3A_36 = %scan3A_31 to %scan3A_33 step %scan3A_34  : i32 {
      %mul3A_37 = arith.constant 1 : i32
      %mul3A_38 = arith.muli %scan3A_36, %mul3A_37 : i32
      %add3A_39 = arith.constant 0 : i32
      %add3A_40 = arith.addi %add3A_39, %mul3A_38 : i32
      %run_scoped3A_41 = arith.constant 1 : i32
      "tpu.region"() ({
        %run_scoped3A_47 = tpu.sem_alloc : memref<!tpu.dma_semaphore, #tpu.memory_space<semaphore_mem>>
        %dma_start3A = tpu.memref_slice %arg10[%run_scoped3A_41, %add3A_40, %mul3A_15] : memref<2x16x10240xf32, #tpu.memory_space<vmem_shared>> -> memref<1x1x640xf32, #tpu.memory_space<vmem_shared>>
        %dma_start3A_48 = tpu.memref_squeeze %dma_start3A : memref<1x1x640xf32, #tpu.memory_space<vmem_shared>> -> memref<640xf32, #tpu.memory_space<vmem_shared>>
        %dma_start3A_49 = tpu.memref_slice %arg10[%run_scoped3A_41, %add3A_40, %mul3A_15] : memref<2x16x10240xf32, #tpu.memory_space<vmem_shared>> -> memref<1x1x640xf32, #tpu.memory_space<vmem_shared>>
        %dma_start3A_50 = tpu.memref_squeeze %dma_start3A_49 : memref<1x1x640xf32, #tpu.memory_space<vmem_shared>> -> memref<640xf32, #tpu.memory_space<vmem_shared>>
        tpu.enqueue_dma source(%dma_start3A_50 : memref<640xf32, #tpu.memory_space<vmem_shared>>) target(%arg8 : memref<640xf32, #tpu.memory_space<vmem>>) target_semaphore(%run_scoped3A_47 : memref<!tpu.dma_semaphore, #tpu.memory_space<semaphore_mem>>)
        %dma_wait3A = tpu.memref_slice %arg10[%run_scoped3A_41, %add3A_40, %mul3A_15] : memref<2x16x10240xf32, #tpu.memory_space<vmem_shared>> -> memref<1x1x640xf32, #tpu.memory_space<vmem_shared>>
        %dma_wait3A_51 = tpu.memref_squeeze %dma_wait3A : memref<1x1x640xf32, #tpu.memory_space<vmem_shared>> -> memref<640xf32, #tpu.memory_space<vmem_shared>>
        %dma_wait3A_52 = tpu.memref_slice %arg10[%run_scoped3A_41, %add3A_40, %mul3A_15] : memref<2x16x10240xf32, #tpu.memory_space<vmem_shared>> -> memref<1x1x640xf32, #tpu.memory_space<vmem_shared>>
        %dma_wait3A_53 = tpu.memref_squeeze %dma_wait3A_52 : memref<1x1x640xf32, #tpu.memory_space<vmem_shared>> -> memref<640xf32, #tpu.memory_space<vmem_shared>>
        tpu.wait_dma2 semaphore(%run_scoped3A_47 : memref<!tpu.dma_semaphore, #tpu.memory_space<semaphore_mem>>) src(%dma_wait3A_53 : memref<640xf32, #tpu.memory_space<vmem_shared>>) dst(%arg8 : memref<640xf32, #tpu.memory_space<vmem>>)
        tpu.yield
      }) : () -> ()
      %scan3A_42 = arith.constant 0 : i32
      %scan3A_43 = arith.constant 40 : i32
      %scan3A_44 = arith.addi %scan3A_42, %scan3A_43 : i32
      %scan3A_45 = arith.constant 1 : i32
      scf.for %scan3A_47 = %scan3A_42 to %scan3A_44 step %scan3A_45  : i32 {
        %mul3A_48 = arith.constant 16 : i32
        %mul3A_49 = arith.muli %scan3A_47, %mul3A_48 : i32
        %add3A_50 = arith.constant 0 : i32
        %add3A_51 = arith.addi %add3A_50, %mul3A_49 : i32
        %get3A = arith.index_cast %add3A_51 : i32 to index
        %get3A_52 = tpu.vector_load %arg9[%get3A] {strides = array<i32>} : memref<640xf32, #tpu.memory_space<vmem>>, vector<16xf32>,
        %get3A_53 = arith.index_cast %add3A_51 : i32 to index
        %get3A_54 = tpu.vector_load %arg8[%get3A_53] {strides = array<i32>} : memref<640xf32, #tpu.memory_space<vmem>>, vector<16xf32>,
        %add3A_55 = arith.addf %get3A_52, %get3A_54 : vector<16xf32>
        %swap3A = arith.index_cast %add3A_51 : i32 to index
        %swap3A_56 = tpu.vector_load %arg9[%swap3A] {strides = array<i32>} : memref<640xf32, #tpu.memory_space<vmem>>, vector<16xf32>,
        tpu.vector_store %arg9[%swap3A], %add3A_55 {strides = array<i32>} : memref<640xf32, #tpu.memory_space<vmem>>, vector<16xf32>,
      }
      %scan3A_46 = arith.constant 40 : i32
    }
    %scan3A_35 = arith.constant 16 : i32
    "tpu.region"() ({
      %run_scoped3A_36 = tpu.sem_alloc : memref<!tpu.dma_semaphore, #tpu.memory_space<semaphore_mem>>
      %dma_start3A = tpu.memref_slice %arg4[%arg0, %mul3A_15] : memref<2x10240xf32, #tpu.memory_space<hbm>> -> memref<1x640xf32, #tpu.memory_space<hbm>>
      %dma_start3A_37 = tpu.memref_squeeze %dma_start3A : memref<1x640xf32, #tpu.memory_space<hbm>> -> memref<640xf32, #tpu.memory_space<hbm>>
      %dma_start3A_38 = tpu.memref_slice %arg4[%arg0, %mul3A_15] : memref<2x10240xf32, #tpu.memory_space<hbm>> -> memref<1x640xf32, #tpu.memory_space<hbm>>
      %dma_start3A_39 = tpu.memref_squeeze %dma_start3A_38 : memref<1x640xf32, #tpu.memory_space<hbm>> -> memref<640xf32, #tpu.memory_space<hbm>>
      tpu.enqueue_dma source(%arg9 : memref<640xf32, #tpu.memory_space<vmem>>) target(%dma_start3A_39 : memref<640xf32, #tpu.memory_space<hbm>>) target_semaphore(%run_scoped3A_36 : memref<!tpu.dma_semaphore, #tpu.memory_space<semaphore_mem>>)
      %dma_wait3A = tpu.memref_slice %arg4[%arg0, %mul3A_15] : memref<2x10240xf32, #tpu.memory_space<hbm>> -> memref<1x640xf32, #tpu.memory_space<hbm>>
      %dma_wait3A_40 = tpu.memref_squeeze %dma_wait3A : memref<1x640xf32, #tpu.memory_space<hbm>> -> memref<640xf32, #tpu.memory_space<hbm>>
      %dma_wait3A_41 = tpu.memref_slice %arg4[%arg0, %mul3A_15] : memref<2x10240xf32, #tpu.memory_space<hbm>> -> memref<1x640xf32, #tpu.memory_space<hbm>>
      %dma_wait3A_42 = tpu.memref_squeeze %dma_wait3A_41 : memref<1x640xf32, #tpu.memory_space<hbm>> -> memref<640xf32, #tpu.memory_space<hbm>>
      tpu.wait_dma2 semaphore(%run_scoped3A_36 : memref<!tpu.dma_semaphore, #tpu.memory_space<semaphore_mem>>) src(%arg9 : memref<640xf32, #tpu.memory_space<vmem>>) dst(%dma_wait3A_42 : memref<640xf32, #tpu.memory_space<hbm>>)
      tpu.yield
    }) : () -> ()
    return
  }
}

#map = affine_map<(d0, d1) -> (0, 0)>
#map1 = affine_map<(d0, d1) -> (0, 0, 0, 0)>
#map2 = affine_map<(d0, d1) -> (0, 0, 0)>
module attributes {stable_mosaic.version = 14 : i64} {
  func.func @_msg_body(%arg0: i32, %arg1: i32, %arg2: memref<10240x128xf32, #tpu.memory_space<hbm>>, %arg3: memref<32x80x2x128xi32, #tpu.memory_space<hbm>>, %arg4: memref<32x80x128x128xf32, #tpu.memory_space<hbm>>, %arg5: memref<2x10240x128xf32, #tpu.memory_space<hbm>>, %arg6: memref<2x128xi32, #tpu.memory_space<vmem>>, %arg7: memref<2x128xi32, #tpu.memory_space<vmem>>, %arg8: memref<2x128xi32, #tpu.memory_space<vmem>>, %arg9: memref<2x128xi32, #tpu.memory_space<vmem>>, %arg10: memref<128x128xf32, #tpu.memory_space<vmem>>, %arg11: memref<128x128xf32, #tpu.memory_space<vmem>>, %arg12: memref<10240x128xf32, #tpu.memory_space<vmem_shared>>, %arg13: memref<!tpu.dma_semaphore, #tpu.memory_space<semaphore_mem>>, %arg14: memref<!tpu.dma_semaphore, #tpu.memory_space<semaphore_mem>>, %arg15: memref<!tpu.dma_semaphore, #tpu.memory_space<semaphore_mem>>, %arg16: memref<!tpu.dma_semaphore, #tpu.memory_space<semaphore_mem>>, %arg17: memref<!tpu.dma_semaphore, #tpu.memory_space<semaphore_mem>>, %arg18: memref<!tpu.dma_semaphore, #tpu.memory_space<semaphore_mem>>) attributes {dimension_semantics = [#tpu.dimension_semantics<core_parallel>, #tpu.dimension_semantics<subcore_parallel>], iteration_bounds = array<i64: 2, 16>, scalar_prefetch = 0 : i64, scratch_operands = 13 : i64, tpu.core_type = #tpu.core_type<sc_vector_subcore>, window_params = [{transform_indices = #map}, {transform_indices = #map1}, {transform_indices = #map1}, {transform_indices = #map2}]} {
    %mul3A = arith.constant 2 : i32
    %mul3A_0 = arith.muli %arg1, %mul3A : i32
    %add3A = arith.addi %mul3A_0, %arg0 : i32
    %mul3A_1 = arith.constant 640 : i32
    %mul3A_2 = arith.muli %arg1, %mul3A_1 : i32
    "tpu.region"() ({
      %run_scoped3A = tpu.sem_alloc : memref<!tpu.dma_semaphore, #tpu.memory_space<semaphore_mem>>
      %dma_start3A_95 = arith.constant 0 : i32
      %dma_start3A_96 = tpu.memref_slice %arg12[%mul3A_2, %dma_start3A_95] : memref<10240x128xf32, #tpu.memory_space<vmem_shared>> -> memref<640x128xf32, #tpu.memory_space<vmem_shared>>
      %dma_start3A_97 = arith.constant 0 : i32
      %dma_start3A_98 = tpu.memref_slice %arg2[%mul3A_2, %dma_start3A_97] : memref<10240x128xf32, #tpu.memory_space<hbm>> -> memref<640x128xf32, #tpu.memory_space<hbm>>
      tpu.enqueue_dma source(%dma_start3A_98 : memref<640x128xf32, #tpu.memory_space<hbm>>) target(%dma_start3A_96 : memref<640x128xf32, #tpu.memory_space<vmem_shared>>) target_semaphore(%run_scoped3A : memref<!tpu.dma_semaphore, #tpu.memory_space<semaphore_mem>>)
      %dma_wait3A_99 = arith.constant 0 : i32
      %dma_wait3A_100 = tpu.memref_slice %arg12[%mul3A_2, %dma_wait3A_99] : memref<10240x128xf32, #tpu.memory_space<vmem_shared>> -> memref<640x128xf32, #tpu.memory_space<vmem_shared>>
      %dma_wait3A_101 = arith.constant 0 : i32
      %dma_wait3A_102 = tpu.memref_slice %arg2[%mul3A_2, %dma_wait3A_101] : memref<10240x128xf32, #tpu.memory_space<hbm>> -> memref<640x128xf32, #tpu.memory_space<hbm>>
      tpu.wait_dma2 semaphore(%run_scoped3A : memref<!tpu.dma_semaphore, #tpu.memory_space<semaphore_mem>>) src(%dma_wait3A_102 : memref<640x128xf32, #tpu.memory_space<hbm>>) dst(%dma_wait3A_100 : memref<640x128xf32, #tpu.memory_space<vmem_shared>>)
      tpu.yield
    }) : () -> ()
    %barrier3A = arith.constant 0 : index
    tpu.barrier barrier_id(%barrier3A)
    %dma_start3A = arith.constant 0 : i32
    %dma_start3A_3 = arith.constant 0 : i32
    %dma_start3A_4 = arith.constant 0 : i32
    %dma_start3A_5 = tpu.memref_slice %arg3[%add3A, %dma_start3A, %dma_start3A_3, %dma_start3A_4] : memref<32x80x2x128xi32, #tpu.memory_space<hbm>> -> memref<1x1x2x128xi32, #tpu.memory_space<hbm>>
    %dma_start3A_6 = tpu.memref_squeeze %dma_start3A_5 : memref<1x1x2x128xi32, #tpu.memory_space<hbm>> -> memref<2x128xi32, #tpu.memory_space<hbm>>
    %dma_start3A_7 = arith.constant 0 : i32
    %dma_start3A_8 = arith.constant 0 : i32
    %dma_start3A_9 = tpu.memref_slice %arg3[%add3A, %dma_start3A, %dma_start3A_7, %dma_start3A_8] : memref<32x80x2x128xi32, #tpu.memory_space<hbm>> -> memref<1x1x2x128xi32, #tpu.memory_space<hbm>>
    %dma_start3A_10 = tpu.memref_squeeze %dma_start3A_9 : memref<1x1x2x128xi32, #tpu.memory_space<hbm>> -> memref<2x128xi32, #tpu.memory_space<hbm>>
    tpu.enqueue_dma source(%dma_start3A_10 : memref<2x128xi32, #tpu.memory_space<hbm>>) target(%arg6 : memref<2x128xi32, #tpu.memory_space<vmem>>) target_semaphore(%arg13 : memref<!tpu.dma_semaphore, #tpu.memory_space<semaphore_mem>>)
    %dma_start3A_11 = arith.constant 1 : i32
    %dma_start3A_12 = arith.constant 0 : i32
    %dma_start3A_13 = arith.constant 0 : i32
    %dma_start3A_14 = tpu.memref_slice %arg3[%add3A, %dma_start3A_11, %dma_start3A_12, %dma_start3A_13] : memref<32x80x2x128xi32, #tpu.memory_space<hbm>> -> memref<1x1x2x128xi32, #tpu.memory_space<hbm>>
    %dma_start3A_15 = tpu.memref_squeeze %dma_start3A_14 : memref<1x1x2x128xi32, #tpu.memory_space<hbm>> -> memref<2x128xi32, #tpu.memory_space<hbm>>
    %dma_start3A_16 = arith.constant 0 : i32
    %dma_start3A_17 = arith.constant 0 : i32
    %dma_start3A_18 = tpu.memref_slice %arg3[%add3A, %dma_start3A_11, %dma_start3A_16, %dma_start3A_17] : memref<32x80x2x128xi32, #tpu.memory_space<hbm>> -> memref<1x1x2x128xi32, #tpu.memory_space<hbm>>
    %dma_start3A_19 = tpu.memref_squeeze %dma_start3A_18 : memref<1x1x2x128xi32, #tpu.memory_space<hbm>> -> memref<2x128xi32, #tpu.memory_space<hbm>>
    tpu.enqueue_dma source(%dma_start3A_19 : memref<2x128xi32, #tpu.memory_space<hbm>>) target(%arg7 : memref<2x128xi32, #tpu.memory_space<vmem>>) target_semaphore(%arg14 : memref<!tpu.dma_semaphore, #tpu.memory_space<semaphore_mem>>)
    %scan3A = arith.constant 0 : i32
    %scan3A_20 = arith.constant 20 : i32
    %scan3A_21 = arith.addi %scan3A, %scan3A_20 : i32
    %scan3A_22 = arith.constant 1 : i32
    scf.for %scan3A_95 = %scan3A to %scan3A_21 step %scan3A_22  : i32 {
      %mul3A_96 = arith.constant 4 : i32
      %mul3A_97 = arith.muli %scan3A_95, %mul3A_96 : i32
      %add3A_98 = arith.constant 0 : i32
      %add3A_99 = arith.addi %add3A_98, %mul3A_97 : i32
      %add3A_100 = arith.constant 0 : i32
      %add3A_101 = arith.addi %add3A_99, %add3A_100 : i32
      %lt3A = arith.constant 78 : i32
      %lt3A_102 = arith.cmpi slt, %add3A_101, %lt3A : i32
      %convert_element_type3A = arith.extui %lt3A_102 : i1 to i32
      %cond3A = arith.constant 0 : i32
      %cond3A_103 = arith.cmpi ne, %convert_element_type3A, %cond3A : i32
      scf.if %cond3A_103 {
        %add3A_211 = arith.constant 2 : i32
        %add3A_212 = arith.addi %add3A_101, %add3A_211 : i32
        %dma_start3A_213 = arith.constant 0 : i32
        %dma_start3A_214 = arith.constant 0 : i32
        %dma_start3A_215 = tpu.memref_slice %arg3[%add3A, %add3A_212, %dma_start3A_213, %dma_start3A_214] : memref<32x80x2x128xi32, #tpu.memory_space<hbm>> -> memref<1x1x2x128xi32, #tpu.memory_space<hbm>>
        %dma_start3A_216 = tpu.memref_squeeze %dma_start3A_215 : memref<1x1x2x128xi32, #tpu.memory_space<hbm>> -> memref<2x128xi32, #tpu.memory_space<hbm>>
        %dma_start3A_217 = arith.constant 0 : i32
        %dma_start3A_218 = arith.constant 0 : i32
        %dma_start3A_219 = tpu.memref_slice %arg3[%add3A, %add3A_212, %dma_start3A_217, %dma_start3A_218] : memref<32x80x2x128xi32, #tpu.memory_space<hbm>> -> memref<1x1x2x128xi32, #tpu.memory_space<hbm>>
        %dma_start3A_220 = tpu.memref_squeeze %dma_start3A_219 : memref<1x1x2x128xi32, #tpu.memory_space<hbm>> -> memref<2x128xi32, #tpu.memory_space<hbm>>
        tpu.enqueue_dma source(%dma_start3A_220 : memref<2x128xi32, #tpu.memory_space<hbm>>) target(%arg8 : memref<2x128xi32, #tpu.memory_space<vmem>>) target_semaphore(%arg15 : memref<!tpu.dma_semaphore, #tpu.memory_space<semaphore_mem>>)
      } else {
      }
      %ge3A = arith.constant 2 : i32
      %ge3A_104 = arith.cmpi sge, %add3A_101, %ge3A : i32
      %convert_element_type3A_105 = arith.extui %ge3A_104 : i1 to i32
      %cond3A_106 = arith.constant 0 : i32
      %cond3A_107 = arith.cmpi ne, %convert_element_type3A_105, %cond3A_106 : i32
      scf.if %cond3A_107 {
        %sub3A = arith.constant 2 : i32
        %sub3A_211 = arith.subi %add3A_101, %sub3A : i32
        %dma_wait3A_212 = arith.constant 0 : i32
        %dma_wait3A_213 = arith.constant 0 : i32
        %dma_wait3A_214 = tpu.memref_slice %arg4[%add3A, %sub3A_211, %dma_wait3A_212, %dma_wait3A_213] : memref<32x80x128x128xf32, #tpu.memory_space<hbm>> -> memref<1x1x128x128xf32, #tpu.memory_space<hbm>>
        %dma_wait3A_215 = tpu.memref_squeeze %dma_wait3A_214 : memref<1x1x128x128xf32, #tpu.memory_space<hbm>> -> memref<128x128xf32, #tpu.memory_space<hbm>>
        %dma_wait3A_216 = arith.constant 0 : i32
        %dma_wait3A_217 = arith.constant 0 : i32
        %dma_wait3A_218 = tpu.memref_slice %arg4[%add3A, %sub3A_211, %dma_wait3A_216, %dma_wait3A_217] : memref<32x80x128x128xf32, #tpu.memory_space<hbm>> -> memref<1x1x128x128xf32, #tpu.memory_space<hbm>>
        %dma_wait3A_219 = tpu.memref_squeeze %dma_wait3A_218 : memref<1x1x128x128xf32, #tpu.memory_space<hbm>> -> memref<128x128xf32, #tpu.memory_space<hbm>>
        tpu.wait_dma2 semaphore(%arg17 : memref<!tpu.dma_semaphore, #tpu.memory_space<semaphore_mem>>) src(%arg10 : memref<128x128xf32, #tpu.memory_space<vmem>>) dst(%dma_wait3A_219 : memref<128x128xf32, #tpu.memory_space<hbm>>)
      } else {
      }
      %dma_wait3A_108 = arith.constant 0 : i32
      %dma_wait3A_109 = arith.constant 0 : i32
      %dma_wait3A_110 = tpu.memref_slice %arg3[%add3A, %add3A_101, %dma_wait3A_108, %dma_wait3A_109] : memref<32x80x2x128xi32, #tpu.memory_space<hbm>> -> memref<1x1x2x128xi32, #tpu.memory_space<hbm>>
      %dma_wait3A_111 = tpu.memref_squeeze %dma_wait3A_110 : memref<1x1x2x128xi32, #tpu.memory_space<hbm>> -> memref<2x128xi32, #tpu.memory_space<hbm>>
      %dma_wait3A_112 = arith.constant 0 : i32
      %dma_wait3A_113 = arith.constant 0 : i32
      %dma_wait3A_114 = tpu.memref_slice %arg3[%add3A, %add3A_101, %dma_wait3A_112, %dma_wait3A_113] : memref<32x80x2x128xi32, #tpu.memory_space<hbm>> -> memref<1x1x2x128xi32, #tpu.memory_space<hbm>>
      %dma_wait3A_115 = tpu.memref_squeeze %dma_wait3A_114 : memref<1x1x2x128xi32, #tpu.memory_space<hbm>> -> memref<2x128xi32, #tpu.memory_space<hbm>>
      tpu.wait_dma2 semaphore(%arg13 : memref<!tpu.dma_semaphore, #tpu.memory_space<semaphore_mem>>) src(%dma_wait3A_115 : memref<2x128xi32, #tpu.memory_space<hbm>>) dst(%arg6 : memref<2x128xi32, #tpu.memory_space<vmem>>)
      %run_scoped3A = arith.constant 0 : i32
      "tpu.region"() ({
        %run_scoped3A_211 = tpu.sem_alloc : memref<!tpu.dma_semaphore, #tpu.memory_space<semaphore_mem>>
        %dma_start3A_212 = arith.constant 0 : i32
        %dma_start3A_213 = tpu.memref_slice %arg6[%run_scoped3A, %dma_start3A_212] : memref<2x128xi32, #tpu.memory_space<vmem>> -> memref<1x128xi32, #tpu.memory_space<vmem>>
        %dma_start3A_214 = tpu.memref_squeeze %dma_start3A_213 : memref<1x128xi32, #tpu.memory_space<vmem>> -> memref<128xi32, #tpu.memory_space<vmem>>
        %dma_start3A_215 = arith.constant 0 : i32
        %dma_start3A_216 = arith.constant 0 : i32
        %dma_start3A_217 = tpu.memref_slice %arg12[%dma_start3A_215, %dma_start3A_216] : memref<10240x128xf32, #tpu.memory_space<vmem_shared>> -> memref<10240x128xf32, #tpu.memory_space<vmem_shared>>
        tpu.enqueue_indirect_dma source(%dma_start3A_217 : memref<10240x128xf32, #tpu.memory_space<vmem_shared>>) target(%arg10 : memref<128x128xf32, #tpu.memory_space<vmem>>) offsets(%dma_start3A_214 : memref<128xi32, #tpu.memory_space<vmem>>) semaphore(%run_scoped3A_211 : memref<!tpu.dma_semaphore, #tpu.memory_space<semaphore_mem>>)
        %dma_wait3A_218 = arith.constant 0 : i32
        %dma_wait3A_219 = tpu.memref_slice %arg6[%run_scoped3A, %dma_wait3A_218] : memref<2x128xi32, #tpu.memory_space<vmem>> -> memref<1x128xi32, #tpu.memory_space<vmem>>
        %dma_wait3A_220 = tpu.memref_squeeze %dma_wait3A_219 : memref<1x128xi32, #tpu.memory_space<vmem>> -> memref<128xi32, #tpu.memory_space<vmem>>
        %dma_wait3A_221 = arith.constant 0 : i32
        %dma_wait3A_222 = arith.constant 0 : i32
        %dma_wait3A_223 = tpu.memref_slice %arg12[%dma_wait3A_221, %dma_wait3A_222] : memref<10240x128xf32, #tpu.memory_space<vmem_shared>> -> memref<10240x128xf32, #tpu.memory_space<vmem_shared>>
        tpu.wait_indirect_dma semaphore(%run_scoped3A_211 : memref<!tpu.dma_semaphore, #tpu.memory_space<semaphore_mem>>) src(%dma_wait3A_223 : memref<10240x128xf32, #tpu.memory_space<vmem_shared>>) dst(%arg10 : memref<128x128xf32, #tpu.memory_space<vmem>>)
        tpu.yield
      }) : () -> ()
      %dma_start3A_116 = arith.constant 0 : i32
      %dma_start3A_117 = arith.constant 0 : i32
      %dma_start3A_118 = tpu.memref_slice %arg4[%add3A, %add3A_101, %dma_start3A_116, %dma_start3A_117] : memref<32x80x128x128xf32, #tpu.memory_space<hbm>> -> memref<1x1x128x128xf32, #tpu.memory_space<hbm>>
      %dma_start3A_119 = tpu.memref_squeeze %dma_start3A_118 : memref<1x1x128x128xf32, #tpu.memory_space<hbm>> -> memref<128x128xf32, #tpu.memory_space<hbm>>
      %dma_start3A_120 = arith.constant 0 : i32
      %dma_start3A_121 = arith.constant 0 : i32
      %dma_start3A_122 = tpu.memref_slice %arg4[%add3A, %add3A_101, %dma_start3A_120, %dma_start3A_121] : memref<32x80x128x128xf32, #tpu.memory_space<hbm>> -> memref<1x1x128x128xf32, #tpu.memory_space<hbm>>
      %dma_start3A_123 = tpu.memref_squeeze %dma_start3A_122 : memref<1x1x128x128xf32, #tpu.memory_space<hbm>> -> memref<128x128xf32, #tpu.memory_space<hbm>>
      tpu.enqueue_dma source(%arg10 : memref<128x128xf32, #tpu.memory_space<vmem>>) target(%dma_start3A_123 : memref<128x128xf32, #tpu.memory_space<hbm>>) target_semaphore(%arg17 : memref<!tpu.dma_semaphore, #tpu.memory_space<semaphore_mem>>)
      %add3A_124 = arith.constant 1 : i32
      %add3A_125 = arith.addi %add3A_99, %add3A_124 : i32
      %lt3A_126 = arith.constant 78 : i32
      %lt3A_127 = arith.cmpi slt, %add3A_125, %lt3A_126 : i32
      %convert_element_type3A_128 = arith.extui %lt3A_127 : i1 to i32
      %cond3A_129 = arith.constant 0 : i32
      %cond3A_130 = arith.cmpi ne, %convert_element_type3A_128, %cond3A_129 : i32
      scf.if %cond3A_130 {
        %add3A_211 = arith.constant 2 : i32
        %add3A_212 = arith.addi %add3A_125, %add3A_211 : i32
        %dma_start3A_213 = arith.constant 0 : i32
        %dma_start3A_214 = arith.constant 0 : i32
        %dma_start3A_215 = tpu.memref_slice %arg3[%add3A, %add3A_212, %dma_start3A_213, %dma_start3A_214] : memref<32x80x2x128xi32, #tpu.memory_space<hbm>> -> memref<1x1x2x128xi32, #tpu.memory_space<hbm>>
        %dma_start3A_216 = tpu.memref_squeeze %dma_start3A_215 : memref<1x1x2x128xi32, #tpu.memory_space<hbm>> -> memref<2x128xi32, #tpu.memory_space<hbm>>
        %dma_start3A_217 = arith.constant 0 : i32
        %dma_start3A_218 = arith.constant 0 : i32
        %dma_start3A_219 = tpu.memref_slice %arg3[%add3A, %add3A_212, %dma_start3A_217, %dma_start3A_218] : memref<32x80x2x128xi32, #tpu.memory_space<hbm>> -> memref<1x1x2x128xi32, #tpu.memory_space<hbm>>
        %dma_start3A_220 = tpu.memref_squeeze %dma_start3A_219 : memref<1x1x2x128xi32, #tpu.memory_space<hbm>> -> memref<2x128xi32, #tpu.memory_space<hbm>>
        tpu.enqueue_dma source(%dma_start3A_220 : memref<2x128xi32, #tpu.memory_space<hbm>>) target(%arg9 : memref<2x128xi32, #tpu.memory_space<vmem>>) target_semaphore(%arg16 : memref<!tpu.dma_semaphore, #tpu.memory_space<semaphore_mem>>)
      } else {
      }
      %ge3A_131 = arith.constant 2 : i32
      %ge3A_132 = arith.cmpi sge, %add3A_125, %ge3A_131 : i32
      %convert_element_type3A_133 = arith.extui %ge3A_132 : i1 to i32
      %cond3A_134 = arith.constant 0 : i32
      %cond3A_135 = arith.cmpi ne, %convert_element_type3A_133, %cond3A_134 : i32
      scf.if %cond3A_135 {
        %sub3A = arith.constant 2 : i32
        %sub3A_211 = arith.subi %add3A_125, %sub3A : i32
        %dma_wait3A_212 = arith.constant 0 : i32
        %dma_wait3A_213 = arith.constant 0 : i32
        %dma_wait3A_214 = tpu.memref_slice %arg4[%add3A, %sub3A_211, %dma_wait3A_212, %dma_wait3A_213] : memref<32x80x128x128xf32, #tpu.memory_space<hbm>> -> memref<1x1x128x128xf32, #tpu.memory_space<hbm>>
        %dma_wait3A_215 = tpu.memref_squeeze %dma_wait3A_214 : memref<1x1x128x128xf32, #tpu.memory_space<hbm>> -> memref<128x128xf32, #tpu.memory_space<hbm>>
        %dma_wait3A_216 = arith.constant 0 : i32
        %dma_wait3A_217 = arith.constant 0 : i32
        %dma_wait3A_218 = tpu.memref_slice %arg4[%add3A, %sub3A_211, %dma_wait3A_216, %dma_wait3A_217] : memref<32x80x128x128xf32, #tpu.memory_space<hbm>> -> memref<1x1x128x128xf32, #tpu.memory_space<hbm>>
        %dma_wait3A_219 = tpu.memref_squeeze %dma_wait3A_218 : memref<1x1x128x128xf32, #tpu.memory_space<hbm>> -> memref<128x128xf32, #tpu.memory_space<hbm>>
        tpu.wait_dma2 semaphore(%arg18 : memref<!tpu.dma_semaphore, #tpu.memory_space<semaphore_mem>>) src(%arg11 : memref<128x128xf32, #tpu.memory_space<vmem>>) dst(%dma_wait3A_219 : memref<128x128xf32, #tpu.memory_space<hbm>>)
      } else {
      }
      %dma_wait3A_136 = arith.constant 0 : i32
      %dma_wait3A_137 = arith.constant 0 : i32
      %dma_wait3A_138 = tpu.memref_slice %arg3[%add3A, %add3A_125, %dma_wait3A_136, %dma_wait3A_137] : memref<32x80x2x128xi32, #tpu.memory_space<hbm>> -> memref<1x1x2x128xi32, #tpu.memory_space<hbm>>
      %dma_wait3A_139 = tpu.memref_squeeze %dma_wait3A_138 : memref<1x1x2x128xi32, #tpu.memory_space<hbm>> -> memref<2x128xi32, #tpu.memory_space<hbm>>
      %dma_wait3A_140 = arith.constant 0 : i32
      %dma_wait3A_141 = arith.constant 0 : i32
      %dma_wait3A_142 = tpu.memref_slice %arg3[%add3A, %add3A_125, %dma_wait3A_140, %dma_wait3A_141] : memref<32x80x2x128xi32, #tpu.memory_space<hbm>> -> memref<1x1x2x128xi32, #tpu.memory_space<hbm>>
      %dma_wait3A_143 = tpu.memref_squeeze %dma_wait3A_142 : memref<1x1x2x128xi32, #tpu.memory_space<hbm>> -> memref<2x128xi32, #tpu.memory_space<hbm>>
      tpu.wait_dma2 semaphore(%arg14 : memref<!tpu.dma_semaphore, #tpu.memory_space<semaphore_mem>>) src(%dma_wait3A_143 : memref<2x128xi32, #tpu.memory_space<hbm>>) dst(%arg7 : memref<2x128xi32, #tpu.memory_space<vmem>>)
      %run_scoped3A_144 = arith.constant 0 : i32
      "tpu.region"() ({
        %run_scoped3A_211 = tpu.sem_alloc : memref<!tpu.dma_semaphore, #tpu.memory_space<semaphore_mem>>
        %dma_start3A_212 = arith.constant 0 : i32
        %dma_start3A_213 = tpu.memref_slice %arg7[%run_scoped3A_144, %dma_start3A_212] : memref<2x128xi32, #tpu.memory_space<vmem>> -> memref<1x128xi32, #tpu.memory_space<vmem>>
        %dma_start3A_214 = tpu.memref_squeeze %dma_start3A_213 : memref<1x128xi32, #tpu.memory_space<vmem>> -> memref<128xi32, #tpu.memory_space<vmem>>
        %dma_start3A_215 = arith.constant 0 : i32
        %dma_start3A_216 = arith.constant 0 : i32
        %dma_start3A_217 = tpu.memref_slice %arg12[%dma_start3A_215, %dma_start3A_216] : memref<10240x128xf32, #tpu.memory_space<vmem_shared>> -> memref<10240x128xf32, #tpu.memory_space<vmem_shared>>
        tpu.enqueue_indirect_dma source(%dma_start3A_217 : memref<10240x128xf32, #tpu.memory_space<vmem_shared>>) target(%arg11 : memref<128x128xf32, #tpu.memory_space<vmem>>) offsets(%dma_start3A_214 : memref<128xi32, #tpu.memory_space<vmem>>) semaphore(%run_scoped3A_211 : memref<!tpu.dma_semaphore, #tpu.memory_space<semaphore_mem>>)
        %dma_wait3A_218 = arith.constant 0 : i32
        %dma_wait3A_219 = tpu.memref_slice %arg7[%run_scoped3A_144, %dma_wait3A_218] : memref<2x128xi32, #tpu.memory_space<vmem>> -> memref<1x128xi32, #tpu.memory_space<vmem>>
        %dma_wait3A_220 = tpu.memref_squeeze %dma_wait3A_219 : memref<1x128xi32, #tpu.memory_space<vmem>> -> memref<128xi32, #tpu.memory_space<vmem>>
        %dma_wait3A_221 = arith.constant 0 : i32
        %dma_wait3A_222 = arith.constant 0 : i32
        %dma_wait3A_223 = tpu.memref_slice %arg12[%dma_wait3A_221, %dma_wait3A_222] : memref<10240x128xf32, #tpu.memory_space<vmem_shared>> -> memref<10240x128xf32, #tpu.memory_space<vmem_shared>>
        tpu.wait_indirect_dma semaphore(%run_scoped3A_211 : memref<!tpu.dma_semaphore, #tpu.memory_space<semaphore_mem>>) src(%dma_wait3A_223 : memref<10240x128xf32, #tpu.memory_space<vmem_shared>>) dst(%arg11 : memref<128x128xf32, #tpu.memory_space<vmem>>)
        tpu.yield
      }) : () -> ()
      %dma_start3A_145 = arith.constant 0 : i32
      %dma_start3A_146 = arith.constant 0 : i32
      %dma_start3A_147 = tpu.memref_slice %arg4[%add3A, %add3A_125, %dma_start3A_145, %dma_start3A_146] : memref<32x80x128x128xf32, #tpu.memory_space<hbm>> -> memref<1x1x128x128xf32, #tpu.memory_space<hbm>>
      %dma_start3A_148 = tpu.memref_squeeze %dma_start3A_147 : memref<1x1x128x128xf32, #tpu.memory_space<hbm>> -> memref<128x128xf32, #tpu.memory_space<hbm>>
      %dma_start3A_149 = arith.constant 0 : i32
      %dma_start3A_150 = arith.constant 0 : i32
      %dma_start3A_151 = tpu.memref_slice %arg4[%add3A, %add3A_125, %dma_start3A_149, %dma_start3A_150] : memref<32x80x128x128xf32, #tpu.memory_space<hbm>> -> memref<1x1x128x128xf32, #tpu.memory_space<hbm>>
      %dma_start3A_152 = tpu.memref_squeeze %dma_start3A_151 : memref<1x1x128x128xf32, #tpu.memory_space<hbm>> -> memref<128x128xf32, #tpu.memory_space<hbm>>
      tpu.enqueue_dma source(%arg11 : memref<128x128xf32, #tpu.memory_space<vmem>>) target(%dma_start3A_152 : memref<128x128xf32, #tpu.memory_space<hbm>>) target_semaphore(%arg18 : memref<!tpu.dma_semaphore, #tpu.memory_space<semaphore_mem>>)
      %add3A_153 = arith.constant 2 : i32
      %add3A_154 = arith.addi %add3A_99, %add3A_153 : i32
      %lt3A_155 = arith.constant 78 : i32
      %lt3A_156 = arith.cmpi slt, %add3A_154, %lt3A_155 : i32
      %convert_element_type3A_157 = arith.extui %lt3A_156 : i1 to i32
      %cond3A_158 = arith.constant 0 : i32
      %cond3A_159 = arith.cmpi ne, %convert_element_type3A_157, %cond3A_158 : i32
      scf.if %cond3A_159 {
        %add3A_211 = arith.constant 2 : i32
        %add3A_212 = arith.addi %add3A_154, %add3A_211 : i32
        %dma_start3A_213 = arith.constant 0 : i32
        %dma_start3A_214 = arith.constant 0 : i32
        %dma_start3A_215 = tpu.memref_slice %arg3[%add3A, %add3A_212, %dma_start3A_213, %dma_start3A_214] : memref<32x80x2x128xi32, #tpu.memory_space<hbm>> -> memref<1x1x2x128xi32, #tpu.memory_space<hbm>>
        %dma_start3A_216 = tpu.memref_squeeze %dma_start3A_215 : memref<1x1x2x128xi32, #tpu.memory_space<hbm>> -> memref<2x128xi32, #tpu.memory_space<hbm>>
        %dma_start3A_217 = arith.constant 0 : i32
        %dma_start3A_218 = arith.constant 0 : i32
        %dma_start3A_219 = tpu.memref_slice %arg3[%add3A, %add3A_212, %dma_start3A_217, %dma_start3A_218] : memref<32x80x2x128xi32, #tpu.memory_space<hbm>> -> memref<1x1x2x128xi32, #tpu.memory_space<hbm>>
        %dma_start3A_220 = tpu.memref_squeeze %dma_start3A_219 : memref<1x1x2x128xi32, #tpu.memory_space<hbm>> -> memref<2x128xi32, #tpu.memory_space<hbm>>
        tpu.enqueue_dma source(%dma_start3A_220 : memref<2x128xi32, #tpu.memory_space<hbm>>) target(%arg6 : memref<2x128xi32, #tpu.memory_space<vmem>>) target_semaphore(%arg13 : memref<!tpu.dma_semaphore, #tpu.memory_space<semaphore_mem>>)
      } else {
      }
      %ge3A_160 = arith.constant 2 : i32
      %ge3A_161 = arith.cmpi sge, %add3A_154, %ge3A_160 : i32
      %convert_element_type3A_162 = arith.extui %ge3A_161 : i1 to i32
      %cond3A_163 = arith.constant 0 : i32
      %cond3A_164 = arith.cmpi ne, %convert_element_type3A_162, %cond3A_163 : i32
      scf.if %cond3A_164 {
        %sub3A = arith.constant 2 : i32
        %sub3A_211 = arith.subi %add3A_154, %sub3A : i32
        %dma_wait3A_212 = arith.constant 0 : i32
        %dma_wait3A_213 = arith.constant 0 : i32
        %dma_wait3A_214 = tpu.memref_slice %arg4[%add3A, %sub3A_211, %dma_wait3A_212, %dma_wait3A_213] : memref<32x80x128x128xf32, #tpu.memory_space<hbm>> -> memref<1x1x128x128xf32, #tpu.memory_space<hbm>>
        %dma_wait3A_215 = tpu.memref_squeeze %dma_wait3A_214 : memref<1x1x128x128xf32, #tpu.memory_space<hbm>> -> memref<128x128xf32, #tpu.memory_space<hbm>>
        %dma_wait3A_216 = arith.constant 0 : i32
        %dma_wait3A_217 = arith.constant 0 : i32
        %dma_wait3A_218 = tpu.memref_slice %arg4[%add3A, %sub3A_211, %dma_wait3A_216, %dma_wait3A_217] : memref<32x80x128x128xf32, #tpu.memory_space<hbm>> -> memref<1x1x128x128xf32, #tpu.memory_space<hbm>>
        %dma_wait3A_219 = tpu.memref_squeeze %dma_wait3A_218 : memref<1x1x128x128xf32, #tpu.memory_space<hbm>> -> memref<128x128xf32, #tpu.memory_space<hbm>>
        tpu.wait_dma2 semaphore(%arg17 : memref<!tpu.dma_semaphore, #tpu.memory_space<semaphore_mem>>) src(%arg10 : memref<128x128xf32, #tpu.memory_space<vmem>>) dst(%dma_wait3A_219 : memref<128x128xf32, #tpu.memory_space<hbm>>)
      } else {
      }
      %dma_wait3A_165 = arith.constant 0 : i32
      %dma_wait3A_166 = arith.constant 0 : i32
      %dma_wait3A_167 = tpu.memref_slice %arg3[%add3A, %add3A_154, %dma_wait3A_165, %dma_wait3A_166] : memref<32x80x2x128xi32, #tpu.memory_space<hbm>> -> memref<1x1x2x128xi32, #tpu.memory_space<hbm>>
      %dma_wait3A_168 = tpu.memref_squeeze %dma_wait3A_167 : memref<1x1x2x128xi32, #tpu.memory_space<hbm>> -> memref<2x128xi32, #tpu.memory_space<hbm>>
      %dma_wait3A_169 = arith.constant 0 : i32
      %dma_wait3A_170 = arith.constant 0 : i32
      %dma_wait3A_171 = tpu.memref_slice %arg3[%add3A, %add3A_154, %dma_wait3A_169, %dma_wait3A_170] : memref<32x80x2x128xi32, #tpu.memory_space<hbm>> -> memref<1x1x2x128xi32, #tpu.memory_space<hbm>>
      %dma_wait3A_172 = tpu.memref_squeeze %dma_wait3A_171 : memref<1x1x2x128xi32, #tpu.memory_space<hbm>> -> memref<2x128xi32, #tpu.memory_space<hbm>>
      tpu.wait_dma2 semaphore(%arg15 : memref<!tpu.dma_semaphore, #tpu.memory_space<semaphore_mem>>) src(%dma_wait3A_172 : memref<2x128xi32, #tpu.memory_space<hbm>>) dst(%arg8 : memref<2x128xi32, #tpu.memory_space<vmem>>)
      %run_scoped3A_173 = arith.constant 0 : i32
      "tpu.region"() ({
        %run_scoped3A_211 = tpu.sem_alloc : memref<!tpu.dma_semaphore, #tpu.memory_space<semaphore_mem>>
        %dma_start3A_212 = arith.constant 0 : i32
        %dma_start3A_213 = tpu.memref_slice %arg8[%run_scoped3A_173, %dma_start3A_212] : memref<2x128xi32, #tpu.memory_space<vmem>> -> memref<1x128xi32, #tpu.memory_space<vmem>>
        %dma_start3A_214 = tpu.memref_squeeze %dma_start3A_213 : memref<1x128xi32, #tpu.memory_space<vmem>> -> memref<128xi32, #tpu.memory_space<vmem>>
        %dma_start3A_215 = arith.constant 0 : i32
        %dma_start3A_216 = arith.constant 0 : i32
        %dma_start3A_217 = tpu.memref_slice %arg12[%dma_start3A_215, %dma_start3A_216] : memref<10240x128xf32, #tpu.memory_space<vmem_shared>> -> memref<10240x128xf32, #tpu.memory_space<vmem_shared>>
        tpu.enqueue_indirect_dma source(%dma_start3A_217 : memref<10240x128xf32, #tpu.memory_space<vmem_shared>>) target(%arg10 : memref<128x128xf32, #tpu.memory_space<vmem>>) offsets(%dma_start3A_214 : memref<128xi32, #tpu.memory_space<vmem>>) semaphore(%run_scoped3A_211 : memref<!tpu.dma_semaphore, #tpu.memory_space<semaphore_mem>>)
        %dma_wait3A_218 = arith.constant 0 : i32
        %dma_wait3A_219 = tpu.memref_slice %arg8[%run_scoped3A_173, %dma_wait3A_218] : memref<2x128xi32, #tpu.memory_space<vmem>> -> memref<1x128xi32, #tpu.memory_space<vmem>>
        %dma_wait3A_220 = tpu.memref_squeeze %dma_wait3A_219 : memref<1x128xi32, #tpu.memory_space<vmem>> -> memref<128xi32, #tpu.memory_space<vmem>>
        %dma_wait3A_221 = arith.constant 0 : i32
        %dma_wait3A_222 = arith.constant 0 : i32
        %dma_wait3A_223 = tpu.memref_slice %arg12[%dma_wait3A_221, %dma_wait3A_222] : memref<10240x128xf32, #tpu.memory_space<vmem_shared>> -> memref<10240x128xf32, #tpu.memory_space<vmem_shared>>
        tpu.wait_indirect_dma semaphore(%run_scoped3A_211 : memref<!tpu.dma_semaphore, #tpu.memory_space<semaphore_mem>>) src(%dma_wait3A_223 : memref<10240x128xf32, #tpu.memory_space<vmem_shared>>) dst(%arg10 : memref<128x128xf32, #tpu.memory_space<vmem>>)
        tpu.yield
      }) : () -> ()
      %dma_start3A_174 = arith.constant 0 : i32
      %dma_start3A_175 = arith.constant 0 : i32
      %dma_start3A_176 = tpu.memref_slice %arg4[%add3A, %add3A_154, %dma_start3A_174, %dma_start3A_175] : memref<32x80x128x128xf32, #tpu.memory_space<hbm>> -> memref<1x1x128x128xf32, #tpu.memory_space<hbm>>
      %dma_start3A_177 = tpu.memref_squeeze %dma_start3A_176 : memref<1x1x128x128xf32, #tpu.memory_space<hbm>> -> memref<128x128xf32, #tpu.memory_space<hbm>>
      %dma_start3A_178 = arith.constant 0 : i32
      %dma_start3A_179 = arith.constant 0 : i32
      %dma_start3A_180 = tpu.memref_slice %arg4[%add3A, %add3A_154, %dma_start3A_178, %dma_start3A_179] : memref<32x80x128x128xf32, #tpu.memory_space<hbm>> -> memref<1x1x128x128xf32, #tpu.memory_space<hbm>>
      %dma_start3A_181 = tpu.memref_squeeze %dma_start3A_180 : memref<1x1x128x128xf32, #tpu.memory_space<hbm>> -> memref<128x128xf32, #tpu.memory_space<hbm>>
      tpu.enqueue_dma source(%arg10 : memref<128x128xf32, #tpu.memory_space<vmem>>) target(%dma_start3A_181 : memref<128x128xf32, #tpu.memory_space<hbm>>) target_semaphore(%arg17 : memref<!tpu.dma_semaphore, #tpu.memory_space<semaphore_mem>>)
      %add3A_182 = arith.constant 3 : i32
      %add3A_183 = arith.addi %add3A_99, %add3A_182 : i32
      %lt3A_184 = arith.constant 78 : i32
      %lt3A_185 = arith.cmpi slt, %add3A_183, %lt3A_184 : i32
      %convert_element_type3A_186 = arith.extui %lt3A_185 : i1 to i32
      %cond3A_187 = arith.constant 0 : i32
      %cond3A_188 = arith.cmpi ne, %convert_element_type3A_186, %cond3A_187 : i32
      scf.if %cond3A_188 {
        %add3A_211 = arith.constant 2 : i32
        %add3A_212 = arith.addi %add3A_183, %add3A_211 : i32
        %dma_start3A_213 = arith.constant 0 : i32
        %dma_start3A_214 = arith.constant 0 : i32
        %dma_start3A_215 = tpu.memref_slice %arg3[%add3A, %add3A_212, %dma_start3A_213, %dma_start3A_214] : memref<32x80x2x128xi32, #tpu.memory_space<hbm>> -> memref<1x1x2x128xi32, #tpu.memory_space<hbm>>
        %dma_start3A_216 = tpu.memref_squeeze %dma_start3A_215 : memref<1x1x2x128xi32, #tpu.memory_space<hbm>> -> memref<2x128xi32, #tpu.memory_space<hbm>>
        %dma_start3A_217 = arith.constant 0 : i32
        %dma_start3A_218 = arith.constant 0 : i32
        %dma_start3A_219 = tpu.memref_slice %arg3[%add3A, %add3A_212, %dma_start3A_217, %dma_start3A_218] : memref<32x80x2x128xi32, #tpu.memory_space<hbm>> -> memref<1x1x2x128xi32, #tpu.memory_space<hbm>>
        %dma_start3A_220 = tpu.memref_squeeze %dma_start3A_219 : memref<1x1x2x128xi32, #tpu.memory_space<hbm>> -> memref<2x128xi32, #tpu.memory_space<hbm>>
        tpu.enqueue_dma source(%dma_start3A_220 : memref<2x128xi32, #tpu.memory_space<hbm>>) target(%arg7 : memref<2x128xi32, #tpu.memory_space<vmem>>) target_semaphore(%arg14 : memref<!tpu.dma_semaphore, #tpu.memory_space<semaphore_mem>>)
      } else {
      }
      %ge3A_189 = arith.constant 2 : i32
      %ge3A_190 = arith.cmpi sge, %add3A_183, %ge3A_189 : i32
      %convert_element_type3A_191 = arith.extui %ge3A_190 : i1 to i32
      %cond3A_192 = arith.constant 0 : i32
      %cond3A_193 = arith.cmpi ne, %convert_element_type3A_191, %cond3A_192 : i32
      scf.if %cond3A_193 {
        %sub3A = arith.constant 2 : i32
        %sub3A_211 = arith.subi %add3A_183, %sub3A : i32
        %dma_wait3A_212 = arith.constant 0 : i32
        %dma_wait3A_213 = arith.constant 0 : i32
        %dma_wait3A_214 = tpu.memref_slice %arg4[%add3A, %sub3A_211, %dma_wait3A_212, %dma_wait3A_213] : memref<32x80x128x128xf32, #tpu.memory_space<hbm>> -> memref<1x1x128x128xf32, #tpu.memory_space<hbm>>
        %dma_wait3A_215 = tpu.memref_squeeze %dma_wait3A_214 : memref<1x1x128x128xf32, #tpu.memory_space<hbm>> -> memref<128x128xf32, #tpu.memory_space<hbm>>
        %dma_wait3A_216 = arith.constant 0 : i32
        %dma_wait3A_217 = arith.constant 0 : i32
        %dma_wait3A_218 = tpu.memref_slice %arg4[%add3A, %sub3A_211, %dma_wait3A_216, %dma_wait3A_217] : memref<32x80x128x128xf32, #tpu.memory_space<hbm>> -> memref<1x1x128x128xf32, #tpu.memory_space<hbm>>
        %dma_wait3A_219 = tpu.memref_squeeze %dma_wait3A_218 : memref<1x1x128x128xf32, #tpu.memory_space<hbm>> -> memref<128x128xf32, #tpu.memory_space<hbm>>
        tpu.wait_dma2 semaphore(%arg18 : memref<!tpu.dma_semaphore, #tpu.memory_space<semaphore_mem>>) src(%arg11 : memref<128x128xf32, #tpu.memory_space<vmem>>) dst(%dma_wait3A_219 : memref<128x128xf32, #tpu.memory_space<hbm>>)
      } else {
      }
      %dma_wait3A_194 = arith.constant 0 : i32
      %dma_wait3A_195 = arith.constant 0 : i32
      %dma_wait3A_196 = tpu.memref_slice %arg3[%add3A, %add3A_183, %dma_wait3A_194, %dma_wait3A_195] : memref<32x80x2x128xi32, #tpu.memory_space<hbm>> -> memref<1x1x2x128xi32, #tpu.memory_space<hbm>>
      %dma_wait3A_197 = tpu.memref_squeeze %dma_wait3A_196 : memref<1x1x2x128xi32, #tpu.memory_space<hbm>> -> memref<2x128xi32, #tpu.memory_space<hbm>>
      %dma_wait3A_198 = arith.constant 0 : i32
      %dma_wait3A_199 = arith.constant 0 : i32
      %dma_wait3A_200 = tpu.memref_slice %arg3[%add3A, %add3A_183, %dma_wait3A_198, %dma_wait3A_199] : memref<32x80x2x128xi32, #tpu.memory_space<hbm>> -> memref<1x1x2x128xi32, #tpu.memory_space<hbm>>
      %dma_wait3A_201 = tpu.memref_squeeze %dma_wait3A_200 : memref<1x1x2x128xi32, #tpu.memory_space<hbm>> -> memref<2x128xi32, #tpu.memory_space<hbm>>
      tpu.wait_dma2 semaphore(%arg16 : memref<!tpu.dma_semaphore, #tpu.memory_space<semaphore_mem>>) src(%dma_wait3A_201 : memref<2x128xi32, #tpu.memory_space<hbm>>) dst(%arg9 : memref<2x128xi32, #tpu.memory_space<vmem>>)
      %run_scoped3A_202 = arith.constant 0 : i32
      "tpu.region"() ({
        %run_scoped3A_211 = tpu.sem_alloc : memref<!tpu.dma_semaphore, #tpu.memory_space<semaphore_mem>>
        %dma_start3A_212 = arith.constant 0 : i32
        %dma_start3A_213 = tpu.memref_slice %arg9[%run_scoped3A_202, %dma_start3A_212] : memref<2x128xi32, #tpu.memory_space<vmem>> -> memref<1x128xi32, #tpu.memory_space<vmem>>
        %dma_start3A_214 = tpu.memref_squeeze %dma_start3A_213 : memref<1x128xi32, #tpu.memory_space<vmem>> -> memref<128xi32, #tpu.memory_space<vmem>>
        %dma_start3A_215 = arith.constant 0 : i32
        %dma_start3A_216 = arith.constant 0 : i32
        %dma_start3A_217 = tpu.memref_slice %arg12[%dma_start3A_215, %dma_start3A_216] : memref<10240x128xf32, #tpu.memory_space<vmem_shared>> -> memref<10240x128xf32, #tpu.memory_space<vmem_shared>>
        tpu.enqueue_indirect_dma source(%dma_start3A_217 : memref<10240x128xf32, #tpu.memory_space<vmem_shared>>) target(%arg11 : memref<128x128xf32, #tpu.memory_space<vmem>>) offsets(%dma_start3A_214 : memref<128xi32, #tpu.memory_space<vmem>>) semaphore(%run_scoped3A_211 : memref<!tpu.dma_semaphore, #tpu.memory_space<semaphore_mem>>)
        %dma_wait3A_218 = arith.constant 0 : i32
        %dma_wait3A_219 = tpu.memref_slice %arg9[%run_scoped3A_202, %dma_wait3A_218] : memref<2x128xi32, #tpu.memory_space<vmem>> -> memref<1x128xi32, #tpu.memory_space<vmem>>
        %dma_wait3A_220 = tpu.memref_squeeze %dma_wait3A_219 : memref<1x128xi32, #tpu.memory_space<vmem>> -> memref<128xi32, #tpu.memory_space<vmem>>
        %dma_wait3A_221 = arith.constant 0 : i32
        %dma_wait3A_222 = arith.constant 0 : i32
        %dma_wait3A_223 = tpu.memref_slice %arg12[%dma_wait3A_221, %dma_wait3A_222] : memref<10240x128xf32, #tpu.memory_space<vmem_shared>> -> memref<10240x128xf32, #tpu.memory_space<vmem_shared>>
        tpu.wait_indirect_dma semaphore(%run_scoped3A_211 : memref<!tpu.dma_semaphore, #tpu.memory_space<semaphore_mem>>) src(%dma_wait3A_223 : memref<10240x128xf32, #tpu.memory_space<vmem_shared>>) dst(%arg11 : memref<128x128xf32, #tpu.memory_space<vmem>>)
        tpu.yield
      }) : () -> ()
      %dma_start3A_203 = arith.constant 0 : i32
      %dma_start3A_204 = arith.constant 0 : i32
      %dma_start3A_205 = tpu.memref_slice %arg4[%add3A, %add3A_183, %dma_start3A_203, %dma_start3A_204] : memref<32x80x128x128xf32, #tpu.memory_space<hbm>> -> memref<1x1x128x128xf32, #tpu.memory_space<hbm>>
      %dma_start3A_206 = tpu.memref_squeeze %dma_start3A_205 : memref<1x1x128x128xf32, #tpu.memory_space<hbm>> -> memref<128x128xf32, #tpu.memory_space<hbm>>
      %dma_start3A_207 = arith.constant 0 : i32
      %dma_start3A_208 = arith.constant 0 : i32
      %dma_start3A_209 = tpu.memref_slice %arg4[%add3A, %add3A_183, %dma_start3A_207, %dma_start3A_208] : memref<32x80x128x128xf32, #tpu.memory_space<hbm>> -> memref<1x1x128x128xf32, #tpu.memory_space<hbm>>
      %dma_start3A_210 = tpu.memref_squeeze %dma_start3A_209 : memref<1x1x128x128xf32, #tpu.memory_space<hbm>> -> memref<128x128xf32, #tpu.memory_space<hbm>>
      tpu.enqueue_dma source(%arg11 : memref<128x128xf32, #tpu.memory_space<vmem>>) target(%dma_start3A_210 : memref<128x128xf32, #tpu.memory_space<hbm>>) target_semaphore(%arg18 : memref<!tpu.dma_semaphore, #tpu.memory_space<semaphore_mem>>)
    }
    %scan3A_23 = arith.constant 20 : i32
    %dma_wait3A = arith.constant 78 : i32
    %dma_wait3A_24 = arith.constant 0 : i32
    %dma_wait3A_25 = arith.constant 0 : i32
    %dma_wait3A_26 = tpu.memref_slice %arg4[%add3A, %dma_wait3A, %dma_wait3A_24, %dma_wait3A_25] : memref<32x80x128x128xf32, #tpu.memory_space<hbm>> -> memref<1x1x128x128xf32, #tpu.memory_space<hbm>>
    %dma_wait3A_27 = tpu.memref_squeeze %dma_wait3A_26 : memref<1x1x128x128xf32, #tpu.memory_space<hbm>> -> memref<128x128xf32, #tpu.memory_space<hbm>>
    %dma_wait3A_28 = arith.constant 0 : i32
    %dma_wait3A_29 = arith.constant 0 : i32
    %dma_wait3A_30 = tpu.memref_slice %arg4[%add3A, %dma_wait3A, %dma_wait3A_28, %dma_wait3A_29] : memref<32x80x128x128xf32, #tpu.memory_space<hbm>> -> memref<1x1x128x128xf32, #tpu.memory_space<hbm>>
    %dma_wait3A_31 = tpu.memref_squeeze %dma_wait3A_30 : memref<1x1x128x128xf32, #tpu.memory_space<hbm>> -> memref<128x128xf32, #tpu.memory_space<hbm>>
    tpu.wait_dma2 semaphore(%arg17 : memref<!tpu.dma_semaphore, #tpu.memory_space<semaphore_mem>>) src(%arg10 : memref<128x128xf32, #tpu.memory_space<vmem>>) dst(%dma_wait3A_31 : memref<128x128xf32, #tpu.memory_space<hbm>>)
    %dma_wait3A_32 = arith.constant 79 : i32
    %dma_wait3A_33 = arith.constant 0 : i32
    %dma_wait3A_34 = arith.constant 0 : i32
    %dma_wait3A_35 = tpu.memref_slice %arg4[%add3A, %dma_wait3A_32, %dma_wait3A_33, %dma_wait3A_34] : memref<32x80x128x128xf32, #tpu.memory_space<hbm>> -> memref<1x1x128x128xf32, #tpu.memory_space<hbm>>
    %dma_wait3A_36 = tpu.memref_squeeze %dma_wait3A_35 : memref<1x1x128x128xf32, #tpu.memory_space<hbm>> -> memref<128x128xf32, #tpu.memory_space<hbm>>
    %dma_wait3A_37 = arith.constant 0 : i32
    %dma_wait3A_38 = arith.constant 0 : i32
    %dma_wait3A_39 = tpu.memref_slice %arg4[%add3A, %dma_wait3A_32, %dma_wait3A_37, %dma_wait3A_38] : memref<32x80x128x128xf32, #tpu.memory_space<hbm>> -> memref<1x1x128x128xf32, #tpu.memory_space<hbm>>
    %dma_wait3A_40 = tpu.memref_squeeze %dma_wait3A_39 : memref<1x1x128x128xf32, #tpu.memory_space<hbm>> -> memref<128x128xf32, #tpu.memory_space<hbm>>
    tpu.wait_dma2 semaphore(%arg18 : memref<!tpu.dma_semaphore, #tpu.memory_space<semaphore_mem>>) src(%arg11 : memref<128x128xf32, #tpu.memory_space<vmem>>) dst(%dma_wait3A_40 : memref<128x128xf32, #tpu.memory_space<hbm>>)
    %barrier3A_41 = arith.constant 0 : index
    tpu.barrier barrier_id(%barrier3A_41)
    %scan3A_42 = arith.constant 0 : i32
    %scan3A_43 = arith.constant 128 : i32
    %scan3A_44 = arith.addi %scan3A_42, %scan3A_43 : i32
    %scan3A_45 = arith.constant 1 : i32
    scf.for %scan3A_95 = %scan3A_42 to %scan3A_44 step %scan3A_45  : i32 {
      %mul3A_96 = arith.constant 1 : i32
      %mul3A_97 = arith.muli %scan3A_95, %mul3A_96 : i32
      %add3A_98 = arith.constant 0 : i32
      %add3A_99 = arith.addi %add3A_98, %mul3A_97 : i32
      %scan3A_100 = arith.constant 0 : i32
      %scan3A_101 = arith.constant 8 : i32
      %scan3A_102 = arith.addi %scan3A_100, %scan3A_101 : i32
      %scan3A_103 = arith.constant 1 : i32
      scf.for %scan3A_105 = %scan3A_100 to %scan3A_102 step %scan3A_103  : i32 {
        %mul3A_106 = arith.constant 16 : i32
        %mul3A_107 = arith.muli %scan3A_105, %mul3A_106 : i32
        %add3A_108 = arith.constant 0 : i32
        %add3A_109 = arith.addi %add3A_108, %mul3A_107 : i32
        %broadcast_in_dim3A = arith.constant 0.000000e+00 : f32
        %broadcast_in_dim3A_110 = vector.broadcast %broadcast_in_dim3A : f32 to vector<16xf32>
        %swap3A = arith.index_cast %add3A_99 : i32 to index
        %swap3A_111 = arith.index_cast %add3A_109 : i32 to index
        %swap3A_112 = tpu.vector_load %arg10[%swap3A, %swap3A_111] {strides = array<i32>} : memref<128x128xf32, #tpu.memory_space<vmem>>, vector<1x16xf32>,
        %swap3A_113 = vector.shape_cast %swap3A_112 : vector<1x16xf32> to vector<16xf32>
        %swap3A_114 = vector.shape_cast %broadcast_in_dim3A_110 : vector<16xf32> to vector<1x16xf32>
        tpu.vector_store %arg10[%swap3A, %swap3A_111], %swap3A_114 {strides = array<i32>} : memref<128x128xf32, #tpu.memory_space<vmem>>, vector<1x16xf32>,
      }
      %scan3A_104 = arith.constant 8 : i32
    }
    %scan3A_46 = arith.constant 128 : i32
    %scan3A_47 = arith.constant 0 : i32
    %scan3A_48 = arith.constant 5 : i32
    %scan3A_49 = arith.addi %scan3A_47, %scan3A_48 : i32
    %scan3A_50 = arith.constant 1 : i32
    scf.for %scan3A_95 = %scan3A_47 to %scan3A_49 step %scan3A_50  : i32 {
      %mul3A_96 = arith.constant 1 : i32
      %mul3A_97 = arith.muli %scan3A_95, %mul3A_96 : i32
      %add3A_98 = arith.constant 0 : i32
      %add3A_99 = arith.addi %add3A_98, %mul3A_97 : i32
      %mul3A_100 = arith.constant 640 : i32
      %mul3A_101 = arith.muli %arg1, %mul3A_100 : i32
      %mul3A_102 = arith.constant 128 : i32
      %mul3A_103 = arith.muli %add3A_99, %mul3A_102 : i32
      %add3A_104 = arith.addi %mul3A_101, %mul3A_103 : i32
      "tpu.region"() ({
        %run_scoped3A = tpu.sem_alloc : memref<!tpu.dma_semaphore, #tpu.memory_space<semaphore_mem>>
        %dma_start3A_105 = arith.constant 0 : i32
        %dma_start3A_106 = tpu.memref_slice %arg12[%add3A_104, %dma_start3A_105] : memref<10240x128xf32, #tpu.memory_space<vmem_shared>> -> memref<128x128xf32, #tpu.memory_space<vmem_shared>>
        %dma_start3A_107 = arith.constant 0 : i32
        %dma_start3A_108 = tpu.memref_slice %arg12[%add3A_104, %dma_start3A_107] : memref<10240x128xf32, #tpu.memory_space<vmem_shared>> -> memref<128x128xf32, #tpu.memory_space<vmem_shared>>
        tpu.enqueue_dma source(%arg10 : memref<128x128xf32, #tpu.memory_space<vmem>>) target(%dma_start3A_108 : memref<128x128xf32, #tpu.memory_space<vmem_shared>>) target_semaphore(%run_scoped3A : memref<!tpu.dma_semaphore, #tpu.memory_space<semaphore_mem>>)
        %dma_wait3A_109 = arith.constant 0 : i32
        %dma_wait3A_110 = tpu.memref_slice %arg12[%add3A_104, %dma_wait3A_109] : memref<10240x128xf32, #tpu.memory_space<vmem_shared>> -> memref<128x128xf32, #tpu.memory_space<vmem_shared>>
        %dma_wait3A_111 = arith.constant 0 : i32
        %dma_wait3A_112 = tpu.memref_slice %arg12[%add3A_104, %dma_wait3A_111] : memref<10240x128xf32, #tpu.memory_space<vmem_shared>> -> memref<128x128xf32, #tpu.memory_space<vmem_shared>>
        tpu.wait_dma2 semaphore(%run_scoped3A : memref<!tpu.dma_semaphore, #tpu.memory_space<semaphore_mem>>) src(%arg10 : memref<128x128xf32, #tpu.memory_space<vmem>>) dst(%dma_wait3A_112 : memref<128x128xf32, #tpu.memory_space<vmem_shared>>)
        tpu.yield
      }) : () -> ()
    }
    %scan3A_51 = arith.constant 5 : i32
    %barrier3A_52 = arith.constant 0 : index
    tpu.barrier barrier_id(%barrier3A_52)
    %dma_start3A_53 = arith.constant 0 : i32
    %dma_start3A_54 = arith.constant 0 : i32
    %dma_start3A_55 = arith.constant 0 : i32
    %dma_start3A_56 = tpu.memref_slice %arg3[%add3A, %dma_start3A_53, %dma_start3A_54, %dma_start3A_55] : memref<32x80x2x128xi32, #tpu.memory_space<hbm>> -> memref<1x1x2x128xi32, #tpu.memory_space<hbm>>
    %dma_start3A_57 = tpu.memref_squeeze %dma_start3A_56 : memref<1x1x2x128xi32, #tpu.memory_space<hbm>> -> memref<2x128xi32, #tpu.memory_space<hbm>>
    %dma_start3A_58 = arith.constant 0 : i32
    %dma_start3A_59 = arith.constant 0 : i32
    %dma_start3A_60 = tpu.memref_slice %arg3[%add3A, %dma_start3A_53, %dma_start3A_58, %dma_start3A_59] : memref<32x80x2x128xi32, #tpu.memory_space<hbm>> -> memref<1x1x2x128xi32, #tpu.memory_space<hbm>>
    %dma_start3A_61 = tpu.memref_squeeze %dma_start3A_60 : memref<1x1x2x128xi32, #tpu.memory_space<hbm>> -> memref<2x128xi32, #tpu.memory_space<hbm>>
    tpu.enqueue_dma source(%dma_start3A_61 : memref<2x128xi32, #tpu.memory_space<hbm>>) target(%arg6 : memref<2x128xi32, #tpu.memory_space<vmem>>) target_semaphore(%arg13 : memref<!tpu.dma_semaphore, #tpu.memory_space<semaphore_mem>>)
    %dma_start3A_62 = arith.constant 1 : i32
    %dma_start3A_63 = arith.constant 0 : i32
    %dma_start3A_64 = arith.constant 0 : i32
    %dma_start3A_65 = tpu.memref_slice %arg3[%add3A, %dma_start3A_62, %dma_start3A_63, %dma_start3A_64] : memref<32x80x2x128xi32, #tpu.memory_space<hbm>> -> memref<1x1x2x128xi32, #tpu.memory_space<hbm>>
    %dma_start3A_66 = tpu.memref_squeeze %dma_start3A_65 : memref<1x1x2x128xi32, #tpu.memory_space<hbm>> -> memref<2x128xi32, #tpu.memory_space<hbm>>
    %dma_start3A_67 = arith.constant 0 : i32
    %dma_start3A_68 = arith.constant 0 : i32
    %dma_start3A_69 = tpu.memref_slice %arg3[%add3A, %dma_start3A_62, %dma_start3A_67, %dma_start3A_68] : memref<32x80x2x128xi32, #tpu.memory_space<hbm>> -> memref<1x1x2x128xi32, #tpu.memory_space<hbm>>
    %dma_start3A_70 = tpu.memref_squeeze %dma_start3A_69 : memref<1x1x2x128xi32, #tpu.memory_space<hbm>> -> memref<2x128xi32, #tpu.memory_space<hbm>>
    tpu.enqueue_dma source(%dma_start3A_70 : memref<2x128xi32, #tpu.memory_space<hbm>>) target(%arg7 : memref<2x128xi32, #tpu.memory_space<vmem>>) target_semaphore(%arg14 : memref<!tpu.dma_semaphore, #tpu.memory_space<semaphore_mem>>)
    %dma_start3A_71 = arith.constant 0 : i32
    %dma_start3A_72 = arith.constant 0 : i32
    %dma_start3A_73 = arith.constant 0 : i32
    %dma_start3A_74 = tpu.memref_slice %arg4[%add3A, %dma_start3A_71, %dma_start3A_72, %dma_start3A_73] : memref<32x80x128x128xf32, #tpu.memory_space<hbm>> -> memref<1x1x128x128xf32, #tpu.memory_space<hbm>>
    %dma_start3A_75 = tpu.memref_squeeze %dma_start3A_74 : memref<1x1x128x128xf32, #tpu.memory_space<hbm>> -> memref<128x128xf32, #tpu.memory_space<hbm>>
    %dma_start3A_76 = arith.constant 0 : i32
    %dma_start3A_77 = arith.constant 0 : i32
    %dma_start3A_78 = tpu.memref_slice %arg4[%add3A, %dma_start3A_71, %dma_start3A_76, %dma_start3A_77] : memref<32x80x128x128xf32, #tpu.memory_space<hbm>> -> memref<1x1x128x128xf32, #tpu.memory_space<hbm>>
    %dma_start3A_79 = tpu.memref_squeeze %dma_start3A_78 : memref<1x1x128x128xf32, #tpu.memory_space<hbm>> -> memref<128x128xf32, #tpu.memory_space<hbm>>
    tpu.enqueue_dma source(%dma_start3A_79 : memref<128x128xf32, #tpu.memory_space<hbm>>) target(%arg10 : memref<128x128xf32, #tpu.memory_space<vmem>>) target_semaphore(%arg17 : memref<!tpu.dma_semaphore, #tpu.memory_space<semaphore_mem>>)
    %dma_start3A_80 = arith.constant 1 : i32
    %dma_start3A_81 = arith.constant 0 : i32
    %dma_start3A_82 = arith.constant 0 : i32
    %dma_start3A_83 = tpu.memref_slice %arg4[%add3A, %dma_start3A_80, %dma_start3A_81, %dma_start3A_82] : memref<32x80x128x128xf32, #tpu.memory_space<hbm>> -> memref<1x1x128x128xf32, #tpu.memory_space<hbm>>
    %dma_start3A_84 = tpu.memref_squeeze %dma_start3A_83 : memref<1x1x128x128xf32, #tpu.memory_space<hbm>> -> memref<128x128xf32, #tpu.memory_space<hbm>>
    %dma_start3A_85 = arith.constant 0 : i32
    %dma_start3A_86 = arith.constant 0 : i32
    %dma_start3A_87 = tpu.memref_slice %arg4[%add3A, %dma_start3A_80, %dma_start3A_85, %dma_start3A_86] : memref<32x80x128x128xf32, #tpu.memory_space<hbm>> -> memref<1x1x128x128xf32, #tpu.memory_space<hbm>>
    %dma_start3A_88 = tpu.memref_squeeze %dma_start3A_87 : memref<1x1x128x128xf32, #tpu.memory_space<hbm>> -> memref<128x128xf32, #tpu.memory_space<hbm>>
    tpu.enqueue_dma source(%dma_start3A_88 : memref<128x128xf32, #tpu.memory_space<hbm>>) target(%arg11 : memref<128x128xf32, #tpu.memory_space<vmem>>) target_semaphore(%arg18 : memref<!tpu.dma_semaphore, #tpu.memory_space<semaphore_mem>>)
    %scan3A_89 = arith.constant 0 : i32
    %scan3A_90 = arith.constant 20 : i32
    %scan3A_91 = arith.addi %scan3A_89, %scan3A_90 : i32
    %scan3A_92 = arith.constant 1 : i32
    scf.for %scan3A_95 = %scan3A_89 to %scan3A_91 step %scan3A_92  : i32 {
      %mul3A_96 = arith.constant 4 : i32
      %mul3A_97 = arith.muli %scan3A_95, %mul3A_96 : i32
      %add3A_98 = arith.constant 0 : i32
      %add3A_99 = arith.addi %add3A_98, %mul3A_97 : i32
      %add3A_100 = arith.constant 0 : i32
      %add3A_101 = arith.addi %add3A_99, %add3A_100 : i32
      %lt3A = arith.constant 78 : i32
      %lt3A_102 = arith.cmpi slt, %add3A_101, %lt3A : i32
      %convert_element_type3A = arith.extui %lt3A_102 : i1 to i32
      %cond3A = arith.constant 0 : i32
      %cond3A_103 = arith.cmpi ne, %convert_element_type3A, %cond3A : i32
      scf.if %cond3A_103 {
        %add3A_212 = arith.constant 2 : i32
        %add3A_213 = arith.addi %add3A_101, %add3A_212 : i32
        %dma_start3A_214 = arith.constant 0 : i32
        %dma_start3A_215 = arith.constant 0 : i32
        %dma_start3A_216 = tpu.memref_slice %arg3[%add3A, %add3A_213, %dma_start3A_214, %dma_start3A_215] : memref<32x80x2x128xi32, #tpu.memory_space<hbm>> -> memref<1x1x2x128xi32, #tpu.memory_space<hbm>>
        %dma_start3A_217 = tpu.memref_squeeze %dma_start3A_216 : memref<1x1x2x128xi32, #tpu.memory_space<hbm>> -> memref<2x128xi32, #tpu.memory_space<hbm>>
        %dma_start3A_218 = arith.constant 0 : i32
        %dma_start3A_219 = arith.constant 0 : i32
        %dma_start3A_220 = tpu.memref_slice %arg3[%add3A, %add3A_213, %dma_start3A_218, %dma_start3A_219] : memref<32x80x2x128xi32, #tpu.memory_space<hbm>> -> memref<1x1x2x128xi32, #tpu.memory_space<hbm>>
        %dma_start3A_221 = tpu.memref_squeeze %dma_start3A_220 : memref<1x1x2x128xi32, #tpu.memory_space<hbm>> -> memref<2x128xi32, #tpu.memory_space<hbm>>
        tpu.enqueue_dma source(%dma_start3A_221 : memref<2x128xi32, #tpu.memory_space<hbm>>) target(%arg8 : memref<2x128xi32, #tpu.memory_space<vmem>>) target_semaphore(%arg15 : memref<!tpu.dma_semaphore, #tpu.memory_space<semaphore_mem>>)
      } else {
      }
      %dma_wait3A_104 = arith.constant 0 : i32
      %dma_wait3A_105 = arith.constant 0 : i32
      %dma_wait3A_106 = tpu.memref_slice %arg3[%add3A, %add3A_101, %dma_wait3A_104, %dma_wait3A_105] : memref<32x80x2x128xi32, #tpu.memory_space<hbm>> -> memref<1x1x2x128xi32, #tpu.memory_space<hbm>>
      %dma_wait3A_107 = tpu.memref_squeeze %dma_wait3A_106 : memref<1x1x2x128xi32, #tpu.memory_space<hbm>> -> memref<2x128xi32, #tpu.memory_space<hbm>>
      %dma_wait3A_108 = arith.constant 0 : i32
      %dma_wait3A_109 = arith.constant 0 : i32
      %dma_wait3A_110 = tpu.memref_slice %arg3[%add3A, %add3A_101, %dma_wait3A_108, %dma_wait3A_109] : memref<32x80x2x128xi32, #tpu.memory_space<hbm>> -> memref<1x1x2x128xi32, #tpu.memory_space<hbm>>
      %dma_wait3A_111 = tpu.memref_squeeze %dma_wait3A_110 : memref<1x1x2x128xi32, #tpu.memory_space<hbm>> -> memref<2x128xi32, #tpu.memory_space<hbm>>
      tpu.wait_dma2 semaphore(%arg13 : memref<!tpu.dma_semaphore, #tpu.memory_space<semaphore_mem>>) src(%dma_wait3A_111 : memref<2x128xi32, #tpu.memory_space<hbm>>) dst(%arg6 : memref<2x128xi32, #tpu.memory_space<vmem>>)
      %dma_wait3A_112 = arith.constant 0 : i32
      %dma_wait3A_113 = arith.constant 0 : i32
      %dma_wait3A_114 = tpu.memref_slice %arg4[%add3A, %add3A_101, %dma_wait3A_112, %dma_wait3A_113] : memref<32x80x128x128xf32, #tpu.memory_space<hbm>> -> memref<1x1x128x128xf32, #tpu.memory_space<hbm>>
      %dma_wait3A_115 = tpu.memref_squeeze %dma_wait3A_114 : memref<1x1x128x128xf32, #tpu.memory_space<hbm>> -> memref<128x128xf32, #tpu.memory_space<hbm>>
      %dma_wait3A_116 = arith.constant 0 : i32
      %dma_wait3A_117 = arith.constant 0 : i32
      %dma_wait3A_118 = tpu.memref_slice %arg4[%add3A, %add3A_101, %dma_wait3A_116, %dma_wait3A_117] : memref<32x80x128x128xf32, #tpu.memory_space<hbm>> -> memref<1x1x128x128xf32, #tpu.memory_space<hbm>>
      %dma_wait3A_119 = tpu.memref_squeeze %dma_wait3A_118 : memref<1x1x128x128xf32, #tpu.memory_space<hbm>> -> memref<128x128xf32, #tpu.memory_space<hbm>>
      tpu.wait_dma2 semaphore(%arg17 : memref<!tpu.dma_semaphore, #tpu.memory_space<semaphore_mem>>) src(%dma_wait3A_119 : memref<128x128xf32, #tpu.memory_space<hbm>>) dst(%arg10 : memref<128x128xf32, #tpu.memory_space<vmem>>)
      %run_scoped3A = arith.constant 1 : i32
      "tpu.region"() ({
        %run_scoped3A_212 = tpu.sem_alloc : memref<!tpu.dma_semaphore, #tpu.memory_space<semaphore_mem>>
        %dma_start3A_213 = arith.constant 0 : i32
        %dma_start3A_214 = tpu.memref_slice %arg6[%run_scoped3A, %dma_start3A_213] : memref<2x128xi32, #tpu.memory_space<vmem>> -> memref<1x128xi32, #tpu.memory_space<vmem>>
        %dma_start3A_215 = tpu.memref_squeeze %dma_start3A_214 : memref<1x128xi32, #tpu.memory_space<vmem>> -> memref<128xi32, #tpu.memory_space<vmem>>
        %dma_start3A_216 = arith.constant 0 : i32
        %dma_start3A_217 = arith.constant 0 : i32
        %dma_start3A_218 = tpu.memref_slice %arg12[%dma_start3A_216, %dma_start3A_217] : memref<10240x128xf32, #tpu.memory_space<vmem_shared>> -> memref<10240x128xf32, #tpu.memory_space<vmem_shared>>
        tpu.enqueue_indirect_dma source(%arg10 : memref<128x128xf32, #tpu.memory_space<vmem>>) target(%dma_start3A_218 : memref<10240x128xf32, #tpu.memory_space<vmem_shared>>) offsets(%dma_start3A_215 : memref<128xi32, #tpu.memory_space<vmem>>) semaphore(%run_scoped3A_212 : memref<!tpu.dma_semaphore, #tpu.memory_space<semaphore_mem>>) {add = true}
        %dma_wait3A_219 = arith.constant 0 : i32
        %dma_wait3A_220 = tpu.memref_slice %arg6[%run_scoped3A, %dma_wait3A_219] : memref<2x128xi32, #tpu.memory_space<vmem>> -> memref<1x128xi32, #tpu.memory_space<vmem>>
        %dma_wait3A_221 = tpu.memref_squeeze %dma_wait3A_220 : memref<1x128xi32, #tpu.memory_space<vmem>> -> memref<128xi32, #tpu.memory_space<vmem>>
        %dma_wait3A_222 = arith.constant 0 : i32
        %dma_wait3A_223 = arith.constant 0 : i32
        %dma_wait3A_224 = tpu.memref_slice %arg12[%dma_wait3A_222, %dma_wait3A_223] : memref<10240x128xf32, #tpu.memory_space<vmem_shared>> -> memref<10240x128xf32, #tpu.memory_space<vmem_shared>>
        tpu.wait_indirect_dma semaphore(%run_scoped3A_212 : memref<!tpu.dma_semaphore, #tpu.memory_space<semaphore_mem>>) src(%arg10 : memref<128x128xf32, #tpu.memory_space<vmem>>) dst(%dma_wait3A_224 : memref<10240x128xf32, #tpu.memory_space<vmem_shared>>)
        tpu.yield
      }) : () -> ()
      %lt3A_120 = arith.constant 78 : i32
      %lt3A_121 = arith.cmpi slt, %add3A_101, %lt3A_120 : i32
      %convert_element_type3A_122 = arith.extui %lt3A_121 : i1 to i32
      %cond3A_123 = arith.constant 0 : i32
      %cond3A_124 = arith.cmpi ne, %convert_element_type3A_122, %cond3A_123 : i32
      scf.if %cond3A_124 {
        %add3A_212 = arith.constant 2 : i32
        %add3A_213 = arith.addi %add3A_101, %add3A_212 : i32
        %dma_start3A_214 = arith.constant 0 : i32
        %dma_start3A_215 = arith.constant 0 : i32
        %dma_start3A_216 = tpu.memref_slice %arg4[%add3A, %add3A_213, %dma_start3A_214, %dma_start3A_215] : memref<32x80x128x128xf32, #tpu.memory_space<hbm>> -> memref<1x1x128x128xf32, #tpu.memory_space<hbm>>
        %dma_start3A_217 = tpu.memref_squeeze %dma_start3A_216 : memref<1x1x128x128xf32, #tpu.memory_space<hbm>> -> memref<128x128xf32, #tpu.memory_space<hbm>>
        %dma_start3A_218 = arith.constant 0 : i32
        %dma_start3A_219 = arith.constant 0 : i32
        %dma_start3A_220 = tpu.memref_slice %arg4[%add3A, %add3A_213, %dma_start3A_218, %dma_start3A_219] : memref<32x80x128x128xf32, #tpu.memory_space<hbm>> -> memref<1x1x128x128xf32, #tpu.memory_space<hbm>>
        %dma_start3A_221 = tpu.memref_squeeze %dma_start3A_220 : memref<1x1x128x128xf32, #tpu.memory_space<hbm>> -> memref<128x128xf32, #tpu.memory_space<hbm>>
        tpu.enqueue_dma source(%dma_start3A_221 : memref<128x128xf32, #tpu.memory_space<hbm>>) target(%arg10 : memref<128x128xf32, #tpu.memory_space<vmem>>) target_semaphore(%arg17 : memref<!tpu.dma_semaphore, #tpu.memory_space<semaphore_mem>>)
      } else {
      }
      %add3A_125 = arith.constant 1 : i32
      %add3A_126 = arith.addi %add3A_99, %add3A_125 : i32
      %lt3A_127 = arith.constant 78 : i32
      %lt3A_128 = arith.cmpi slt, %add3A_126, %lt3A_127 : i32
      %convert_element_type3A_129 = arith.extui %lt3A_128 : i1 to i32
      %cond3A_130 = arith.constant 0 : i32
      %cond3A_131 = arith.cmpi ne, %convert_element_type3A_129, %cond3A_130 : i32
      scf.if %cond3A_131 {
        %add3A_212 = arith.constant 2 : i32
        %add3A_213 = arith.addi %add3A_126, %add3A_212 : i32
        %dma_start3A_214 = arith.constant 0 : i32
        %dma_start3A_215 = arith.constant 0 : i32
        %dma_start3A_216 = tpu.memref_slice %arg3[%add3A, %add3A_213, %dma_start3A_214, %dma_start3A_215] : memref<32x80x2x128xi32, #tpu.memory_space<hbm>> -> memref<1x1x2x128xi32, #tpu.memory_space<hbm>>
        %dma_start3A_217 = tpu.memref_squeeze %dma_start3A_216 : memref<1x1x2x128xi32, #tpu.memory_space<hbm>> -> memref<2x128xi32, #tpu.memory_space<hbm>>
        %dma_start3A_218 = arith.constant 0 : i32
        %dma_start3A_219 = arith.constant 0 : i32
        %dma_start3A_220 = tpu.memref_slice %arg3[%add3A, %add3A_213, %dma_start3A_218, %dma_start3A_219] : memref<32x80x2x128xi32, #tpu.memory_space<hbm>> -> memref<1x1x2x128xi32, #tpu.memory_space<hbm>>
        %dma_start3A_221 = tpu.memref_squeeze %dma_start3A_220 : memref<1x1x2x128xi32, #tpu.memory_space<hbm>> -> memref<2x128xi32, #tpu.memory_space<hbm>>
        tpu.enqueue_dma source(%dma_start3A_221 : memref<2x128xi32, #tpu.memory_space<hbm>>) target(%arg9 : memref<2x128xi32, #tpu.memory_space<vmem>>) target_semaphore(%arg16 : memref<!tpu.dma_semaphore, #tpu.memory_space<semaphore_mem>>)
      } else {
      }
      %dma_wait3A_132 = arith.constant 0 : i32
      %dma_wait3A_133 = arith.constant 0 : i32
      %dma_wait3A_134 = tpu.memref_slice %arg3[%add3A, %add3A_126, %dma_wait3A_132, %dma_wait3A_133] : memref<32x80x2x128xi32, #tpu.memory_space<hbm>> -> memref<1x1x2x128xi32, #tpu.memory_space<hbm>>
      %dma_wait3A_135 = tpu.memref_squeeze %dma_wait3A_134 : memref<1x1x2x128xi32, #tpu.memory_space<hbm>> -> memref<2x128xi32, #tpu.memory_space<hbm>>
      %dma_wait3A_136 = arith.constant 0 : i32
      %dma_wait3A_137 = arith.constant 0 : i32
      %dma_wait3A_138 = tpu.memref_slice %arg3[%add3A, %add3A_126, %dma_wait3A_136, %dma_wait3A_137] : memref<32x80x2x128xi32, #tpu.memory_space<hbm>> -> memref<1x1x2x128xi32, #tpu.memory_space<hbm>>
      %dma_wait3A_139 = tpu.memref_squeeze %dma_wait3A_138 : memref<1x1x2x128xi32, #tpu.memory_space<hbm>> -> memref<2x128xi32, #tpu.memory_space<hbm>>
      tpu.wait_dma2 semaphore(%arg14 : memref<!tpu.dma_semaphore, #tpu.memory_space<semaphore_mem>>) src(%dma_wait3A_139 : memref<2x128xi32, #tpu.memory_space<hbm>>) dst(%arg7 : memref<2x128xi32, #tpu.memory_space<vmem>>)
      %dma_wait3A_140 = arith.constant 0 : i32
      %dma_wait3A_141 = arith.constant 0 : i32
      %dma_wait3A_142 = tpu.memref_slice %arg4[%add3A, %add3A_126, %dma_wait3A_140, %dma_wait3A_141] : memref<32x80x128x128xf32, #tpu.memory_space<hbm>> -> memref<1x1x128x128xf32, #tpu.memory_space<hbm>>
      %dma_wait3A_143 = tpu.memref_squeeze %dma_wait3A_142 : memref<1x1x128x128xf32, #tpu.memory_space<hbm>> -> memref<128x128xf32, #tpu.memory_space<hbm>>
      %dma_wait3A_144 = arith.constant 0 : i32
      %dma_wait3A_145 = arith.constant 0 : i32
      %dma_wait3A_146 = tpu.memref_slice %arg4[%add3A, %add3A_126, %dma_wait3A_144, %dma_wait3A_145] : memref<32x80x128x128xf32, #tpu.memory_space<hbm>> -> memref<1x1x128x128xf32, #tpu.memory_space<hbm>>
      %dma_wait3A_147 = tpu.memref_squeeze %dma_wait3A_146 : memref<1x1x128x128xf32, #tpu.memory_space<hbm>> -> memref<128x128xf32, #tpu.memory_space<hbm>>
      tpu.wait_dma2 semaphore(%arg18 : memref<!tpu.dma_semaphore, #tpu.memory_space<semaphore_mem>>) src(%dma_wait3A_147 : memref<128x128xf32, #tpu.memory_space<hbm>>) dst(%arg11 : memref<128x128xf32, #tpu.memory_space<vmem>>)
      %run_scoped3A_148 = arith.constant 1 : i32
      "tpu.region"() ({
        %run_scoped3A_212 = tpu.sem_alloc : memref<!tpu.dma_semaphore, #tpu.memory_space<semaphore_mem>>
        %dma_start3A_213 = arith.constant 0 : i32
        %dma_start3A_214 = tpu.memref_slice %arg7[%run_scoped3A_148, %dma_start3A_213] : memref<2x128xi32, #tpu.memory_space<vmem>> -> memref<1x128xi32, #tpu.memory_space<vmem>>
        %dma_start3A_215 = tpu.memref_squeeze %dma_start3A_214 : memref<1x128xi32, #tpu.memory_space<vmem>> -> memref<128xi32, #tpu.memory_space<vmem>>
        %dma_start3A_216 = arith.constant 0 : i32
        %dma_start3A_217 = arith.constant 0 : i32
        %dma_start3A_218 = tpu.memref_slice %arg12[%dma_start3A_216, %dma_start3A_217] : memref<10240x128xf32, #tpu.memory_space<vmem_shared>> -> memref<10240x128xf32, #tpu.memory_space<vmem_shared>>
        tpu.enqueue_indirect_dma source(%arg11 : memref<128x128xf32, #tpu.memory_space<vmem>>) target(%dma_start3A_218 : memref<10240x128xf32, #tpu.memory_space<vmem_shared>>) offsets(%dma_start3A_215 : memref<128xi32, #tpu.memory_space<vmem>>) semaphore(%run_scoped3A_212 : memref<!tpu.dma_semaphore, #tpu.memory_space<semaphore_mem>>) {add = true}
        %dma_wait3A_219 = arith.constant 0 : i32
        %dma_wait3A_220 = tpu.memref_slice %arg7[%run_scoped3A_148, %dma_wait3A_219] : memref<2x128xi32, #tpu.memory_space<vmem>> -> memref<1x128xi32, #tpu.memory_space<vmem>>
        %dma_wait3A_221 = tpu.memref_squeeze %dma_wait3A_220 : memref<1x128xi32, #tpu.memory_space<vmem>> -> memref<128xi32, #tpu.memory_space<vmem>>
        %dma_wait3A_222 = arith.constant 0 : i32
        %dma_wait3A_223 = arith.constant 0 : i32
        %dma_wait3A_224 = tpu.memref_slice %arg12[%dma_wait3A_222, %dma_wait3A_223] : memref<10240x128xf32, #tpu.memory_space<vmem_shared>> -> memref<10240x128xf32, #tpu.memory_space<vmem_shared>>
        tpu.wait_indirect_dma semaphore(%run_scoped3A_212 : memref<!tpu.dma_semaphore, #tpu.memory_space<semaphore_mem>>) src(%arg11 : memref<128x128xf32, #tpu.memory_space<vmem>>) dst(%dma_wait3A_224 : memref<10240x128xf32, #tpu.memory_space<vmem_shared>>)
        tpu.yield
      }) : () -> ()
      %lt3A_149 = arith.constant 78 : i32
      %lt3A_150 = arith.cmpi slt, %add3A_126, %lt3A_149 : i32
      %convert_element_type3A_151 = arith.extui %lt3A_150 : i1 to i32
      %cond3A_152 = arith.constant 0 : i32
      %cond3A_153 = arith.cmpi ne, %convert_element_type3A_151, %cond3A_152 : i32
      scf.if %cond3A_153 {
        %add3A_212 = arith.constant 2 : i32
        %add3A_213 = arith.addi %add3A_126, %add3A_212 : i32
        %dma_start3A_214 = arith.constant 0 : i32
        %dma_start3A_215 = arith.constant 0 : i32
        %dma_start3A_216 = tpu.memref_slice %arg4[%add3A, %add3A_213, %dma_start3A_214, %dma_start3A_215] : memref<32x80x128x128xf32, #tpu.memory_space<hbm>> -> memref<1x1x128x128xf32, #tpu.memory_space<hbm>>
        %dma_start3A_217 = tpu.memref_squeeze %dma_start3A_216 : memref<1x1x128x128xf32, #tpu.memory_space<hbm>> -> memref<128x128xf32, #tpu.memory_space<hbm>>
        %dma_start3A_218 = arith.constant 0 : i32
        %dma_start3A_219 = arith.constant 0 : i32
        %dma_start3A_220 = tpu.memref_slice %arg4[%add3A, %add3A_213, %dma_start3A_218, %dma_start3A_219] : memref<32x80x128x128xf32, #tpu.memory_space<hbm>> -> memref<1x1x128x128xf32, #tpu.memory_space<hbm>>
        %dma_start3A_221 = tpu.memref_squeeze %dma_start3A_220 : memref<1x1x128x128xf32, #tpu.memory_space<hbm>> -> memref<128x128xf32, #tpu.memory_space<hbm>>
        tpu.enqueue_dma source(%dma_start3A_221 : memref<128x128xf32, #tpu.memory_space<hbm>>) target(%arg11 : memref<128x128xf32, #tpu.memory_space<vmem>>) target_semaphore(%arg18 : memref<!tpu.dma_semaphore, #tpu.memory_space<semaphore_mem>>)
      } else {
      }
      %add3A_154 = arith.constant 2 : i32
      %add3A_155 = arith.addi %add3A_99, %add3A_154 : i32
      %lt3A_156 = arith.constant 78 : i32
      %lt3A_157 = arith.cmpi slt, %add3A_155, %lt3A_156 : i32
      %convert_element_type3A_158 = arith.extui %lt3A_157 : i1 to i32
      %cond3A_159 = arith.constant 0 : i32
      %cond3A_160 = arith.cmpi ne, %convert_element_type3A_158, %cond3A_159 : i32
      scf.if %cond3A_160 {
        %add3A_212 = arith.constant 2 : i32
        %add3A_213 = arith.addi %add3A_155, %add3A_212 : i32
        %dma_start3A_214 = arith.constant 0 : i32
        %dma_start3A_215 = arith.constant 0 : i32
        %dma_start3A_216 = tpu.memref_slice %arg3[%add3A, %add3A_213, %dma_start3A_214, %dma_start3A_215] : memref<32x80x2x128xi32, #tpu.memory_space<hbm>> -> memref<1x1x2x128xi32, #tpu.memory_space<hbm>>
        %dma_start3A_217 = tpu.memref_squeeze %dma_start3A_216 : memref<1x1x2x128xi32, #tpu.memory_space<hbm>> -> memref<2x128xi32, #tpu.memory_space<hbm>>
        %dma_start3A_218 = arith.constant 0 : i32
        %dma_start3A_219 = arith.constant 0 : i32
        %dma_start3A_220 = tpu.memref_slice %arg3[%add3A, %add3A_213, %dma_start3A_218, %dma_start3A_219] : memref<32x80x2x128xi32, #tpu.memory_space<hbm>> -> memref<1x1x2x128xi32, #tpu.memory_space<hbm>>
        %dma_start3A_221 = tpu.memref_squeeze %dma_start3A_220 : memref<1x1x2x128xi32, #tpu.memory_space<hbm>> -> memref<2x128xi32, #tpu.memory_space<hbm>>
        tpu.enqueue_dma source(%dma_start3A_221 : memref<2x128xi32, #tpu.memory_space<hbm>>) target(%arg6 : memref<2x128xi32, #tpu.memory_space<vmem>>) target_semaphore(%arg13 : memref<!tpu.dma_semaphore, #tpu.memory_space<semaphore_mem>>)
      } else {
      }
      %dma_wait3A_161 = arith.constant 0 : i32
      %dma_wait3A_162 = arith.constant 0 : i32
      %dma_wait3A_163 = tpu.memref_slice %arg3[%add3A, %add3A_155, %dma_wait3A_161, %dma_wait3A_162] : memref<32x80x2x128xi32, #tpu.memory_space<hbm>> -> memref<1x1x2x128xi32, #tpu.memory_space<hbm>>
      %dma_wait3A_164 = tpu.memref_squeeze %dma_wait3A_163 : memref<1x1x2x128xi32, #tpu.memory_space<hbm>> -> memref<2x128xi32, #tpu.memory_space<hbm>>
      %dma_wait3A_165 = arith.constant 0 : i32
      %dma_wait3A_166 = arith.constant 0 : i32
      %dma_wait3A_167 = tpu.memref_slice %arg3[%add3A, %add3A_155, %dma_wait3A_165, %dma_wait3A_166] : memref<32x80x2x128xi32, #tpu.memory_space<hbm>> -> memref<1x1x2x128xi32, #tpu.memory_space<hbm>>
      %dma_wait3A_168 = tpu.memref_squeeze %dma_wait3A_167 : memref<1x1x2x128xi32, #tpu.memory_space<hbm>> -> memref<2x128xi32, #tpu.memory_space<hbm>>
      tpu.wait_dma2 semaphore(%arg15 : memref<!tpu.dma_semaphore, #tpu.memory_space<semaphore_mem>>) src(%dma_wait3A_168 : memref<2x128xi32, #tpu.memory_space<hbm>>) dst(%arg8 : memref<2x128xi32, #tpu.memory_space<vmem>>)
      %dma_wait3A_169 = arith.constant 0 : i32
      %dma_wait3A_170 = arith.constant 0 : i32
      %dma_wait3A_171 = tpu.memref_slice %arg4[%add3A, %add3A_155, %dma_wait3A_169, %dma_wait3A_170] : memref<32x80x128x128xf32, #tpu.memory_space<hbm>> -> memref<1x1x128x128xf32, #tpu.memory_space<hbm>>
      %dma_wait3A_172 = tpu.memref_squeeze %dma_wait3A_171 : memref<1x1x128x128xf32, #tpu.memory_space<hbm>> -> memref<128x128xf32, #tpu.memory_space<hbm>>
      %dma_wait3A_173 = arith.constant 0 : i32
      %dma_wait3A_174 = arith.constant 0 : i32
      %dma_wait3A_175 = tpu.memref_slice %arg4[%add3A, %add3A_155, %dma_wait3A_173, %dma_wait3A_174] : memref<32x80x128x128xf32, #tpu.memory_space<hbm>> -> memref<1x1x128x128xf32, #tpu.memory_space<hbm>>
      %dma_wait3A_176 = tpu.memref_squeeze %dma_wait3A_175 : memref<1x1x128x128xf32, #tpu.memory_space<hbm>> -> memref<128x128xf32, #tpu.memory_space<hbm>>
      tpu.wait_dma2 semaphore(%arg17 : memref<!tpu.dma_semaphore, #tpu.memory_space<semaphore_mem>>) src(%dma_wait3A_176 : memref<128x128xf32, #tpu.memory_space<hbm>>) dst(%arg10 : memref<128x128xf32, #tpu.memory_space<vmem>>)
      %run_scoped3A_177 = arith.constant 1 : i32
      "tpu.region"() ({
        %run_scoped3A_212 = tpu.sem_alloc : memref<!tpu.dma_semaphore, #tpu.memory_space<semaphore_mem>>
        %dma_start3A_213 = arith.constant 0 : i32
        %dma_start3A_214 = tpu.memref_slice %arg8[%run_scoped3A_177, %dma_start3A_213] : memref<2x128xi32, #tpu.memory_space<vmem>> -> memref<1x128xi32, #tpu.memory_space<vmem>>
        %dma_start3A_215 = tpu.memref_squeeze %dma_start3A_214 : memref<1x128xi32, #tpu.memory_space<vmem>> -> memref<128xi32, #tpu.memory_space<vmem>>
        %dma_start3A_216 = arith.constant 0 : i32
        %dma_start3A_217 = arith.constant 0 : i32
        %dma_start3A_218 = tpu.memref_slice %arg12[%dma_start3A_216, %dma_start3A_217] : memref<10240x128xf32, #tpu.memory_space<vmem_shared>> -> memref<10240x128xf32, #tpu.memory_space<vmem_shared>>
        tpu.enqueue_indirect_dma source(%arg10 : memref<128x128xf32, #tpu.memory_space<vmem>>) target(%dma_start3A_218 : memref<10240x128xf32, #tpu.memory_space<vmem_shared>>) offsets(%dma_start3A_215 : memref<128xi32, #tpu.memory_space<vmem>>) semaphore(%run_scoped3A_212 : memref<!tpu.dma_semaphore, #tpu.memory_space<semaphore_mem>>) {add = true}
        %dma_wait3A_219 = arith.constant 0 : i32
        %dma_wait3A_220 = tpu.memref_slice %arg8[%run_scoped3A_177, %dma_wait3A_219] : memref<2x128xi32, #tpu.memory_space<vmem>> -> memref<1x128xi32, #tpu.memory_space<vmem>>
        %dma_wait3A_221 = tpu.memref_squeeze %dma_wait3A_220 : memref<1x128xi32, #tpu.memory_space<vmem>> -> memref<128xi32, #tpu.memory_space<vmem>>
        %dma_wait3A_222 = arith.constant 0 : i32
        %dma_wait3A_223 = arith.constant 0 : i32
        %dma_wait3A_224 = tpu.memref_slice %arg12[%dma_wait3A_222, %dma_wait3A_223] : memref<10240x128xf32, #tpu.memory_space<vmem_shared>> -> memref<10240x128xf32, #tpu.memory_space<vmem_shared>>
        tpu.wait_indirect_dma semaphore(%run_scoped3A_212 : memref<!tpu.dma_semaphore, #tpu.memory_space<semaphore_mem>>) src(%arg10 : memref<128x128xf32, #tpu.memory_space<vmem>>) dst(%dma_wait3A_224 : memref<10240x128xf32, #tpu.memory_space<vmem_shared>>)
        tpu.yield
      }) : () -> ()
      %lt3A_178 = arith.constant 78 : i32
      %lt3A_179 = arith.cmpi slt, %add3A_155, %lt3A_178 : i32
      %convert_element_type3A_180 = arith.extui %lt3A_179 : i1 to i32
      %cond3A_181 = arith.constant 0 : i32
      %cond3A_182 = arith.cmpi ne, %convert_element_type3A_180, %cond3A_181 : i32
      scf.if %cond3A_182 {
        %add3A_212 = arith.constant 2 : i32
        %add3A_213 = arith.addi %add3A_155, %add3A_212 : i32
        %dma_start3A_214 = arith.constant 0 : i32
        %dma_start3A_215 = arith.constant 0 : i32
        %dma_start3A_216 = tpu.memref_slice %arg4[%add3A, %add3A_213, %dma_start3A_214, %dma_start3A_215] : memref<32x80x128x128xf32, #tpu.memory_space<hbm>> -> memref<1x1x128x128xf32, #tpu.memory_space<hbm>>
        %dma_start3A_217 = tpu.memref_squeeze %dma_start3A_216 : memref<1x1x128x128xf32, #tpu.memory_space<hbm>> -> memref<128x128xf32, #tpu.memory_space<hbm>>
        %dma_start3A_218 = arith.constant 0 : i32
        %dma_start3A_219 = arith.constant 0 : i32
        %dma_start3A_220 = tpu.memref_slice %arg4[%add3A, %add3A_213, %dma_start3A_218, %dma_start3A_219] : memref<32x80x128x128xf32, #tpu.memory_space<hbm>> -> memref<1x1x128x128xf32, #tpu.memory_space<hbm>>
        %dma_start3A_221 = tpu.memref_squeeze %dma_start3A_220 : memref<1x1x128x128xf32, #tpu.memory_space<hbm>> -> memref<128x128xf32, #tpu.memory_space<hbm>>
        tpu.enqueue_dma source(%dma_start3A_221 : memref<128x128xf32, #tpu.memory_space<hbm>>) target(%arg10 : memref<128x128xf32, #tpu.memory_space<vmem>>) target_semaphore(%arg17 : memref<!tpu.dma_semaphore, #tpu.memory_space<semaphore_mem>>)
      } else {
      }
      %add3A_183 = arith.constant 3 : i32
      %add3A_184 = arith.addi %add3A_99, %add3A_183 : i32
      %lt3A_185 = arith.constant 78 : i32
      %lt3A_186 = arith.cmpi slt, %add3A_184, %lt3A_185 : i32
      %convert_element_type3A_187 = arith.extui %lt3A_186 : i1 to i32
      %cond3A_188 = arith.constant 0 : i32
      %cond3A_189 = arith.cmpi ne, %convert_element_type3A_187, %cond3A_188 : i32
      scf.if %cond3A_189 {
        %add3A_212 = arith.constant 2 : i32
        %add3A_213 = arith.addi %add3A_184, %add3A_212 : i32
        %dma_start3A_214 = arith.constant 0 : i32
        %dma_start3A_215 = arith.constant 0 : i32
        %dma_start3A_216 = tpu.memref_slice %arg3[%add3A, %add3A_213, %dma_start3A_214, %dma_start3A_215] : memref<32x80x2x128xi32, #tpu.memory_space<hbm>> -> memref<1x1x2x128xi32, #tpu.memory_space<hbm>>
        %dma_start3A_217 = tpu.memref_squeeze %dma_start3A_216 : memref<1x1x2x128xi32, #tpu.memory_space<hbm>> -> memref<2x128xi32, #tpu.memory_space<hbm>>
        %dma_start3A_218 = arith.constant 0 : i32
        %dma_start3A_219 = arith.constant 0 : i32
        %dma_start3A_220 = tpu.memref_slice %arg3[%add3A, %add3A_213, %dma_start3A_218, %dma_start3A_219] : memref<32x80x2x128xi32, #tpu.memory_space<hbm>> -> memref<1x1x2x128xi32, #tpu.memory_space<hbm>>
        %dma_start3A_221 = tpu.memref_squeeze %dma_start3A_220 : memref<1x1x2x128xi32, #tpu.memory_space<hbm>> -> memref<2x128xi32, #tpu.memory_space<hbm>>
        tpu.enqueue_dma source(%dma_start3A_221 : memref<2x128xi32, #tpu.memory_space<hbm>>) target(%arg7 : memref<2x128xi32, #tpu.memory_space<vmem>>) target_semaphore(%arg14 : memref<!tpu.dma_semaphore, #tpu.memory_space<semaphore_mem>>)
      } else {
      }
      %dma_wait3A_190 = arith.constant 0 : i32
      %dma_wait3A_191 = arith.constant 0 : i32
      %dma_wait3A_192 = tpu.memref_slice %arg3[%add3A, %add3A_184, %dma_wait3A_190, %dma_wait3A_191] : memref<32x80x2x128xi32, #tpu.memory_space<hbm>> -> memref<1x1x2x128xi32, #tpu.memory_space<hbm>>
      %dma_wait3A_193 = tpu.memref_squeeze %dma_wait3A_192 : memref<1x1x2x128xi32, #tpu.memory_space<hbm>> -> memref<2x128xi32, #tpu.memory_space<hbm>>
      %dma_wait3A_194 = arith.constant 0 : i32
      %dma_wait3A_195 = arith.constant 0 : i32
      %dma_wait3A_196 = tpu.memref_slice %arg3[%add3A, %add3A_184, %dma_wait3A_194, %dma_wait3A_195] : memref<32x80x2x128xi32, #tpu.memory_space<hbm>> -> memref<1x1x2x128xi32, #tpu.memory_space<hbm>>
      %dma_wait3A_197 = tpu.memref_squeeze %dma_wait3A_196 : memref<1x1x2x128xi32, #tpu.memory_space<hbm>> -> memref<2x128xi32, #tpu.memory_space<hbm>>
      tpu.wait_dma2 semaphore(%arg16 : memref<!tpu.dma_semaphore, #tpu.memory_space<semaphore_mem>>) src(%dma_wait3A_197 : memref<2x128xi32, #tpu.memory_space<hbm>>) dst(%arg9 : memref<2x128xi32, #tpu.memory_space<vmem>>)
      %dma_wait3A_198 = arith.constant 0 : i32
      %dma_wait3A_199 = arith.constant 0 : i32
      %dma_wait3A_200 = tpu.memref_slice %arg4[%add3A, %add3A_184, %dma_wait3A_198, %dma_wait3A_199] : memref<32x80x128x128xf32, #tpu.memory_space<hbm>> -> memref<1x1x128x128xf32, #tpu.memory_space<hbm>>
      %dma_wait3A_201 = tpu.memref_squeeze %dma_wait3A_200 : memref<1x1x128x128xf32, #tpu.memory_space<hbm>> -> memref<128x128xf32, #tpu.memory_space<hbm>>
      %dma_wait3A_202 = arith.constant 0 : i32
      %dma_wait3A_203 = arith.constant 0 : i32
      %dma_wait3A_204 = tpu.memref_slice %arg4[%add3A, %add3A_184, %dma_wait3A_202, %dma_wait3A_203] : memref<32x80x128x128xf32, #tpu.memory_space<hbm>> -> memref<1x1x128x128xf32, #tpu.memory_space<hbm>>
      %dma_wait3A_205 = tpu.memref_squeeze %dma_wait3A_204 : memref<1x1x128x128xf32, #tpu.memory_space<hbm>> -> memref<128x128xf32, #tpu.memory_space<hbm>>
      tpu.wait_dma2 semaphore(%arg18 : memref<!tpu.dma_semaphore, #tpu.memory_space<semaphore_mem>>) src(%dma_wait3A_205 : memref<128x128xf32, #tpu.memory_space<hbm>>) dst(%arg11 : memref<128x128xf32, #tpu.memory_space<vmem>>)
      %run_scoped3A_206 = arith.constant 1 : i32
      "tpu.region"() ({
        %run_scoped3A_212 = tpu.sem_alloc : memref<!tpu.dma_semaphore, #tpu.memory_space<semaphore_mem>>
        %dma_start3A_213 = arith.constant 0 : i32
        %dma_start3A_214 = tpu.memref_slice %arg9[%run_scoped3A_206, %dma_start3A_213] : memref<2x128xi32, #tpu.memory_space<vmem>> -> memref<1x128xi32, #tpu.memory_space<vmem>>
        %dma_start3A_215 = tpu.memref_squeeze %dma_start3A_214 : memref<1x128xi32, #tpu.memory_space<vmem>> -> memref<128xi32, #tpu.memory_space<vmem>>
        %dma_start3A_216 = arith.constant 0 : i32
        %dma_start3A_217 = arith.constant 0 : i32
        %dma_start3A_218 = tpu.memref_slice %arg12[%dma_start3A_216, %dma_start3A_217] : memref<10240x128xf32, #tpu.memory_space<vmem_shared>> -> memref<10240x128xf32, #tpu.memory_space<vmem_shared>>
        tpu.enqueue_indirect_dma source(%arg11 : memref<128x128xf32, #tpu.memory_space<vmem>>) target(%dma_start3A_218 : memref<10240x128xf32, #tpu.memory_space<vmem_shared>>) offsets(%dma_start3A_215 : memref<128xi32, #tpu.memory_space<vmem>>) semaphore(%run_scoped3A_212 : memref<!tpu.dma_semaphore, #tpu.memory_space<semaphore_mem>>) {add = true}
        %dma_wait3A_219 = arith.constant 0 : i32
        %dma_wait3A_220 = tpu.memref_slice %arg9[%run_scoped3A_206, %dma_wait3A_219] : memref<2x128xi32, #tpu.memory_space<vmem>> -> memref<1x128xi32, #tpu.memory_space<vmem>>
        %dma_wait3A_221 = tpu.memref_squeeze %dma_wait3A_220 : memref<1x128xi32, #tpu.memory_space<vmem>> -> memref<128xi32, #tpu.memory_space<vmem>>
        %dma_wait3A_222 = arith.constant 0 : i32
        %dma_wait3A_223 = arith.constant 0 : i32
        %dma_wait3A_224 = tpu.memref_slice %arg12[%dma_wait3A_222, %dma_wait3A_223] : memref<10240x128xf32, #tpu.memory_space<vmem_shared>> -> memref<10240x128xf32, #tpu.memory_space<vmem_shared>>
        tpu.wait_indirect_dma semaphore(%run_scoped3A_212 : memref<!tpu.dma_semaphore, #tpu.memory_space<semaphore_mem>>) src(%arg11 : memref<128x128xf32, #tpu.memory_space<vmem>>) dst(%dma_wait3A_224 : memref<10240x128xf32, #tpu.memory_space<vmem_shared>>)
        tpu.yield
      }) : () -> ()
      %lt3A_207 = arith.constant 78 : i32
      %lt3A_208 = arith.cmpi slt, %add3A_184, %lt3A_207 : i32
      %convert_element_type3A_209 = arith.extui %lt3A_208 : i1 to i32
      %cond3A_210 = arith.constant 0 : i32
      %cond3A_211 = arith.cmpi ne, %convert_element_type3A_209, %cond3A_210 : i32
      scf.if %cond3A_211 {
        %add3A_212 = arith.constant 2 : i32
        %add3A_213 = arith.addi %add3A_184, %add3A_212 : i32
        %dma_start3A_214 = arith.constant 0 : i32
        %dma_start3A_215 = arith.constant 0 : i32
        %dma_start3A_216 = tpu.memref_slice %arg4[%add3A, %add3A_213, %dma_start3A_214, %dma_start3A_215] : memref<32x80x128x128xf32, #tpu.memory_space<hbm>> -> memref<1x1x128x128xf32, #tpu.memory_space<hbm>>
        %dma_start3A_217 = tpu.memref_squeeze %dma_start3A_216 : memref<1x1x128x128xf32, #tpu.memory_space<hbm>> -> memref<128x128xf32, #tpu.memory_space<hbm>>
        %dma_start3A_218 = arith.constant 0 : i32
        %dma_start3A_219 = arith.constant 0 : i32
        %dma_start3A_220 = tpu.memref_slice %arg4[%add3A, %add3A_213, %dma_start3A_218, %dma_start3A_219] : memref<32x80x128x128xf32, #tpu.memory_space<hbm>> -> memref<1x1x128x128xf32, #tpu.memory_space<hbm>>
        %dma_start3A_221 = tpu.memref_squeeze %dma_start3A_220 : memref<1x1x128x128xf32, #tpu.memory_space<hbm>> -> memref<128x128xf32, #tpu.memory_space<hbm>>
        tpu.enqueue_dma source(%dma_start3A_221 : memref<128x128xf32, #tpu.memory_space<hbm>>) target(%arg11 : memref<128x128xf32, #tpu.memory_space<vmem>>) target_semaphore(%arg18 : memref<!tpu.dma_semaphore, #tpu.memory_space<semaphore_mem>>)
      } else {
      }
    }
    %scan3A_93 = arith.constant 20 : i32
    %barrier3A_94 = arith.constant 0 : index
    tpu.barrier barrier_id(%barrier3A_94)
    "tpu.region"() ({
      %run_scoped3A = tpu.sem_alloc : memref<!tpu.dma_semaphore, #tpu.memory_space<semaphore_mem>>
      %dma_start3A_95 = arith.constant 0 : i32
      %dma_start3A_96 = tpu.memref_slice %arg5[%arg0, %mul3A_2, %dma_start3A_95] : memref<2x10240x128xf32, #tpu.memory_space<hbm>> -> memref<1x640x128xf32, #tpu.memory_space<hbm>>
      %dma_start3A_97 = tpu.memref_squeeze %dma_start3A_96 : memref<1x640x128xf32, #tpu.memory_space<hbm>> -> memref<640x128xf32, #tpu.memory_space<hbm>>
      %dma_start3A_98 = arith.constant 0 : i32
      %dma_start3A_99 = tpu.memref_slice %arg12[%mul3A_2, %dma_start3A_98] : memref<10240x128xf32, #tpu.memory_space<vmem_shared>> -> memref<640x128xf32, #tpu.memory_space<vmem_shared>>
      tpu.enqueue_dma source(%dma_start3A_99 : memref<640x128xf32, #tpu.memory_space<vmem_shared>>) target(%dma_start3A_97 : memref<640x128xf32, #tpu.memory_space<hbm>>) target_semaphore(%run_scoped3A : memref<!tpu.dma_semaphore, #tpu.memory_space<semaphore_mem>>)
      %dma_wait3A_100 = arith.constant 0 : i32
      %dma_wait3A_101 = tpu.memref_slice %arg5[%arg0, %mul3A_2, %dma_wait3A_100] : memref<2x10240x128xf32, #tpu.memory_space<hbm>> -> memref<1x640x128xf32, #tpu.memory_space<hbm>>
      %dma_wait3A_102 = tpu.memref_squeeze %dma_wait3A_101 : memref<1x640x128xf32, #tpu.memory_space<hbm>> -> memref<640x128xf32, #tpu.memory_space<hbm>>
      %dma_wait3A_103 = arith.constant 0 : i32
      %dma_wait3A_104 = tpu.memref_slice %arg12[%mul3A_2, %dma_wait3A_103] : memref<10240x128xf32, #tpu.memory_space<vmem_shared>> -> memref<640x128xf32, #tpu.memory_space<vmem_shared>>
      tpu.wait_dma2 semaphore(%run_scoped3A : memref<!tpu.dma_semaphore, #tpu.memory_space<semaphore_mem>>) src(%dma_wait3A_104 : memref<640x128xf32, #tpu.memory_space<vmem_shared>>) dst(%dma_wait3A_102 : memref<640x128xf32, #tpu.memory_space<hbm>>)
      tpu.yield
    }) : () -> ()
    return
  }
}

#map = affine_map<(d0, d1) -> (0, 0)>
#map1 = affine_map<(d0, d1) -> (0, 0, 0, 0)>
#map2 = affine_map<(d0, d1) -> (0, 0, 0)>
module attributes {stable_mosaic.version = 14 : i64} {
  func.func @_msg_body(%arg0: i32, %arg1: i32, %arg2: memref<10240x128xf32, #tpu.memory_space<hbm>>, %arg3: memref<32x80x2x128xi32, #tpu.memory_space<hbm>>, %arg4: memref<32x80x128x128xf32, #tpu.memory_space<hbm>>, %arg5: memref<2x10240x128xf32, #tpu.memory_space<hbm>>, %arg6: memref<2x128xi32, #tpu.memory_space<vmem>>, %arg7: memref<2x128xi32, #tpu.memory_space<vmem>>, %arg8: memref<2x128xi32, #tpu.memory_space<vmem>>, %arg9: memref<2x128xi32, #tpu.memory_space<vmem>>, %arg10: memref<128x128xf32, #tpu.memory_space<vmem>>, %arg11: memref<128x128xf32, #tpu.memory_space<vmem>>, %arg12: memref<10240x128xf32, #tpu.memory_space<vmem_shared>>, %arg13: memref<!tpu.dma_semaphore, #tpu.memory_space<semaphore_mem>>, %arg14: memref<!tpu.dma_semaphore, #tpu.memory_space<semaphore_mem>>, %arg15: memref<!tpu.dma_semaphore, #tpu.memory_space<semaphore_mem>>, %arg16: memref<!tpu.dma_semaphore, #tpu.memory_space<semaphore_mem>>, %arg17: memref<!tpu.dma_semaphore, #tpu.memory_space<semaphore_mem>>, %arg18: memref<!tpu.dma_semaphore, #tpu.memory_space<semaphore_mem>>) attributes {dimension_semantics = [#tpu.dimension_semantics<core_parallel>, #tpu.dimension_semantics<subcore_parallel>], iteration_bounds = array<i64: 2, 16>, scalar_prefetch = 0 : i64, scratch_operands = 13 : i64, tpu.core_type = #tpu.core_type<sc_vector_subcore>, window_params = [{transform_indices = #map}, {transform_indices = #map1}, {transform_indices = #map1}, {transform_indices = #map2}]} {
    %mul3A = arith.constant 2 : i32
    %mul3A_0 = arith.muli %arg1, %mul3A : i32
    %add3A = arith.addi %mul3A_0, %arg0 : i32
    %mul3A_1 = arith.constant 640 : i32
    %mul3A_2 = arith.muli %arg1, %mul3A_1 : i32
    "tpu.region"() ({
      %run_scoped3A = tpu.sem_alloc : memref<!tpu.dma_semaphore, #tpu.memory_space<semaphore_mem>>
      %dma_start3A_95 = arith.constant 0 : i32
      %dma_start3A_96 = tpu.memref_slice %arg12[%mul3A_2, %dma_start3A_95] : memref<10240x128xf32, #tpu.memory_space<vmem_shared>> -> memref<640x128xf32, #tpu.memory_space<vmem_shared>>
      %dma_start3A_97 = arith.constant 0 : i32
      %dma_start3A_98 = tpu.memref_slice %arg2[%mul3A_2, %dma_start3A_97] : memref<10240x128xf32, #tpu.memory_space<hbm>> -> memref<640x128xf32, #tpu.memory_space<hbm>>
      tpu.enqueue_dma source(%dma_start3A_98 : memref<640x128xf32, #tpu.memory_space<hbm>>) target(%dma_start3A_96 : memref<640x128xf32, #tpu.memory_space<vmem_shared>>) target_semaphore(%run_scoped3A : memref<!tpu.dma_semaphore, #tpu.memory_space<semaphore_mem>>)
      %dma_wait3A_99 = arith.constant 0 : i32
      %dma_wait3A_100 = tpu.memref_slice %arg12[%mul3A_2, %dma_wait3A_99] : memref<10240x128xf32, #tpu.memory_space<vmem_shared>> -> memref<640x128xf32, #tpu.memory_space<vmem_shared>>
      %dma_wait3A_101 = arith.constant 0 : i32
      %dma_wait3A_102 = tpu.memref_slice %arg2[%mul3A_2, %dma_wait3A_101] : memref<10240x128xf32, #tpu.memory_space<hbm>> -> memref<640x128xf32, #tpu.memory_space<hbm>>
      tpu.wait_dma2 semaphore(%run_scoped3A : memref<!tpu.dma_semaphore, #tpu.memory_space<semaphore_mem>>) src(%dma_wait3A_102 : memref<640x128xf32, #tpu.memory_space<hbm>>) dst(%dma_wait3A_100 : memref<640x128xf32, #tpu.memory_space<vmem_shared>>)
      tpu.yield
    }) : () -> ()
    %barrier3A = arith.constant 0 : index
    tpu.barrier barrier_id(%barrier3A)
    %dma_start3A = arith.constant 0 : i32
    %dma_start3A_3 = arith.constant 0 : i32
    %dma_start3A_4 = arith.constant 0 : i32
    %dma_start3A_5 = tpu.memref_slice %arg3[%add3A, %dma_start3A, %dma_start3A_3, %dma_start3A_4] : memref<32x80x2x128xi32, #tpu.memory_space<hbm>> -> memref<1x1x2x128xi32, #tpu.memory_space<hbm>>
    %dma_start3A_6 = tpu.memref_squeeze %dma_start3A_5 : memref<1x1x2x128xi32, #tpu.memory_space<hbm>> -> memref<2x128xi32, #tpu.memory_space<hbm>>
    %dma_start3A_7 = arith.constant 0 : i32
    %dma_start3A_8 = arith.constant 0 : i32
    %dma_start3A_9 = tpu.memref_slice %arg3[%add3A, %dma_start3A, %dma_start3A_7, %dma_start3A_8] : memref<32x80x2x128xi32, #tpu.memory_space<hbm>> -> memref<1x1x2x128xi32, #tpu.memory_space<hbm>>
    %dma_start3A_10 = tpu.memref_squeeze %dma_start3A_9 : memref<1x1x2x128xi32, #tpu.memory_space<hbm>> -> memref<2x128xi32, #tpu.memory_space<hbm>>
    tpu.enqueue_dma source(%dma_start3A_10 : memref<2x128xi32, #tpu.memory_space<hbm>>) target(%arg6 : memref<2x128xi32, #tpu.memory_space<vmem>>) target_semaphore(%arg13 : memref<!tpu.dma_semaphore, #tpu.memory_space<semaphore_mem>>)
    %dma_start3A_11 = arith.constant 1 : i32
    %dma_start3A_12 = arith.constant 0 : i32
    %dma_start3A_13 = arith.constant 0 : i32
    %dma_start3A_14 = tpu.memref_slice %arg3[%add3A, %dma_start3A_11, %dma_start3A_12, %dma_start3A_13] : memref<32x80x2x128xi32, #tpu.memory_space<hbm>> -> memref<1x1x2x128xi32, #tpu.memory_space<hbm>>
    %dma_start3A_15 = tpu.memref_squeeze %dma_start3A_14 : memref<1x1x2x128xi32, #tpu.memory_space<hbm>> -> memref<2x128xi32, #tpu.memory_space<hbm>>
    %dma_start3A_16 = arith.constant 0 : i32
    %dma_start3A_17 = arith.constant 0 : i32
    %dma_start3A_18 = tpu.memref_slice %arg3[%add3A, %dma_start3A_11, %dma_start3A_16, %dma_start3A_17] : memref<32x80x2x128xi32, #tpu.memory_space<hbm>> -> memref<1x1x2x128xi32, #tpu.memory_space<hbm>>
    %dma_start3A_19 = tpu.memref_squeeze %dma_start3A_18 : memref<1x1x2x128xi32, #tpu.memory_space<hbm>> -> memref<2x128xi32, #tpu.memory_space<hbm>>
    tpu.enqueue_dma source(%dma_start3A_19 : memref<2x128xi32, #tpu.memory_space<hbm>>) target(%arg7 : memref<2x128xi32, #tpu.memory_space<vmem>>) target_semaphore(%arg14 : memref<!tpu.dma_semaphore, #tpu.memory_space<semaphore_mem>>)
    %scan3A = arith.constant 0 : i32
    %scan3A_20 = arith.constant 20 : i32
    %scan3A_21 = arith.addi %scan3A, %scan3A_20 : i32
    %scan3A_22 = arith.constant 1 : i32
    scf.for %scan3A_95 = %scan3A to %scan3A_21 step %scan3A_22  : i32 {
      %mul3A_96 = arith.constant 4 : i32
      %mul3A_97 = arith.muli %scan3A_95, %mul3A_96 : i32
      %add3A_98 = arith.constant 0 : i32
      %add3A_99 = arith.addi %add3A_98, %mul3A_97 : i32
      %add3A_100 = arith.constant 0 : i32
      %add3A_101 = arith.addi %add3A_99, %add3A_100 : i32
      %lt3A = arith.constant 78 : i32
      %lt3A_102 = arith.cmpi slt, %add3A_101, %lt3A : i32
      %convert_element_type3A = arith.extui %lt3A_102 : i1 to i32
      %cond3A = arith.constant 0 : i32
      %cond3A_103 = arith.cmpi ne, %convert_element_type3A, %cond3A : i32
      scf.if %cond3A_103 {
        %add3A_211 = arith.constant 2 : i32
        %add3A_212 = arith.addi %add3A_101, %add3A_211 : i32
        %dma_start3A_213 = arith.constant 0 : i32
        %dma_start3A_214 = arith.constant 0 : i32
        %dma_start3A_215 = tpu.memref_slice %arg3[%add3A, %add3A_212, %dma_start3A_213, %dma_start3A_214] : memref<32x80x2x128xi32, #tpu.memory_space<hbm>> -> memref<1x1x2x128xi32, #tpu.memory_space<hbm>>
        %dma_start3A_216 = tpu.memref_squeeze %dma_start3A_215 : memref<1x1x2x128xi32, #tpu.memory_space<hbm>> -> memref<2x128xi32, #tpu.memory_space<hbm>>
        %dma_start3A_217 = arith.constant 0 : i32
        %dma_start3A_218 = arith.constant 0 : i32
        %dma_start3A_219 = tpu.memref_slice %arg3[%add3A, %add3A_212, %dma_start3A_217, %dma_start3A_218] : memref<32x80x2x128xi32, #tpu.memory_space<hbm>> -> memref<1x1x2x128xi32, #tpu.memory_space<hbm>>
        %dma_start3A_220 = tpu.memref_squeeze %dma_start3A_219 : memref<1x1x2x128xi32, #tpu.memory_space<hbm>> -> memref<2x128xi32, #tpu.memory_space<hbm>>
        tpu.enqueue_dma source(%dma_start3A_220 : memref<2x128xi32, #tpu.memory_space<hbm>>) target(%arg8 : memref<2x128xi32, #tpu.memory_space<vmem>>) target_semaphore(%arg15 : memref<!tpu.dma_semaphore, #tpu.memory_space<semaphore_mem>>)
      } else {
      }
      %ge3A = arith.constant 2 : i32
      %ge3A_104 = arith.cmpi sge, %add3A_101, %ge3A : i32
      %convert_element_type3A_105 = arith.extui %ge3A_104 : i1 to i32
      %cond3A_106 = arith.constant 0 : i32
      %cond3A_107 = arith.cmpi ne, %convert_element_type3A_105, %cond3A_106 : i32
      scf.if %cond3A_107 {
        %sub3A = arith.constant 2 : i32
        %sub3A_211 = arith.subi %add3A_101, %sub3A : i32
        %dma_wait3A_212 = arith.constant 0 : i32
        %dma_wait3A_213 = arith.constant 0 : i32
        %dma_wait3A_214 = tpu.memref_slice %arg4[%add3A, %sub3A_211, %dma_wait3A_212, %dma_wait3A_213] : memref<32x80x128x128xf32, #tpu.memory_space<hbm>> -> memref<1x1x128x128xf32, #tpu.memory_space<hbm>>
        %dma_wait3A_215 = tpu.memref_squeeze %dma_wait3A_214 : memref<1x1x128x128xf32, #tpu.memory_space<hbm>> -> memref<128x128xf32, #tpu.memory_space<hbm>>
        %dma_wait3A_216 = arith.constant 0 : i32
        %dma_wait3A_217 = arith.constant 0 : i32
        %dma_wait3A_218 = tpu.memref_slice %arg4[%add3A, %sub3A_211, %dma_wait3A_216, %dma_wait3A_217] : memref<32x80x128x128xf32, #tpu.memory_space<hbm>> -> memref<1x1x128x128xf32, #tpu.memory_space<hbm>>
        %dma_wait3A_219 = tpu.memref_squeeze %dma_wait3A_218 : memref<1x1x128x128xf32, #tpu.memory_space<hbm>> -> memref<128x128xf32, #tpu.memory_space<hbm>>
        tpu.wait_dma2 semaphore(%arg17 : memref<!tpu.dma_semaphore, #tpu.memory_space<semaphore_mem>>) src(%arg10 : memref<128x128xf32, #tpu.memory_space<vmem>>) dst(%dma_wait3A_219 : memref<128x128xf32, #tpu.memory_space<hbm>>)
      } else {
      }
      %dma_wait3A_108 = arith.constant 0 : i32
      %dma_wait3A_109 = arith.constant 0 : i32
      %dma_wait3A_110 = tpu.memref_slice %arg3[%add3A, %add3A_101, %dma_wait3A_108, %dma_wait3A_109] : memref<32x80x2x128xi32, #tpu.memory_space<hbm>> -> memref<1x1x2x128xi32, #tpu.memory_space<hbm>>
      %dma_wait3A_111 = tpu.memref_squeeze %dma_wait3A_110 : memref<1x1x2x128xi32, #tpu.memory_space<hbm>> -> memref<2x128xi32, #tpu.memory_space<hbm>>
      %dma_wait3A_112 = arith.constant 0 : i32
      %dma_wait3A_113 = arith.constant 0 : i32
      %dma_wait3A_114 = tpu.memref_slice %arg3[%add3A, %add3A_101, %dma_wait3A_112, %dma_wait3A_113] : memref<32x80x2x128xi32, #tpu.memory_space<hbm>> -> memref<1x1x2x128xi32, #tpu.memory_space<hbm>>
      %dma_wait3A_115 = tpu.memref_squeeze %dma_wait3A_114 : memref<1x1x2x128xi32, #tpu.memory_space<hbm>> -> memref<2x128xi32, #tpu.memory_space<hbm>>
      tpu.wait_dma2 semaphore(%arg13 : memref<!tpu.dma_semaphore, #tpu.memory_space<semaphore_mem>>) src(%dma_wait3A_115 : memref<2x128xi32, #tpu.memory_space<hbm>>) dst(%arg6 : memref<2x128xi32, #tpu.memory_space<vmem>>)
      %run_scoped3A = arith.constant 0 : i32
      "tpu.region"() ({
        %run_scoped3A_211 = tpu.sem_alloc : memref<!tpu.dma_semaphore, #tpu.memory_space<semaphore_mem>>
        %dma_start3A_212 = arith.constant 0 : i32
        %dma_start3A_213 = tpu.memref_slice %arg6[%run_scoped3A, %dma_start3A_212] : memref<2x128xi32, #tpu.memory_space<vmem>> -> memref<1x128xi32, #tpu.memory_space<vmem>>
        %dma_start3A_214 = tpu.memref_squeeze %dma_start3A_213 : memref<1x128xi32, #tpu.memory_space<vmem>> -> memref<128xi32, #tpu.memory_space<vmem>>
        %dma_start3A_215 = arith.constant 0 : i32
        %dma_start3A_216 = arith.constant 0 : i32
        %dma_start3A_217 = tpu.memref_slice %arg12[%dma_start3A_215, %dma_start3A_216] : memref<10240x128xf32, #tpu.memory_space<vmem_shared>> -> memref<10240x128xf32, #tpu.memory_space<vmem_shared>>
        tpu.enqueue_indirect_dma source(%dma_start3A_217 : memref<10240x128xf32, #tpu.memory_space<vmem_shared>>) target(%arg10 : memref<128x128xf32, #tpu.memory_space<vmem>>) offsets(%dma_start3A_214 : memref<128xi32, #tpu.memory_space<vmem>>) semaphore(%run_scoped3A_211 : memref<!tpu.dma_semaphore, #tpu.memory_space<semaphore_mem>>)
        %dma_wait3A_218 = arith.constant 0 : i32
        %dma_wait3A_219 = tpu.memref_slice %arg6[%run_scoped3A, %dma_wait3A_218] : memref<2x128xi32, #tpu.memory_space<vmem>> -> memref<1x128xi32, #tpu.memory_space<vmem>>
        %dma_wait3A_220 = tpu.memref_squeeze %dma_wait3A_219 : memref<1x128xi32, #tpu.memory_space<vmem>> -> memref<128xi32, #tpu.memory_space<vmem>>
        %dma_wait3A_221 = arith.constant 0 : i32
        %dma_wait3A_222 = arith.constant 0 : i32
        %dma_wait3A_223 = tpu.memref_slice %arg12[%dma_wait3A_221, %dma_wait3A_222] : memref<10240x128xf32, #tpu.memory_space<vmem_shared>> -> memref<10240x128xf32, #tpu.memory_space<vmem_shared>>
        tpu.wait_indirect_dma semaphore(%run_scoped3A_211 : memref<!tpu.dma_semaphore, #tpu.memory_space<semaphore_mem>>) src(%dma_wait3A_223 : memref<10240x128xf32, #tpu.memory_space<vmem_shared>>) dst(%arg10 : memref<128x128xf32, #tpu.memory_space<vmem>>)
        tpu.yield
      }) : () -> ()
      %dma_start3A_116 = arith.constant 0 : i32
      %dma_start3A_117 = arith.constant 0 : i32
      %dma_start3A_118 = tpu.memref_slice %arg4[%add3A, %add3A_101, %dma_start3A_116, %dma_start3A_117] : memref<32x80x128x128xf32, #tpu.memory_space<hbm>> -> memref<1x1x128x128xf32, #tpu.memory_space<hbm>>
      %dma_start3A_119 = tpu.memref_squeeze %dma_start3A_118 : memref<1x1x128x128xf32, #tpu.memory_space<hbm>> -> memref<128x128xf32, #tpu.memory_space<hbm>>
      %dma_start3A_120 = arith.constant 0 : i32
      %dma_start3A_121 = arith.constant 0 : i32
      %dma_start3A_122 = tpu.memref_slice %arg4[%add3A, %add3A_101, %dma_start3A_120, %dma_start3A_121] : memref<32x80x128x128xf32, #tpu.memory_space<hbm>> -> memref<1x1x128x128xf32, #tpu.memory_space<hbm>>
      %dma_start3A_123 = tpu.memref_squeeze %dma_start3A_122 : memref<1x1x128x128xf32, #tpu.memory_space<hbm>> -> memref<128x128xf32, #tpu.memory_space<hbm>>
      tpu.enqueue_dma source(%arg10 : memref<128x128xf32, #tpu.memory_space<vmem>>) target(%dma_start3A_123 : memref<128x128xf32, #tpu.memory_space<hbm>>) target_semaphore(%arg17 : memref<!tpu.dma_semaphore, #tpu.memory_space<semaphore_mem>>)
      %add3A_124 = arith.constant 1 : i32
      %add3A_125 = arith.addi %add3A_99, %add3A_124 : i32
      %lt3A_126 = arith.constant 78 : i32
      %lt3A_127 = arith.cmpi slt, %add3A_125, %lt3A_126 : i32
      %convert_element_type3A_128 = arith.extui %lt3A_127 : i1 to i32
      %cond3A_129 = arith.constant 0 : i32
      %cond3A_130 = arith.cmpi ne, %convert_element_type3A_128, %cond3A_129 : i32
      scf.if %cond3A_130 {
        %add3A_211 = arith.constant 2 : i32
        %add3A_212 = arith.addi %add3A_125, %add3A_211 : i32
        %dma_start3A_213 = arith.constant 0 : i32
        %dma_start3A_214 = arith.constant 0 : i32
        %dma_start3A_215 = tpu.memref_slice %arg3[%add3A, %add3A_212, %dma_start3A_213, %dma_start3A_214] : memref<32x80x2x128xi32, #tpu.memory_space<hbm>> -> memref<1x1x2x128xi32, #tpu.memory_space<hbm>>
        %dma_start3A_216 = tpu.memref_squeeze %dma_start3A_215 : memref<1x1x2x128xi32, #tpu.memory_space<hbm>> -> memref<2x128xi32, #tpu.memory_space<hbm>>
        %dma_start3A_217 = arith.constant 0 : i32
        %dma_start3A_218 = arith.constant 0 : i32
        %dma_start3A_219 = tpu.memref_slice %arg3[%add3A, %add3A_212, %dma_start3A_217, %dma_start3A_218] : memref<32x80x2x128xi32, #tpu.memory_space<hbm>> -> memref<1x1x2x128xi32, #tpu.memory_space<hbm>>
        %dma_start3A_220 = tpu.memref_squeeze %dma_start3A_219 : memref<1x1x2x128xi32, #tpu.memory_space<hbm>> -> memref<2x128xi32, #tpu.memory_space<hbm>>
        tpu.enqueue_dma source(%dma_start3A_220 : memref<2x128xi32, #tpu.memory_space<hbm>>) target(%arg9 : memref<2x128xi32, #tpu.memory_space<vmem>>) target_semaphore(%arg16 : memref<!tpu.dma_semaphore, #tpu.memory_space<semaphore_mem>>)
      } else {
      }
      %ge3A_131 = arith.constant 2 : i32
      %ge3A_132 = arith.cmpi sge, %add3A_125, %ge3A_131 : i32
      %convert_element_type3A_133 = arith.extui %ge3A_132 : i1 to i32
      %cond3A_134 = arith.constant 0 : i32
      %cond3A_135 = arith.cmpi ne, %convert_element_type3A_133, %cond3A_134 : i32
      scf.if %cond3A_135 {
        %sub3A = arith.constant 2 : i32
        %sub3A_211 = arith.subi %add3A_125, %sub3A : i32
        %dma_wait3A_212 = arith.constant 0 : i32
        %dma_wait3A_213 = arith.constant 0 : i32
        %dma_wait3A_214 = tpu.memref_slice %arg4[%add3A, %sub3A_211, %dma_wait3A_212, %dma_wait3A_213] : memref<32x80x128x128xf32, #tpu.memory_space<hbm>> -> memref<1x1x128x128xf32, #tpu.memory_space<hbm>>
        %dma_wait3A_215 = tpu.memref_squeeze %dma_wait3A_214 : memref<1x1x128x128xf32, #tpu.memory_space<hbm>> -> memref<128x128xf32, #tpu.memory_space<hbm>>
        %dma_wait3A_216 = arith.constant 0 : i32
        %dma_wait3A_217 = arith.constant 0 : i32
        %dma_wait3A_218 = tpu.memref_slice %arg4[%add3A, %sub3A_211, %dma_wait3A_216, %dma_wait3A_217] : memref<32x80x128x128xf32, #tpu.memory_space<hbm>> -> memref<1x1x128x128xf32, #tpu.memory_space<hbm>>
        %dma_wait3A_219 = tpu.memref_squeeze %dma_wait3A_218 : memref<1x1x128x128xf32, #tpu.memory_space<hbm>> -> memref<128x128xf32, #tpu.memory_space<hbm>>
        tpu.wait_dma2 semaphore(%arg18 : memref<!tpu.dma_semaphore, #tpu.memory_space<semaphore_mem>>) src(%arg11 : memref<128x128xf32, #tpu.memory_space<vmem>>) dst(%dma_wait3A_219 : memref<128x128xf32, #tpu.memory_space<hbm>>)
      } else {
      }
      %dma_wait3A_136 = arith.constant 0 : i32
      %dma_wait3A_137 = arith.constant 0 : i32
      %dma_wait3A_138 = tpu.memref_slice %arg3[%add3A, %add3A_125, %dma_wait3A_136, %dma_wait3A_137] : memref<32x80x2x128xi32, #tpu.memory_space<hbm>> -> memref<1x1x2x128xi32, #tpu.memory_space<hbm>>
      %dma_wait3A_139 = tpu.memref_squeeze %dma_wait3A_138 : memref<1x1x2x128xi32, #tpu.memory_space<hbm>> -> memref<2x128xi32, #tpu.memory_space<hbm>>
      %dma_wait3A_140 = arith.constant 0 : i32
      %dma_wait3A_141 = arith.constant 0 : i32
      %dma_wait3A_142 = tpu.memref_slice %arg3[%add3A, %add3A_125, %dma_wait3A_140, %dma_wait3A_141] : memref<32x80x2x128xi32, #tpu.memory_space<hbm>> -> memref<1x1x2x128xi32, #tpu.memory_space<hbm>>
      %dma_wait3A_143 = tpu.memref_squeeze %dma_wait3A_142 : memref<1x1x2x128xi32, #tpu.memory_space<hbm>> -> memref<2x128xi32, #tpu.memory_space<hbm>>
      tpu.wait_dma2 semaphore(%arg14 : memref<!tpu.dma_semaphore, #tpu.memory_space<semaphore_mem>>) src(%dma_wait3A_143 : memref<2x128xi32, #tpu.memory_space<hbm>>) dst(%arg7 : memref<2x128xi32, #tpu.memory_space<vmem>>)
      %run_scoped3A_144 = arith.constant 0 : i32
      "tpu.region"() ({
        %run_scoped3A_211 = tpu.sem_alloc : memref<!tpu.dma_semaphore, #tpu.memory_space<semaphore_mem>>
        %dma_start3A_212 = arith.constant 0 : i32
        %dma_start3A_213 = tpu.memref_slice %arg7[%run_scoped3A_144, %dma_start3A_212] : memref<2x128xi32, #tpu.memory_space<vmem>> -> memref<1x128xi32, #tpu.memory_space<vmem>>
        %dma_start3A_214 = tpu.memref_squeeze %dma_start3A_213 : memref<1x128xi32, #tpu.memory_space<vmem>> -> memref<128xi32, #tpu.memory_space<vmem>>
        %dma_start3A_215 = arith.constant 0 : i32
        %dma_start3A_216 = arith.constant 0 : i32
        %dma_start3A_217 = tpu.memref_slice %arg12[%dma_start3A_215, %dma_start3A_216] : memref<10240x128xf32, #tpu.memory_space<vmem_shared>> -> memref<10240x128xf32, #tpu.memory_space<vmem_shared>>
        tpu.enqueue_indirect_dma source(%dma_start3A_217 : memref<10240x128xf32, #tpu.memory_space<vmem_shared>>) target(%arg11 : memref<128x128xf32, #tpu.memory_space<vmem>>) offsets(%dma_start3A_214 : memref<128xi32, #tpu.memory_space<vmem>>) semaphore(%run_scoped3A_211 : memref<!tpu.dma_semaphore, #tpu.memory_space<semaphore_mem>>)
        %dma_wait3A_218 = arith.constant 0 : i32
        %dma_wait3A_219 = tpu.memref_slice %arg7[%run_scoped3A_144, %dma_wait3A_218] : memref<2x128xi32, #tpu.memory_space<vmem>> -> memref<1x128xi32, #tpu.memory_space<vmem>>
        %dma_wait3A_220 = tpu.memref_squeeze %dma_wait3A_219 : memref<1x128xi32, #tpu.memory_space<vmem>> -> memref<128xi32, #tpu.memory_space<vmem>>
        %dma_wait3A_221 = arith.constant 0 : i32
        %dma_wait3A_222 = arith.constant 0 : i32
        %dma_wait3A_223 = tpu.memref_slice %arg12[%dma_wait3A_221, %dma_wait3A_222] : memref<10240x128xf32, #tpu.memory_space<vmem_shared>> -> memref<10240x128xf32, #tpu.memory_space<vmem_shared>>
        tpu.wait_indirect_dma semaphore(%run_scoped3A_211 : memref<!tpu.dma_semaphore, #tpu.memory_space<semaphore_mem>>) src(%dma_wait3A_223 : memref<10240x128xf32, #tpu.memory_space<vmem_shared>>) dst(%arg11 : memref<128x128xf32, #tpu.memory_space<vmem>>)
        tpu.yield
      }) : () -> ()
      %dma_start3A_145 = arith.constant 0 : i32
      %dma_start3A_146 = arith.constant 0 : i32
      %dma_start3A_147 = tpu.memref_slice %arg4[%add3A, %add3A_125, %dma_start3A_145, %dma_start3A_146] : memref<32x80x128x128xf32, #tpu.memory_space<hbm>> -> memref<1x1x128x128xf32, #tpu.memory_space<hbm>>
      %dma_start3A_148 = tpu.memref_squeeze %dma_start3A_147 : memref<1x1x128x128xf32, #tpu.memory_space<hbm>> -> memref<128x128xf32, #tpu.memory_space<hbm>>
      %dma_start3A_149 = arith.constant 0 : i32
      %dma_start3A_150 = arith.constant 0 : i32
      %dma_start3A_151 = tpu.memref_slice %arg4[%add3A, %add3A_125, %dma_start3A_149, %dma_start3A_150] : memref<32x80x128x128xf32, #tpu.memory_space<hbm>> -> memref<1x1x128x128xf32, #tpu.memory_space<hbm>>
      %dma_start3A_152 = tpu.memref_squeeze %dma_start3A_151 : memref<1x1x128x128xf32, #tpu.memory_space<hbm>> -> memref<128x128xf32, #tpu.memory_space<hbm>>
      tpu.enqueue_dma source(%arg11 : memref<128x128xf32, #tpu.memory_space<vmem>>) target(%dma_start3A_152 : memref<128x128xf32, #tpu.memory_space<hbm>>) target_semaphore(%arg18 : memref<!tpu.dma_semaphore, #tpu.memory_space<semaphore_mem>>)
      %add3A_153 = arith.constant 2 : i32
      %add3A_154 = arith.addi %add3A_99, %add3A_153 : i32
      %lt3A_155 = arith.constant 78 : i32
      %lt3A_156 = arith.cmpi slt, %add3A_154, %lt3A_155 : i32
      %convert_element_type3A_157 = arith.extui %lt3A_156 : i1 to i32
      %cond3A_158 = arith.constant 0 : i32
      %cond3A_159 = arith.cmpi ne, %convert_element_type3A_157, %cond3A_158 : i32
      scf.if %cond3A_159 {
        %add3A_211 = arith.constant 2 : i32
        %add3A_212 = arith.addi %add3A_154, %add3A_211 : i32
        %dma_start3A_213 = arith.constant 0 : i32
        %dma_start3A_214 = arith.constant 0 : i32
        %dma_start3A_215 = tpu.memref_slice %arg3[%add3A, %add3A_212, %dma_start3A_213, %dma_start3A_214] : memref<32x80x2x128xi32, #tpu.memory_space<hbm>> -> memref<1x1x2x128xi32, #tpu.memory_space<hbm>>
        %dma_start3A_216 = tpu.memref_squeeze %dma_start3A_215 : memref<1x1x2x128xi32, #tpu.memory_space<hbm>> -> memref<2x128xi32, #tpu.memory_space<hbm>>
        %dma_start3A_217 = arith.constant 0 : i32
        %dma_start3A_218 = arith.constant 0 : i32
        %dma_start3A_219 = tpu.memref_slice %arg3[%add3A, %add3A_212, %dma_start3A_217, %dma_start3A_218] : memref<32x80x2x128xi32, #tpu.memory_space<hbm>> -> memref<1x1x2x128xi32, #tpu.memory_space<hbm>>
        %dma_start3A_220 = tpu.memref_squeeze %dma_start3A_219 : memref<1x1x2x128xi32, #tpu.memory_space<hbm>> -> memref<2x128xi32, #tpu.memory_space<hbm>>
        tpu.enqueue_dma source(%dma_start3A_220 : memref<2x128xi32, #tpu.memory_space<hbm>>) target(%arg6 : memref<2x128xi32, #tpu.memory_space<vmem>>) target_semaphore(%arg13 : memref<!tpu.dma_semaphore, #tpu.memory_space<semaphore_mem>>)
      } else {
      }
      %ge3A_160 = arith.constant 2 : i32
      %ge3A_161 = arith.cmpi sge, %add3A_154, %ge3A_160 : i32
      %convert_element_type3A_162 = arith.extui %ge3A_161 : i1 to i32
      %cond3A_163 = arith.constant 0 : i32
      %cond3A_164 = arith.cmpi ne, %convert_element_type3A_162, %cond3A_163 : i32
      scf.if %cond3A_164 {
        %sub3A = arith.constant 2 : i32
        %sub3A_211 = arith.subi %add3A_154, %sub3A : i32
        %dma_wait3A_212 = arith.constant 0 : i32
        %dma_wait3A_213 = arith.constant 0 : i32
        %dma_wait3A_214 = tpu.memref_slice %arg4[%add3A, %sub3A_211, %dma_wait3A_212, %dma_wait3A_213] : memref<32x80x128x128xf32, #tpu.memory_space<hbm>> -> memref<1x1x128x128xf32, #tpu.memory_space<hbm>>
        %dma_wait3A_215 = tpu.memref_squeeze %dma_wait3A_214 : memref<1x1x128x128xf32, #tpu.memory_space<hbm>> -> memref<128x128xf32, #tpu.memory_space<hbm>>
        %dma_wait3A_216 = arith.constant 0 : i32
        %dma_wait3A_217 = arith.constant 0 : i32
        %dma_wait3A_218 = tpu.memref_slice %arg4[%add3A, %sub3A_211, %dma_wait3A_216, %dma_wait3A_217] : memref<32x80x128x128xf32, #tpu.memory_space<hbm>> -> memref<1x1x128x128xf32, #tpu.memory_space<hbm>>
        %dma_wait3A_219 = tpu.memref_squeeze %dma_wait3A_218 : memref<1x1x128x128xf32, #tpu.memory_space<hbm>> -> memref<128x128xf32, #tpu.memory_space<hbm>>
        tpu.wait_dma2 semaphore(%arg17 : memref<!tpu.dma_semaphore, #tpu.memory_space<semaphore_mem>>) src(%arg10 : memref<128x128xf32, #tpu.memory_space<vmem>>) dst(%dma_wait3A_219 : memref<128x128xf32, #tpu.memory_space<hbm>>)
      } else {
      }
      %dma_wait3A_165 = arith.constant 0 : i32
      %dma_wait3A_166 = arith.constant 0 : i32
      %dma_wait3A_167 = tpu.memref_slice %arg3[%add3A, %add3A_154, %dma_wait3A_165, %dma_wait3A_166] : memref<32x80x2x128xi32, #tpu.memory_space<hbm>> -> memref<1x1x2x128xi32, #tpu.memory_space<hbm>>
      %dma_wait3A_168 = tpu.memref_squeeze %dma_wait3A_167 : memref<1x1x2x128xi32, #tpu.memory_space<hbm>> -> memref<2x128xi32, #tpu.memory_space<hbm>>
      %dma_wait3A_169 = arith.constant 0 : i32
      %dma_wait3A_170 = arith.constant 0 : i32
      %dma_wait3A_171 = tpu.memref_slice %arg3[%add3A, %add3A_154, %dma_wait3A_169, %dma_wait3A_170] : memref<32x80x2x128xi32, #tpu.memory_space<hbm>> -> memref<1x1x2x128xi32, #tpu.memory_space<hbm>>
      %dma_wait3A_172 = tpu.memref_squeeze %dma_wait3A_171 : memref<1x1x2x128xi32, #tpu.memory_space<hbm>> -> memref<2x128xi32, #tpu.memory_space<hbm>>
      tpu.wait_dma2 semaphore(%arg15 : memref<!tpu.dma_semaphore, #tpu.memory_space<semaphore_mem>>) src(%dma_wait3A_172 : memref<2x128xi32, #tpu.memory_space<hbm>>) dst(%arg8 : memref<2x128xi32, #tpu.memory_space<vmem>>)
      %run_scoped3A_173 = arith.constant 0 : i32
      "tpu.region"() ({
        %run_scoped3A_211 = tpu.sem_alloc : memref<!tpu.dma_semaphore, #tpu.memory_space<semaphore_mem>>
        %dma_start3A_212 = arith.constant 0 : i32
        %dma_start3A_213 = tpu.memref_slice %arg8[%run_scoped3A_173, %dma_start3A_212] : memref<2x128xi32, #tpu.memory_space<vmem>> -> memref<1x128xi32, #tpu.memory_space<vmem>>
        %dma_start3A_214 = tpu.memref_squeeze %dma_start3A_213 : memref<1x128xi32, #tpu.memory_space<vmem>> -> memref<128xi32, #tpu.memory_space<vmem>>
        %dma_start3A_215 = arith.constant 0 : i32
        %dma_start3A_216 = arith.constant 0 : i32
        %dma_start3A_217 = tpu.memref_slice %arg12[%dma_start3A_215, %dma_start3A_216] : memref<10240x128xf32, #tpu.memory_space<vmem_shared>> -> memref<10240x128xf32, #tpu.memory_space<vmem_shared>>
        tpu.enqueue_indirect_dma source(%dma_start3A_217 : memref<10240x128xf32, #tpu.memory_space<vmem_shared>>) target(%arg10 : memref<128x128xf32, #tpu.memory_space<vmem>>) offsets(%dma_start3A_214 : memref<128xi32, #tpu.memory_space<vmem>>) semaphore(%run_scoped3A_211 : memref<!tpu.dma_semaphore, #tpu.memory_space<semaphore_mem>>)
        %dma_wait3A_218 = arith.constant 0 : i32
        %dma_wait3A_219 = tpu.memref_slice %arg8[%run_scoped3A_173, %dma_wait3A_218] : memref<2x128xi32, #tpu.memory_space<vmem>> -> memref<1x128xi32, #tpu.memory_space<vmem>>
        %dma_wait3A_220 = tpu.memref_squeeze %dma_wait3A_219 : memref<1x128xi32, #tpu.memory_space<vmem>> -> memref<128xi32, #tpu.memory_space<vmem>>
        %dma_wait3A_221 = arith.constant 0 : i32
        %dma_wait3A_222 = arith.constant 0 : i32
        %dma_wait3A_223 = tpu.memref_slice %arg12[%dma_wait3A_221, %dma_wait3A_222] : memref<10240x128xf32, #tpu.memory_space<vmem_shared>> -> memref<10240x128xf32, #tpu.memory_space<vmem_shared>>
        tpu.wait_indirect_dma semaphore(%run_scoped3A_211 : memref<!tpu.dma_semaphore, #tpu.memory_space<semaphore_mem>>) src(%dma_wait3A_223 : memref<10240x128xf32, #tpu.memory_space<vmem_shared>>) dst(%arg10 : memref<128x128xf32, #tpu.memory_space<vmem>>)
        tpu.yield
      }) : () -> ()
      %dma_start3A_174 = arith.constant 0 : i32
      %dma_start3A_175 = arith.constant 0 : i32
      %dma_start3A_176 = tpu.memref_slice %arg4[%add3A, %add3A_154, %dma_start3A_174, %dma_start3A_175] : memref<32x80x128x128xf32, #tpu.memory_space<hbm>> -> memref<1x1x128x128xf32, #tpu.memory_space<hbm>>
      %dma_start3A_177 = tpu.memref_squeeze %dma_start3A_176 : memref<1x1x128x128xf32, #tpu.memory_space<hbm>> -> memref<128x128xf32, #tpu.memory_space<hbm>>
      %dma_start3A_178 = arith.constant 0 : i32
      %dma_start3A_179 = arith.constant 0 : i32
      %dma_start3A_180 = tpu.memref_slice %arg4[%add3A, %add3A_154, %dma_start3A_178, %dma_start3A_179] : memref<32x80x128x128xf32, #tpu.memory_space<hbm>> -> memref<1x1x128x128xf32, #tpu.memory_space<hbm>>
      %dma_start3A_181 = tpu.memref_squeeze %dma_start3A_180 : memref<1x1x128x128xf32, #tpu.memory_space<hbm>> -> memref<128x128xf32, #tpu.memory_space<hbm>>
      tpu.enqueue_dma source(%arg10 : memref<128x128xf32, #tpu.memory_space<vmem>>) target(%dma_start3A_181 : memref<128x128xf32, #tpu.memory_space<hbm>>) target_semaphore(%arg17 : memref<!tpu.dma_semaphore, #tpu.memory_space<semaphore_mem>>)
      %add3A_182 = arith.constant 3 : i32
      %add3A_183 = arith.addi %add3A_99, %add3A_182 : i32
      %lt3A_184 = arith.constant 78 : i32
      %lt3A_185 = arith.cmpi slt, %add3A_183, %lt3A_184 : i32
      %convert_element_type3A_186 = arith.extui %lt3A_185 : i1 to i32
      %cond3A_187 = arith.constant 0 : i32
      %cond3A_188 = arith.cmpi ne, %convert_element_type3A_186, %cond3A_187 : i32
      scf.if %cond3A_188 {
        %add3A_211 = arith.constant 2 : i32
        %add3A_212 = arith.addi %add3A_183, %add3A_211 : i32
        %dma_start3A_213 = arith.constant 0 : i32
        %dma_start3A_214 = arith.constant 0 : i32
        %dma_start3A_215 = tpu.memref_slice %arg3[%add3A, %add3A_212, %dma_start3A_213, %dma_start3A_214] : memref<32x80x2x128xi32, #tpu.memory_space<hbm>> -> memref<1x1x2x128xi32, #tpu.memory_space<hbm>>
        %dma_start3A_216 = tpu.memref_squeeze %dma_start3A_215 : memref<1x1x2x128xi32, #tpu.memory_space<hbm>> -> memref<2x128xi32, #tpu.memory_space<hbm>>
        %dma_start3A_217 = arith.constant 0 : i32
        %dma_start3A_218 = arith.constant 0 : i32
        %dma_start3A_219 = tpu.memref_slice %arg3[%add3A, %add3A_212, %dma_start3A_217, %dma_start3A_218] : memref<32x80x2x128xi32, #tpu.memory_space<hbm>> -> memref<1x1x2x128xi32, #tpu.memory_space<hbm>>
        %dma_start3A_220 = tpu.memref_squeeze %dma_start3A_219 : memref<1x1x2x128xi32, #tpu.memory_space<hbm>> -> memref<2x128xi32, #tpu.memory_space<hbm>>
        tpu.enqueue_dma source(%dma_start3A_220 : memref<2x128xi32, #tpu.memory_space<hbm>>) target(%arg7 : memref<2x128xi32, #tpu.memory_space<vmem>>) target_semaphore(%arg14 : memref<!tpu.dma_semaphore, #tpu.memory_space<semaphore_mem>>)
      } else {
      }
      %ge3A_189 = arith.constant 2 : i32
      %ge3A_190 = arith.cmpi sge, %add3A_183, %ge3A_189 : i32
      %convert_element_type3A_191 = arith.extui %ge3A_190 : i1 to i32
      %cond3A_192 = arith.constant 0 : i32
      %cond3A_193 = arith.cmpi ne, %convert_element_type3A_191, %cond3A_192 : i32
      scf.if %cond3A_193 {
        %sub3A = arith.constant 2 : i32
        %sub3A_211 = arith.subi %add3A_183, %sub3A : i32
        %dma_wait3A_212 = arith.constant 0 : i32
        %dma_wait3A_213 = arith.constant 0 : i32
        %dma_wait3A_214 = tpu.memref_slice %arg4[%add3A, %sub3A_211, %dma_wait3A_212, %dma_wait3A_213] : memref<32x80x128x128xf32, #tpu.memory_space<hbm>> -> memref<1x1x128x128xf32, #tpu.memory_space<hbm>>
        %dma_wait3A_215 = tpu.memref_squeeze %dma_wait3A_214 : memref<1x1x128x128xf32, #tpu.memory_space<hbm>> -> memref<128x128xf32, #tpu.memory_space<hbm>>
        %dma_wait3A_216 = arith.constant 0 : i32
        %dma_wait3A_217 = arith.constant 0 : i32
        %dma_wait3A_218 = tpu.memref_slice %arg4[%add3A, %sub3A_211, %dma_wait3A_216, %dma_wait3A_217] : memref<32x80x128x128xf32, #tpu.memory_space<hbm>> -> memref<1x1x128x128xf32, #tpu.memory_space<hbm>>
        %dma_wait3A_219 = tpu.memref_squeeze %dma_wait3A_218 : memref<1x1x128x128xf32, #tpu.memory_space<hbm>> -> memref<128x128xf32, #tpu.memory_space<hbm>>
        tpu.wait_dma2 semaphore(%arg18 : memref<!tpu.dma_semaphore, #tpu.memory_space<semaphore_mem>>) src(%arg11 : memref<128x128xf32, #tpu.memory_space<vmem>>) dst(%dma_wait3A_219 : memref<128x128xf32, #tpu.memory_space<hbm>>)
      } else {
      }
      %dma_wait3A_194 = arith.constant 0 : i32
      %dma_wait3A_195 = arith.constant 0 : i32
      %dma_wait3A_196 = tpu.memref_slice %arg3[%add3A, %add3A_183, %dma_wait3A_194, %dma_wait3A_195] : memref<32x80x2x128xi32, #tpu.memory_space<hbm>> -> memref<1x1x2x128xi32, #tpu.memory_space<hbm>>
      %dma_wait3A_197 = tpu.memref_squeeze %dma_wait3A_196 : memref<1x1x2x128xi32, #tpu.memory_space<hbm>> -> memref<2x128xi32, #tpu.memory_space<hbm>>
      %dma_wait3A_198 = arith.constant 0 : i32
      %dma_wait3A_199 = arith.constant 0 : i32
      %dma_wait3A_200 = tpu.memref_slice %arg3[%add3A, %add3A_183, %dma_wait3A_198, %dma_wait3A_199] : memref<32x80x2x128xi32, #tpu.memory_space<hbm>> -> memref<1x1x2x128xi32, #tpu.memory_space<hbm>>
      %dma_wait3A_201 = tpu.memref_squeeze %dma_wait3A_200 : memref<1x1x2x128xi32, #tpu.memory_space<hbm>> -> memref<2x128xi32, #tpu.memory_space<hbm>>
      tpu.wait_dma2 semaphore(%arg16 : memref<!tpu.dma_semaphore, #tpu.memory_space<semaphore_mem>>) src(%dma_wait3A_201 : memref<2x128xi32, #tpu.memory_space<hbm>>) dst(%arg9 : memref<2x128xi32, #tpu.memory_space<vmem>>)
      %run_scoped3A_202 = arith.constant 0 : i32
      "tpu.region"() ({
        %run_scoped3A_211 = tpu.sem_alloc : memref<!tpu.dma_semaphore, #tpu.memory_space<semaphore_mem>>
        %dma_start3A_212 = arith.constant 0 : i32
        %dma_start3A_213 = tpu.memref_slice %arg9[%run_scoped3A_202, %dma_start3A_212] : memref<2x128xi32, #tpu.memory_space<vmem>> -> memref<1x128xi32, #tpu.memory_space<vmem>>
        %dma_start3A_214 = tpu.memref_squeeze %dma_start3A_213 : memref<1x128xi32, #tpu.memory_space<vmem>> -> memref<128xi32, #tpu.memory_space<vmem>>
        %dma_start3A_215 = arith.constant 0 : i32
        %dma_start3A_216 = arith.constant 0 : i32
        %dma_start3A_217 = tpu.memref_slice %arg12[%dma_start3A_215, %dma_start3A_216] : memref<10240x128xf32, #tpu.memory_space<vmem_shared>> -> memref<10240x128xf32, #tpu.memory_space<vmem_shared>>
        tpu.enqueue_indirect_dma source(%dma_start3A_217 : memref<10240x128xf32, #tpu.memory_space<vmem_shared>>) target(%arg11 : memref<128x128xf32, #tpu.memory_space<vmem>>) offsets(%dma_start3A_214 : memref<128xi32, #tpu.memory_space<vmem>>) semaphore(%run_scoped3A_211 : memref<!tpu.dma_semaphore, #tpu.memory_space<semaphore_mem>>)
        %dma_wait3A_218 = arith.constant 0 : i32
        %dma_wait3A_219 = tpu.memref_slice %arg9[%run_scoped3A_202, %dma_wait3A_218] : memref<2x128xi32, #tpu.memory_space<vmem>> -> memref<1x128xi32, #tpu.memory_space<vmem>>
        %dma_wait3A_220 = tpu.memref_squeeze %dma_wait3A_219 : memref<1x128xi32, #tpu.memory_space<vmem>> -> memref<128xi32, #tpu.memory_space<vmem>>
        %dma_wait3A_221 = arith.constant 0 : i32
        %dma_wait3A_222 = arith.constant 0 : i32
        %dma_wait3A_223 = tpu.memref_slice %arg12[%dma_wait3A_221, %dma_wait3A_222] : memref<10240x128xf32, #tpu.memory_space<vmem_shared>> -> memref<10240x128xf32, #tpu.memory_space<vmem_shared>>
        tpu.wait_indirect_dma semaphore(%run_scoped3A_211 : memref<!tpu.dma_semaphore, #tpu.memory_space<semaphore_mem>>) src(%dma_wait3A_223 : memref<10240x128xf32, #tpu.memory_space<vmem_shared>>) dst(%arg11 : memref<128x128xf32, #tpu.memory_space<vmem>>)
        tpu.yield
      }) : () -> ()
      %dma_start3A_203 = arith.constant 0 : i32
      %dma_start3A_204 = arith.constant 0 : i32
      %dma_start3A_205 = tpu.memref_slice %arg4[%add3A, %add3A_183, %dma_start3A_203, %dma_start3A_204] : memref<32x80x128x128xf32, #tpu.memory_space<hbm>> -> memref<1x1x128x128xf32, #tpu.memory_space<hbm>>
      %dma_start3A_206 = tpu.memref_squeeze %dma_start3A_205 : memref<1x1x128x128xf32, #tpu.memory_space<hbm>> -> memref<128x128xf32, #tpu.memory_space<hbm>>
      %dma_start3A_207 = arith.constant 0 : i32
      %dma_start3A_208 = arith.constant 0 : i32
      %dma_start3A_209 = tpu.memref_slice %arg4[%add3A, %add3A_183, %dma_start3A_207, %dma_start3A_208] : memref<32x80x128x128xf32, #tpu.memory_space<hbm>> -> memref<1x1x128x128xf32, #tpu.memory_space<hbm>>
      %dma_start3A_210 = tpu.memref_squeeze %dma_start3A_209 : memref<1x1x128x128xf32, #tpu.memory_space<hbm>> -> memref<128x128xf32, #tpu.memory_space<hbm>>
      tpu.enqueue_dma source(%arg11 : memref<128x128xf32, #tpu.memory_space<vmem>>) target(%dma_start3A_210 : memref<128x128xf32, #tpu.memory_space<hbm>>) target_semaphore(%arg18 : memref<!tpu.dma_semaphore, #tpu.memory_space<semaphore_mem>>)
    }
    %scan3A_23 = arith.constant 20 : i32
    %dma_wait3A = arith.constant 78 : i32
    %dma_wait3A_24 = arith.constant 0 : i32
    %dma_wait3A_25 = arith.constant 0 : i32
    %dma_wait3A_26 = tpu.memref_slice %arg4[%add3A, %dma_wait3A, %dma_wait3A_24, %dma_wait3A_25] : memref<32x80x128x128xf32, #tpu.memory_space<hbm>> -> memref<1x1x128x128xf32, #tpu.memory_space<hbm>>
    %dma_wait3A_27 = tpu.memref_squeeze %dma_wait3A_26 : memref<1x1x128x128xf32, #tpu.memory_space<hbm>> -> memref<128x128xf32, #tpu.memory_space<hbm>>
    %dma_wait3A_28 = arith.constant 0 : i32
    %dma_wait3A_29 = arith.constant 0 : i32
    %dma_wait3A_30 = tpu.memref_slice %arg4[%add3A, %dma_wait3A, %dma_wait3A_28, %dma_wait3A_29] : memref<32x80x128x128xf32, #tpu.memory_space<hbm>> -> memref<1x1x128x128xf32, #tpu.memory_space<hbm>>
    %dma_wait3A_31 = tpu.memref_squeeze %dma_wait3A_30 : memref<1x1x128x128xf32, #tpu.memory_space<hbm>> -> memref<128x128xf32, #tpu.memory_space<hbm>>
    tpu.wait_dma2 semaphore(%arg17 : memref<!tpu.dma_semaphore, #tpu.memory_space<semaphore_mem>>) src(%arg10 : memref<128x128xf32, #tpu.memory_space<vmem>>) dst(%dma_wait3A_31 : memref<128x128xf32, #tpu.memory_space<hbm>>)
    %dma_wait3A_32 = arith.constant 79 : i32
    %dma_wait3A_33 = arith.constant 0 : i32
    %dma_wait3A_34 = arith.constant 0 : i32
    %dma_wait3A_35 = tpu.memref_slice %arg4[%add3A, %dma_wait3A_32, %dma_wait3A_33, %dma_wait3A_34] : memref<32x80x128x128xf32, #tpu.memory_space<hbm>> -> memref<1x1x128x128xf32, #tpu.memory_space<hbm>>
    %dma_wait3A_36 = tpu.memref_squeeze %dma_wait3A_35 : memref<1x1x128x128xf32, #tpu.memory_space<hbm>> -> memref<128x128xf32, #tpu.memory_space<hbm>>
    %dma_wait3A_37 = arith.constant 0 : i32
    %dma_wait3A_38 = arith.constant 0 : i32
    %dma_wait3A_39 = tpu.memref_slice %arg4[%add3A, %dma_wait3A_32, %dma_wait3A_37, %dma_wait3A_38] : memref<32x80x128x128xf32, #tpu.memory_space<hbm>> -> memref<1x1x128x128xf32, #tpu.memory_space<hbm>>
    %dma_wait3A_40 = tpu.memref_squeeze %dma_wait3A_39 : memref<1x1x128x128xf32, #tpu.memory_space<hbm>> -> memref<128x128xf32, #tpu.memory_space<hbm>>
    tpu.wait_dma2 semaphore(%arg18 : memref<!tpu.dma_semaphore, #tpu.memory_space<semaphore_mem>>) src(%arg11 : memref<128x128xf32, #tpu.memory_space<vmem>>) dst(%dma_wait3A_40 : memref<128x128xf32, #tpu.memory_space<hbm>>)
    %barrier3A_41 = arith.constant 0 : index
    tpu.barrier barrier_id(%barrier3A_41)
    %scan3A_42 = arith.constant 0 : i32
    %scan3A_43 = arith.constant 128 : i32
    %scan3A_44 = arith.addi %scan3A_42, %scan3A_43 : i32
    %scan3A_45 = arith.constant 1 : i32
    scf.for %scan3A_95 = %scan3A_42 to %scan3A_44 step %scan3A_45  : i32 {
      %mul3A_96 = arith.constant 1 : i32
      %mul3A_97 = arith.muli %scan3A_95, %mul3A_96 : i32
      %add3A_98 = arith.constant 0 : i32
      %add3A_99 = arith.addi %add3A_98, %mul3A_97 : i32
      %scan3A_100 = arith.constant 0 : i32
      %scan3A_101 = arith.constant 8 : i32
      %scan3A_102 = arith.addi %scan3A_100, %scan3A_101 : i32
      %scan3A_103 = arith.constant 1 : i32
      scf.for %scan3A_105 = %scan3A_100 to %scan3A_102 step %scan3A_103  : i32 {
        %mul3A_106 = arith.constant 16 : i32
        %mul3A_107 = arith.muli %scan3A_105, %mul3A_106 : i32
        %add3A_108 = arith.constant 0 : i32
        %add3A_109 = arith.addi %add3A_108, %mul3A_107 : i32
        %broadcast_in_dim3A = arith.constant 0.000000e+00 : f32
        %broadcast_in_dim3A_110 = vector.broadcast %broadcast_in_dim3A : f32 to vector<16xf32>
        %swap3A = arith.index_cast %add3A_99 : i32 to index
        %swap3A_111 = arith.index_cast %add3A_109 : i32 to index
        %swap3A_112 = tpu.vector_load %arg10[%swap3A, %swap3A_111] {strides = array<i32>} : memref<128x128xf32, #tpu.memory_space<vmem>>, vector<1x16xf32>,
        %swap3A_113 = vector.shape_cast %swap3A_112 : vector<1x16xf32> to vector<16xf32>
        %swap3A_114 = vector.shape_cast %broadcast_in_dim3A_110 : vector<16xf32> to vector<1x16xf32>
        tpu.vector_store %arg10[%swap3A, %swap3A_111], %swap3A_114 {strides = array<i32>} : memref<128x128xf32, #tpu.memory_space<vmem>>, vector<1x16xf32>,
      }
      %scan3A_104 = arith.constant 8 : i32
    }
    %scan3A_46 = arith.constant 128 : i32
    %scan3A_47 = arith.constant 0 : i32
    %scan3A_48 = arith.constant 5 : i32
    %scan3A_49 = arith.addi %scan3A_47, %scan3A_48 : i32
    %scan3A_50 = arith.constant 1 : i32
    scf.for %scan3A_95 = %scan3A_47 to %scan3A_49 step %scan3A_50  : i32 {
      %mul3A_96 = arith.constant 1 : i32
      %mul3A_97 = arith.muli %scan3A_95, %mul3A_96 : i32
      %add3A_98 = arith.constant 0 : i32
      %add3A_99 = arith.addi %add3A_98, %mul3A_97 : i32
      %mul3A_100 = arith.constant 640 : i32
      %mul3A_101 = arith.muli %arg1, %mul3A_100 : i32
      %mul3A_102 = arith.constant 128 : i32
      %mul3A_103 = arith.muli %add3A_99, %mul3A_102 : i32
      %add3A_104 = arith.addi %mul3A_101, %mul3A_103 : i32
      "tpu.region"() ({
        %run_scoped3A = tpu.sem_alloc : memref<!tpu.dma_semaphore, #tpu.memory_space<semaphore_mem>>
        %dma_start3A_105 = arith.constant 0 : i32
        %dma_start3A_106 = tpu.memref_slice %arg12[%add3A_104, %dma_start3A_105] : memref<10240x128xf32, #tpu.memory_space<vmem_shared>> -> memref<128x128xf32, #tpu.memory_space<vmem_shared>>
        %dma_start3A_107 = arith.constant 0 : i32
        %dma_start3A_108 = tpu.memref_slice %arg12[%add3A_104, %dma_start3A_107] : memref<10240x128xf32, #tpu.memory_space<vmem_shared>> -> memref<128x128xf32, #tpu.memory_space<vmem_shared>>
        tpu.enqueue_dma source(%arg10 : memref<128x128xf32, #tpu.memory_space<vmem>>) target(%dma_start3A_108 : memref<128x128xf32, #tpu.memory_space<vmem_shared>>) target_semaphore(%run_scoped3A : memref<!tpu.dma_semaphore, #tpu.memory_space<semaphore_mem>>)
        %dma_wait3A_109 = arith.constant 0 : i32
        %dma_wait3A_110 = tpu.memref_slice %arg12[%add3A_104, %dma_wait3A_109] : memref<10240x128xf32, #tpu.memory_space<vmem_shared>> -> memref<128x128xf32, #tpu.memory_space<vmem_shared>>
        %dma_wait3A_111 = arith.constant 0 : i32
        %dma_wait3A_112 = tpu.memref_slice %arg12[%add3A_104, %dma_wait3A_111] : memref<10240x128xf32, #tpu.memory_space<vmem_shared>> -> memref<128x128xf32, #tpu.memory_space<vmem_shared>>
        tpu.wait_dma2 semaphore(%run_scoped3A : memref<!tpu.dma_semaphore, #tpu.memory_space<semaphore_mem>>) src(%arg10 : memref<128x128xf32, #tpu.memory_space<vmem>>) dst(%dma_wait3A_112 : memref<128x128xf32, #tpu.memory_space<vmem_shared>>)
        tpu.yield
      }) : () -> ()
    }
    %scan3A_51 = arith.constant 5 : i32
    %barrier3A_52 = arith.constant 0 : index
    tpu.barrier barrier_id(%barrier3A_52)
    %dma_start3A_53 = arith.constant 0 : i32
    %dma_start3A_54 = arith.constant 0 : i32
    %dma_start3A_55 = arith.constant 0 : i32
    %dma_start3A_56 = tpu.memref_slice %arg3[%add3A, %dma_start3A_53, %dma_start3A_54, %dma_start3A_55] : memref<32x80x2x128xi32, #tpu.memory_space<hbm>> -> memref<1x1x2x128xi32, #tpu.memory_space<hbm>>
    %dma_start3A_57 = tpu.memref_squeeze %dma_start3A_56 : memref<1x1x2x128xi32, #tpu.memory_space<hbm>> -> memref<2x128xi32, #tpu.memory_space<hbm>>
    %dma_start3A_58 = arith.constant 0 : i32
    %dma_start3A_59 = arith.constant 0 : i32
    %dma_start3A_60 = tpu.memref_slice %arg3[%add3A, %dma_start3A_53, %dma_start3A_58, %dma_start3A_59] : memref<32x80x2x128xi32, #tpu.memory_space<hbm>> -> memref<1x1x2x128xi32, #tpu.memory_space<hbm>>
    %dma_start3A_61 = tpu.memref_squeeze %dma_start3A_60 : memref<1x1x2x128xi32, #tpu.memory_space<hbm>> -> memref<2x128xi32, #tpu.memory_space<hbm>>
    tpu.enqueue_dma source(%dma_start3A_61 : memref<2x128xi32, #tpu.memory_space<hbm>>) target(%arg6 : memref<2x128xi32, #tpu.memory_space<vmem>>) target_semaphore(%arg13 : memref<!tpu.dma_semaphore, #tpu.memory_space<semaphore_mem>>)
    %dma_start3A_62 = arith.constant 1 : i32
    %dma_start3A_63 = arith.constant 0 : i32
    %dma_start3A_64 = arith.constant 0 : i32
    %dma_start3A_65 = tpu.memref_slice %arg3[%add3A, %dma_start3A_62, %dma_start3A_63, %dma_start3A_64] : memref<32x80x2x128xi32, #tpu.memory_space<hbm>> -> memref<1x1x2x128xi32, #tpu.memory_space<hbm>>
    %dma_start3A_66 = tpu.memref_squeeze %dma_start3A_65 : memref<1x1x2x128xi32, #tpu.memory_space<hbm>> -> memref<2x128xi32, #tpu.memory_space<hbm>>
    %dma_start3A_67 = arith.constant 0 : i32
    %dma_start3A_68 = arith.constant 0 : i32
    %dma_start3A_69 = tpu.memref_slice %arg3[%add3A, %dma_start3A_62, %dma_start3A_67, %dma_start3A_68] : memref<32x80x2x128xi32, #tpu.memory_space<hbm>> -> memref<1x1x2x128xi32, #tpu.memory_space<hbm>>
    %dma_start3A_70 = tpu.memref_squeeze %dma_start3A_69 : memref<1x1x2x128xi32, #tpu.memory_space<hbm>> -> memref<2x128xi32, #tpu.memory_space<hbm>>
    tpu.enqueue_dma source(%dma_start3A_70 : memref<2x128xi32, #tpu.memory_space<hbm>>) target(%arg7 : memref<2x128xi32, #tpu.memory_space<vmem>>) target_semaphore(%arg14 : memref<!tpu.dma_semaphore, #tpu.memory_space<semaphore_mem>>)
    %dma_start3A_71 = arith.constant 0 : i32
    %dma_start3A_72 = arith.constant 0 : i32
    %dma_start3A_73 = arith.constant 0 : i32
    %dma_start3A_74 = tpu.memref_slice %arg4[%add3A, %dma_start3A_71, %dma_start3A_72, %dma_start3A_73] : memref<32x80x128x128xf32, #tpu.memory_space<hbm>> -> memref<1x1x128x128xf32, #tpu.memory_space<hbm>>
    %dma_start3A_75 = tpu.memref_squeeze %dma_start3A_74 : memref<1x1x128x128xf32, #tpu.memory_space<hbm>> -> memref<128x128xf32, #tpu.memory_space<hbm>>
    %dma_start3A_76 = arith.constant 0 : i32
    %dma_start3A_77 = arith.constant 0 : i32
    %dma_start3A_78 = tpu.memref_slice %arg4[%add3A, %dma_start3A_71, %dma_start3A_76, %dma_start3A_77] : memref<32x80x128x128xf32, #tpu.memory_space<hbm>> -> memref<1x1x128x128xf32, #tpu.memory_space<hbm>>
    %dma_start3A_79 = tpu.memref_squeeze %dma_start3A_78 : memref<1x1x128x128xf32, #tpu.memory_space<hbm>> -> memref<128x128xf32, #tpu.memory_space<hbm>>
    tpu.enqueue_dma source(%dma_start3A_79 : memref<128x128xf32, #tpu.memory_space<hbm>>) target(%arg10 : memref<128x128xf32, #tpu.memory_space<vmem>>) target_semaphore(%arg17 : memref<!tpu.dma_semaphore, #tpu.memory_space<semaphore_mem>>)
    %dma_start3A_80 = arith.constant 1 : i32
    %dma_start3A_81 = arith.constant 0 : i32
    %dma_start3A_82 = arith.constant 0 : i32
    %dma_start3A_83 = tpu.memref_slice %arg4[%add3A, %dma_start3A_80, %dma_start3A_81, %dma_start3A_82] : memref<32x80x128x128xf32, #tpu.memory_space<hbm>> -> memref<1x1x128x128xf32, #tpu.memory_space<hbm>>
    %dma_start3A_84 = tpu.memref_squeeze %dma_start3A_83 : memref<1x1x128x128xf32, #tpu.memory_space<hbm>> -> memref<128x128xf32, #tpu.memory_space<hbm>>
    %dma_start3A_85 = arith.constant 0 : i32
    %dma_start3A_86 = arith.constant 0 : i32
    %dma_start3A_87 = tpu.memref_slice %arg4[%add3A, %dma_start3A_80, %dma_start3A_85, %dma_start3A_86] : memref<32x80x128x128xf32, #tpu.memory_space<hbm>> -> memref<1x1x128x128xf32, #tpu.memory_space<hbm>>
    %dma_start3A_88 = tpu.memref_squeeze %dma_start3A_87 : memref<1x1x128x128xf32, #tpu.memory_space<hbm>> -> memref<128x128xf32, #tpu.memory_space<hbm>>
    tpu.enqueue_dma source(%dma_start3A_88 : memref<128x128xf32, #tpu.memory_space<hbm>>) target(%arg11 : memref<128x128xf32, #tpu.memory_space<vmem>>) target_semaphore(%arg18 : memref<!tpu.dma_semaphore, #tpu.memory_space<semaphore_mem>>)
    %scan3A_89 = arith.constant 0 : i32
    %scan3A_90 = arith.constant 20 : i32
    %scan3A_91 = arith.addi %scan3A_89, %scan3A_90 : i32
    %scan3A_92 = arith.constant 1 : i32
    scf.for %scan3A_95 = %scan3A_89 to %scan3A_91 step %scan3A_92  : i32 {
      %mul3A_96 = arith.constant 4 : i32
      %mul3A_97 = arith.muli %scan3A_95, %mul3A_96 : i32
      %add3A_98 = arith.constant 0 : i32
      %add3A_99 = arith.addi %add3A_98, %mul3A_97 : i32
      %add3A_100 = arith.constant 0 : i32
      %add3A_101 = arith.addi %add3A_99, %add3A_100 : i32
      %lt3A = arith.constant 78 : i32
      %lt3A_102 = arith.cmpi slt, %add3A_101, %lt3A : i32
      %convert_element_type3A = arith.extui %lt3A_102 : i1 to i32
      %cond3A = arith.constant 0 : i32
      %cond3A_103 = arith.cmpi ne, %convert_element_type3A, %cond3A : i32
      scf.if %cond3A_103 {
        %add3A_212 = arith.constant 2 : i32
        %add3A_213 = arith.addi %add3A_101, %add3A_212 : i32
        %dma_start3A_214 = arith.constant 0 : i32
        %dma_start3A_215 = arith.constant 0 : i32
        %dma_start3A_216 = tpu.memref_slice %arg3[%add3A, %add3A_213, %dma_start3A_214, %dma_start3A_215] : memref<32x80x2x128xi32, #tpu.memory_space<hbm>> -> memref<1x1x2x128xi32, #tpu.memory_space<hbm>>
        %dma_start3A_217 = tpu.memref_squeeze %dma_start3A_216 : memref<1x1x2x128xi32, #tpu.memory_space<hbm>> -> memref<2x128xi32, #tpu.memory_space<hbm>>
        %dma_start3A_218 = arith.constant 0 : i32
        %dma_start3A_219 = arith.constant 0 : i32
        %dma_start3A_220 = tpu.memref_slice %arg3[%add3A, %add3A_213, %dma_start3A_218, %dma_start3A_219] : memref<32x80x2x128xi32, #tpu.memory_space<hbm>> -> memref<1x1x2x128xi32, #tpu.memory_space<hbm>>
        %dma_start3A_221 = tpu.memref_squeeze %dma_start3A_220 : memref<1x1x2x128xi32, #tpu.memory_space<hbm>> -> memref<2x128xi32, #tpu.memory_space<hbm>>
        tpu.enqueue_dma source(%dma_start3A_221 : memref<2x128xi32, #tpu.memory_space<hbm>>) target(%arg8 : memref<2x128xi32, #tpu.memory_space<vmem>>) target_semaphore(%arg15 : memref<!tpu.dma_semaphore, #tpu.memory_space<semaphore_mem>>)
      } else {
      }
      %dma_wait3A_104 = arith.constant 0 : i32
      %dma_wait3A_105 = arith.constant 0 : i32
      %dma_wait3A_106 = tpu.memref_slice %arg3[%add3A, %add3A_101, %dma_wait3A_104, %dma_wait3A_105] : memref<32x80x2x128xi32, #tpu.memory_space<hbm>> -> memref<1x1x2x128xi32, #tpu.memory_space<hbm>>
      %dma_wait3A_107 = tpu.memref_squeeze %dma_wait3A_106 : memref<1x1x2x128xi32, #tpu.memory_space<hbm>> -> memref<2x128xi32, #tpu.memory_space<hbm>>
      %dma_wait3A_108 = arith.constant 0 : i32
      %dma_wait3A_109 = arith.constant 0 : i32
      %dma_wait3A_110 = tpu.memref_slice %arg3[%add3A, %add3A_101, %dma_wait3A_108, %dma_wait3A_109] : memref<32x80x2x128xi32, #tpu.memory_space<hbm>> -> memref<1x1x2x128xi32, #tpu.memory_space<hbm>>
      %dma_wait3A_111 = tpu.memref_squeeze %dma_wait3A_110 : memref<1x1x2x128xi32, #tpu.memory_space<hbm>> -> memref<2x128xi32, #tpu.memory_space<hbm>>
      tpu.wait_dma2 semaphore(%arg13 : memref<!tpu.dma_semaphore, #tpu.memory_space<semaphore_mem>>) src(%dma_wait3A_111 : memref<2x128xi32, #tpu.memory_space<hbm>>) dst(%arg6 : memref<2x128xi32, #tpu.memory_space<vmem>>)
      %dma_wait3A_112 = arith.constant 0 : i32
      %dma_wait3A_113 = arith.constant 0 : i32
      %dma_wait3A_114 = tpu.memref_slice %arg4[%add3A, %add3A_101, %dma_wait3A_112, %dma_wait3A_113] : memref<32x80x128x128xf32, #tpu.memory_space<hbm>> -> memref<1x1x128x128xf32, #tpu.memory_space<hbm>>
      %dma_wait3A_115 = tpu.memref_squeeze %dma_wait3A_114 : memref<1x1x128x128xf32, #tpu.memory_space<hbm>> -> memref<128x128xf32, #tpu.memory_space<hbm>>
      %dma_wait3A_116 = arith.constant 0 : i32
      %dma_wait3A_117 = arith.constant 0 : i32
      %dma_wait3A_118 = tpu.memref_slice %arg4[%add3A, %add3A_101, %dma_wait3A_116, %dma_wait3A_117] : memref<32x80x128x128xf32, #tpu.memory_space<hbm>> -> memref<1x1x128x128xf32, #tpu.memory_space<hbm>>
      %dma_wait3A_119 = tpu.memref_squeeze %dma_wait3A_118 : memref<1x1x128x128xf32, #tpu.memory_space<hbm>> -> memref<128x128xf32, #tpu.memory_space<hbm>>
      tpu.wait_dma2 semaphore(%arg17 : memref<!tpu.dma_semaphore, #tpu.memory_space<semaphore_mem>>) src(%dma_wait3A_119 : memref<128x128xf32, #tpu.memory_space<hbm>>) dst(%arg10 : memref<128x128xf32, #tpu.memory_space<vmem>>)
      %run_scoped3A = arith.constant 1 : i32
      "tpu.region"() ({
        %run_scoped3A_212 = tpu.sem_alloc : memref<!tpu.dma_semaphore, #tpu.memory_space<semaphore_mem>>
        %dma_start3A_213 = arith.constant 0 : i32
        %dma_start3A_214 = tpu.memref_slice %arg6[%run_scoped3A, %dma_start3A_213] : memref<2x128xi32, #tpu.memory_space<vmem>> -> memref<1x128xi32, #tpu.memory_space<vmem>>
        %dma_start3A_215 = tpu.memref_squeeze %dma_start3A_214 : memref<1x128xi32, #tpu.memory_space<vmem>> -> memref<128xi32, #tpu.memory_space<vmem>>
        %dma_start3A_216 = arith.constant 0 : i32
        %dma_start3A_217 = arith.constant 0 : i32
        %dma_start3A_218 = tpu.memref_slice %arg12[%dma_start3A_216, %dma_start3A_217] : memref<10240x128xf32, #tpu.memory_space<vmem_shared>> -> memref<10240x128xf32, #tpu.memory_space<vmem_shared>>
        tpu.enqueue_indirect_dma source(%arg10 : memref<128x128xf32, #tpu.memory_space<vmem>>) target(%dma_start3A_218 : memref<10240x128xf32, #tpu.memory_space<vmem_shared>>) offsets(%dma_start3A_215 : memref<128xi32, #tpu.memory_space<vmem>>) semaphore(%run_scoped3A_212 : memref<!tpu.dma_semaphore, #tpu.memory_space<semaphore_mem>>) {add = true}
        %dma_wait3A_219 = arith.constant 0 : i32
        %dma_wait3A_220 = tpu.memref_slice %arg6[%run_scoped3A, %dma_wait3A_219] : memref<2x128xi32, #tpu.memory_space<vmem>> -> memref<1x128xi32, #tpu.memory_space<vmem>>
        %dma_wait3A_221 = tpu.memref_squeeze %dma_wait3A_220 : memref<1x128xi32, #tpu.memory_space<vmem>> -> memref<128xi32, #tpu.memory_space<vmem>>
        %dma_wait3A_222 = arith.constant 0 : i32
        %dma_wait3A_223 = arith.constant 0 : i32
        %dma_wait3A_224 = tpu.memref_slice %arg12[%dma_wait3A_222, %dma_wait3A_223] : memref<10240x128xf32, #tpu.memory_space<vmem_shared>> -> memref<10240x128xf32, #tpu.memory_space<vmem_shared>>
        tpu.wait_indirect_dma semaphore(%run_scoped3A_212 : memref<!tpu.dma_semaphore, #tpu.memory_space<semaphore_mem>>) src(%arg10 : memref<128x128xf32, #tpu.memory_space<vmem>>) dst(%dma_wait3A_224 : memref<10240x128xf32, #tpu.memory_space<vmem_shared>>)
        tpu.yield
      }) : () -> ()
      %lt3A_120 = arith.constant 78 : i32
      %lt3A_121 = arith.cmpi slt, %add3A_101, %lt3A_120 : i32
      %convert_element_type3A_122 = arith.extui %lt3A_121 : i1 to i32
      %cond3A_123 = arith.constant 0 : i32
      %cond3A_124 = arith.cmpi ne, %convert_element_type3A_122, %cond3A_123 : i32
      scf.if %cond3A_124 {
        %add3A_212 = arith.constant 2 : i32
        %add3A_213 = arith.addi %add3A_101, %add3A_212 : i32
        %dma_start3A_214 = arith.constant 0 : i32
        %dma_start3A_215 = arith.constant 0 : i32
        %dma_start3A_216 = tpu.memref_slice %arg4[%add3A, %add3A_213, %dma_start3A_214, %dma_start3A_215] : memref<32x80x128x128xf32, #tpu.memory_space<hbm>> -> memref<1x1x128x128xf32, #tpu.memory_space<hbm>>
        %dma_start3A_217 = tpu.memref_squeeze %dma_start3A_216 : memref<1x1x128x128xf32, #tpu.memory_space<hbm>> -> memref<128x128xf32, #tpu.memory_space<hbm>>
        %dma_start3A_218 = arith.constant 0 : i32
        %dma_start3A_219 = arith.constant 0 : i32
        %dma_start3A_220 = tpu.memref_slice %arg4[%add3A, %add3A_213, %dma_start3A_218, %dma_start3A_219] : memref<32x80x128x128xf32, #tpu.memory_space<hbm>> -> memref<1x1x128x128xf32, #tpu.memory_space<hbm>>
        %dma_start3A_221 = tpu.memref_squeeze %dma_start3A_220 : memref<1x1x128x128xf32, #tpu.memory_space<hbm>> -> memref<128x128xf32, #tpu.memory_space<hbm>>
        tpu.enqueue_dma source(%dma_start3A_221 : memref<128x128xf32, #tpu.memory_space<hbm>>) target(%arg10 : memref<128x128xf32, #tpu.memory_space<vmem>>) target_semaphore(%arg17 : memref<!tpu.dma_semaphore, #tpu.memory_space<semaphore_mem>>)
      } else {
      }
      %add3A_125 = arith.constant 1 : i32
      %add3A_126 = arith.addi %add3A_99, %add3A_125 : i32
      %lt3A_127 = arith.constant 78 : i32
      %lt3A_128 = arith.cmpi slt, %add3A_126, %lt3A_127 : i32
      %convert_element_type3A_129 = arith.extui %lt3A_128 : i1 to i32
      %cond3A_130 = arith.constant 0 : i32
      %cond3A_131 = arith.cmpi ne, %convert_element_type3A_129, %cond3A_130 : i32
      scf.if %cond3A_131 {
        %add3A_212 = arith.constant 2 : i32
        %add3A_213 = arith.addi %add3A_126, %add3A_212 : i32
        %dma_start3A_214 = arith.constant 0 : i32
        %dma_start3A_215 = arith.constant 0 : i32
        %dma_start3A_216 = tpu.memref_slice %arg3[%add3A, %add3A_213, %dma_start3A_214, %dma_start3A_215] : memref<32x80x2x128xi32, #tpu.memory_space<hbm>> -> memref<1x1x2x128xi32, #tpu.memory_space<hbm>>
        %dma_start3A_217 = tpu.memref_squeeze %dma_start3A_216 : memref<1x1x2x128xi32, #tpu.memory_space<hbm>> -> memref<2x128xi32, #tpu.memory_space<hbm>>
        %dma_start3A_218 = arith.constant 0 : i32
        %dma_start3A_219 = arith.constant 0 : i32
        %dma_start3A_220 = tpu.memref_slice %arg3[%add3A, %add3A_213, %dma_start3A_218, %dma_start3A_219] : memref<32x80x2x128xi32, #tpu.memory_space<hbm>> -> memref<1x1x2x128xi32, #tpu.memory_space<hbm>>
        %dma_start3A_221 = tpu.memref_squeeze %dma_start3A_220 : memref<1x1x2x128xi32, #tpu.memory_space<hbm>> -> memref<2x128xi32, #tpu.memory_space<hbm>>
        tpu.enqueue_dma source(%dma_start3A_221 : memref<2x128xi32, #tpu.memory_space<hbm>>) target(%arg9 : memref<2x128xi32, #tpu.memory_space<vmem>>) target_semaphore(%arg16 : memref<!tpu.dma_semaphore, #tpu.memory_space<semaphore_mem>>)
      } else {
      }
      %dma_wait3A_132 = arith.constant 0 : i32
      %dma_wait3A_133 = arith.constant 0 : i32
      %dma_wait3A_134 = tpu.memref_slice %arg3[%add3A, %add3A_126, %dma_wait3A_132, %dma_wait3A_133] : memref<32x80x2x128xi32, #tpu.memory_space<hbm>> -> memref<1x1x2x128xi32, #tpu.memory_space<hbm>>
      %dma_wait3A_135 = tpu.memref_squeeze %dma_wait3A_134 : memref<1x1x2x128xi32, #tpu.memory_space<hbm>> -> memref<2x128xi32, #tpu.memory_space<hbm>>
      %dma_wait3A_136 = arith.constant 0 : i32
      %dma_wait3A_137 = arith.constant 0 : i32
      %dma_wait3A_138 = tpu.memref_slice %arg3[%add3A, %add3A_126, %dma_wait3A_136, %dma_wait3A_137] : memref<32x80x2x128xi32, #tpu.memory_space<hbm>> -> memref<1x1x2x128xi32, #tpu.memory_space<hbm>>
      %dma_wait3A_139 = tpu.memref_squeeze %dma_wait3A_138 : memref<1x1x2x128xi32, #tpu.memory_space<hbm>> -> memref<2x128xi32, #tpu.memory_space<hbm>>
      tpu.wait_dma2 semaphore(%arg14 : memref<!tpu.dma_semaphore, #tpu.memory_space<semaphore_mem>>) src(%dma_wait3A_139 : memref<2x128xi32, #tpu.memory_space<hbm>>) dst(%arg7 : memref<2x128xi32, #tpu.memory_space<vmem>>)
      %dma_wait3A_140 = arith.constant 0 : i32
      %dma_wait3A_141 = arith.constant 0 : i32
      %dma_wait3A_142 = tpu.memref_slice %arg4[%add3A, %add3A_126, %dma_wait3A_140, %dma_wait3A_141] : memref<32x80x128x128xf32, #tpu.memory_space<hbm>> -> memref<1x1x128x128xf32, #tpu.memory_space<hbm>>
      %dma_wait3A_143 = tpu.memref_squeeze %dma_wait3A_142 : memref<1x1x128x128xf32, #tpu.memory_space<hbm>> -> memref<128x128xf32, #tpu.memory_space<hbm>>
      %dma_wait3A_144 = arith.constant 0 : i32
      %dma_wait3A_145 = arith.constant 0 : i32
      %dma_wait3A_146 = tpu.memref_slice %arg4[%add3A, %add3A_126, %dma_wait3A_144, %dma_wait3A_145] : memref<32x80x128x128xf32, #tpu.memory_space<hbm>> -> memref<1x1x128x128xf32, #tpu.memory_space<hbm>>
      %dma_wait3A_147 = tpu.memref_squeeze %dma_wait3A_146 : memref<1x1x128x128xf32, #tpu.memory_space<hbm>> -> memref<128x128xf32, #tpu.memory_space<hbm>>
      tpu.wait_dma2 semaphore(%arg18 : memref<!tpu.dma_semaphore, #tpu.memory_space<semaphore_mem>>) src(%dma_wait3A_147 : memref<128x128xf32, #tpu.memory_space<hbm>>) dst(%arg11 : memref<128x128xf32, #tpu.memory_space<vmem>>)
      %run_scoped3A_148 = arith.constant 1 : i32
      "tpu.region"() ({
        %run_scoped3A_212 = tpu.sem_alloc : memref<!tpu.dma_semaphore, #tpu.memory_space<semaphore_mem>>
        %dma_start3A_213 = arith.constant 0 : i32
        %dma_start3A_214 = tpu.memref_slice %arg7[%run_scoped3A_148, %dma_start3A_213] : memref<2x128xi32, #tpu.memory_space<vmem>> -> memref<1x128xi32, #tpu.memory_space<vmem>>
        %dma_start3A_215 = tpu.memref_squeeze %dma_start3A_214 : memref<1x128xi32, #tpu.memory_space<vmem>> -> memref<128xi32, #tpu.memory_space<vmem>>
        %dma_start3A_216 = arith.constant 0 : i32
        %dma_start3A_217 = arith.constant 0 : i32
        %dma_start3A_218 = tpu.memref_slice %arg12[%dma_start3A_216, %dma_start3A_217] : memref<10240x128xf32, #tpu.memory_space<vmem_shared>> -> memref<10240x128xf32, #tpu.memory_space<vmem_shared>>
        tpu.enqueue_indirect_dma source(%arg11 : memref<128x128xf32, #tpu.memory_space<vmem>>) target(%dma_start3A_218 : memref<10240x128xf32, #tpu.memory_space<vmem_shared>>) offsets(%dma_start3A_215 : memref<128xi32, #tpu.memory_space<vmem>>) semaphore(%run_scoped3A_212 : memref<!tpu.dma_semaphore, #tpu.memory_space<semaphore_mem>>) {add = true}
        %dma_wait3A_219 = arith.constant 0 : i32
        %dma_wait3A_220 = tpu.memref_slice %arg7[%run_scoped3A_148, %dma_wait3A_219] : memref<2x128xi32, #tpu.memory_space<vmem>> -> memref<1x128xi32, #tpu.memory_space<vmem>>
        %dma_wait3A_221 = tpu.memref_squeeze %dma_wait3A_220 : memref<1x128xi32, #tpu.memory_space<vmem>> -> memref<128xi32, #tpu.memory_space<vmem>>
        %dma_wait3A_222 = arith.constant 0 : i32
        %dma_wait3A_223 = arith.constant 0 : i32
        %dma_wait3A_224 = tpu.memref_slice %arg12[%dma_wait3A_222, %dma_wait3A_223] : memref<10240x128xf32, #tpu.memory_space<vmem_shared>> -> memref<10240x128xf32, #tpu.memory_space<vmem_shared>>
        tpu.wait_indirect_dma semaphore(%run_scoped3A_212 : memref<!tpu.dma_semaphore, #tpu.memory_space<semaphore_mem>>) src(%arg11 : memref<128x128xf32, #tpu.memory_space<vmem>>) dst(%dma_wait3A_224 : memref<10240x128xf32, #tpu.memory_space<vmem_shared>>)
        tpu.yield
      }) : () -> ()
      %lt3A_149 = arith.constant 78 : i32
      %lt3A_150 = arith.cmpi slt, %add3A_126, %lt3A_149 : i32
      %convert_element_type3A_151 = arith.extui %lt3A_150 : i1 to i32
      %cond3A_152 = arith.constant 0 : i32
      %cond3A_153 = arith.cmpi ne, %convert_element_type3A_151, %cond3A_152 : i32
      scf.if %cond3A_153 {
        %add3A_212 = arith.constant 2 : i32
        %add3A_213 = arith.addi %add3A_126, %add3A_212 : i32
        %dma_start3A_214 = arith.constant 0 : i32
        %dma_start3A_215 = arith.constant 0 : i32
        %dma_start3A_216 = tpu.memref_slice %arg4[%add3A, %add3A_213, %dma_start3A_214, %dma_start3A_215] : memref<32x80x128x128xf32, #tpu.memory_space<hbm>> -> memref<1x1x128x128xf32, #tpu.memory_space<hbm>>
        %dma_start3A_217 = tpu.memref_squeeze %dma_start3A_216 : memref<1x1x128x128xf32, #tpu.memory_space<hbm>> -> memref<128x128xf32, #tpu.memory_space<hbm>>
        %dma_start3A_218 = arith.constant 0 : i32
        %dma_start3A_219 = arith.constant 0 : i32
        %dma_start3A_220 = tpu.memref_slice %arg4[%add3A, %add3A_213, %dma_start3A_218, %dma_start3A_219] : memref<32x80x128x128xf32, #tpu.memory_space<hbm>> -> memref<1x1x128x128xf32, #tpu.memory_space<hbm>>
        %dma_start3A_221 = tpu.memref_squeeze %dma_start3A_220 : memref<1x1x128x128xf32, #tpu.memory_space<hbm>> -> memref<128x128xf32, #tpu.memory_space<hbm>>
        tpu.enqueue_dma source(%dma_start3A_221 : memref<128x128xf32, #tpu.memory_space<hbm>>) target(%arg11 : memref<128x128xf32, #tpu.memory_space<vmem>>) target_semaphore(%arg18 : memref<!tpu.dma_semaphore, #tpu.memory_space<semaphore_mem>>)
      } else {
      }
      %add3A_154 = arith.constant 2 : i32
      %add3A_155 = arith.addi %add3A_99, %add3A_154 : i32
      %lt3A_156 = arith.constant 78 : i32
      %lt3A_157 = arith.cmpi slt, %add3A_155, %lt3A_156 : i32
      %convert_element_type3A_158 = arith.extui %lt3A_157 : i1 to i32
      %cond3A_159 = arith.constant 0 : i32
      %cond3A_160 = arith.cmpi ne, %convert_element_type3A_158, %cond3A_159 : i32
      scf.if %cond3A_160 {
        %add3A_212 = arith.constant 2 : i32
        %add3A_213 = arith.addi %add3A_155, %add3A_212 : i32
        %dma_start3A_214 = arith.constant 0 : i32
        %dma_start3A_215 = arith.constant 0 : i32
        %dma_start3A_216 = tpu.memref_slice %arg3[%add3A, %add3A_213, %dma_start3A_214, %dma_start3A_215] : memref<32x80x2x128xi32, #tpu.memory_space<hbm>> -> memref<1x1x2x128xi32, #tpu.memory_space<hbm>>
        %dma_start3A_217 = tpu.memref_squeeze %dma_start3A_216 : memref<1x1x2x128xi32, #tpu.memory_space<hbm>> -> memref<2x128xi32, #tpu.memory_space<hbm>>
        %dma_start3A_218 = arith.constant 0 : i32
        %dma_start3A_219 = arith.constant 0 : i32
        %dma_start3A_220 = tpu.memref_slice %arg3[%add3A, %add3A_213, %dma_start3A_218, %dma_start3A_219] : memref<32x80x2x128xi32, #tpu.memory_space<hbm>> -> memref<1x1x2x128xi32, #tpu.memory_space<hbm>>
        %dma_start3A_221 = tpu.memref_squeeze %dma_start3A_220 : memref<1x1x2x128xi32, #tpu.memory_space<hbm>> -> memref<2x128xi32, #tpu.memory_space<hbm>>
        tpu.enqueue_dma source(%dma_start3A_221 : memref<2x128xi32, #tpu.memory_space<hbm>>) target(%arg6 : memref<2x128xi32, #tpu.memory_space<vmem>>) target_semaphore(%arg13 : memref<!tpu.dma_semaphore, #tpu.memory_space<semaphore_mem>>)
      } else {
      }
      %dma_wait3A_161 = arith.constant 0 : i32
      %dma_wait3A_162 = arith.constant 0 : i32
      %dma_wait3A_163 = tpu.memref_slice %arg3[%add3A, %add3A_155, %dma_wait3A_161, %dma_wait3A_162] : memref<32x80x2x128xi32, #tpu.memory_space<hbm>> -> memref<1x1x2x128xi32, #tpu.memory_space<hbm>>
      %dma_wait3A_164 = tpu.memref_squeeze %dma_wait3A_163 : memref<1x1x2x128xi32, #tpu.memory_space<hbm>> -> memref<2x128xi32, #tpu.memory_space<hbm>>
      %dma_wait3A_165 = arith.constant 0 : i32
      %dma_wait3A_166 = arith.constant 0 : i32
      %dma_wait3A_167 = tpu.memref_slice %arg3[%add3A, %add3A_155, %dma_wait3A_165, %dma_wait3A_166] : memref<32x80x2x128xi32, #tpu.memory_space<hbm>> -> memref<1x1x2x128xi32, #tpu.memory_space<hbm>>
      %dma_wait3A_168 = tpu.memref_squeeze %dma_wait3A_167 : memref<1x1x2x128xi32, #tpu.memory_space<hbm>> -> memref<2x128xi32, #tpu.memory_space<hbm>>
      tpu.wait_dma2 semaphore(%arg15 : memref<!tpu.dma_semaphore, #tpu.memory_space<semaphore_mem>>) src(%dma_wait3A_168 : memref<2x128xi32, #tpu.memory_space<hbm>>) dst(%arg8 : memref<2x128xi32, #tpu.memory_space<vmem>>)
      %dma_wait3A_169 = arith.constant 0 : i32
      %dma_wait3A_170 = arith.constant 0 : i32
      %dma_wait3A_171 = tpu.memref_slice %arg4[%add3A, %add3A_155, %dma_wait3A_169, %dma_wait3A_170] : memref<32x80x128x128xf32, #tpu.memory_space<hbm>> -> memref<1x1x128x128xf32, #tpu.memory_space<hbm>>
      %dma_wait3A_172 = tpu.memref_squeeze %dma_wait3A_171 : memref<1x1x128x128xf32, #tpu.memory_space<hbm>> -> memref<128x128xf32, #tpu.memory_space<hbm>>
      %dma_wait3A_173 = arith.constant 0 : i32
      %dma_wait3A_174 = arith.constant 0 : i32
      %dma_wait3A_175 = tpu.memref_slice %arg4[%add3A, %add3A_155, %dma_wait3A_173, %dma_wait3A_174] : memref<32x80x128x128xf32, #tpu.memory_space<hbm>> -> memref<1x1x128x128xf32, #tpu.memory_space<hbm>>
      %dma_wait3A_176 = tpu.memref_squeeze %dma_wait3A_175 : memref<1x1x128x128xf32, #tpu.memory_space<hbm>> -> memref<128x128xf32, #tpu.memory_space<hbm>>
      tpu.wait_dma2 semaphore(%arg17 : memref<!tpu.dma_semaphore, #tpu.memory_space<semaphore_mem>>) src(%dma_wait3A_176 : memref<128x128xf32, #tpu.memory_space<hbm>>) dst(%arg10 : memref<128x128xf32, #tpu.memory_space<vmem>>)
      %run_scoped3A_177 = arith.constant 1 : i32
      "tpu.region"() ({
        %run_scoped3A_212 = tpu.sem_alloc : memref<!tpu.dma_semaphore, #tpu.memory_space<semaphore_mem>>
        %dma_start3A_213 = arith.constant 0 : i32
        %dma_start3A_214 = tpu.memref_slice %arg8[%run_scoped3A_177, %dma_start3A_213] : memref<2x128xi32, #tpu.memory_space<vmem>> -> memref<1x128xi32, #tpu.memory_space<vmem>>
        %dma_start3A_215 = tpu.memref_squeeze %dma_start3A_214 : memref<1x128xi32, #tpu.memory_space<vmem>> -> memref<128xi32, #tpu.memory_space<vmem>>
        %dma_start3A_216 = arith.constant 0 : i32
        %dma_start3A_217 = arith.constant 0 : i32
        %dma_start3A_218 = tpu.memref_slice %arg12[%dma_start3A_216, %dma_start3A_217] : memref<10240x128xf32, #tpu.memory_space<vmem_shared>> -> memref<10240x128xf32, #tpu.memory_space<vmem_shared>>
        tpu.enqueue_indirect_dma source(%arg10 : memref<128x128xf32, #tpu.memory_space<vmem>>) target(%dma_start3A_218 : memref<10240x128xf32, #tpu.memory_space<vmem_shared>>) offsets(%dma_start3A_215 : memref<128xi32, #tpu.memory_space<vmem>>) semaphore(%run_scoped3A_212 : memref<!tpu.dma_semaphore, #tpu.memory_space<semaphore_mem>>) {add = true}
        %dma_wait3A_219 = arith.constant 0 : i32
        %dma_wait3A_220 = tpu.memref_slice %arg8[%run_scoped3A_177, %dma_wait3A_219] : memref<2x128xi32, #tpu.memory_space<vmem>> -> memref<1x128xi32, #tpu.memory_space<vmem>>
        %dma_wait3A_221 = tpu.memref_squeeze %dma_wait3A_220 : memref<1x128xi32, #tpu.memory_space<vmem>> -> memref<128xi32, #tpu.memory_space<vmem>>
        %dma_wait3A_222 = arith.constant 0 : i32
        %dma_wait3A_223 = arith.constant 0 : i32
        %dma_wait3A_224 = tpu.memref_slice %arg12[%dma_wait3A_222, %dma_wait3A_223] : memref<10240x128xf32, #tpu.memory_space<vmem_shared>> -> memref<10240x128xf32, #tpu.memory_space<vmem_shared>>
        tpu.wait_indirect_dma semaphore(%run_scoped3A_212 : memref<!tpu.dma_semaphore, #tpu.memory_space<semaphore_mem>>) src(%arg10 : memref<128x128xf32, #tpu.memory_space<vmem>>) dst(%dma_wait3A_224 : memref<10240x128xf32, #tpu.memory_space<vmem_shared>>)
        tpu.yield
      }) : () -> ()
      %lt3A_178 = arith.constant 78 : i32
      %lt3A_179 = arith.cmpi slt, %add3A_155, %lt3A_178 : i32
      %convert_element_type3A_180 = arith.extui %lt3A_179 : i1 to i32
      %cond3A_181 = arith.constant 0 : i32
      %cond3A_182 = arith.cmpi ne, %convert_element_type3A_180, %cond3A_181 : i32
      scf.if %cond3A_182 {
        %add3A_212 = arith.constant 2 : i32
        %add3A_213 = arith.addi %add3A_155, %add3A_212 : i32
        %dma_start3A_214 = arith.constant 0 : i32
        %dma_start3A_215 = arith.constant 0 : i32
        %dma_start3A_216 = tpu.memref_slice %arg4[%add3A, %add3A_213, %dma_start3A_214, %dma_start3A_215] : memref<32x80x128x128xf32, #tpu.memory_space<hbm>> -> memref<1x1x128x128xf32, #tpu.memory_space<hbm>>
        %dma_start3A_217 = tpu.memref_squeeze %dma_start3A_216 : memref<1x1x128x128xf32, #tpu.memory_space<hbm>> -> memref<128x128xf32, #tpu.memory_space<hbm>>
        %dma_start3A_218 = arith.constant 0 : i32
        %dma_start3A_219 = arith.constant 0 : i32
        %dma_start3A_220 = tpu.memref_slice %arg4[%add3A, %add3A_213, %dma_start3A_218, %dma_start3A_219] : memref<32x80x128x128xf32, #tpu.memory_space<hbm>> -> memref<1x1x128x128xf32, #tpu.memory_space<hbm>>
        %dma_start3A_221 = tpu.memref_squeeze %dma_start3A_220 : memref<1x1x128x128xf32, #tpu.memory_space<hbm>> -> memref<128x128xf32, #tpu.memory_space<hbm>>
        tpu.enqueue_dma source(%dma_start3A_221 : memref<128x128xf32, #tpu.memory_space<hbm>>) target(%arg10 : memref<128x128xf32, #tpu.memory_space<vmem>>) target_semaphore(%arg17 : memref<!tpu.dma_semaphore, #tpu.memory_space<semaphore_mem>>)
      } else {
      }
      %add3A_183 = arith.constant 3 : i32
      %add3A_184 = arith.addi %add3A_99, %add3A_183 : i32
      %lt3A_185 = arith.constant 78 : i32
      %lt3A_186 = arith.cmpi slt, %add3A_184, %lt3A_185 : i32
      %convert_element_type3A_187 = arith.extui %lt3A_186 : i1 to i32
      %cond3A_188 = arith.constant 0 : i32
      %cond3A_189 = arith.cmpi ne, %convert_element_type3A_187, %cond3A_188 : i32
      scf.if %cond3A_189 {
        %add3A_212 = arith.constant 2 : i32
        %add3A_213 = arith.addi %add3A_184, %add3A_212 : i32
        %dma_start3A_214 = arith.constant 0 : i32
        %dma_start3A_215 = arith.constant 0 : i32
        %dma_start3A_216 = tpu.memref_slice %arg3[%add3A, %add3A_213, %dma_start3A_214, %dma_start3A_215] : memref<32x80x2x128xi32, #tpu.memory_space<hbm>> -> memref<1x1x2x128xi32, #tpu.memory_space<hbm>>
        %dma_start3A_217 = tpu.memref_squeeze %dma_start3A_216 : memref<1x1x2x128xi32, #tpu.memory_space<hbm>> -> memref<2x128xi32, #tpu.memory_space<hbm>>
        %dma_start3A_218 = arith.constant 0 : i32
        %dma_start3A_219 = arith.constant 0 : i32
        %dma_start3A_220 = tpu.memref_slice %arg3[%add3A, %add3A_213, %dma_start3A_218, %dma_start3A_219] : memref<32x80x2x128xi32, #tpu.memory_space<hbm>> -> memref<1x1x2x128xi32, #tpu.memory_space<hbm>>
        %dma_start3A_221 = tpu.memref_squeeze %dma_start3A_220 : memref<1x1x2x128xi32, #tpu.memory_space<hbm>> -> memref<2x128xi32, #tpu.memory_space<hbm>>
        tpu.enqueue_dma source(%dma_start3A_221 : memref<2x128xi32, #tpu.memory_space<hbm>>) target(%arg7 : memref<2x128xi32, #tpu.memory_space<vmem>>) target_semaphore(%arg14 : memref<!tpu.dma_semaphore, #tpu.memory_space<semaphore_mem>>)
      } else {
      }
      %dma_wait3A_190 = arith.constant 0 : i32
      %dma_wait3A_191 = arith.constant 0 : i32
      %dma_wait3A_192 = tpu.memref_slice %arg3[%add3A, %add3A_184, %dma_wait3A_190, %dma_wait3A_191] : memref<32x80x2x128xi32, #tpu.memory_space<hbm>> -> memref<1x1x2x128xi32, #tpu.memory_space<hbm>>
      %dma_wait3A_193 = tpu.memref_squeeze %dma_wait3A_192 : memref<1x1x2x128xi32, #tpu.memory_space<hbm>> -> memref<2x128xi32, #tpu.memory_space<hbm>>
      %dma_wait3A_194 = arith.constant 0 : i32
      %dma_wait3A_195 = arith.constant 0 : i32
      %dma_wait3A_196 = tpu.memref_slice %arg3[%add3A, %add3A_184, %dma_wait3A_194, %dma_wait3A_195] : memref<32x80x2x128xi32, #tpu.memory_space<hbm>> -> memref<1x1x2x128xi32, #tpu.memory_space<hbm>>
      %dma_wait3A_197 = tpu.memref_squeeze %dma_wait3A_196 : memref<1x1x2x128xi32, #tpu.memory_space<hbm>> -> memref<2x128xi32, #tpu.memory_space<hbm>>
      tpu.wait_dma2 semaphore(%arg16 : memref<!tpu.dma_semaphore, #tpu.memory_space<semaphore_mem>>) src(%dma_wait3A_197 : memref<2x128xi32, #tpu.memory_space<hbm>>) dst(%arg9 : memref<2x128xi32, #tpu.memory_space<vmem>>)
      %dma_wait3A_198 = arith.constant 0 : i32
      %dma_wait3A_199 = arith.constant 0 : i32
      %dma_wait3A_200 = tpu.memref_slice %arg4[%add3A, %add3A_184, %dma_wait3A_198, %dma_wait3A_199] : memref<32x80x128x128xf32, #tpu.memory_space<hbm>> -> memref<1x1x128x128xf32, #tpu.memory_space<hbm>>
      %dma_wait3A_201 = tpu.memref_squeeze %dma_wait3A_200 : memref<1x1x128x128xf32, #tpu.memory_space<hbm>> -> memref<128x128xf32, #tpu.memory_space<hbm>>
      %dma_wait3A_202 = arith.constant 0 : i32
      %dma_wait3A_203 = arith.constant 0 : i32
      %dma_wait3A_204 = tpu.memref_slice %arg4[%add3A, %add3A_184, %dma_wait3A_202, %dma_wait3A_203] : memref<32x80x128x128xf32, #tpu.memory_space<hbm>> -> memref<1x1x128x128xf32, #tpu.memory_space<hbm>>
      %dma_wait3A_205 = tpu.memref_squeeze %dma_wait3A_204 : memref<1x1x128x128xf32, #tpu.memory_space<hbm>> -> memref<128x128xf32, #tpu.memory_space<hbm>>
      tpu.wait_dma2 semaphore(%arg18 : memref<!tpu.dma_semaphore, #tpu.memory_space<semaphore_mem>>) src(%dma_wait3A_205 : memref<128x128xf32, #tpu.memory_space<hbm>>) dst(%arg11 : memref<128x128xf32, #tpu.memory_space<vmem>>)
      %run_scoped3A_206 = arith.constant 1 : i32
      "tpu.region"() ({
        %run_scoped3A_212 = tpu.sem_alloc : memref<!tpu.dma_semaphore, #tpu.memory_space<semaphore_mem>>
        %dma_start3A_213 = arith.constant 0 : i32
        %dma_start3A_214 = tpu.memref_slice %arg9[%run_scoped3A_206, %dma_start3A_213] : memref<2x128xi32, #tpu.memory_space<vmem>> -> memref<1x128xi32, #tpu.memory_space<vmem>>
        %dma_start3A_215 = tpu.memref_squeeze %dma_start3A_214 : memref<1x128xi32, #tpu.memory_space<vmem>> -> memref<128xi32, #tpu.memory_space<vmem>>
        %dma_start3A_216 = arith.constant 0 : i32
        %dma_start3A_217 = arith.constant 0 : i32
        %dma_start3A_218 = tpu.memref_slice %arg12[%dma_start3A_216, %dma_start3A_217] : memref<10240x128xf32, #tpu.memory_space<vmem_shared>> -> memref<10240x128xf32, #tpu.memory_space<vmem_shared>>
        tpu.enqueue_indirect_dma source(%arg11 : memref<128x128xf32, #tpu.memory_space<vmem>>) target(%dma_start3A_218 : memref<10240x128xf32, #tpu.memory_space<vmem_shared>>) offsets(%dma_start3A_215 : memref<128xi32, #tpu.memory_space<vmem>>) semaphore(%run_scoped3A_212 : memref<!tpu.dma_semaphore, #tpu.memory_space<semaphore_mem>>) {add = true}
        %dma_wait3A_219 = arith.constant 0 : i32
        %dma_wait3A_220 = tpu.memref_slice %arg9[%run_scoped3A_206, %dma_wait3A_219] : memref<2x128xi32, #tpu.memory_space<vmem>> -> memref<1x128xi32, #tpu.memory_space<vmem>>
        %dma_wait3A_221 = tpu.memref_squeeze %dma_wait3A_220 : memref<1x128xi32, #tpu.memory_space<vmem>> -> memref<128xi32, #tpu.memory_space<vmem>>
        %dma_wait3A_222 = arith.constant 0 : i32
        %dma_wait3A_223 = arith.constant 0 : i32
        %dma_wait3A_224 = tpu.memref_slice %arg12[%dma_wait3A_222, %dma_wait3A_223] : memref<10240x128xf32, #tpu.memory_space<vmem_shared>> -> memref<10240x128xf32, #tpu.memory_space<vmem_shared>>
        tpu.wait_indirect_dma semaphore(%run_scoped3A_212 : memref<!tpu.dma_semaphore, #tpu.memory_space<semaphore_mem>>) src(%arg11 : memref<128x128xf32, #tpu.memory_space<vmem>>) dst(%dma_wait3A_224 : memref<10240x128xf32, #tpu.memory_space<vmem_shared>>)
        tpu.yield
      }) : () -> ()
      %lt3A_207 = arith.constant 78 : i32
      %lt3A_208 = arith.cmpi slt, %add3A_184, %lt3A_207 : i32
      %convert_element_type3A_209 = arith.extui %lt3A_208 : i1 to i32
      %cond3A_210 = arith.constant 0 : i32
      %cond3A_211 = arith.cmpi ne, %convert_element_type3A_209, %cond3A_210 : i32
      scf.if %cond3A_211 {
        %add3A_212 = arith.constant 2 : i32
        %add3A_213 = arith.addi %add3A_184, %add3A_212 : i32
        %dma_start3A_214 = arith.constant 0 : i32
        %dma_start3A_215 = arith.constant 0 : i32
        %dma_start3A_216 = tpu.memref_slice %arg4[%add3A, %add3A_213, %dma_start3A_214, %dma_start3A_215] : memref<32x80x128x128xf32, #tpu.memory_space<hbm>> -> memref<1x1x128x128xf32, #tpu.memory_space<hbm>>
        %dma_start3A_217 = tpu.memref_squeeze %dma_start3A_216 : memref<1x1x128x128xf32, #tpu.memory_space<hbm>> -> memref<128x128xf32, #tpu.memory_space<hbm>>
        %dma_start3A_218 = arith.constant 0 : i32
        %dma_start3A_219 = arith.constant 0 : i32
        %dma_start3A_220 = tpu.memref_slice %arg4[%add3A, %add3A_213, %dma_start3A_218, %dma_start3A_219] : memref<32x80x128x128xf32, #tpu.memory_space<hbm>> -> memref<1x1x128x128xf32, #tpu.memory_space<hbm>>
        %dma_start3A_221 = tpu.memref_squeeze %dma_start3A_220 : memref<1x1x128x128xf32, #tpu.memory_space<hbm>> -> memref<128x128xf32, #tpu.memory_space<hbm>>
        tpu.enqueue_dma source(%dma_start3A_221 : memref<128x128xf32, #tpu.memory_space<hbm>>) target(%arg11 : memref<128x128xf32, #tpu.memory_space<vmem>>) target_semaphore(%arg18 : memref<!tpu.dma_semaphore, #tpu.memory_space<semaphore_mem>>)
      } else {
      }
    }
    %scan3A_93 = arith.constant 20 : i32
    %barrier3A_94 = arith.constant 0 : index
    tpu.barrier barrier_id(%barrier3A_94)
    "tpu.region"() ({
      %run_scoped3A = tpu.sem_alloc : memref<!tpu.dma_semaphore, #tpu.memory_space<semaphore_mem>>
      %dma_start3A_95 = arith.constant 0 : i32
      %dma_start3A_96 = tpu.memref_slice %arg5[%arg0, %mul3A_2, %dma_start3A_95] : memref<2x10240x128xf32, #tpu.memory_space<hbm>> -> memref<1x640x128xf32, #tpu.memory_space<hbm>>
      %dma_start3A_97 = tpu.memref_squeeze %dma_start3A_96 : memref<1x640x128xf32, #tpu.memory_space<hbm>> -> memref<640x128xf32, #tpu.memory_space<hbm>>
      %dma_start3A_98 = arith.constant 0 : i32
      %dma_start3A_99 = tpu.memref_slice %arg12[%mul3A_2, %dma_start3A_98] : memref<10240x128xf32, #tpu.memory_space<vmem_shared>> -> memref<640x128xf32, #tpu.memory_space<vmem_shared>>
      tpu.enqueue_dma source(%dma_start3A_99 : memref<640x128xf32, #tpu.memory_space<vmem_shared>>) target(%dma_start3A_97 : memref<640x128xf32, #tpu.memory_space<hbm>>) target_semaphore(%run_scoped3A : memref<!tpu.dma_semaphore, #tpu.memory_space<semaphore_mem>>)
      %dma_wait3A_100 = arith.constant 0 : i32
      %dma_wait3A_101 = tpu.memref_slice %arg5[%arg0, %mul3A_2, %dma_wait3A_100] : memref<2x10240x128xf32, #tpu.memory_space<hbm>> -> memref<1x640x128xf32, #tpu.memory_space<hbm>>
      %dma_wait3A_102 = tpu.memref_squeeze %dma_wait3A_101 : memref<1x640x128xf32, #tpu.memory_space<hbm>> -> memref<640x128xf32, #tpu.memory_space<hbm>>
      %dma_wait3A_103 = arith.constant 0 : i32
      %dma_wait3A_104 = tpu.memref_slice %arg12[%mul3A_2, %dma_wait3A_103] : memref<10240x128xf32, #tpu.memory_space<vmem_shared>> -> memref<640x128xf32, #tpu.memory_space<vmem_shared>>
      tpu.wait_dma2 semaphore(%run_scoped3A : memref<!tpu.dma_semaphore, #tpu.memory_space<semaphore_mem>>) src(%dma_wait3A_104 : memref<640x128xf32, #tpu.memory_space<vmem_shared>>) dst(%dma_wait3A_102 : memref<640x128xf32, #tpu.memory_space<hbm>>)
      tpu.yield
    }) : () -> ()
    return
  }
}

module attributes {stable_mosaic.version = 14 : i64} {
  func.func @_tc_matmul_body(%arg0: memref<10240x128xf32, #tpu.memory_space<vmem>>, %arg1: memref<128x128xf32, #tpu.memory_space<vmem>>, %arg2: memref<10240x128xf32, #tpu.memory_space<vmem>>) attributes {dimension_semantics = [], scalar_prefetch = 0 : i64, scratch_operands = 0 : i64, tpu.core_type = #tpu.core_type<tc>} {
    %get3A = arith.constant 0 : index
    %get3A_0 = arith.constant 0 : index
    %get3A_1 = vector.load %arg0[%get3A, %get3A_0] : memref<10240x128xf32, #tpu.memory_space<vmem>>, vector<10240x128xf32>
    %get3A_2 = arith.constant 0 : index
    %get3A_3 = arith.constant 0 : index
    %get3A_4 = vector.load %arg1[%get3A_2, %get3A_3] : memref<128x128xf32, #tpu.memory_space<vmem>>, vector<128x128xf32>
    %dot_general3A = arith.constant dense<0.000000e+00> : vector<10240x128xf32>
    %dot_general3A_5 = tpu.matmul %get3A_1, %get3A_4, %dot_general3A {dimension_numbers = #tpu.dot_dimension_numbers<[1], [0], [0], [1], [0, 0, 1, 1], [], []>, transpose_lhs_hint = false} : vector<10240x128xf32>, vector<128x128xf32>, vector<10240x128xf32> -> vector<10240x128xf32>
    %swap3A = arith.constant 0 : index
    %swap3A_6 = arith.constant 0 : index
    %swap3A_7 = vector.load %arg2[%swap3A, %swap3A_6] : memref<10240x128xf32, #tpu.memory_space<vmem>>, vector<10240x128xf32>
    tpu.vector_store %arg2[%swap3A, %swap3A_6], %dot_general3A_5 {strides = array<i32>} : memref<10240x128xf32, #tpu.memory_space<vmem>>, vector<10240x128xf32>,
    return
  }
}

module attributes {stable_mosaic.version = 14 : i64} {
  func.func @_tc_scale_body(%arg0: memref<10240x128xf32, #tpu.memory_space<vmem>>, %arg1: memref<2x10240xf32, #tpu.memory_space<vmem>>, %arg2: memref<10240x128xf32, #tpu.memory_space<vmem>>) attributes {dimension_semantics = [], scalar_prefetch = 0 : i64, scratch_operands = 0 : i64, tpu.core_type = #tpu.core_type<tc>} {
    %get3A = arith.constant 0 : index
    %get3A_0 = arith.constant 0 : index
    %get3A_1 = vector.load %arg0[%get3A, %get3A_0] : memref<10240x128xf32, #tpu.memory_space<vmem>>, vector<10240x128xf32>
    %get3A_2 = arith.constant 0 : index
    %get3A_3 = arith.constant 0 : index
    %get3A_4 = vector.load %arg1[%get3A_2, %get3A_3] : memref<2x10240xf32, #tpu.memory_space<vmem>>, vector<1x10240xf32>
    %get3A_5 = vector.shape_cast %get3A_4 : vector<1x10240xf32> to vector<10240xf32>
    %get3A_6 = arith.constant 1 : index
    %get3A_7 = arith.constant 0 : index
    %get3A_8 = vector.load %arg1[%get3A_6, %get3A_7] : memref<2x10240xf32, #tpu.memory_space<vmem>>, vector<1x10240xf32>
    %get3A_9 = vector.shape_cast %get3A_8 : vector<1x10240xf32> to vector<10240xf32>
    %add3A = arith.addf %get3A_5, %get3A_9 : vector<10240xf32>
    %reshape3A = vector.shape_cast %add3A : vector<10240xf32> to vector<10240x1xf32>
    %iota3A = tpu.iota {dimensions = array<i32: 0>} : vector<10240x1xi32>
    %lt3A = arith.constant 10000 : i32
    %lt3A_10 = vector.broadcast %lt3A : i32 to vector<10240x1xi32>
    %lt3A_11 = arith.cmpi slt, %iota3A, %lt3A_10 : vector<10240x1xi32>
    %gt3A = arith.constant 0.000000e+00 : f32
    %gt3A_12 = vector.broadcast %gt3A : f32 to vector<10240x1xf32>
    %gt3A_13 = arith.cmpf ogt, %reshape3A, %gt3A_12 : vector<10240x1xf32>
    %and3A = arith.andi %lt3A_11, %gt3A_13 : vector<10240x1xi1>
    %max3A = arith.constant 1.000000e+00 : f32
    %max3A_14 = vector.broadcast %max3A : f32 to vector<10240x1xf32>
    %max3A_15 = arith.maximumf %reshape3A, %max3A_14 : vector<10240x1xf32>
    %rsqrt3A = math.rsqrt %max3A_15 : vector<10240x1xf32>
    %jit3A = arith.constant 0.000000e+00 : f32
    %broadcast_in_dim3A = vector.broadcast %jit3A : f32 to vector<10240x1xf32>
    %select_n3A = arith.select %and3A, %rsqrt3A, %broadcast_in_dim3A : vector<10240x1xi1>, vector<10240x1xf32>
    %mul3A = vector.broadcast %select_n3A : vector<10240x1xf32> to vector<10240x128xf32>
    %mul3A_16 = arith.mulf %get3A_1, %mul3A : vector<10240x128xf32>
    %swap3A = arith.constant 0 : index
    %swap3A_17 = arith.constant 0 : index
    %swap3A_18 = vector.load %arg2[%swap3A, %swap3A_17] : memref<10240x128xf32, #tpu.memory_space<vmem>>, vector<10240x128xf32>
    tpu.vector_store %arg2[%swap3A, %swap3A_17], %mul3A_16 {strides = array<i32>} : memref<10240x128xf32, #tpu.memory_space<vmem>>, vector<10240x128xf32>,
    return
  }
}

module attributes {stable_mosaic.version = 14 : i64} {
  func.func @_tc_mid_body(%arg0: memref<2x10240x128xf32, #tpu.memory_space<vmem>>, %arg1: memref<2x10240xf32, #tpu.memory_space<vmem>>, %arg2: memref<2x10240xf32, #tpu.memory_space<vmem>>, %arg3: memref<128xf32, #tpu.memory_space<vmem>>, %arg4: memref<128xf32, #tpu.memory_space<vmem>>, %arg5: memref<128xf32, #tpu.memory_space<vmem>>, %arg6: memref<128x128xf32, #tpu.memory_space<vmem>>, %arg7: memref<10240x128xf32, #tpu.memory_space<vmem>>) attributes {dimension_semantics = [], scalar_prefetch = 0 : i64, scratch_operands = 0 : i64, tpu.core_type = #tpu.core_type<tc>} {
    %get3A = arith.constant 0 : index
    %get3A_0 = arith.constant 0 : index
    %get3A_1 = vector.load %arg1[%get3A, %get3A_0] : memref<2x10240xf32, #tpu.memory_space<vmem>>, vector<1x10240xf32>
    %get3A_2 = vector.shape_cast %get3A_1 : vector<1x10240xf32> to vector<10240xf32>
    %get3A_3 = arith.constant 1 : index
    %get3A_4 = arith.constant 0 : index
    %get3A_5 = vector.load %arg1[%get3A_3, %get3A_4] : memref<2x10240xf32, #tpu.memory_space<vmem>>, vector<1x10240xf32>
    %get3A_6 = vector.shape_cast %get3A_5 : vector<1x10240xf32> to vector<10240xf32>
    %add3A = arith.addf %get3A_2, %get3A_6 : vector<10240xf32>
    %reshape3A = vector.shape_cast %add3A : vector<10240xf32> to vector<10240x1xf32>
    %iota3A = tpu.iota {dimensions = array<i32: 0>} : vector<10240x1xi32>
    %lt3A = arith.constant 10000 : i32
    %lt3A_7 = vector.broadcast %lt3A : i32 to vector<10240x1xi32>
    %lt3A_8 = arith.cmpi slt, %iota3A, %lt3A_7 : vector<10240x1xi32>
    %gt3A = arith.constant 0.000000e+00 : f32
    %gt3A_9 = vector.broadcast %gt3A : f32 to vector<10240x1xf32>
    %gt3A_10 = arith.cmpf ogt, %reshape3A, %gt3A_9 : vector<10240x1xf32>
    %and3A = arith.andi %lt3A_8, %gt3A_10 : vector<10240x1xi1>
    %max3A = arith.constant 1.000000e+00 : f32
    %max3A_11 = vector.broadcast %max3A : f32 to vector<10240x1xf32>
    %max3A_12 = arith.maximumf %reshape3A, %max3A_11 : vector<10240x1xf32>
    %rsqrt3A = math.rsqrt %max3A_12 : vector<10240x1xf32>
    %jit3A = arith.constant 0.000000e+00 : f32
    %broadcast_in_dim3A = vector.broadcast %jit3A : f32 to vector<10240x1xf32>
    %select_n3A = arith.select %and3A, %rsqrt3A, %broadcast_in_dim3A : vector<10240x1xi1>, vector<10240x1xf32>
    %get3A_13 = arith.constant 0 : index
    %get3A_14 = arith.constant 0 : index
    %get3A_15 = vector.load %arg2[%get3A_13, %get3A_14] : memref<2x10240xf32, #tpu.memory_space<vmem>>, vector<1x10240xf32>
    %get3A_16 = vector.shape_cast %get3A_15 : vector<1x10240xf32> to vector<10240xf32>
    %get3A_17 = arith.constant 1 : index
    %get3A_18 = arith.constant 0 : index
    %get3A_19 = vector.load %arg2[%get3A_17, %get3A_18] : memref<2x10240xf32, #tpu.memory_space<vmem>>, vector<1x10240xf32>
    %get3A_20 = vector.shape_cast %get3A_19 : vector<1x10240xf32> to vector<10240xf32>
    %add3A_21 = arith.addf %get3A_16, %get3A_20 : vector<10240xf32>
    %reshape3A_22 = vector.shape_cast %add3A_21 : vector<10240xf32> to vector<10240x1xf32>
    %iota3A_23 = tpu.iota {dimensions = array<i32: 0>} : vector<10240x1xi32>
    %lt3A_24 = arith.constant 10000 : i32
    %lt3A_25 = vector.broadcast %lt3A_24 : i32 to vector<10240x1xi32>
    %lt3A_26 = arith.cmpi slt, %iota3A_23, %lt3A_25 : vector<10240x1xi32>
    %gt3A_27 = arith.constant 0.000000e+00 : f32
    %gt3A_28 = vector.broadcast %gt3A_27 : f32 to vector<10240x1xf32>
    %gt3A_29 = arith.cmpf ogt, %reshape3A_22, %gt3A_28 : vector<10240x1xf32>
    %and3A_30 = arith.andi %lt3A_26, %gt3A_29 : vector<10240x1xi1>
    %max3A_31 = arith.constant 1.000000e+00 : f32
    %max3A_32 = vector.broadcast %max3A_31 : f32 to vector<10240x1xf32>
    %max3A_33 = arith.maximumf %reshape3A_22, %max3A_32 : vector<10240x1xf32>
    %rsqrt3A_34 = math.rsqrt %max3A_33 : vector<10240x1xf32>
    %jit3A_35 = arith.constant 0.000000e+00 : f32
    %broadcast_in_dim3A_36 = vector.broadcast %jit3A_35 : f32 to vector<10240x1xf32>
    %select_n3A_37 = arith.select %and3A_30, %rsqrt3A_34, %broadcast_in_dim3A_36 : vector<10240x1xi1>, vector<10240x1xf32>
    %iota3A_38 = tpu.iota {dimensions = array<i32: 0>} : vector<10240x128xi32>
    %get3A_39 = arith.constant 0 : index
    %get3A_40 = arith.constant 0 : index
    %get3A_41 = arith.constant 0 : index
    %get3A_42 = vector.load %arg0[%get3A_39, %get3A_40, %get3A_41] : memref<2x10240x128xf32, #tpu.memory_space<vmem>>, vector<1x10240x128xf32>
    %get3A_43 = vector.shape_cast %get3A_42 : vector<1x10240x128xf32> to vector<10240x128xf32>
    %get3A_44 = arith.constant 1 : index
    %get3A_45 = arith.constant 0 : index
    %get3A_46 = arith.constant 0 : index
    %get3A_47 = vector.load %arg0[%get3A_44, %get3A_45, %get3A_46] : memref<2x10240x128xf32, #tpu.memory_space<vmem>>, vector<1x10240x128xf32>
    %get3A_48 = vector.shape_cast %get3A_47 : vector<1x10240x128xf32> to vector<10240x128xf32>
    %add3A_49 = arith.addf %get3A_43, %get3A_48 : vector<10240x128xf32>
    %mul3A = vector.broadcast %select_n3A_37 : vector<10240x1xf32> to vector<10240x128xf32>
    %mul3A_50 = arith.mulf %add3A_49, %mul3A : vector<10240x128xf32>
    %get3A_51 = arith.constant 0 : index
    %get3A_52 = vector.load %arg3[%get3A_51] : memref<128xf32, #tpu.memory_space<vmem>>, vector<128xf32>
    %broadcast_in_dim3A_53 = vector.shape_cast %get3A_52 : vector<128xf32> to vector<1x128xf32>
    %add3A_54 = vector.broadcast %broadcast_in_dim3A_53 : vector<1x128xf32> to vector<10240x128xf32>
    %add3A_55 = arith.addf %mul3A_50, %add3A_54 : vector<10240x128xf32>
    %lt3A_56 = arith.constant 10000 : i32
    %lt3A_57 = vector.broadcast %lt3A_56 : i32 to vector<10240x128xi32>
    %lt3A_58 = arith.cmpi slt, %iota3A_38, %lt3A_57 : vector<10240x128xi32>
    %jit3A_59 = arith.constant 0.000000e+00 : f32
    %broadcast_in_dim3A_60 = vector.broadcast %jit3A_59 : f32 to vector<10240x128xf32>
    %select_n3A_61 = arith.select %lt3A_58, %add3A_55, %broadcast_in_dim3A_60 : vector<10240x128xi1>, vector<10240x128xf32>
    %reduce_sum3A = arith.constant dense<0.000000e+00> : vector<128xf32>
    %reduce_sum3A_62 = vector.multi_reduction <add>, %select_n3A_61, %reduce_sum3A [0] : vector<10240x128xf32> to vector<128xf32>
    %broadcast_in_dim3A_63 = vector.shape_cast %reduce_sum3A_62 : vector<128xf32> to vector<1x128xf32>
    %div3A = arith.constant 1.000000e+04 : f32
    %div3A_64 = vector.broadcast %div3A : f32 to vector<1x128xf32>
    %div3A_65 = arith.divf %broadcast_in_dim3A_63, %div3A_64 : vector<1x128xf32>
    %lt3A_66 = arith.constant 10000 : i32
    %lt3A_67 = vector.broadcast %lt3A_66 : i32 to vector<10240x128xi32>
    %lt3A_68 = arith.cmpi slt, %iota3A_38, %lt3A_67 : vector<10240x128xi32>
    %sub3A = vector.broadcast %div3A_65 : vector<1x128xf32> to vector<10240x128xf32>
    %sub3A_69 = arith.subf %select_n3A_61, %sub3A : vector<10240x128xf32>
    %jit3A_70 = arith.constant 0.000000e+00 : f32
    %broadcast_in_dim3A_71 = vector.broadcast %jit3A_70 : f32 to vector<10240x128xf32>
    %select_n3A_72 = arith.select %lt3A_68, %sub3A_69, %broadcast_in_dim3A_71 : vector<10240x128xi1>, vector<10240x128xf32>
    %mul3A_73 = arith.mulf %select_n3A_72, %select_n3A_72 : vector<10240x128xf32>
    %reduce_sum3A_74 = arith.constant dense<0.000000e+00> : vector<128xf32>
    %reduce_sum3A_75 = vector.multi_reduction <add>, %mul3A_73, %reduce_sum3A_74 [0] : vector<10240x128xf32> to vector<128xf32>
    %broadcast_in_dim3A_76 = vector.shape_cast %reduce_sum3A_75 : vector<128xf32> to vector<1x128xf32>
    %div3A_77 = arith.constant 1.000000e+04 : f32
    %div3A_78 = vector.broadcast %div3A_77 : f32 to vector<1x128xf32>
    %div3A_79 = arith.divf %broadcast_in_dim3A_76, %div3A_78 : vector<1x128xf32>
    %sub3A_80 = vector.broadcast %div3A_65 : vector<1x128xf32> to vector<10240x128xf32>
    %sub3A_81 = arith.subf %select_n3A_61, %sub3A_80 : vector<10240x128xf32>
    %add3A_82 = arith.constant 9.99999974E-6 : f32
    %add3A_83 = vector.broadcast %add3A_82 : f32 to vector<1x128xf32>
    %add3A_84 = arith.addf %div3A_79, %add3A_83 : vector<1x128xf32>
    %rsqrt3A_85 = math.rsqrt %add3A_84 : vector<1x128xf32>
    %mul3A_86 = vector.broadcast %rsqrt3A_85 : vector<1x128xf32> to vector<10240x128xf32>
    %mul3A_87 = arith.mulf %sub3A_81, %mul3A_86 : vector<10240x128xf32>
    %get3A_88 = arith.constant 0 : index
    %get3A_89 = vector.load %arg4[%get3A_88] : memref<128xf32, #tpu.memory_space<vmem>>, vector<128xf32>
    %broadcast_in_dim3A_90 = vector.shape_cast %get3A_89 : vector<128xf32> to vector<1x128xf32>
    %mul3A_91 = vector.broadcast %broadcast_in_dim3A_90 : vector<1x128xf32> to vector<10240x128xf32>
    %mul3A_92 = arith.mulf %mul3A_87, %mul3A_91 : vector<10240x128xf32>
    %get3A_93 = arith.constant 0 : index
    %get3A_94 = vector.load %arg5[%get3A_93] : memref<128xf32, #tpu.memory_space<vmem>>, vector<128xf32>
    %broadcast_in_dim3A_95 = vector.shape_cast %get3A_94 : vector<128xf32> to vector<1x128xf32>
    %add3A_96 = vector.broadcast %broadcast_in_dim3A_95 : vector<1x128xf32> to vector<10240x128xf32>
    %add3A_97 = arith.addf %mul3A_92, %add3A_96 : vector<10240x128xf32>
    %max3A_98 = arith.constant 0.000000e+00 : f32
    %max3A_99 = vector.broadcast %max3A_98 : f32 to vector<10240x128xf32>
    %max3A_100 = arith.maximumf %add3A_97, %max3A_99 : vector<10240x128xf32>
    %mul3A_101 = vector.broadcast %select_n3A : vector<10240x1xf32> to vector<10240x128xf32>
    %mul3A_102 = arith.mulf %max3A_100, %mul3A_101 : vector<10240x128xf32>
    %get3A_103 = arith.constant 0 : index
    %get3A_104 = arith.constant 0 : index
    %get3A_105 = vector.load %arg6[%get3A_103, %get3A_104] : memref<128x128xf32, #tpu.memory_space<vmem>>, vector<128x128xf32>
    %dot_general3A = arith.constant dense<0.000000e+00> : vector<10240x128xf32>
    %dot_general3A_106 = tpu.matmul %mul3A_102, %get3A_105, %dot_general3A {dimension_numbers = #tpu.dot_dimension_numbers<[1], [0], [0], [1], [0, 0, 1, 1], [], []>, transpose_lhs_hint = false} : vector<10240x128xf32>, vector<128x128xf32>, vector<10240x128xf32> -> vector<10240x128xf32>
    %swap3A = arith.constant 0 : index
    %swap3A_107 = arith.constant 0 : index
    %swap3A_108 = vector.load %arg7[%swap3A, %swap3A_107] : memref<10240x128xf32, #tpu.memory_space<vmem>>, vector<10240x128xf32>
    tpu.vector_store %arg7[%swap3A, %swap3A_107], %dot_general3A_106 {strides = array<i32>} : memref<10240x128xf32, #tpu.memory_space<vmem>>, vector<10240x128xf32>,
    return
  }
}

module attributes {stable_mosaic.version = 14 : i64} {
  func.func @_tc_last_body(%arg0: memref<2x10240x128xf32, #tpu.memory_space<vmem>>, %arg1: memref<2x10240xf32, #tpu.memory_space<vmem>>, %arg2: memref<64xf32, #tpu.memory_space<vmem>>, %arg3: memref<10240x64xf32, #tpu.memory_space<vmem>>) attributes {dimension_semantics = [], scalar_prefetch = 0 : i64, scratch_operands = 0 : i64, tpu.core_type = #tpu.core_type<tc>} {
    %get3A = arith.constant 0 : index
    %get3A_0 = arith.constant 0 : index
    %get3A_1 = vector.load %arg1[%get3A, %get3A_0] : memref<2x10240xf32, #tpu.memory_space<vmem>>, vector<1x10240xf32>
    %get3A_2 = vector.shape_cast %get3A_1 : vector<1x10240xf32> to vector<10240xf32>
    %get3A_3 = arith.constant 1 : index
    %get3A_4 = arith.constant 0 : index
    %get3A_5 = vector.load %arg1[%get3A_3, %get3A_4] : memref<2x10240xf32, #tpu.memory_space<vmem>>, vector<1x10240xf32>
    %get3A_6 = vector.shape_cast %get3A_5 : vector<1x10240xf32> to vector<10240xf32>
    %add3A = arith.addf %get3A_2, %get3A_6 : vector<10240xf32>
    %reshape3A = vector.shape_cast %add3A : vector<10240xf32> to vector<10240x1xf32>
    %iota3A = tpu.iota {dimensions = array<i32: 0>} : vector<10240x1xi32>
    %lt3A = arith.constant 10000 : i32
    %lt3A_7 = vector.broadcast %lt3A : i32 to vector<10240x1xi32>
    %lt3A_8 = arith.cmpi slt, %iota3A, %lt3A_7 : vector<10240x1xi32>
    %gt3A = arith.constant 0.000000e+00 : f32
    %gt3A_9 = vector.broadcast %gt3A : f32 to vector<10240x1xf32>
    %gt3A_10 = arith.cmpf ogt, %reshape3A, %gt3A_9 : vector<10240x1xf32>
    %and3A = arith.andi %lt3A_8, %gt3A_10 : vector<10240x1xi1>
    %max3A = arith.constant 1.000000e+00 : f32
    %max3A_11 = vector.broadcast %max3A : f32 to vector<10240x1xf32>
    %max3A_12 = arith.maximumf %reshape3A, %max3A_11 : vector<10240x1xf32>
    %rsqrt3A = math.rsqrt %max3A_12 : vector<10240x1xf32>
    %jit3A = arith.constant 0.000000e+00 : f32
    %broadcast_in_dim3A = vector.broadcast %jit3A : f32 to vector<10240x1xf32>
    %select_n3A = arith.select %and3A, %rsqrt3A, %broadcast_in_dim3A : vector<10240x1xi1>, vector<10240x1xf32>
    %get3A_13 = arith.constant 0 : index
    %get3A_14 = arith.constant 0 : index
    %get3A_15 = arith.constant 0 : index
    %get3A_16 = vector.load %arg0[%get3A_13, %get3A_14, %get3A_15] : memref<2x10240x128xf32, #tpu.memory_space<vmem>>, vector<1x10240x64xf32>
    %get3A_17 = vector.shape_cast %get3A_16 : vector<1x10240x64xf32> to vector<10240x64xf32>
    %get3A_18 = arith.constant 1 : index
    %get3A_19 = arith.constant 0 : index
    %get3A_20 = arith.constant 0 : index
    %get3A_21 = vector.load %arg0[%get3A_18, %get3A_19, %get3A_20] : memref<2x10240x128xf32, #tpu.memory_space<vmem>>, vector<1x10240x64xf32>
    %get3A_22 = vector.shape_cast %get3A_21 : vector<1x10240x64xf32> to vector<10240x64xf32>
    %add3A_23 = arith.addf %get3A_17, %get3A_22 : vector<10240x64xf32>
    %mul3A = vector.broadcast %select_n3A : vector<10240x1xf32> to vector<10240x64xf32>
    %mul3A_24 = arith.mulf %add3A_23, %mul3A : vector<10240x64xf32>
    %get3A_25 = arith.constant 0 : index
    %get3A_26 = vector.load %arg2[%get3A_25] : memref<64xf32, #tpu.memory_space<vmem>>, vector<64xf32>
    %broadcast_in_dim3A_27 = vector.shape_cast %get3A_26 : vector<64xf32> to vector<1x64xf32>
    %add3A_28 = vector.broadcast %broadcast_in_dim3A_27 : vector<1x64xf32> to vector<10240x64xf32>
    %add3A_29 = arith.addf %mul3A_24, %add3A_28 : vector<10240x64xf32>
    %reduce_max3A = arith.constant dense<0xFF800000> : vector<10240xf32>
    %reduce_max3A_30 = vector.multi_reduction <maximumf>, %add3A_29, %reduce_max3A [1] : vector<10240x64xf32> to vector<10240xf32>
    %broadcast_in_dim3A_31 = vector.shape_cast %reduce_max3A_30 : vector<10240xf32> to vector<10240x1xf32>
    %sub3A = vector.broadcast %broadcast_in_dim3A_31 : vector<10240x1xf32> to vector<10240x64xf32>
    %sub3A_32 = arith.subf %add3A_29, %sub3A : vector<10240x64xf32>
    %exp3A = math.exp %sub3A_32 : vector<10240x64xf32>
    %reduce_sum3A = arith.constant dense<0.000000e+00> : vector<10240xf32>
    %reduce_sum3A_33 = vector.multi_reduction <add>, %exp3A, %reduce_sum3A [1] : vector<10240x64xf32> to vector<10240xf32>
    %broadcast_in_dim3A_34 = vector.shape_cast %reduce_sum3A_33 : vector<10240xf32> to vector<10240x1xf32>
    %log3A = math.log %broadcast_in_dim3A_34 : vector<10240x1xf32>
    %add3A_35 = arith.addf %log3A, %broadcast_in_dim3A_31 : vector<10240x1xf32>
    %sub3A_36 = vector.broadcast %add3A_35 : vector<10240x1xf32> to vector<10240x64xf32>
    %sub3A_37 = arith.subf %add3A_29, %sub3A_36 : vector<10240x64xf32>
    %swap3A = arith.constant 0 : index
    %swap3A_38 = arith.constant 0 : index
    %swap3A_39 = vector.load %arg3[%swap3A, %swap3A_38] : memref<10240x64xf32, #tpu.memory_space<vmem>>, vector<10240x64xf32>
    tpu.vector_store %arg3[%swap3A, %swap3A_38], %sub3A_37 {strides = array<i32>} : memref<10240x64xf32, #tpu.memory_space<vmem>>, vector<10240x64xf32>,
    return
  }
}

</mosaic_0001>

<sc_bundles>
// kernel: kernel.11.cloned.1.call-start
scs
__scs_entry_jumppad:
0x0: {  	(pc) =	sbr.rel $0x88, $3  }
0x1: {  	(tag) =	ssettag $0x0;
	lr =	simm.s32 $0x1  }
0x2: {  	[smem:$0x3F95] =	sst lr;
	_ =	strace $0xD0000000  }
0x3: {  	_ = 	snop  }
0x4: {  	_ = 	snop  }
0x5: {  	_ = 	snop  }
0x6: {  	_ = 	snop  }
0x7: {  	_ = 	snop  }
__scs_overlays_trampoline_lowered:
0x8: {  	[smem:$0x3FA4] =	sst s0  }
0x9: {  	[smem:$0x3FA5] =	sst s1  }
0xa: {  	[smem:$0x3FA6] =	sst s2  }
0xb: {  	[smem:$0x3FA7] =	sst s3  }
0xc: {  	[smem:$0x3FA8] =	sst s4  }
0xd: {  	[smem:$0x3FA9] =	sst s5  }
0xe: {  	[smem:$0x3FAA] =	sst s6  }
0xf: {  	[smem:$0x3FAB] =	sst s7  }
0x10: {  	[smem:$0x3FAC] =	sst s8  }
0x11: {  	[smem:$0x3FAD] =	sst s9;
	s0 =	simm.s32 @!p0 $0x0  }
0x12: {  	s1 =	sld [smem:$0x3F93];
	s0 =	simm.s32 @p0 $0x1  }
0x13: {  	[smem:$0x3FAE] =	sst s0;
	s0 =	simm.s32 @!p1 $0x0  }
0x14: {  	s2 =	sld [smem:$0x3F92];
	s0 =	simm.s32 @p1 $0x1  }
0x15: {  	[smem:$0x3FAF] =	sst s0;
	s0 =	simm.s32 @!p2 $0x0  }
0x16: {  	s3 =	sld [smem:$0x3FDB];
	s0 =	simm.s32 @p2 $0x1  }
0x17: {  	s4 =	simm.s32 $0x1BF5;
	[smem:$0x3FB1] =	sst s0  }
0x18: {  	s0 =	sld [smem:$0x3F94];
	_ =	swait.ge [sflag:s4], $0x0  }
0x19: {  	s7 =	sld [smem:$0x3F95]  }
0x1a: {  	s8 =	sadd.s32 $0xFFFFE003, lr  }
0x1b: {  	s9 =	sadd.s32 $0xFFFFFEF7, lr;
	s5 =	simm.s32 $0xFFFFFFFF;
	p2 =	slt.u32 s8, $0xFFFFF086  }
0x1c: {  	p1 =	slt.u32 s9, $0xF7A;
	s5 =	simm.s32 @!p2 $0x0  }
0x1d: {  	s5 =	simm.s32 @p1 $0x1;
	p0 =	seq.s32 s7, s2  }
0x1e: {  	s7 =	smul.u32 @!p0 $0xF7A, s2;
	p2 =	seq.s32 @!p0 s5, $0x0  }
0x1f: {  	s9 =	smul.u32 $0xF7A, s1;
	s8 =	simm.s32 @!p0 $0x1BF5;
	p2 =	por !p2, p0  }
0x20: {  	[sflag:s8] =	ssyncset.s32 @!p0 $0xFFFFF086;
	s6 =	sadd.s32 @!p0 s3, s7;
	s7 =	simm.s32 @!p0 $0x108  }
0x21: {  	s3 =	sadd.s32 s3, s9;
	s6 =	sadd.s32 @!p0 $0x88, s6;
	s7 =	simm.s32 @p2 $0x1082  }
0x22: {  	[simem:s7], [sflag:s8] =	dma.local @!p0 [hbm:s6], $0xF7A  }
0x23: {  	s9 =	sor.u32 $0xD0000000, s2;
	s6 =	simm.s32 $0x108;
	_ =	swait.ge @!p0 [sflag:s8], $0x0  }
0x24: {  	s3 =	sadd.s32 $0x88, s3;
	s6 =	simm.s32 @!p1 $0x1082;
	[sflag:s4] =	ssyncset.s32 $0xFFFFF086  }
0x25: {  	[simem:s6], [sflag:s4] =	dma.local [hbm:s3], $0xF7A  }
0x26: {  	[smem:$0x3F95] =	sst s1;
	(tag) =	ssettag s2;
	_ =	strace s9  }
0x27: {  	s1 =	sld [smem:$0x3FA5]  }
0x28: {  	s2 =	sld [smem:$0x3FA6]  }
0x29: {  	s4 =	sld [smem:$0x3FA8]  }
0x2a: {  	p0 =	seq.s32 s5, $0x0;
	s5 =	sld [smem:$0x3FA9]  }
0x2b: {  	s6 =	sld [smem:$0x3FAA]  }
0x2c: {  	s7 =	sld [smem:$0x3FAB]  }
0x2d: {  	s3 =	simm.s32 $0x108;
	s8 =	sld [smem:$0x3FAC]  }
0x2e: {  	s3 =	simm.s32 @!p0 $0x1082;
	s9 =	sld [smem:$0x3FAD]  }
0x2f: {  	lr =	sadd.s32 s0, s3;
	s0 =	sld [smem:$0x3FA4]  }
0x30: {  	s3 =	sld [smem:$0x3FA7]  }
0x31: {  	[smem:$0x3FB0] =	sst s10  }
0x32: {  	s10 =	sld [smem:$0x3FAE];
	_ =	sdelay $0x3  }
0x33: {  	p0 =	seq.s32 s10, $0x1;
	s10 =	sld [smem:$0x3FB0];
	_ =	sdelay $0x3  }
0x34: {  	[smem:$0x3FB0] =	sst s10  }
0x35: {  	s10 =	sld [smem:$0x3FAF];
	_ =	sdelay $0x3  }
0x36: {  	p1 =	seq.s32 s10, $0x1;
	s10 =	sld [smem:$0x3FB0];
	_ =	sdelay $0x3  }
0x37: {  	[smem:$0x3FB0] =	sst s10  }
0x38: {  	s10 =	sld [smem:$0x3FB1]  }
0x39: {  	_ = 	snop;
	(pc) =	sbr.ind lr, $3  }
0x3a: {  	_ = 	snop  }
0x3b: {  	_ = 	snop  }
0x3c: {  	p2 =	seq.s32 s10, $0x1;
	s10 =	sld [smem:$0x3FB0]  }
0x3d: {  	_ =	shalt  }
0x3e: {  	_ =	shalt  }
0x3f: {  	_ =	shalt  }
0x40: {  	_ =	shalt  }
0x41: {  	_ =	shalt  }
0x42: {  	_ =	shalt  }
0x43: {  	_ =	shalt  }
0x44: {  	_ =	shalt  }
0x45: {  	_ =	shalt  }
0x46: {  	_ =	shalt  }
0x47: {  	_ =	shalt  }
0x48: {  	_ =	shalt  }
0x49: {  	_ =	shalt  }
0x4a: {  	_ =	shalt  }
0x4b: {  	_ =	shalt  }
0x4c: {  	_ =	shalt  }
0x4d: {  	_ =	shalt  }
0x4e: {  	_ =	shalt  }
0x4f: {  	_ =	shalt  }
0x50: {  	_ =	shalt  }
0x51: {  	_ =	shalt  }
0x52: {  	_ =	shalt  }
0x53: {  	_ =	shalt  }
0x54: {  	_ =	shalt  }
0x55: {  	_ =	shalt  }
0x56: {  	_ =	shalt  }
0x57: {  	_ =	shalt  }
0x58: {  	_ =	shalt  }
0x59: {  	_ =	shalt  }
0x5a: {  	_ =	shalt  }
0x5b: {  	_ =	shalt  }
0x5c: {  	_ =	shalt  }
0x5d: {  	_ =	shalt  }
0x5e: {  	_ =	shalt  }
0x5f: {  	_ =	shalt  }
0x60: {  	_ =	shalt  }
0x61: {  	_ =	shalt  }
0x62: {  	_ =	shalt  }
0x63: {  	_ =	shalt  }
0x64: {  	_ =	shalt  }
0x65: {  	_ =	shalt  }
0x66: {  	_ =	shalt  }
0x67: {  	_ =	shalt  }
0x68: {  	_ =	shalt  }
0x69: {  	_ =	shalt  }
0x6a: {  	_ =	shalt  }
0x6b: {  	_ =	shalt  }
0x6c: {  	_ =	shalt  }
0x6d: {  	_ =	shalt  }
0x6e: {  	_ =	shalt  }
0x6f: {  	_ =	shalt  }
0x70: {  	_ =	shalt  }
0x71: {  	_ =	shalt  }
0x72: {  	_ =	shalt  }
0x73: {  	_ =	shalt  }
0x74: {  	_ =	shalt  }
0x75: {  	_ =	shalt  }
0x76: {  	_ =	shalt  }
0x77: {  	_ =	shalt  }
0x78: {  	_ =	shalt  }
0x79: {  	_ =	shalt  }
0x7a: {  	_ =	shalt  }
0x7b: {  	_ =	shalt  }
0x7c: {  	_ =	shalt  }
0x7d: {  	_ =	shalt  }
0x7e: {  	_ =	shalt  }
0x7f: {  	_ =	shalt  }
0x80: {  	_ =	shalt  }
0x81: {  	_ =	shalt  }
0x82: {  	_ =	shalt  }
0x83: {  	_ =	shalt  }
0x84: {  	_ =	shalt  }
0x85: {  	_ =	shalt  }
0x86: {  	_ =	shalt  }
0x87: {  	_ =	shalt  }
.Lfunc_end0:
.L_simem_size_0:
called_computation_lowered:
.L_overlay_start_0:
0x88: {  	s2 =	sld [smem:$0x3FD9]  }
0x89: {  	s3 =	sld [smem:$0x3FFE];
	_ =	sdelay $0x1  }
0x8a: {  	s1 =	srdreg.scid  }
0x8b: {  	s0 =	sand.u32 $0x1, s1  }
0x8c: {  	s17 =	sshll.u32 s0, $0xA;
	s2 =	sadd.s32 s3, s2  }
0x8d: {  	s2 =	sadd.s32 s2, s17  }
0x8e: {  	[smem:$0x3FBC] =	sst s2  }
0x8f: {  	_ = 	snop  }
0x90: {  	s2 =	sld [smem:$0x3FD0];
	(tm) =	ssettm $0x1  }
0x91: {  	s18 =	sld [smem:$0x3FFB];
	_ =	sdelay $0x3  }
0x92: {  	_ =	strace s18  }
0x93: {  	s3 =	sld [smem:$0x3FFC];
	_ =	sdelay $0x3  }
0x94: {  	_ =	strace s3  }
0x95: {  	s3 =	sld [smem:$0x3FFD];
	_ =	sdelay $0x3  }
0x96: {  	_ =	strace s3  }
0x97: {  	_ =	strace $0x8FFFFFFF  }
0x98: {  	s19 =	sld [smem:$0x3FDB];
	_ =	sdelay $0x1  }
0x99: {  	s4 =	simm.s32 $_scs_section_size  }
0x9a: {  	s5 =	simm.s32 $_size__tile_overlayer_lowered;
	s6 =	simm.s32 $_tile_overlayer_lowered  }
0x9b: {  	s22 =	simm.s32 $0x1BFF;
	s21 =	sshll.u32 s6, $0x1;
	s3 =	sadd.s32 s4, s19  }
0x9c: {  	s7 =	simm.s32 $0x0;
	s20 =	sshll.u32 s5, $0x1;
	s5 =	sadd.s32 s21, s3  }
0x9d: {  	[timem:s7], [sflag:s22] =	dma.local [hbm:s5], s20  }
0x9e: {  	_ =	swait.ge [sflag:s22], s20  }
0x9f: {  	s4 =	ssub.s32 $0x0, s20;
	[sflag:s22] =	ssyncset.done $0x0  }
0xa0: {  	[sflag:s22] =	ssyncadd.s32 s4;
	_ =	sdelay $0x1  }
0xa1: {  	s23 =	simm.s32 $0x1B8B  }
0xa2: {  	_ =	swait.ge [sflag:s23], $0x1  }
0xa3: {  	[sflag:s23] =	ssyncset.done $0x0  }
0xa4: {  	s25 =	simm.s32 $0x1B8E;
	s24 =	sld [smem:$0x3FFE];
	[sflag:s23] =	ssyncadd.s32 $0xFFFFFFFF  }
0xa5: {  	s26 =	simm.s32 $execute0_lowered;
	[smem:$0x3FD2] =	sst s25  }
0xa6: {  	s5 =	sshll.u32 s26, $0x1;
	_ =	strace $0x80000046;
	[dreg:$0x1] =	wrdreg $0xFFFFFFFF  }
0xa7: {  	s28 =	simm.s32 $_size_execute0_lowered;
	s3 =	sadd.s32 s3, s5;
	[dreg:$0x0] =	wrdreg $0x0  }
0xa8: {  	s5 =	sshll.u32 s28, $0x1;
	[dreg:$0x2] =	wrdreg s3  }
0xa9: {  	[dreg:$0x3] =	wrdreg s5  }
0xaa: {  	[dreg:$0x4] =	wrdreg $0xC0  }
0xab: {  	_ =	task [dreg:s7], $0x5FFFF  }
0xac: {  	[dreg:$0x1] =	wrdreg $0xFFFFFFFF  }
0xad: {  	[dreg:$0x0] =	wrdreg $0x60  }
0xae: {  	[dreg:$0x2] =	wrdreg s24  }
0xaf: {  	[dreg:$0x3] =	wrdreg s2  }
0xb0: {  	[dreg:$0x4] =	wrdreg $0xA5000  }
0xb1: {  	[dreg:$0x5] =	wrdreg $0x9  }
0xb2: {  	_ =	task.clear_ibuf [dreg:s7], $0x6FFFF;
	_ =	strace $0x90000046  }
0xb3: {  	s29 =	simm.s32 $0x9;
	_ =	strace $0x80000048  }
0xb4: {  	_ =	swait.ge [sflag:s29], $0x1  }
0xb5: {  	[sflag:s29] =	ssyncadd.s32 $0xFFFFFFFF  }
0xb6: {  	_ =	strace $0x90000048  }
0xb7: {  	_ =	sfence  }
0xb8: {  	s30 =	sld [smem:$0x0];
	_ =	sdelay $0x2  }
0xb9: {  	s31 =	sshll.u32 s1, $0xD;
	s1 =	sshrl.u32 s1, $0x2  }
0xba: {  	s3 =	sand.u32 $0x4000, s31;
	s1 =	sadd.s32 s1, s30  }
0xbb: {  	s0 =	sor.u32 s3, s0;
	s1 =	sshll.u32 s1, $0x11  }
0xbc: {  	s0 =	sor.u32 s1, s0  }
0xbd: {  	s0 =	sadd.s32 $0x8F2B, s0  }
0xbe: {  	[sflag:s0] =	ssyncadd.remote.s32 $0x1  }
0xbf: {  	_ =	sfence.sel $0xFFFF  }
0xc0: {  	[dreg:$0x0] =	wrdreg $0xFFFFFFFF;
	(pc) =	sbr.abs _section_cstart, $3  }
0xc1: {  	[dreg:$0x1] =	wrdreg $0xFFFFFFFF  }
0xc2: {  	_ =	task.clear_ibuf [dreg:s7], $0x2FFFF;
	_ =	strace $0x9FFFFFFF  }
0xc3: {  	(tm) =	ssettm $0x7FFFFFFF  }
tec
execute0_lowered:
.L_overlay_start_1:
0x0: {  	(tag) =	ssettag $0x1  }
0x1: {  	s4 =	rddreg [dreg:$0x0]  }
0x2: {  	s9 =	rddreg [dreg:$0x1]  }
0x3: {  	s2 =	rddreg [dreg:$0x2]  }
0x4: {  	s0 =	rddreg [dreg:$0x3]  }
0x5: {  	s5 =	srdreg.scid;
	s1 =	stileid.u32  }
0x6: {  	s3 =	simm.s32 $0x0;
	s15 =	simm.s32 $0x80;
	s16 =	simm.s32 $0x400  }
0x7: {  	s17 =	simm.s32 $0xA000;
	s18 =	simm.s32 $0x100;
	s19 =	simm.s32 $0xA280  }
0x8: {  	s5 =	sand.u32 $0x1, s5;
	s6 =	sshll.u32 s1, $0x1;
	[smem:$0x7FF] =	sst s3  }
0x9: {  	s7 =	smul.u32 $0x500, s1;
	s10 =	sshrl.u32 s1, $0x3;
	s11 =	sshll.u32 s1, $0x7  }
0xa: {  	s12 =	smul.u32 $0x5000, s1;
	s6 =	sor.u32 s5, s6;
	s8 =	sshll.u32 s5, $0x7  }
0xb: {  	_ =	strace $0x80000047;
	s29 =	smul.u32 $0x50000, s10;
	s5 =	ssub.s32 $0x2, s5  }
0xc: {  	s11 =	sand.u32 $0x380, s11;
	s6 =	smul.u32 $0xA00, s6;
	s7 =	sor.u32 s8, s7  }
0xd: {  	s31 =	sshrl.u32 s5, $0x1;
	s30 =	sshrl.u32 s7, $0x3;
	s8 =	sshrl.u32 s29, $0x2  }
0xe: {  	s14 =	ssub.s32 s5, s31;
	s7 =	sshrl.u32 s12, $0x2;
	s12 =	simm.s32 $0x1  }
0xf: {  	s6 =	sadd.s32 s6, s4;
	s8 =	sadd.s32 s8, s2;
	s13 =	sadd.s32 s30, s4  }
0x10: {  	s9 =	sadd.s32 s9, s30;
	s4 =	sadd.s32 s11, s8;
	s5 =	sadd.s32 $0x4400, s6  }
0x11: {  	s8 =	sadd.s32 s7, s2;
	s10 =	sadd.s32 $0x18400, s13;
	s11 =	smax.u32 s14, $0x1  }
0x12: {  	v0 =	vimm.f32 $0.0e+00;
	v1 =	vimm.f32 $1.000000000e+00;
	s13 =	simm.s32 $0x5000;
	s14 =	simm.s32 $0x7800;
	s6 =	sadd.s32 $0x28000, s4  }
.LBB2_1:
0x13: {  	s20 =	simm.s32 $0x40;
	s21 =	simm.s32 $0x0  }
.LBB2_2:
0x14: {  	p0 =	sne.s32 s20, $0x9FC0;
	[tilespmem:s21+$0x5000] =	vst v0;
	s22 =	smov.u32 s20;
	s20 =	sadd.s32 $0x40, s20  }
.Ltmp0:
0x15: {  	[tilespmem:s21+$0x7800] =	vst v0;
	(pc) =	sbr.rel @p0 .LBB2_2-.Ltmp0, $2  }
0x16: {  	_ =	sdelay $0x2  }
0x17: {  	s21 =	sshra.s32 s22, $0x2  }
0x18: {  	[tilespmem:s21+$0x5000] =	vst v0  }
0x19: {  	[tilespmem:s21+$0x7800] =	vst v0;
	s20 =	simm.s32 $0x0  }
0x1a: {  	[tilespmem:s20], [sflag:$0x1] =	stream.linear.gather [hbm4b:s5+s20], $0x5000, $0x38;
	[tilespmem:$0xF500] =	vst v63  }
0x1b: {  	_ =	swait.ge [sflag:s12], $0x5000  }
0x1c: {  	[sflag:s12] =	ssyncset.done $0x0  }
0x1d: {  	[sflag:s12] =	ssyncadd.s32 $0xFFFFB000  }
.LBB2_4:
0x1e: {  	s21 =	sshra.s32 s20, $0x2  }
0x1f: {  	v2 =	vld [tilespmem:s21+$0x0];
	_ =	sdelay $0x7  }
0x20: {  	[tilespmem:v2+s13+$0x0] =	vst.idx.add.f32.msk $0xffff, v1  }
0x21: {  	v2 =	vld [tilespmem:s21+$0x80];
	_ =	sdelay $0x7  }
0x22: {  	[tilespmem:v2+s14+$0x0] =	vst.idx.add.f32.msk $0xffff, v1  }
0x23: {  	v2 =	vld [tilespmem:s21+$0x10];
	_ =	sdelay $0x7  }
0x24: {  	[tilespmem:v2+s13+$0x0] =	vst.idx.add.f32.msk $0xffff, v1  }
0x25: {  	v2 =	vld [tilespmem:s21+$0x90];
	_ =	sdelay $0x7  }
0x26: {  	[tilespmem:v2+s14+$0x0] =	vst.idx.add.f32.msk $0xffff, v1  }
0x27: {  	v2 =	vld [tilespmem:s21+$0x20];
	_ =	sdelay $0x7  }
0x28: {  	[tilespmem:v2+s13+$0x0] =	vst.idx.add.f32.msk $0xffff, v1  }
0x29: {  	v2 =	vld [tilespmem:s21+$0xA0];
	_ =	sdelay $0x7  }
0x2a: {  	[tilespmem:v2+s14+$0x0] =	vst.idx.add.f32.msk $0xffff, v1  }
0x2b: {  	v2 =	vld [tilespmem:s21+$0x30];
	_ =	sdelay $0x7  }
0x2c: {  	[tilespmem:v2+s13+$0x0] =	vst.idx.add.f32.msk $0xffff, v1  }
0x2d: {  	v2 =	vld [tilespmem:s21+$0xB0];
	_ =	sdelay $0x7  }
0x2e: {  	[tilespmem:v2+s14+$0x0] =	vst.idx.add.f32.msk $0xffff, v1  }
0x2f: {  	v2 =	vld [tilespmem:s21+$0x40];
	_ =	sdelay $0x7  }
0x30: {  	[tilespmem:v2+s13+$0x0] =	vst.idx.add.f32.msk $0xffff, v1  }
0x31: {  	v2 =	vld [tilespmem:s21+$0xC0];
	_ =	sdelay $0x7  }
0x32: {  	[tilespmem:v2+s14+$0x0] =	vst.idx.add.f32.msk $0xffff, v1  }
0x33: {  	v2 =	vld [tilespmem:s21+$0x50];
	_ =	sdelay $0x7  }
0x34: {  	[tilespmem:v2+s13+$0x0] =	vst.idx.add.f32.msk $0xffff, v1  }
0x35: {  	v2 =	vld [tilespmem:s21+$0xD0];
	_ =	sdelay $0x7  }
0x36: {  	[tilespmem:v2+s14+$0x0] =	vst.idx.add.f32.msk $0xffff, v1  }
0x37: {  	v2 =	vld [tilespmem:s21+$0x60];
	_ =	sdelay $0x7  }
0x38: {  	[tilespmem:v2+s13+$0x0] =	vst.idx.add.f32.msk $0xffff, v1  }
0x39: {  	v2 =	vld [tilespmem:s21+$0xE0];
	_ =	sdelay $0x7  }
0x3a: {  	[tilespmem:v2+s14+$0x0] =	vst.idx.add.f32.msk $0xffff, v1  }
0x3b: {  	v2 =	vld [tilespmem:s21+$0x70];
	_ =	sdelay $0x7  }
0x3c: {  	[tilespmem:v2+s13+$0x0] =	vst.idx.add.f32.msk $0xffff, v1  }
0x3d: {  	v2 =	vld [tilespmem:s21+$0xF0];
	_ =	sdelay $0x2  }
0x3e: {  	p0 =	sne.s32 s20, $0x13C00  }
.Ltmp1:
0x3f: {  	_ = 	snop;
	(pc) =	sbr.rel @p0 .LBB2_4-.Ltmp1, $2  }
0x40: {  	_ =	sdelay $0x2  }
0x41: {  	s20 =	sadd.s32 $0x400, s20;
	[tilespmem:v2+s14+$0x0] =	vst.idx.add.f32.msk $0xffff, v1  }
0x42: {  	[spmem:s4] =	stream.strided.scatter [tilespmem:s13], [sflag:$0x1], $0x2800, s16, s15, $0x38;
	[tilespmem:$0xF500] =	vst v63  }
0x43: {  	_ =	swait.ge [sflag:s12], $0x2800  }
0x44: {  	[sflag:s12] =	ssyncset.done $0x0  }
0x45: {  	[sflag:s12] =	ssyncadd.s32 $0xFFFFD800  }
0x46: {  	[spmem:s6] =	stream.strided.scatter [tilespmem:s14], [sflag:$0x1], $0x2800, s16, s15, $0x38;
	[tilespmem:$0xF500] =	vst v63  }
0x47: {  	_ =	swait.ge [sflag:s12], $0x2800  }
0x48: {  	[sflag:s12] =	ssyncset.done $0x0  }
0x49: {  	[sflag:s12] =	ssyncadd.s32 $0xFFFFD800  }
0x4a: {  	[bflag:$0x0] =	sbarrier.arrive $0xFFFF  }
0x4b: {  	[tilespmem:$0xA280] =	vst v0  }
0x4c: {  	[tilespmem:$0xA290] =	vst v0  }
0x4d: {  	[tilespmem:$0xA2A0] =	vst v0  }
0x4e: {  	[tilespmem:$0xA2B0] =	vst v0  }
0x4f: {  	[tilespmem:$0xA2C0] =	vst v0  }
0x50: {  	[tilespmem:$0xA2D0] =	vst v0  }
0x51: {  	[tilespmem:$0xA2E0] =	vst v0  }
0x52: {  	[tilespmem:$0xA2F0] =	vst v0  }
0x53: {  	[tilespmem:$0xA300] =	vst v0  }
0x54: {  	[tilespmem:$0xA310] =	vst v0  }
0x55: {  	[tilespmem:$0xA320] =	vst v0  }
0x56: {  	[tilespmem:$0xA330] =	vst v0  }
0x57: {  	[tilespmem:$0xA340] =	vst v0  }
0x58: {  	[tilespmem:$0xA350] =	vst v0  }
0x59: {  	[tilespmem:$0xA360] =	vst v0  }
0x5a: {  	[tilespmem:$0xA370] =	vst v0  }
0x5b: {  	[tilespmem:$0xA380] =	vst v0  }
0x5c: {  	[tilespmem:$0xA390] =	vst v0  }
0x5d: {  	[tilespmem:$0xA3A0] =	vst v0  }
0x5e: {  	[tilespmem:$0xA3B0] =	vst v0  }
0x5f: {  	[tilespmem:$0xA3C0] =	vst v0  }
0x60: {  	[tilespmem:$0xA3D0] =	vst v0  }
0x61: {  	[tilespmem:$0xA3E0] =	vst v0  }
0x62: {  	[tilespmem:$0xA3F0] =	vst v0  }
0x63: {  	[tilespmem:$0xA400] =	vst v0  }
0x64: {  	[tilespmem:$0xA410] =	vst v0  }
0x65: {  	[tilespmem:$0xA420] =	vst v0  }
0x66: {  	[tilespmem:$0xA430] =	vst v0  }
0x67: {  	[tilespmem:$0xA440] =	vst v0  }
0x68: {  	[tilespmem:$0xA450] =	vst v0  }
0x69: {  	[tilespmem:$0xA460] =	vst v0  }
0x6a: {  	[tilespmem:$0xA470] =	vst v0  }
0x6b: {  	[tilespmem:$0xA480] =	vst v0  }
0x6c: {  	[tilespmem:$0xA490] =	vst v0  }
0x6d: {  	[tilespmem:$0xA4A0] =	vst v0  }
0x6e: {  	[tilespmem:$0xA4B0] =	vst v0  }
0x6f: {  	[tilespmem:$0xA4C0] =	vst v0  }
0x70: {  	[tilespmem:$0xA4D0] =	vst v0  }
0x71: {  	[tilespmem:$0xA4E0] =	vst v0  }
0x72: {  	s20 =	simm.s32 $0x0;
	[tilespmem:$0xA4F0] =	vst v0  }
.LBB2_6:
0x73: {  	s21 =	sshrl.u32 s20, $0x3  }
0x74: {  	s21 =	smul.u32 $0x50000, s21;
	_ =	sdelay $0x1  }
0x75: {  	s22 =	sshll.u32 s20, $0x7;
	s21 =	sshra.s32 s21, $0x2  }
0x76: {  	s22 =	sand.u32 $0x380, s22;
	s21 =	sadd.s32 s21, s8  }
0x77: {  	s21 =	sadd.s32 s22, s21  }
0x78: {  	[tilespmem:s17], [sflag:$0x1] =	stream.strided.gather [spmem:s21], $0x280, s16, s15, $0x38;
	[tilespmem:$0xF500] =	vst v63  }
0x79: {  	_ =	swait.ge [sflag:s12], $0x280  }
0x7a: {  	[sflag:s12] =	ssyncset.done $0x0  }
0x7b: {  	s21 =	simm.s32 $0x0;
	[sflag:s12] =	ssyncadd.s32 $0xFFFFFD80  }
0x7c: {  	s22 =	simm.s32 $0x40;
	v2 =	vld [tilespmem:s21+$0xA000]  }
.LBB2_7:
0x7d: {  	p0 =	sne.s32 s22, $0x9C0;
	v3 =	vld [tilespmem:s21+$0xA280];
	_ =	sdelay $0x2  }
.Ltmp2:
0x7e: {  	(pc) =	sbr.rel @p0 .LBB2_7-.Ltmp2, $4  }
0x7f: {  	_ = 	snop  }
0x80: {  	v3 =	vadd.f32 v2, v3  }
0x81: {  	s23 =	sshra.s32 s22, $0x2  }
0x82: {  	s22 =	sadd.s32 $0x40, s22;
	v2 =	vld [tilespmem:s23+$0xA000];
	[tilespmem:s21+$0xA280] =	vst v3;
	s21 =	smov.u32 s23  }
0x83: {  	v3 =	vld [tilespmem:s21+$0xA280]  }
0x84: {  	s20 =	sadd.s32 $0x1, s20  }
0x85: {  	p0 =	sne.s32 s20, $0x10  }
.Ltmp3:
0x86: {  	_ = 	snop;
	(pc) =	sbr.rel @p0 .LBB2_6-.Ltmp3, $3  }
0x87: {  	_ = 	snop  }
0x88: {  	v2 =	vadd.f32 v2, v3;
	_ =	sdelay $0x1  }
0x89: {  	[tilespmem:s21+$0xA280] =	vst v2  }
0x8a: {  	[hbm4b:s9+s15] =	stream.strided.scatter [tilespmem:s19], [sflag:$0x1], $0x280, s18, s15, $0x38;
	[tilespmem:$0xF500] =	vst v63  }
0x8b: {  	_ =	swait.ge [sflag:s12], $0x280  }
0x8c: {  	[sflag:s12] =	ssyncset.done $0x0  }
0x8d: {  	[sflag:s12] =	ssyncadd.s32 $0xFFFFFD80  }
0x8e: {  	[tilespmem:$0xA280] =	vst v0  }
0x8f: {  	[tilespmem:$0xA290] =	vst v0  }
0x90: {  	[tilespmem:$0xA2A0] =	vst v0  }
0x91: {  	[tilespmem:$0xA2B0] =	vst v0  }
0x92: {  	[tilespmem:$0xA2C0] =	vst v0  }
0x93: {  	[tilespmem:$0xA2D0] =	vst v0  }
0x94: {  	[tilespmem:$0xA2E0] =	vst v0  }
0x95: {  	[tilespmem:$0xA2F0] =	vst v0  }
0x96: {  	[tilespmem:$0xA300] =	vst v0  }
0x97: {  	[tilespmem:$0xA310] =	vst v0  }
0x98: {  	[tilespmem:$0xA320] =	vst v0  }
0x99: {  	[tilespmem:$0xA330] =	vst v0  }
0x9a: {  	[tilespmem:$0xA340] =	vst v0  }
0x9b: {  	[tilespmem:$0xA350] =	vst v0  }
0x9c: {  	[tilespmem:$0xA360] =	vst v0  }
0x9d: {  	[tilespmem:$0xA370] =	vst v0  }
0x9e: {  	[tilespmem:$0xA380] =	vst v0  }
0x9f: {  	[tilespmem:$0xA390] =	vst v0  }
0xa0: {  	[tilespmem:$0xA3A0] =	vst v0  }
0xa1: {  	[tilespmem:$0xA3B0] =	vst v0  }
0xa2: {  	[tilespmem:$0xA3C0] =	vst v0  }
0xa3: {  	[tilespmem:$0xA3D0] =	vst v0  }
0xa4: {  	[tilespmem:$0xA3E0] =	vst v0  }
0xa5: {  	[tilespmem:$0xA3F0] =	vst v0  }
0xa6: {  	[tilespmem:$0xA400] =	vst v0  }
0xa7: {  	[tilespmem:$0xA410] =	vst v0  }
0xa8: {  	[tilespmem:$0xA420] =	vst v0  }
0xa9: {  	[tilespmem:$0xA430] =	vst v0  }
0xaa: {  	[tilespmem:$0xA440] =	vst v0  }
0xab: {  	[tilespmem:$0xA450] =	vst v0  }
0xac: {  	[tilespmem:$0xA460] =	vst v0  }
0xad: {  	[tilespmem:$0xA470] =	vst v0  }
0xae: {  	[tilespmem:$0xA480] =	vst v0  }
0xaf: {  	[tilespmem:$0xA490] =	vst v0  }
0xb0: {  	[tilespmem:$0xA4A0] =	vst v0  }
0xb1: {  	[tilespmem:$0xA4B0] =	vst v0  }
0xb2: {  	[tilespmem:$0xA4C0] =	vst v0  }
0xb3: {  	[tilespmem:$0xA4D0] =	vst v0  }
0xb4: {  	[tilespmem:$0xA4E0] =	vst v0  }
0xb5: {  	s20 =	simm.s32 $0x0;
	[tilespmem:$0xA4F0] =	vst v0  }
.LBB2_10:
0xb6: {  	s21 =	sshrl.u32 s20, $0x3  }
0xb7: {  	s21 =	smul.u32 $0x50000, s21;
	_ =	sdelay $0x1  }
0xb8: {  	s21 =	sshra.s32 s21, $0x2  }
0xb9: {  	s22 =	sshll.u32 s20, $0x7;
	s21 =	sadd.s32 s21, s2  }
0xba: {  	s22 =	sand.u32 $0x380, s22;
	s21 =	sadd.s32 s7, s21  }
0xbb: {  	s21 =	sadd.s32 s22, s21  }
0xbc: {  	s21 =	sadd.s32 $0x28000, s21  }
0xbd: {  	[tilespmem:s17], [sflag:$0x1] =	stream.strided.gather [spmem:s21], $0x280, s16, s15, $0x38;
	[tilespmem:$0xF500] =	vst v63  }
0xbe: {  	_ =	swait.ge [sflag:s12], $0x280  }
0xbf: {  	[sflag:s12] =	ssyncset.done $0x0  }
0xc0: {  	s21 =	simm.s32 $0x0;
	[sflag:s12] =	ssyncadd.s32 $0xFFFFFD80  }
0xc1: {  	s22 =	simm.s32 $0x40;
	v2 =	vld [tilespmem:s21+$0xA000]  }
.LBB2_11:
0xc2: {  	p0 =	sne.s32 s22, $0x9C0;
	v3 =	vld [tilespmem:s21+$0xA280];
	_ =	sdelay $0x2  }
.Ltmp4:
0xc3: {  	(pc) =	sbr.rel @p0 .LBB2_11-.Ltmp4, $4  }
0xc4: {  	_ = 	snop  }
0xc5: {  	v3 =	vadd.f32 v2, v3  }
0xc6: {  	s23 =	sshra.s32 s22, $0x2  }
0xc7: {  	s22 =	sadd.s32 $0x40, s22;
	v2 =	vld [tilespmem:s23+$0xA000];
	[tilespmem:s21+$0xA280] =	vst v3;
	s21 =	smov.u32 s23  }
0xc8: {  	v3 =	vld [tilespmem:s21+$0xA280]  }
0xc9: {  	s20 =	sadd.s32 $0x1, s20  }
0xca: {  	p0 =	sne.s32 s20, $0x10  }
.Ltmp5:
0xcb: {  	_ = 	snop;
	(pc) =	sbr.rel @p0 .LBB2_10-.Ltmp5, $3  }
0xcc: {  	_ = 	snop  }
0xcd: {  	v2 =	vadd.f32 v2, v3;
	_ =	sdelay $0x1  }
0xce: {  	[tilespmem:s21+$0xA280] =	vst v2  }
0xcf: {  	s3 =	sadd.s32 $0x1, s3  }
0xd0: {  	p0 =	sne.s32 s3, s11  }
.Ltmp6:
0xd1: {  	_ = 	snop;
	(pc) =	sbr.rel @p0 .LBB2_1-.Ltmp6, $4  }
0xd2: {  	[hbm4b:s10+s15] =	stream.strided.scatter [tilespmem:s19], [sflag:$0x1], $0x280, s18, s15, $0x38;
	[tilespmem:$0xF500] =	vst v63  }
0xd3: {  	_ =	swait.ge [sflag:s12], $0x280  }
0xd4: {  	[sflag:s12] =	ssyncset.done $0x0  }
0xd5: {  	[sflag:s12] =	ssyncadd.s32 $0xFFFFFD80  }
0xd6: {  	_ =	sfence.sel $0x180000  }
0xd7: {  	[bflag:$0x0] =	sbarrier.arrive $0xFFFF  }
0xd8: {  	p0 =	sne.s32 s1, $0x0;
	_ =	strace $0x90000047  }
0xd9: {  	s0 =	sadd.s32 @!p0 $0x100000, s0;
	[bflag:$0x2] =	sbarrier.arrive $0xFFFF  }
0xda: {  	[sflag:s0] =	ssyncadd.tile.s32 @!p0 $0x1;
	_ =	shalt  }
.Lfunc_end2:
_tile_overlayer_lowered:
.L_overlay_start_2:
0xdb: {  	(tag) =	ssettag $0x2  }
0xdc: {  	s0 =	rddreg [dreg:$0x0];
	s2 =	stileid.u32  }
0xdd: {  	s1 =	rddreg [dreg:$0x1];
	p0 =	sne.s32 s2, $0x0  }
0xde: {  	s3 =	rddreg [dreg:$0x2];
	[bflag:$0x3] =	sbarrier.arrive $0xFFFF;
	s2 =	simm.s32 @!p0 $0x1C01  }
0xdf: {  	[timem:s3], [sflag:s2] =	dma.local @!p0 [hbm:s0], s1  }
0xe0: {  	s0 =	simm.s32 @!p0 $0x1  }
0xe1: {  	_ =	swait.ge @!p0 [sflag:s0], s1  }
0xe2: {  	s1 =	ssub.s32 @!p0 $0x0, s1;
	[sflag:s0] =	ssyncset.done @!p0 $0x0  }
0xe3: {  	[sflag:s0] =	ssyncadd.s32 @!p0 s1  }
0xe4: {  	[bflag:$0x3] =	sbarrier.arrive $0xFFFF  }
0xe5: {  	_ =	shalt  }

// kernel: kernel.14.cloned.1.call-start
scs
__scs_entry_jumppad:
0x0: {  	(pc) =	sbr.rel $0x88, $3  }
0x1: {  	(tag) =	ssettag $0x0;
	lr =	simm.s32 $0x1  }
0x2: {  	[smem:$0x3F95] =	sst lr;
	_ =	strace $0xD0000000  }
0x3: {  	_ = 	snop  }
0x4: {  	_ = 	snop  }
0x5: {  	_ = 	snop  }
0x6: {  	_ = 	snop  }
0x7: {  	_ = 	snop  }
__scs_overlays_trampoline_lowered:
0x8: {  	[smem:$0x3FA4] =	sst s0  }
0x9: {  	[smem:$0x3FA5] =	sst s1  }
0xa: {  	[smem:$0x3FA6] =	sst s2  }
0xb: {  	[smem:$0x3FA7] =	sst s3  }
0xc: {  	[smem:$0x3FA8] =	sst s4  }
0xd: {  	[smem:$0x3FA9] =	sst s5  }
0xe: {  	[smem:$0x3FAA] =	sst s6  }
0xf: {  	[smem:$0x3FAB] =	sst s7  }
0x10: {  	[smem:$0x3FAC] =	sst s8  }
0x11: {  	[smem:$0x3FAD] =	sst s9;
	s0 =	simm.s32 @!p0 $0x0  }
0x12: {  	s1 =	sld [smem:$0x3F93];
	s0 =	simm.s32 @p0 $0x1  }
0x13: {  	[smem:$0x3FAE] =	sst s0;
	s0 =	simm.s32 @!p1 $0x0  }
0x14: {  	s2 =	sld [smem:$0x3F92];
	s0 =	simm.s32 @p1 $0x1  }
0x15: {  	[smem:$0x3FAF] =	sst s0;
	s0 =	simm.s32 @!p2 $0x0  }
0x16: {  	s3 =	sld [smem:$0x3FDB];
	s0 =	simm.s32 @p2 $0x1  }
0x17: {  	s4 =	simm.s32 $0x1BF5;
	[smem:$0x3FB1] =	sst s0  }
0x18: {  	s0 =	sld [smem:$0x3F94];
	_ =	swait.ge [sflag:s4], $0x0  }
0x19: {  	s7 =	sld [smem:$0x3F95]  }
0x1a: {  	s8 =	sadd.s32 $0xFFFFE003, lr  }
0x1b: {  	s9 =	sadd.s32 $0xFFFFFEF7, lr;
	s5 =	simm.s32 $0xFFFFFFFF;
	p2 =	slt.u32 s8, $0xFFFFF086  }
0x1c: {  	p1 =	slt.u32 s9, $0xF7A;
	s5 =	simm.s32 @!p2 $0x0  }
0x1d: {  	s5 =	simm.s32 @p1 $0x1;
	p0 =	seq.s32 s7, s2  }
0x1e: {  	s7 =	smul.u32 @!p0 $0xF7A, s2;
	p2 =	seq.s32 @!p0 s5, $0x0  }
0x1f: {  	s9 =	smul.u32 $0xF7A, s1;
	s8 =	simm.s32 @!p0 $0x1BF5;
	p2 =	por !p2, p0  }
0x20: {  	[sflag:s8] =	ssyncset.s32 @!p0 $0xFFFFF086;
	s6 =	sadd.s32 @!p0 s3, s7;
	s7 =	simm.s32 @!p0 $0x108  }
0x21: {  	s3 =	sadd.s32 s3, s9;
	s6 =	sadd.s32 @!p0 $0x88, s6;
	s7 =	simm.s32 @p2 $0x1082  }
0x22: {  	[simem:s7], [sflag:s8] =	dma.local @!p0 [hbm:s6], $0xF7A  }
0x23: {  	s9 =	sor.u32 $0xD0000000, s2;
	s6 =	simm.s32 $0x108;
	_ =	swait.ge @!p0 [sflag:s8], $0x0  }
0x24: {  	s3 =	sadd.s32 $0x88, s3;
	s6 =	simm.s32 @!p1 $0x1082;
	[sflag:s4] =	ssyncset.s32 $0xFFFFF086  }
0x25: {  	[simem:s6], [sflag:s4] =	dma.local [hbm:s3], $0xF7A  }
0x26: {  	[smem:$0x3F95] =	sst s1;
	(tag) =	ssettag s2;
	_ =	strace s9  }
0x27: {  	s1 =	sld [smem:$0x3FA5]  }
0x28: {  	s2 =	sld [smem:$0x3FA6]  }
0x29: {  	s4 =	sld [smem:$0x3FA8]  }
0x2a: {  	p0 =	seq.s32 s5, $0x0;
	s5 =	sld [smem:$0x3FA9]  }
0x2b: {  	s6 =	sld [smem:$0x3FAA]  }
0x2c: {  	s7 =	sld [smem:$0x3FAB]  }
0x2d: {  	s3 =	simm.s32 $0x108;
	s8 =	sld [smem:$0x3FAC]  }
0x2e: {  	s3 =	simm.s32 @!p0 $0x1082;
	s9 =	sld [smem:$0x3FAD]  }
0x2f: {  	lr =	sadd.s32 s0, s3;
	s0 =	sld [smem:$0x3FA4]  }
0x30: {  	s3 =	sld [smem:$0x3FA7]  }
0x31: {  	[smem:$0x3FB0] =	sst s10  }
0x32: {  	s10 =	sld [smem:$0x3FAE];
	_ =	sdelay $0x3  }
0x33: {  	p0 =	seq.s32 s10, $0x1;
	s10 =	sld [smem:$0x3FB0];
	_ =	sdelay $0x3  }
0x34: {  	[smem:$0x3FB0] =	sst s10  }
0x35: {  	s10 =	sld [smem:$0x3FAF];
	_ =	sdelay $0x3  }
0x36: {  	p1 =	seq.s32 s10, $0x1;
	s10 =	sld [smem:$0x3FB0];
	_ =	sdelay $0x3  }
0x37: {  	[smem:$0x3FB0] =	sst s10  }
0x38: {  	s10 =	sld [smem:$0x3FB1]  }
0x39: {  	_ = 	snop;
	(pc) =	sbr.ind lr, $3  }
0x3a: {  	_ = 	snop  }
0x3b: {  	_ = 	snop  }
0x3c: {  	p2 =	seq.s32 s10, $0x1;
	s10 =	sld [smem:$0x3FB0]  }
0x3d: {  	_ =	shalt  }
0x3e: {  	_ =	shalt  }
0x3f: {  	_ =	shalt  }
0x40: {  	_ =	shalt  }
0x41: {  	_ =	shalt  }
0x42: {  	_ =	shalt  }
0x43: {  	_ =	shalt  }
0x44: {  	_ =	shalt  }
0x45: {  	_ =	shalt  }
0x46: {  	_ =	shalt  }
0x47: {  	_ =	shalt  }
0x48: {  	_ =	shalt  }
0x49: {  	_ =	shalt  }
0x4a: {  	_ =	shalt  }
0x4b: {  	_ =	shalt  }
0x4c: {  	_ =	shalt  }
0x4d: {  	_ =	shalt  }
0x4e: {  	_ =	shalt  }
0x4f: {  	_ =	shalt  }
0x50: {  	_ =	shalt  }
0x51: {  	_ =	shalt  }
0x52: {  	_ =	shalt  }
0x53: {  	_ =	shalt  }
0x54: {  	_ =	shalt  }
0x55: {  	_ =	shalt  }
0x56: {  	_ =	shalt  }
0x57: {  	_ =	shalt  }
0x58: {  	_ =	shalt  }
0x59: {  	_ =	shalt  }
0x5a: {  	_ =	shalt  }
0x5b: {  	_ =	shalt  }
0x5c: {  	_ =	shalt  }
0x5d: {  	_ =	shalt  }
0x5e: {  	_ =	shalt  }
0x5f: {  	_ =	shalt  }
0x60: {  	_ =	shalt  }
0x61: {  	_ =	shalt  }
0x62: {  	_ =	shalt  }
0x63: {  	_ =	shalt  }
0x64: {  	_ =	shalt  }
0x65: {  	_ =	shalt  }
0x66: {  	_ =	shalt  }
0x67: {  	_ =	shalt  }
0x68: {  	_ =	shalt  }
0x69: {  	_ =	shalt  }
0x6a: {  	_ =	shalt  }
0x6b: {  	_ =	shalt  }
0x6c: {  	_ =	shalt  }
0x6d: {  	_ =	shalt  }
0x6e: {  	_ =	shalt  }
0x6f: {  	_ =	shalt  }
0x70: {  	_ =	shalt  }
0x71: {  	_ =	shalt  }
0x72: {  	_ =	shalt  }
0x73: {  	_ =	shalt  }
0x74: {  	_ =	shalt  }
0x75: {  	_ =	shalt  }
0x76: {  	_ =	shalt  }
0x77: {  	_ =	shalt  }
0x78: {  	_ =	shalt  }
0x79: {  	_ =	shalt  }
0x7a: {  	_ =	shalt  }
0x7b: {  	_ =	shalt  }
0x7c: {  	_ =	shalt  }
0x7d: {  	_ =	shalt  }
0x7e: {  	_ =	shalt  }
0x7f: {  	_ =	shalt  }
0x80: {  	_ =	shalt  }
0x81: {  	_ =	shalt  }
0x82: {  	_ =	shalt  }
0x83: {  	_ =	shalt  }
0x84: {  	_ =	shalt  }
0x85: {  	_ =	shalt  }
0x86: {  	_ =	shalt  }
0x87: {  	_ =	shalt  }
.Lfunc_end0:
.L_simem_size_0:
called_computation.1_lowered:
.L_overlay_start_0:
0x88: {  	s2 =	sld [smem:$0x3FD9]  }
0x89: {  	s3 =	sld [smem:$0x3FFE];
	_ =	sdelay $0x1  }
0x8a: {  	s1 =	srdreg.scid  }
0x8b: {  	s0 =	sand.u32 $0x1, s1  }
0x8c: {  	s16 =	sshll.u32 s0, $0xA;
	s2 =	sadd.s32 s3, s2  }
0x8d: {  	s2 =	sadd.s32 s2, s16  }
0x8e: {  	[smem:$0x3FBC] =	sst s2  }
0x8f: {  	_ = 	snop  }
0x90: {  	(tm) =	ssettm $0x1  }
0x91: {  	s17 =	sld [smem:$0x3FFB];
	_ =	sdelay $0x3  }
0x92: {  	_ =	strace s17  }
0x93: {  	s2 =	sld [smem:$0x3FFC];
	_ =	sdelay $0x3  }
0x94: {  	_ =	strace s2  }
0x95: {  	s2 =	sld [smem:$0x3FFD];
	_ =	sdelay $0x3  }
0x96: {  	_ =	strace s2  }
0x97: {  	_ =	strace $0x8FFFFFFF  }
0x98: {  	s18 =	sld [smem:$0x3FDB];
	_ =	sdelay $0x1  }
0x99: {  	s19 =	simm.s32 $_scs_section_size  }
0x9a: {  	s4 =	simm.s32 $_size__tile_overlayer_lowered;
	s5 =	simm.s32 $_tile_overlayer_lowered  }
0x9b: {  	s22 =	simm.s32 $0x1BFF;
	s21 =	sshll.u32 s5, $0x1;
	s2 =	sadd.s32 s19, s18  }
0x9c: {  	s6 =	simm.s32 $0x0;
	s20 =	sshll.u32 s4, $0x1;
	s4 =	sadd.s32 s21, s2  }
0x9d: {  	[timem:s6], [sflag:s22] =	dma.local [hbm:s4], s20  }
0x9e: {  	_ =	swait.ge [sflag:s22], s20  }
0x9f: {  	s3 =	ssub.s32 $0x0, s20;
	[sflag:s22] =	ssyncset.done $0x0  }
0xa0: {  	[sflag:s22] =	ssyncadd.s32 s3;
	_ =	sdelay $0x1  }
0xa1: {  	s23 =	simm.s32 $0x1B8B  }
0xa2: {  	_ =	swait.ge [sflag:s23], $0x1  }
0xa3: {  	[sflag:s23] =	ssyncset.done $0x0  }
0xa4: {  	s25 =	simm.s32 $0x1B8E;
	s24 =	sld [smem:$0x3FFE];
	[sflag:s23] =	ssyncadd.s32 $0xFFFFFFFF  }
0xa5: {  	s26 =	simm.s32 $execute0_lowered;
	[smem:$0x3FD2] =	sst s25  }
0xa6: {  	s4 =	sshll.u32 s26, $0x1;
	_ =	strace $0x80000049;
	[dreg:$0x1] =	wrdreg $0xFFFFFFFF  }
0xa7: {  	s28 =	simm.s32 $_size_execute0_lowered;
	s2 =	sadd.s32 s2, s4;
	[dreg:$0x0] =	wrdreg $0x0  }
0xa8: {  	s4 =	sshll.u32 s28, $0x1;
	[dreg:$0x2] =	wrdreg s2  }
0xa9: {  	[dreg:$0x3] =	wrdreg s4  }
0xaa: {  	[dreg:$0x4] =	wrdreg $0xC0  }
0xab: {  	_ =	task [dreg:s6], $0x5FFFF  }
0xac: {  	[dreg:$0x1] =	wrdreg $0xFFFFFFFF  }
0xad: {  	[dreg:$0x0] =	wrdreg $0x60  }
0xae: {  	[dreg:$0x2] =	wrdreg s24  }
0xaf: {  	[dreg:$0x3] =	wrdreg $0x84000  }
0xb0: {  	[dreg:$0x4] =	wrdreg $0x9  }
0xb1: {  	_ =	task.clear_ibuf [dreg:s6], $0x5FFFF;
	_ =	strace $0x90000049  }
0xb2: {  	s29 =	simm.s32 $0x9;
	_ =	strace $0x8000004B  }
0xb3: {  	_ =	swait.ge [sflag:s29], $0x1  }
0xb4: {  	[sflag:s29] =	ssyncadd.s32 $0xFFFFFFFF  }
0xb5: {  	_ =	strace $0x9000004B  }
0xb6: {  	_ =	sfence  }
0xb7: {  	s30 =	sld [smem:$0x0];
	_ =	sdelay $0x2  }
0xb8: {  	s31 =	sshll.u32 s1, $0xD;
	s1 =	sshrl.u32 s1, $0x2  }
0xb9: {  	s3 =	sand.u32 $0x4000, s31;
	s1 =	sadd.s32 s1, s30  }
0xba: {  	s0 =	sor.u32 s3, s0;
	s1 =	sshll.u32 s1, $0x11  }
0xbb: {  	s0 =	sor.u32 s1, s0  }
0xbc: {  	s0 =	sadd.s32 $0x8F2B, s0  }
0xbd: {  	[sflag:s0] =	ssyncadd.remote.s32 $0x1  }
0xbe: {  	_ =	sfence.sel $0xFFFF  }
0xbf: {  	[dreg:$0x0] =	wrdreg $0xFFFFFFFF;
	(pc) =	sbr.abs _section_cstart, $3  }
0xc0: {  	[dreg:$0x1] =	wrdreg $0xFFFFFFFF  }
0xc1: {  	_ =	task.clear_ibuf [dreg:s6], $0x2FFFF;
	_ =	strace $0x9FFFFFFF  }
0xc2: {  	(tm) =	ssettm $0x7FFFFFFF  }
0xc3: {  	_ =	shalt  }
tec
execute0_lowered:
.L_overlay_start_1:
0x0: {  	(tag) =	ssettag $0x1  }
0x1: {  	s1 =	rddreg [dreg:$0x0]  }
0x2: {  	s2 =	rddreg [dreg:$0x1];
	s13 =	stileid.u32  }
0x3: {  	s0 =	srdreg.scid;
	s3 =	simm.s32 $0x0;
	s28 =	simm.s32 $0x80  }
0x4: {  	s29 =	simm.s32 $0x400;
	s30 =	simm.s32 $0x300;
	s31 =	simm.s32 $0x2  }
0x5: {  	s4 =	smul.u32 $0x14000, s13;
	s5 =	sand.u32 $0x1, s0;
	[smem:$0x7FF] =	sst s3  }
0x6: {  	s8 =	sadd.s32 $0x4400, s1;
	s0 =	sadd.s32 $0x40E00, s1;
	s11 =	smul.u32 $0x50000, s13  }
0x7: {  	s9 =	sshll.u32 s13, $0x1;
	s14 =	sshll.u32 s13, $0x6;
	s6 =	smul.u32 $0x140000, s5  }
0x8: {  	_ =	strace $0x8000004A;
	s10 =	ssub.s32 $0x2, s5;
	s9 =	sor.u32 s5, s9  }
0x9: {  	s14 =	sor.u32 $0x1C07, s14;
	s25 =	sshrl.u32 s4, $0x3;
	s12 =	smul.u32 $0x5000, s9  }
0xa: {  	s26 =	sshrl.u32 s10, $0x1;
	s11 =	sshrl.u32 s11, $0x2;
	s9 =	smul.u32 $0x140000, s9  }
0xb: {  	[dreg:$0xb] =	wrdreg s14;
	s7 =	sadd.s32 s25, s1;
	s18 =	sadd.s32 s11, s2  }
0xc: {  	s4 =	sadd.s32 s4, s6;
	s7 =	sadd.s32 $0x18E00, s7;
	[dreg:$0x9] =	wrdreg s18  }
0xd: {  	s4 =	sshrl.u32 s4, $0x3;
	s22 =	sadd.s32 $0x4000, s18;
	[dreg:$0xa] =	wrdreg s7  }
0xe: {  	s15 =	sshrl.u32 s12, $0x3;
	s24 =	sadd.s32 $0x8000, s18;
	[dreg:$0x11] =	wrdreg s22  }
0xf: {  	s9 =	sshrl.u32 s9, $0x3;
	s25 =	sadd.s32 $0xC000, s18;
	[dreg:$0x12] =	wrdreg s24  }
0x10: {  	s1 =	sadd.s32 s4, s1;
	s9 =	sadd.s32 s0, s9;
	[dreg:$0x13] =	wrdreg s25  }
0x11: {  	s4 =	ssub.s32 s10, s26;
	s10 =	sadd.s32 $0x10000, s18;
	[dreg:$0xc] =	wrdreg s9  }
0x12: {  	s19 =	sadd.s32 s8, s15;
	s25 =	simm.s32 $0x180;
	[dreg:$0x14] =	wrdreg s10  }
0x13: {  	s21 =	smul.u32 $0xA000, s13;
	s17 =	sadd.s32 $0x20, s19;
	[dreg:$0x7] =	wrdreg s25  }
0x14: {  	s5 =	smul.u32 $0x5000, s5;
	s9 =	sadd.s32 $0x800, s9;
	[dreg:$0xd] =	wrdreg s17  }
0x15: {  	s16 =	smul.u32 $0x280000, s13;
	s1 =	sadd.s32 $0x540E00, s1;
	[dreg:$0xe] =	wrdreg s9  }
0x16: {  	s20 =	smax.u32 s4, $0x1;
	s4 =	sadd.s32 s5, s21;
	[dreg:$0xf] =	wrdreg s1  }
0x17: {  	s25 =	simm.s32 $0x200;
	s10 =	simm.s32 $0x6;
	[dreg:$0x10] =	wrdreg s20  }
0x18: {  	s1 =	sadd.s32 s6, s16;
	s9 =	sor.u32 $0x500, s4;
	s12 =	sor.u32 $0x400, s4  }
0x19: {  	s13 =	sor.u32 $0x300, s4;
	s4 =	sor.u32 $0x200, s4;
	s23 =	sor.u32 $0x4000, s1  }
0x1a: {  	s26 =	sshrl.u32 s1, $0x3;
	s11 =	sshrl.u32 s9, $0x3;
	s4 =	sshrl.u32 s4, $0x3  }
0x1b: {  	s16 =	sor.u32 $0xC000, s1;
	s17 =	sor.u32 $0x14000, s1;
	s20 =	sor.u32 $0x10000, s1  }
0x1c: {  	s1 =	sor.u32 $0x8000, s1;
	s6 =	sshrl.u32 s23, $0x3;
	s5 =	sadd.s32 s11, s8  }
0x1d: {  	s4 =	sadd.s32 s4, s8;
	s23 =	sshrl.u32 s20, $0x3;
	s1 =	sshrl.u32 s1, $0x3  }
0x1e: {  	s11 =	simm.s32 $0x4;
	s6 =	sadd.s32 s6, s0;
	[dreg:$0x15] =	wrdreg s5  }
0x1f: {  	s5 =	sshrl.u32 s12, $0x3;
	[dreg:$0x18] =	wrdreg s4;
	s4 =	sshrl.u32 s16, $0x3  }
0x20: {  	s24 =	sadd.s32 s23, s0;
	s23 =	simm.s32 $0x7;
	[dreg:$0x3] =	wrdreg s6  }
0x21: {  	s12 =	simm.s32 $0x0;
	s6 =	sadd.s32 s26, s0;
	[dreg:$0x6] =	wrdreg s24  }
0x22: {  	s5 =	sadd.s32 s5, s8;
	s21 =	sadd.s32 s4, s0;
	[dreg:$0x4] =	wrdreg s6  }
0x23: {  	s26 =	simm.s32 $0x380;
	s6 =	sshrl.u32 s13, $0x3;
	[dreg:$0x16] =	wrdreg s5  }
0x24: {  	s5 =	sshrl.u32 s17, $0x3;
	[dreg:$0x8] =	wrdreg s26;
	s15 =	sadd.s32 s6, s8  }
0x25: {  	s24 =	simm.s32 $0x100;
	s22 =	sadd.s32 s5, s0;
	[dreg:$0x17] =	wrdreg s15  }
0x26: {  	s26 =	simm.s32 $0x1;
	s5 =	simm.s32 $0x3;
	[dreg:$0x5] =	wrdreg s22  }
0x27: {  	v0 =	vimm.f32 $0.0e+00;
	s22 =	sadd.s32 s1, s0;
	s0 =	simm.s32 $0x4400;
	s1 =	simm.s32 $0x5  }
.LBB2_1:
0x28: {  	s6 =	sshrl.u32 s18, $0x3;
	s4 =	rddreg [dreg:$0xa]  }
0x29: {  	[dreg:$0x19] =	wrdreg s6  }
0x2a: {  	[spmem:s6], [sflag:s14] =	dma.local [hbm:s4], $0x2800  }
0x2b: {  	_ =	swait.ge [sflag:s23], $0x2800  }
0x2c: {  	[sflag:s23] =	ssyncset.done $0x0  }
0x2d: {  	[sflag:s23] =	ssyncadd.s32 $0xFFFFD800  }
0x2e: {  	[bflag:$0x0] =	sbarrier.arrive $0xFFFF  }
0x2f: {  	[tilespmem:s3], [sflag:$0x1] =	stream.linear.gather [hbm4b:s19+s3], $0x100, $0x38;
	[tilespmem:$0x1C400] =	vst v63  }
0x30: {  	p0 =	por $0x1, $0x1;
	s14 =	rddreg [dreg:$0xd]  }
0x31: {  	[tilespmem:s24], [sflag:$0x2] =	stream.linear.gather [hbm4b:s14+s3], $0x100, $0x38;
	[tilespmem:$0x1C400] =	vst v63  }
0x32: {  	s4 =	simm.s32 @!p0 $0x5;
	s15 =	rddreg [dreg:$0x18]  }
0x33: {  	[tilespmem:s25], [sflag:$0x3] =	stream.linear.gather [hbm4b:s15+s3], $0x100, $0x38;
	[tilespmem:$0x1C400] =	vst v63  }
0x34: {  	_ =	swait.ge @!p0 [sflag:s4], $0x4000  }
0x35: {  	[sflag:s4] =	ssyncset.done @!p0 $0x0  }
0x36: {  	[sflag:s4] =	ssyncadd.s32 @!p0 $0xFFFFC000  }
0x37: {  	_ =	swait.ge [sflag:s26], $0x100  }
0x38: {  	[sflag:s26] =	ssyncset.done $0x0  }
0x39: {  	[sflag:s26] =	ssyncadd.s32 $0xFFFFFF00  }
0x3a: {  	[tilespmem:s29], [sflag:$0x7] =	stream.indirect.gather [spmem:s2], $0x80, s3, s28, $0xb8;
	[tilespmem:$0x1C400] =	vst v63  }
0x3b: {  	_ =	swait.ge [sflag:s23], $0x4000  }
0x3c: {  	s16 =	rddreg [dreg:$0x4];
	[sflag:s23] =	ssyncset.done $0x0  }
0x3d: {  	[sflag:s23] =	ssyncadd.s32 $0xFFFFC000;
	s4 =	sadd.s32 $0x0, s16  }
0x3e: {  	[hbm4b:s4+s3] =	stream.linear.scatter [tilespmem:s29], [sflag:$0x5], $0x4000, $0x38;
	[tilespmem:$0x1C400] =	vst v63  }
0x3f: {  	s9 =	rddreg [dreg:$0x17];
	s4 =	simm.s32 @!p0 $0x6  }
0x40: {  	[tilespmem:s30], [sflag:$0x4] =	stream.linear.gather [hbm4b:s9+s3], $0x100, $0x38;
	[tilespmem:$0x1C400] =	vst v63  }
0x41: {  	_ =	swait.ge @!p0 [sflag:s4], $0x4000  }
0x42: {  	[sflag:s4] =	ssyncset.done @!p0 $0x0  }
0x43: {  	[sflag:s4] =	ssyncadd.s32 @!p0 $0xFFFFC000  }
0x44: {  	_ =	swait.ge [sflag:s31], $0x100  }
0x45: {  	[sflag:s31] =	ssyncset.done $0x0  }
0x46: {  	[sflag:s31] =	ssyncadd.s32 $0xFFFFFF00  }
0x47: {  	[tilespmem:s0], [sflag:$0x7] =	stream.indirect.gather [spmem:s2], $0x80, s24, s28, $0xb8;
	[tilespmem:$0x1C400] =	vst v63  }
0x48: {  	_ =	swait.ge [sflag:s23], $0x4000  }
0x49: {  	s17 =	rddreg [dreg:$0x3];
	[sflag:s23] =	ssyncset.done $0x0  }
0x4a: {  	p0 =	por $0x0, $0x0;
	[sflag:s23] =	ssyncadd.s32 $0xFFFFC000;
	s4 =	sadd.s32 $0x0, s17  }
0x4b: {  	[hbm4b:s4+s3] =	stream.linear.scatter [tilespmem:s0], [sflag:$0x6], $0x4000, $0x38;
	[tilespmem:$0x1C400] =	vst v63  }
0x4c: {  	s16 =	rddreg [dreg:$0x16];
	s4 =	simm.s32 @!p0 $0x0  }
0x4d: {  	[tilespmem:s4], [sflag:$0x1] =	stream.linear.gather @!p0 [hbm4b:s16+s4], $0x100, $0x38;
	[tilespmem:$0x1C400] =	vst v63  }
0x4e: {  	_ =	swait.ge [sflag:s1], $0x4000  }
0x4f: {  	[sflag:s1] =	ssyncset.done $0x0  }
0x50: {  	[sflag:s1] =	ssyncadd.s32 $0xFFFFC000  }
0x51: {  	_ =	swait.ge [sflag:s5], $0x100  }
0x52: {  	[sflag:s5] =	ssyncset.done $0x0  }
0x53: {  	[sflag:s5] =	ssyncadd.s32 $0xFFFFFF00  }
0x54: {  	[tilespmem:s29], [sflag:$0x7] =	stream.indirect.gather [spmem:s2], $0x80, s25, s28, $0xb8;
	[tilespmem:$0x1C400] =	vst v63  }
0x55: {  	_ =	swait.ge [sflag:s23], $0x4000  }
0x56: {  	[sflag:s23] =	ssyncset.done $0x0  }
0x57: {  	s20 =	sadd.s32 $0x0, s22;
	p0 =	por $0x0, $0x0;
	[sflag:s23] =	ssyncadd.s32 $0xFFFFC000  }
0x58: {  	[hbm4b:s20+s3] =	stream.linear.scatter [tilespmem:s29], [sflag:$0x5], $0x4000, $0x38;
	[tilespmem:$0x1C400] =	vst v63  }
0x59: {  	s4 =	simm.s32 @!p0 $0x0;
	s6 =	simm.s32 @!p0 $0x100;
	s13 =	rddreg [dreg:$0x15]  }
0x5a: {  	[tilespmem:s6], [sflag:$0x2] =	stream.linear.gather @!p0 [hbm4b:s13+s4], $0x100, $0x38;
	[tilespmem:$0x1C400] =	vst v63  }
0x5b: {  	_ =	swait.ge [sflag:s10], $0x4000  }
0x5c: {  	[sflag:s10] =	ssyncset.done $0x0  }
0x5d: {  	[sflag:s10] =	ssyncadd.s32 $0xFFFFC000  }
0x5e: {  	s7 =	sadd.s32 $0x0, s21;
	_ =	swait.ge [sflag:s11], $0x100  }
0x5f: {  	s8 =	simm.s32 $0x7;
	s14 =	sadd.s32 $0x80, s15;
	[sflag:s11] =	ssyncset.done $0x0  }
0x60: {  	s9 =	sadd.s32 $0x80, s9;
	s16 =	sadd.s32 $0x80, s16;
	[sflag:s11] =	ssyncadd.s32 $0xFFFFFF00  }
0x61: {  	[tilespmem:s0], [sflag:$0x7] =	stream.indirect.gather [spmem:s2], $0x80, s30, s28, $0xb8;
	[tilespmem:$0x1C400] =	vst v63  }
0x62: {  	s15 =	sadd.s32 $0x80, s13;
	s6 =	simm.s32 $0x2000;
	_ =	swait.ge [sflag:s23], $0x4000  }
.LBB2_2:
0x63: {  	[sflag:s23] =	ssyncset.done $0x0  }
0x64: {  	p1 =	seq.s32 s6, $0x0;
	[sflag:s23] =	ssyncadd.s32 $0xFFFFC000  }
0x65: {  	[hbm4b:s7+s3] =	stream.linear.scatter [tilespmem:s0], [sflag:$0x6], $0x4000, $0x38;
	[tilespmem:$0x1C400] =	vst v63  }
0x66: {  	s17 =	simm.s32 @!p1 $0x5  }
0x67: {  	[tilespmem:s25], [sflag:$0x3] =	stream.linear.gather [hbm4b:s14+s3], $0x100, $0x38;
	[tilespmem:$0x1C400] =	vst v63  }
0x68: {  	_ =	swait.ge @!p1 [sflag:s17], $0x4000  }
0x69: {  	[sflag:s17] =	ssyncset.done @!p1 $0x0  }
0x6a: {  	[sflag:s17] =	ssyncadd.s32 @!p1 $0xFFFFC000  }
0x6b: {  	_ =	swait.ge [sflag:s26], $0x100  }
0x6c: {  	[sflag:s26] =	ssyncset.done $0x0  }
0x6d: {  	[sflag:s26] =	ssyncadd.s32 $0xFFFFFF00  }
0x6e: {  	[tilespmem:s29], [sflag:$0x7] =	stream.indirect.gather [spmem:s2], $0x80, s3, s28, $0xb8;
	[tilespmem:$0x1C400] =	vst v63  }
0x6f: {  	s4 =	smov.u32 s6;
	_ =	swait.ge [sflag:s23], $0x4000  }
0x70: {  	s13 =	sadd.s32 s4, s21;
	[sflag:s23] =	ssyncset.done $0x0;
	s17 =	rddreg [dreg:$0x4]  }
0x71: {  	s7 =	smov.u32 s13;
	[sflag:s23] =	ssyncadd.s32 $0xFFFFC000;
	s13 =	sadd.s32 s4, s17  }
0x72: {  	[hbm4b:s13+s3] =	stream.linear.scatter [tilespmem:s29], [sflag:$0x5], $0x4000, $0x38;
	[tilespmem:$0x1C400] =	vst v63  }
0x73: {  	s13 =	simm.s32 @!p1 $0x6  }
0x74: {  	[tilespmem:s30], [sflag:$0x4] =	stream.linear.gather [hbm4b:s9+s3], $0x100, $0x38;
	[tilespmem:$0x1C400] =	vst v63  }
0x75: {  	_ =	swait.ge @!p1 [sflag:s13], $0x4000  }
0x76: {  	[sflag:s13] =	ssyncset.done @!p1 $0x0  }
0x77: {  	[sflag:s13] =	ssyncadd.s32 @!p1 $0xFFFFC000  }
0x78: {  	_ =	swait.ge [sflag:s31], $0x100  }
0x79: {  	[sflag:s31] =	ssyncset.done $0x0  }
0x7a: {  	[sflag:s31] =	ssyncadd.s32 $0xFFFFFF00  }
0x7b: {  	[tilespmem:s0], [sflag:$0x7] =	stream.indirect.gather [spmem:s2], $0x80, s24, s28, $0xb8;
	[tilespmem:$0x1C400] =	vst v63  }
0x7c: {  	_ =	swait.ge [sflag:s23], $0x4000  }
0x7d: {  	s20 =	sadd.s32 $0xFFFFFFFF, s8;
	[sflag:s23] =	ssyncset.done $0x0;
	s13 =	rddreg [dreg:$0x3]  }
0x7e: {  	p1 =	sgt.u32 s20, $0x4D;
	[sflag:s23] =	ssyncadd.s32 $0xFFFFC000;
	s13 =	sadd.s32 s4, s13  }
0x7f: {  	[hbm4b:s13+s3] =	stream.linear.scatter [tilespmem:s0], [sflag:$0x6], $0x4000, $0x38;
	[tilespmem:$0x1C400] =	vst v63  }
0x80: {  	s13 =	simm.s32 @!p1 $0x0  }
0x81: {  	[tilespmem:s13], [sflag:$0x1] =	stream.linear.gather @!p1 [hbm4b:s16+s13], $0x100, $0x38;
	[tilespmem:$0x1C400] =	vst v63  }
0x82: {  	_ =	swait.ge [sflag:s1], $0x4000  }
0x83: {  	[sflag:s1] =	ssyncset.done $0x0  }
0x84: {  	[sflag:s1] =	ssyncadd.s32 $0xFFFFC000  }
0x85: {  	_ =	swait.ge [sflag:s5], $0x100  }
0x86: {  	[sflag:s5] =	ssyncset.done $0x0  }
0x87: {  	[sflag:s5] =	ssyncadd.s32 $0xFFFFFF00  }
0x88: {  	[tilespmem:s29], [sflag:$0x7] =	stream.indirect.gather [spmem:s2], $0x80, s25, s28, $0xb8;
	[tilespmem:$0x1C400] =	vst v63  }
0x89: {  	_ =	swait.ge [sflag:s23], $0x4000  }
0x8a: {  	[sflag:s23] =	ssyncset.done $0x0  }
0x8b: {  	s4 =	sadd.s32 s4, s22;
	p1 =	sgt.u32 s8, $0x4D;
	[sflag:s23] =	ssyncadd.s32 $0xFFFFC000  }
0x8c: {  	[hbm4b:s4+s3] =	stream.linear.scatter [tilespmem:s29], [sflag:$0x5], $0x4000, $0x38;
	[tilespmem:$0x1C400] =	vst v63  }
0x8d: {  	s13 =	simm.s32 @!p1 $0x0;
	s17 =	simm.s32 @!p1 $0x100  }
0x8e: {  	[tilespmem:s17], [sflag:$0x2] =	stream.linear.gather @!p1 [hbm4b:s15+s13], $0x100, $0x38;
	[tilespmem:$0x1C400] =	vst v63  }
0x8f: {  	_ =	swait.ge [sflag:s10], $0x4000  }
0x90: {  	s6 =	sadd.s32 $0x2000, s6;
	[sflag:s10] =	ssyncset.done $0x0  }
0x91: {  	p0 =	sne.s32 s6, $0x28000;
	[sflag:s10] =	ssyncadd.s32 $0xFFFFC000  }
.Ltmp0:
0x92: {  	_ =	swait.ge [sflag:s11], $0x100;
	(pc) =	sbr.rel @p0 .LBB2_2-.Ltmp0, $4  }
0x93: {  	s14 =	sadd.s32 $0x80, s14;
	[sflag:s11] =	ssyncset.done $0x0  }
0x94: {  	s9 =	sadd.s32 $0x80, s9;
	s8 =	sadd.s32 $0x4, s8;
	[sflag:s11] =	ssyncadd.s32 $0xFFFFFF00  }
0x95: {  	[tilespmem:s0], [sflag:$0x7] =	stream.indirect.gather [spmem:s2], $0x80, s30, s28, $0xb8;
	[tilespmem:$0x1C400] =	vst v63  }
0x96: {  	s16 =	sadd.s32 $0x80, s16;
	s15 =	sadd.s32 $0x80, s15;
	_ =	swait.ge [sflag:s23], $0x4000  }
0x97: {  	[sflag:s23] =	ssyncset.done $0x0  }
0x98: {  	[sflag:s23] =	ssyncadd.s32 $0xFFFFC000  }
0x99: {  	[hbm4b:s7+s3] =	stream.linear.scatter [tilespmem:s0], [sflag:$0x6], $0x4000, $0x38;
	[tilespmem:$0x1C400] =	vst v63  }
0x9a: {  	_ =	swait.ge [sflag:s1], $0x4000  }
0x9b: {  	[sflag:s1] =	ssyncset.done $0x0  }
0x9c: {  	[sflag:s1] =	ssyncadd.s32 $0xFFFFC000  }
0x9d: {  	_ =	swait.ge [sflag:s10], $0x4000  }
0x9e: {  	[sflag:s10] =	ssyncset.done $0x0  }
0x9f: {  	[sflag:s10] =	ssyncadd.s32 $0xFFFFC000  }
0xa0: {  	s4 =	simm.s32 $0x0;
	s6 =	simm.s32 $0x200;
	[bflag:$0x0] =	sbarrier.arrive $0xFFFF  }
.LBB2_4:
0xa1: {  	p0 =	sne.s32 s6, $0xFE00;
	[tilespmem:s4+$0x470] =	vst v0  }
0xa2: {  	[tilespmem:s4+$0x400] =	vst v0  }
0xa3: {  	[tilespmem:s4+$0x410] =	vst v0  }
.Ltmp1:
0xa4: {  	[tilespmem:s4+$0x420] =	vst v0;
	(pc) =	sbr.rel @p0 .LBB2_4-.Ltmp1, $4  }
0xa5: {  	[tilespmem:s4+$0x430] =	vst v0  }
0xa6: {  	[tilespmem:s4+$0x440] =	vst v0  }
0xa7: {  	[tilespmem:s4+$0x450] =	vst v0  }
0xa8: {  	[tilespmem:s4+$0x460] =	vst v0;
	s4 =	sshra.s32 s6, $0x2;
	s6 =	sadd.s32 $0x200, s6  }
0xa9: {  	[tilespmem:s4+$0x470] =	vst v0  }
0xaa: {  	[tilespmem:s4+$0x400] =	vst v0  }
0xab: {  	[tilespmem:s4+$0x410] =	vst v0  }
0xac: {  	[tilespmem:s4+$0x420] =	vst v0  }
0xad: {  	[tilespmem:s4+$0x430] =	vst v0  }
0xae: {  	[tilespmem:s4+$0x440] =	vst v0  }
0xaf: {  	[tilespmem:s4+$0x450] =	vst v0  }
0xb0: {  	[tilespmem:s4+$0x460] =	vst v0  }
0xb1: {  	[spmem:s18] =	stream.linear.scatter [tilespmem:s29], [sflag:$0x7], $0x4000, $0x38;
	[tilespmem:$0x1C400] =	vst v63  }
0xb2: {  	_ =	swait.ge [sflag:s23], $0x4000  }
0xb3: {  	[sflag:s23] =	ssyncset.done $0x0  }
0xb4: {  	s17 =	rddreg [dreg:$0x11];
	[sflag:s23] =	ssyncadd.s32 $0xFFFFC000  }
0xb5: {  	[spmem:s17] =	stream.linear.scatter [tilespmem:s29], [sflag:$0x7], $0x4000, $0x38;
	[tilespmem:$0x1C400] =	vst v63  }
0xb6: {  	_ =	swait.ge [sflag:s23], $0x4000  }
0xb7: {  	[sflag:s23] =	ssyncset.done $0x0  }
0xb8: {  	s18 =	rddreg [dreg:$0x12];
	[sflag:s23] =	ssyncadd.s32 $0xFFFFC000  }
0xb9: {  	[spmem:s18] =	stream.linear.scatter [tilespmem:s29], [sflag:$0x7], $0x4000, $0x38;
	[tilespmem:$0x1C400] =	vst v63  }
0xba: {  	_ =	swait.ge [sflag:s23], $0x4000  }
0xbb: {  	[sflag:s23] =	ssyncset.done $0x0  }
0xbc: {  	s20 =	rddreg [dreg:$0x13];
	[sflag:s23] =	ssyncadd.s32 $0xFFFFC000  }
0xbd: {  	[spmem:s20] =	stream.linear.scatter [tilespmem:s29], [sflag:$0x7], $0x4000, $0x38;
	[tilespmem:$0x1C400] =	vst v63  }
0xbe: {  	_ =	swait.ge [sflag:s23], $0x4000  }
0xbf: {  	[sflag:s23] =	ssyncset.done $0x0  }
0xc0: {  	s6 =	rddreg [dreg:$0x14];
	[sflag:s23] =	ssyncadd.s32 $0xFFFFC000  }
0xc1: {  	[spmem:s6] =	stream.linear.scatter [tilespmem:s29], [sflag:$0x7], $0x4000, $0x38;
	[tilespmem:$0x1C400] =	vst v63  }
0xc2: {  	_ =	swait.ge [sflag:s23], $0x4000  }
0xc3: {  	[sflag:s23] =	ssyncset.done $0x0  }
0xc4: {  	[sflag:s23] =	ssyncadd.s32 $0xFFFFC000  }
0xc5: {  	s14 =	simm.s32 $0x0;
	[bflag:$0x0] =	sbarrier.arrive $0xFFFF  }
0xc6: {  	[tilespmem:s14], [sflag:$0x1] =	stream.linear.gather [hbm4b:s19+s14], $0x100, $0x38;
	[tilespmem:$0x1C400] =	vst v63  }
0xc7: {  	s7 =	rddreg [dreg:$0xd]  }
0xc8: {  	[tilespmem:s24], [sflag:$0x2] =	stream.linear.gather [hbm4b:s7+s14], $0x100, $0x38;
	[tilespmem:$0x1C400] =	vst v63  }
0xc9: {  	s8 =	rddreg [dreg:$0xc]  }
0xca: {  	[tilespmem:s29], [sflag:$0x5] =	stream.linear.gather [hbm4b:s8+s14], $0x4000, $0x38;
	[tilespmem:$0x1C400] =	vst v63  }
0xcb: {  	s9 =	rddreg [dreg:$0xe]  }
0xcc: {  	[tilespmem:s0], [sflag:$0x6] =	stream.linear.gather [hbm4b:s9+s14], $0x4000, $0x38;
	[tilespmem:$0x1C400] =	vst v63  }
0xcd: {  	s17 =	rddreg [dreg:$0x18]  }
0xce: {  	[tilespmem:s25], [sflag:$0x3] =	stream.linear.gather [hbm4b:s17+s3], $0x100, $0x38;
	[tilespmem:$0x1C400] =	vst v63  }
0xcf: {  	_ =	swait.ge [sflag:s26], $0x100  }
0xd0: {  	[sflag:s26] =	ssyncset.done $0x0  }
0xd1: {  	[sflag:s26] =	ssyncadd.s32 $0xFFFFFF00  }
0xd2: {  	_ =	swait.ge [sflag:s1], $0x4000  }
0xd3: {  	[sflag:s1] =	ssyncset.done $0x0  }
0xd4: {  	[sflag:s1] =	ssyncadd.s32 $0xFFFFC000  }
0xd5: {  	[spmem:s2] =	stream.indirect.scatter.add.f32 [tilespmem:s29], [sflag:$0x7], $0x80, s28, s28, $0xb8;
	[tilespmem:$0x1C400] =	vst v63  }
0xd6: {  	_ =	swait.ge [sflag:s23], $0x4000  }
0xd7: {  	[sflag:s23] =	ssyncset.done $0x0  }
0xd8: {  	s13 =	sadd.s32 $0x0, s22;
	[sflag:s23] =	ssyncadd.s32 $0xFFFFC000  }
0xd9: {  	[tilespmem:s29], [sflag:$0x5] =	stream.linear.gather [hbm4b:s13+s3], $0x4000, $0x38;
	[tilespmem:$0x1C400] =	vst v63  }
0xda: {  	s16 =	rddreg [dreg:$0x17]  }
0xdb: {  	[tilespmem:s30], [sflag:$0x4] =	stream.linear.gather [hbm4b:s16+s3], $0x100, $0x38;
	[tilespmem:$0x1C400] =	vst v63  }
0xdc: {  	_ =	swait.ge [sflag:s31], $0x100  }
0xdd: {  	[sflag:s31] =	ssyncset.done $0x0  }
0xde: {  	[sflag:s31] =	ssyncadd.s32 $0xFFFFFF00  }
0xdf: {  	_ =	swait.ge [sflag:s10], $0x4000  }
0xe0: {  	[sflag:s10] =	ssyncset.done $0x0  }
0xe1: {  	s15 =	rddreg [dreg:$0x7];
	[sflag:s10] =	ssyncadd.s32 $0xFFFFC000  }
0xe2: {  	[spmem:s2] =	stream.indirect.scatter.add.f32 [tilespmem:s0], [sflag:$0x7], $0x80, s15, s28, $0xb8;
	[tilespmem:$0x1C400] =	vst v63  }
0xe3: {  	_ =	swait.ge [sflag:s23], $0x4000  }
0xe4: {  	p0 =	por $0x0, $0x0;
	[sflag:s23] =	ssyncset.done $0x0  }
0xe5: {  	s4 =	simm.s32 @p0 $0x3;
	s18 =	sadd.s32 $0x0, s21;
	[sflag:s23] =	ssyncadd.s32 $0xFFFFC000  }
0xe6: {  	[tilespmem:s0], [sflag:$0x6] =	stream.linear.gather [hbm4b:s18+s3], $0x4000, $0x38;
	[tilespmem:$0x1C400] =	vst v63  }
0xe7: {  	_ =	swait.ge @p0 [sflag:s4], $0x100  }
0xe8: {  	[sflag:s4] =	ssyncset.done @p0 $0x0  }
0xe9: {  	s6 =	simm.s32 @p0 $0x5;
	[sflag:s4] =	ssyncadd.s32 @p0 $0xFFFFFF00  }
0xea: {  	_ =	swait.ge @p0 [sflag:s6], $0x4000  }
0xeb: {  	s7 =	simm.s32 @p0 $0x80;
	s8 =	simm.s32 @p0 $0x280;
	[sflag:s6] =	ssyncset.done @p0 $0x0  }
0xec: {  	s4 =	simm.s32 @p0 $0x400;
	[sflag:s6] =	ssyncadd.s32 @p0 $0xFFFFC000;
	s6 =	simm.s32 @p0 $0x7  }
0xed: {  	[spmem:s2] =	stream.indirect.scatter.add.f32 @p0 [tilespmem:s4], [sflag:$0x7], $0x80, s8, s7, $0xb8;
	[tilespmem:$0x1C400] =	vst v63  }
0xee: {  	_ =	swait.ge @p0 [sflag:s6], $0x4000  }
0xef: {  	s4 =	simm.s32 @!p0 $0x0;
	[sflag:s6] =	ssyncset.done @p0 $0x0  }
0xf0: {  	s18 =	rddreg [dreg:$0x16];
	[sflag:s6] =	ssyncadd.s32 @p0 $0xFFFFC000;
	s6 =	simm.s32 @!p0 $0x3  }
0xf1: {  	[tilespmem:s4], [sflag:$0x1] =	stream.linear.gather @!p0 [hbm4b:s18+s4], $0x100, $0x38;
	[tilespmem:$0x1C400] =	vst v63  }
0xf2: {  	_ =	swait.ge @!p0 [sflag:s6], $0x100  }
0xf3: {  	[sflag:s6] =	ssyncset.done @!p0 $0x0  }
0xf4: {  	s7 =	simm.s32 @!p0 $0x5;
	[sflag:s6] =	ssyncadd.s32 @!p0 $0xFFFFFF00  }
0xf5: {  	_ =	swait.ge @!p0 [sflag:s7], $0x4000  }
0xf6: {  	s9 =	simm.s32 @!p0 $0x280;
	s8 =	simm.s32 @!p0 $0x80;
	[sflag:s7] =	ssyncset.done @!p0 $0x0  }
0xf7: {  	s6 =	simm.s32 @!p0 $0x400;
	[sflag:s7] =	ssyncadd.s32 @!p0 $0xFFFFC000;
	s7 =	simm.s32 @!p0 $0x7  }
0xf8: {  	[spmem:s2] =	stream.indirect.scatter.add.f32 @!p0 [tilespmem:s6], [sflag:$0x7], $0x80, s9, s8, $0xb8;
	[tilespmem:$0x1C400] =	vst v63  }
0xf9: {  	_ =	swait.ge @!p0 [sflag:s7], $0x4000  }
0xfa: {  	s8 =	rddreg [dreg:$0x6];
	[sflag:s7] =	ssyncset.done @!p0 $0x0  }
0xfb: {  	[sflag:s7] =	ssyncadd.s32 @!p0 $0xFFFFC000;
	s7 =	sadd.s32 @!p0 $0x0, s8  }
0xfc: {  	[tilespmem:s6], [sflag:$0x5] =	stream.linear.gather @!p0 [hbm4b:s7+s4], $0x4000, $0x38;
	[tilespmem:$0x1C400] =	vst v63  }
0xfd: {  	s6 =	simm.s32 @!p0 $0x100;
	s7 =	rddreg [dreg:$0x15]  }
0xfe: {  	[tilespmem:s6], [sflag:$0x2] =	stream.linear.gather @!p0 [hbm4b:s7+s4], $0x100, $0x38;
	[tilespmem:$0x1C400] =	vst v63  }
0xff: {  	_ =	swait.ge [sflag:s11], $0x100  }
0x100: {  	[sflag:s11] =	ssyncset.done $0x0  }
0x101: {  	[sflag:s11] =	ssyncadd.s32 $0xFFFFFF00  }
0x102: {  	_ =	swait.ge [sflag:s10], $0x4000  }
0x103: {  	s20 =	smov.u32 s19;
	s15 =	simm.s32 $0x2000;
	[sflag:s10] =	ssyncset.done $0x0  }
0x104: {  	s9 =	sadd.s32 $0x80, s18;
	s19 =	rddreg [dreg:$0x8];
	[sflag:s10] =	ssyncadd.s32 $0xFFFFC000  }
0x105: {  	[spmem:s2] =	stream.indirect.scatter.add.f32 [tilespmem:s0], [sflag:$0x7], $0x80, s19, s28, $0xb8;
	[tilespmem:$0x1C400] =	vst v63  }
0x106: {  	s8 =	sadd.s32 $0x80, s16;
	s16 =	sadd.s32 $0x80, s17;
	_ =	swait.ge [sflag:s23], $0x4000  }
0x107: {  	s17 =	simm.s32 @!p0 $0x4400;
	s6 =	sadd.s32 $0x80, s7;
	[sflag:s23] =	ssyncset.done $0x0  }
0x108: {  	s7 =	simm.s32 $0x0;
	s13 =	rddreg [dreg:$0x5];
	[sflag:s23] =	ssyncadd.s32 $0xFFFFC000  }
.LBB2_6:
0x109: {  	s13 =	sadd.s32 @!p0 s14, s13  }
0x10a: {  	[tilespmem:s17], [sflag:$0x6] =	stream.linear.gather @!p0 [hbm4b:s13+s4], $0x4000, $0x38;
	[tilespmem:$0x1C400] =	vst v63  }
0x10b: {  	_ = 	snop  }
0x10c: {  	[tilespmem:s25], [sflag:$0x3] =	stream.linear.gather [hbm4b:s16+s3], $0x100, $0x38;
	[tilespmem:$0x1C400] =	vst v63  }
0x10d: {  	_ =	swait.ge [sflag:s26], $0x100  }
0x10e: {  	[sflag:s26] =	ssyncset.done $0x0  }
0x10f: {  	[sflag:s26] =	ssyncadd.s32 $0xFFFFFF00  }
0x110: {  	_ =	swait.ge [sflag:s1], $0x4000  }
0x111: {  	[sflag:s1] =	ssyncset.done $0x0  }
0x112: {  	[sflag:s1] =	ssyncadd.s32 $0xFFFFC000  }
0x113: {  	[spmem:s2] =	stream.indirect.scatter.add.f32 [tilespmem:s29], [sflag:$0x7], $0x80, s28, s28, $0xb8;
	[tilespmem:$0x1C400] =	vst v63  }
0x114: {  	_ =	swait.ge [sflag:s23], $0x4000  }
0x115: {  	s14 =	smov.u32 s15;
	[sflag:s23] =	ssyncset.done $0x0  }
0x116: {  	s13 =	sadd.s32 s14, s22;
	[sflag:s23] =	ssyncadd.s32 $0xFFFFC000  }
0x117: {  	[tilespmem:s29], [sflag:$0x5] =	stream.linear.gather [hbm4b:s13+s3], $0x4000, $0x38;
	[tilespmem:$0x1C400] =	vst v63  }
0x118: {  	_ = 	snop  }
0x119: {  	[tilespmem:s30], [sflag:$0x4] =	stream.linear.gather [hbm4b:s8+s3], $0x100, $0x38;
	[tilespmem:$0x1C400] =	vst v63  }
0x11a: {  	_ =	swait.ge [sflag:s31], $0x100  }
0x11b: {  	[sflag:s31] =	ssyncset.done $0x0  }
0x11c: {  	[sflag:s31] =	ssyncadd.s32 $0xFFFFFF00  }
0x11d: {  	_ =	swait.ge [sflag:s10], $0x4000  }
0x11e: {  	[sflag:s10] =	ssyncset.done $0x0  }
0x11f: {  	s17 =	rddreg [dreg:$0x7];
	[sflag:s10] =	ssyncadd.s32 $0xFFFFC000  }
0x120: {  	[spmem:s2] =	stream.indirect.scatter.add.f32 [tilespmem:s0], [sflag:$0x7], $0x80, s17, s28, $0xb8;
	[tilespmem:$0x1C400] =	vst v63  }
0x121: {  	s7 =	sadd.s32 $0x1, s7;
	_ =	swait.ge [sflag:s23], $0x4000  }
0x122: {  	p0 =	sgt.u32 s7, $0x12;
	[sflag:s23] =	ssyncset.done $0x0  }
0x123: {  	s18 =	sadd.s32 s14, s21;
	s4 =	simm.s32 @p0 $0x3;
	[sflag:s23] =	ssyncadd.s32 $0xFFFFC000  }
0x124: {  	[tilespmem:s0], [sflag:$0x6] =	stream.linear.gather [hbm4b:s18+s3], $0x4000, $0x38;
	[tilespmem:$0x1C400] =	vst v63  }
0x125: {  	_ =	swait.ge @p0 [sflag:s4], $0x100  }
0x126: {  	[sflag:s4] =	ssyncset.done @p0 $0x0  }
0x127: {  	s13 =	simm.s32 @p0 $0x5;
	[sflag:s4] =	ssyncadd.s32 @p0 $0xFFFFFF00  }
0x128: {  	_ =	swait.ge @p0 [sflag:s13], $0x4000  }
0x129: {  	s17 =	simm.s32 @p0 $0x80;
	s18 =	simm.s32 @p0 $0x280;
	[sflag:s13] =	ssyncset.done @p0 $0x0  }
0x12a: {  	s4 =	simm.s32 @p0 $0x400;
	[sflag:s13] =	ssyncadd.s32 @p0 $0xFFFFC000;
	s13 =	simm.s32 @p0 $0x7  }
0x12b: {  	[spmem:s2] =	stream.indirect.scatter.add.f32 @p0 [tilespmem:s4], [sflag:$0x7], $0x80, s18, s17, $0xb8;
	[tilespmem:$0x1C400] =	vst v63  }
0x12c: {  	_ =	swait.ge @p0 [sflag:s13], $0x4000  }
0x12d: {  	[sflag:s13] =	ssyncset.done @p0 $0x0  }
0x12e: {  	s4 =	simm.s32 @!p0 $0x0;
	[sflag:s13] =	ssyncadd.s32 @p0 $0xFFFFC000;
	s13 =	simm.s32 @!p0 $0x3  }
0x12f: {  	[tilespmem:s4], [sflag:$0x1] =	stream.linear.gather @!p0 [hbm4b:s9+s4], $0x100, $0x38;
	[tilespmem:$0x1C400] =	vst v63  }
0x130: {  	_ =	swait.ge @!p0 [sflag:s13], $0x100  }
0x131: {  	[sflag:s13] =	ssyncset.done @!p0 $0x0  }
0x132: {  	s17 =	simm.s32 @!p0 $0x5;
	[sflag:s13] =	ssyncadd.s32 @!p0 $0xFFFFFF00  }
0x133: {  	_ =	swait.ge @!p0 [sflag:s17], $0x4000  }
0x134: {  	s19 =	simm.s32 @!p0 $0x280;
	s18 =	simm.s32 @!p0 $0x80;
	[sflag:s17] =	ssyncset.done @!p0 $0x0  }
0x135: {  	s13 =	simm.s32 @!p0 $0x400;
	[sflag:s17] =	ssyncadd.s32 @!p0 $0xFFFFC000;
	s17 =	simm.s32 @!p0 $0x7  }
0x136: {  	[spmem:s2] =	stream.indirect.scatter.add.f32 @!p0 [tilespmem:s13], [sflag:$0x7], $0x80, s19, s18, $0xb8;
	[tilespmem:$0x1C400] =	vst v63  }
0x137: {  	_ =	swait.ge @!p0 [sflag:s17], $0x4000  }
0x138: {  	s18 =	rddreg [dreg:$0x6];
	[sflag:s17] =	ssyncset.done @!p0 $0x0  }
0x139: {  	[sflag:s17] =	ssyncadd.s32 @!p0 $0xFFFFC000;
	s17 =	sadd.s32 @!p0 s14, s18  }
0x13a: {  	[tilespmem:s13], [sflag:$0x5] =	stream.linear.gather @!p0 [hbm4b:s17+s4], $0x4000, $0x38;
	[tilespmem:$0x1C400] =	vst v63  }
0x13b: {  	s18 =	simm.s32 @!p0 $0x100  }
0x13c: {  	[tilespmem:s18], [sflag:$0x2] =	stream.linear.gather @!p0 [hbm4b:s6+s4], $0x100, $0x38;
	[tilespmem:$0x1C400] =	vst v63  }
0x13d: {  	_ =	swait.ge [sflag:s11], $0x100  }
0x13e: {  	[sflag:s11] =	ssyncset.done $0x0  }
0x13f: {  	[sflag:s11] =	ssyncadd.s32 $0xFFFFFF00  }
0x140: {  	s15 =	sadd.s32 $0x2000, s15;
	_ =	swait.ge [sflag:s10], $0x4000  }
0x141: {  	p1 =	sne.s32 s15, $0x28000;
	[sflag:s10] =	ssyncset.done $0x0  }
.Ltmp2:
0x142: {  	s19 =	rddreg [dreg:$0x8];
	[sflag:s10] =	ssyncadd.s32 $0xFFFFC000;
	(pc) =	sbr.rel @p1 .LBB2_6-.Ltmp2, $4  }
0x143: {  	[spmem:s2] =	stream.indirect.scatter.add.f32 [tilespmem:s0], [sflag:$0x7], $0x80, s19, s28, $0xb8;
	[tilespmem:$0x1C400] =	vst v63  }
0x144: {  	s16 =	sadd.s32 $0x80, s16;
	s8 =	sadd.s32 $0x80, s8;
	_ =	swait.ge [sflag:s23], $0x4000  }
0x145: {  	s9 =	sadd.s32 $0x80, s9;
	s17 =	simm.s32 @!p0 $0x4400;
	[sflag:s23] =	ssyncset.done $0x0  }
0x146: {  	s6 =	sadd.s32 $0x80, s6;
	s13 =	rddreg [dreg:$0x5];
	[sflag:s23] =	ssyncadd.s32 $0xFFFFC000  }
0x147: {  	s6 =	sadd.s32 @!p0 s14, s13  }
0x148: {  	[tilespmem:s17], [sflag:$0x6] =	stream.linear.gather @!p0 [hbm4b:s6+s4], $0x4000, $0x38;
	[tilespmem:$0x1C400] =	vst v63  }
0x149: {  	[bflag:$0x0] =	sbarrier.arrive $0xFFFF  }
0x14a: {  	s14 =	rddreg [dreg:$0xb]  }
0x14b: {  	s17 =	rddreg [dreg:$0xf]  }
0x14c: {  	s18 =	rddreg [dreg:$0x19]  }
0x14d: {  	[hbm:s17], [sflag:s14] =	dma.local [spmem:s18], $0x2800  }
0x14e: {  	_ =	swait.ge [sflag:s23], $0x2800  }
0x14f: {  	s12 =	sadd.s32 $0x1, s12;
	s19 =	rddreg [dreg:$0x10]  }
0x150: {  	p0 =	sne.s32 s12, s19  }
.Ltmp3:
0x151: {  	_ = 	snop;
	(pc) =	sbr.rel @p0 .LBB2_1-.Ltmp3, $3  }
0x152: {  	_ =	sdelay $0x1  }
0x153: {  	[sflag:s23] =	ssyncset.done $0x0  }
0x154: {  	s18 =	rddreg [dreg:$0x9];
	[sflag:s23] =	ssyncadd.s32 $0xFFFFD800;
	s19 =	smov.u32 s20  }
0x155: {  	_ =	sfence.sel $0x180000  }
0x156: {  	[bflag:$0x0] =	sbarrier.arrive $0xFFFF  }
0x157: {  	_ =	strace $0x9000004A  }
0x158: {  	s0 =	stileid.u32;
	[bflag:$0x2] =	sbarrier.arrive $0xFFFF  }
0x159: {  	p0 =	sne.s32 s0, $0x0;
	s0 =	rddreg [dreg:$0x2]  }
0x15a: {  	s0 =	sadd.s32 @!p0 $0x100000, s0  }
0x15b: {  	[sflag:s0] =	ssyncadd.tile.s32 @!p0 $0x1;
	_ =	shalt  }
.Lfunc_end2:
_tile_overlayer_lowered:
.L_overlay_start_2:
0x15c: {  	(tag) =	ssettag $0x2  }
0x15d: {  	s0 =	rddreg [dreg:$0x0];
	s2 =	stileid.u32  }
0x15e: {  	s1 =	rddreg [dreg:$0x1];
	p0 =	sne.s32 s2, $0x0  }
0x15f: {  	s3 =	rddreg [dreg:$0x2];
	[bflag:$0x3] =	sbarrier.arrive $0xFFFF;
	s2 =	simm.s32 @!p0 $0x1C07  }
0x160: {  	[timem:s3], [sflag:s2] =	dma.local @!p0 [hbm:s0], s1  }
0x161: {  	s0 =	simm.s32 @!p0 $0x7  }
0x162: {  	_ =	swait.ge @!p0 [sflag:s0], s1  }
0x163: {  	s1 =	ssub.s32 @!p0 $0x0, s1;
	[sflag:s0] =	ssyncset.done @!p0 $0x0  }
0x164: {  	[sflag:s0] =	ssyncadd.s32 @!p0 s1  }
0x165: {  	[bflag:$0x3] =	sbarrier.arrive $0xFFFF  }
0x166: {  	_ =	shalt  }

// kernel: kernel.17.cloned.1.call-start
scs
__scs_entry_jumppad:
0x0: {  	(pc) =	sbr.rel $0x88, $3  }
0x1: {  	(tag) =	ssettag $0x0;
	lr =	simm.s32 $0x1  }
0x2: {  	[smem:$0x3F95] =	sst lr;
	_ =	strace $0xD0000000  }
0x3: {  	_ = 	snop  }
0x4: {  	_ = 	snop  }
0x5: {  	_ = 	snop  }
0x6: {  	_ = 	snop  }
0x7: {  	_ = 	snop  }
__scs_overlays_trampoline_lowered:
0x8: {  	[smem:$0x3FA4] =	sst s0  }
0x9: {  	[smem:$0x3FA5] =	sst s1  }
0xa: {  	[smem:$0x3FA6] =	sst s2  }
0xb: {  	[smem:$0x3FA7] =	sst s3  }
0xc: {  	[smem:$0x3FA8] =	sst s4  }
0xd: {  	[smem:$0x3FA9] =	sst s5  }
0xe: {  	[smem:$0x3FAA] =	sst s6  }
0xf: {  	[smem:$0x3FAB] =	sst s7  }
0x10: {  	[smem:$0x3FAC] =	sst s8  }
0x11: {  	[smem:$0x3FAD] =	sst s9;
	s0 =	simm.s32 @!p0 $0x0  }
0x12: {  	s1 =	sld [smem:$0x3F93];
	s0 =	simm.s32 @p0 $0x1  }
0x13: {  	[smem:$0x3FAE] =	sst s0;
	s0 =	simm.s32 @!p1 $0x0  }
0x14: {  	s2 =	sld [smem:$0x3F92];
	s0 =	simm.s32 @p1 $0x1  }
0x15: {  	[smem:$0x3FAF] =	sst s0;
	s0 =	simm.s32 @!p2 $0x0  }
0x16: {  	s3 =	sld [smem:$0x3FDB];
	s0 =	simm.s32 @p2 $0x1  }
0x17: {  	s4 =	simm.s32 $0x1BF5;
	[smem:$0x3FB1] =	sst s0  }
0x18: {  	s0 =	sld [smem:$0x3F94];
	_ =	swait.ge [sflag:s4], $0x0  }
0x19: {  	s7 =	sld [smem:$0x3F95]  }
0x1a: {  	s8 =	sadd.s32 $0xFFFFE003, lr  }
0x1b: {  	s9 =	sadd.s32 $0xFFFFFEF7, lr;
	s5 =	simm.s32 $0xFFFFFFFF;
	p2 =	slt.u32 s8, $0xFFFFF086  }
0x1c: {  	p1 =	slt.u32 s9, $0xF7A;
	s5 =	simm.s32 @!p2 $0x0  }
0x1d: {  	s5 =	simm.s32 @p1 $0x1;
	p0 =	seq.s32 s7, s2  }
0x1e: {  	s7 =	smul.u32 @!p0 $0xF7A, s2;
	p2 =	seq.s32 @!p0 s5, $0x0  }
0x1f: {  	s9 =	smul.u32 $0xF7A, s1;
	s8 =	simm.s32 @!p0 $0x1BF5;
	p2 =	por !p2, p0  }
0x20: {  	[sflag:s8] =	ssyncset.s32 @!p0 $0xFFFFF086;
	s6 =	sadd.s32 @!p0 s3, s7;
	s7 =	simm.s32 @!p0 $0x108  }
0x21: {  	s3 =	sadd.s32 s3, s9;
	s6 =	sadd.s32 @!p0 $0x88, s6;
	s7 =	simm.s32 @p2 $0x1082  }
0x22: {  	[simem:s7], [sflag:s8] =	dma.local @!p0 [hbm:s6], $0xF7A  }
0x23: {  	s9 =	sor.u32 $0xD0000000, s2;
	s6 =	simm.s32 $0x108;
	_ =	swait.ge @!p0 [sflag:s8], $0x0  }
0x24: {  	s3 =	sadd.s32 $0x88, s3;
	s6 =	simm.s32 @!p1 $0x1082;
	[sflag:s4] =	ssyncset.s32 $0xFFFFF086  }
0x25: {  	[simem:s6], [sflag:s4] =	dma.local [hbm:s3], $0xF7A  }
0x26: {  	[smem:$0x3F95] =	sst s1;
	(tag) =	ssettag s2;
	_ =	strace s9  }
0x27: {  	s1 =	sld [smem:$0x3FA5]  }
0x28: {  	s2 =	sld [smem:$0x3FA6]  }
0x29: {  	s4 =	sld [smem:$0x3FA8]  }
0x2a: {  	p0 =	seq.s32 s5, $0x0;
	s5 =	sld [smem:$0x3FA9]  }
0x2b: {  	s6 =	sld [smem:$0x3FAA]  }
0x2c: {  	s7 =	sld [smem:$0x3FAB]  }
0x2d: {  	s3 =	simm.s32 $0x108;
	s8 =	sld [smem:$0x3FAC]  }
0x2e: {  	s3 =	simm.s32 @!p0 $0x1082;
	s9 =	sld [smem:$0x3FAD]  }
0x2f: {  	lr =	sadd.s32 s0, s3;
	s0 =	sld [smem:$0x3FA4]  }
0x30: {  	s3 =	sld [smem:$0x3FA7]  }
0x31: {  	[smem:$0x3FB0] =	sst s10  }
0x32: {  	s10 =	sld [smem:$0x3FAE];
	_ =	sdelay $0x3  }
0x33: {  	p0 =	seq.s32 s10, $0x1;
	s10 =	sld [smem:$0x3FB0];
	_ =	sdelay $0x3  }
0x34: {  	[smem:$0x3FB0] =	sst s10  }
0x35: {  	s10 =	sld [smem:$0x3FAF];
	_ =	sdelay $0x3  }
0x36: {  	p1 =	seq.s32 s10, $0x1;
	s10 =	sld [smem:$0x3FB0];
	_ =	sdelay $0x3  }
0x37: {  	[smem:$0x3FB0] =	sst s10  }
0x38: {  	s10 =	sld [smem:$0x3FB1]  }
0x39: {  	_ = 	snop;
	(pc) =	sbr.ind lr, $3  }
0x3a: {  	_ = 	snop  }
0x3b: {  	_ = 	snop  }
0x3c: {  	p2 =	seq.s32 s10, $0x1;
	s10 =	sld [smem:$0x3FB0]  }
0x3d: {  	_ =	shalt  }
0x3e: {  	_ =	shalt  }
0x3f: {  	_ =	shalt  }
0x40: {  	_ =	shalt  }
0x41: {  	_ =	shalt  }
0x42: {  	_ =	shalt  }
0x43: {  	_ =	shalt  }
0x44: {  	_ =	shalt  }
0x45: {  	_ =	shalt  }
0x46: {  	_ =	shalt  }
0x47: {  	_ =	shalt  }
0x48: {  	_ =	shalt  }
0x49: {  	_ =	shalt  }
0x4a: {  	_ =	shalt  }
0x4b: {  	_ =	shalt  }
0x4c: {  	_ =	shalt  }
0x4d: {  	_ =	shalt  }
0x4e: {  	_ =	shalt  }
0x4f: {  	_ =	shalt  }
0x50: {  	_ =	shalt  }
0x51: {  	_ =	shalt  }
0x52: {  	_ =	shalt  }
0x53: {  	_ =	shalt  }
0x54: {  	_ =	shalt  }
0x55: {  	_ =	shalt  }
0x56: {  	_ =	shalt  }
0x57: {  	_ =	shalt  }
0x58: {  	_ =	shalt  }
0x59: {  	_ =	shalt  }
0x5a: {  	_ =	shalt  }
0x5b: {  	_ =	shalt  }
0x5c: {  	_ =	shalt  }
0x5d: {  	_ =	shalt  }
0x5e: {  	_ =	shalt  }
0x5f: {  	_ =	shalt  }
0x60: {  	_ =	shalt  }
0x61: {  	_ =	shalt  }
0x62: {  	_ =	shalt  }
0x63: {  	_ =	shalt  }
0x64: {  	_ =	shalt  }
0x65: {  	_ =	shalt  }
0x66: {  	_ =	shalt  }
0x67: {  	_ =	shalt  }
0x68: {  	_ =	shalt  }
0x69: {  	_ =	shalt  }
0x6a: {  	_ =	shalt  }
0x6b: {  	_ =	shalt  }
0x6c: {  	_ =	shalt  }
0x6d: {  	_ =	shalt  }
0x6e: {  	_ =	shalt  }
0x6f: {  	_ =	shalt  }
0x70: {  	_ =	shalt  }
0x71: {  	_ =	shalt  }
0x72: {  	_ =	shalt  }
0x73: {  	_ =	shalt  }
0x74: {  	_ =	shalt  }
0x75: {  	_ =	shalt  }
0x76: {  	_ =	shalt  }
0x77: {  	_ =	shalt  }
0x78: {  	_ =	shalt  }
0x79: {  	_ =	shalt  }
0x7a: {  	_ =	shalt  }
0x7b: {  	_ =	shalt  }
0x7c: {  	_ =	shalt  }
0x7d: {  	_ =	shalt  }
0x7e: {  	_ =	shalt  }
0x7f: {  	_ =	shalt  }
0x80: {  	_ =	shalt  }
0x81: {  	_ =	shalt  }
0x82: {  	_ =	shalt  }
0x83: {  	_ =	shalt  }
0x84: {  	_ =	shalt  }
0x85: {  	_ =	shalt  }
0x86: {  	_ =	shalt  }
0x87: {  	_ =	shalt  }
.Lfunc_end0:
.L_simem_size_0:
called_computation.2_lowered:
.L_overlay_start_0:
0x88: {  	s2 =	sld [smem:$0x3FD9]  }
0x89: {  	s3 =	sld [smem:$0x3FFE];
	_ =	sdelay $0x1  }
0x8a: {  	s1 =	srdreg.scid  }
0x8b: {  	s0 =	sand.u32 $0x1, s1  }
0x8c: {  	s16 =	sshll.u32 s0, $0xA;
	s2 =	sadd.s32 s3, s2  }
0x8d: {  	s2 =	sadd.s32 s2, s16  }
0x8e: {  	[smem:$0x3FBC] =	sst s2  }
0x8f: {  	_ = 	snop  }
0x90: {  	(tm) =	ssettm $0x1  }
0x91: {  	s17 =	sld [smem:$0x3FFB];
	_ =	sdelay $0x3  }
0x92: {  	_ =	strace s17  }
0x93: {  	s2 =	sld [smem:$0x3FFC];
	_ =	sdelay $0x3  }
0x94: {  	_ =	strace s2  }
0x95: {  	s2 =	sld [smem:$0x3FFD];
	_ =	sdelay $0x3  }
0x96: {  	_ =	strace s2  }
0x97: {  	_ =	strace $0x8FFFFFFF  }
0x98: {  	s18 =	sld [smem:$0x3FDB];
	_ =	sdelay $0x1  }
0x99: {  	s19 =	simm.s32 $_scs_section_size  }
0x9a: {  	s4 =	simm.s32 $_size__tile_overlayer_lowered;
	s5 =	simm.s32 $_tile_overlayer_lowered  }
0x9b: {  	s22 =	simm.s32 $0x1BFF;
	s21 =	sshll.u32 s5, $0x1;
	s2 =	sadd.s32 s19, s18  }
0x9c: {  	s6 =	simm.s32 $0x0;
	s20 =	sshll.u32 s4, $0x1;
	s4 =	sadd.s32 s21, s2  }
0x9d: {  	[timem:s6], [sflag:s22] =	dma.local [hbm:s4], s20  }
0x9e: {  	_ =	swait.ge [sflag:s22], s20  }
0x9f: {  	s3 =	ssub.s32 $0x0, s20;
	[sflag:s22] =	ssyncset.done $0x0  }
0xa0: {  	[sflag:s22] =	ssyncadd.s32 s3;
	_ =	sdelay $0x1  }
0xa1: {  	s23 =	simm.s32 $0x1B8B  }
0xa2: {  	_ =	swait.ge [sflag:s23], $0x1  }
0xa3: {  	[sflag:s23] =	ssyncset.done $0x0  }
0xa4: {  	s25 =	simm.s32 $0x1B8E;
	s24 =	sld [smem:$0x3FFE];
	[sflag:s23] =	ssyncadd.s32 $0xFFFFFFFF  }
0xa5: {  	s26 =	simm.s32 $execute0_lowered;
	[smem:$0x3FD2] =	sst s25  }
0xa6: {  	s4 =	sshll.u32 s26, $0x1;
	_ =	strace $0x8000004C;
	[dreg:$0x1] =	wrdreg $0xFFFFFFFF  }
0xa7: {  	s28 =	simm.s32 $_size_execute0_lowered;
	s2 =	sadd.s32 s2, s4;
	[dreg:$0x0] =	wrdreg $0x0  }
0xa8: {  	s4 =	sshll.u32 s28, $0x1;
	[dreg:$0x2] =	wrdreg s2  }
0xa9: {  	[dreg:$0x3] =	wrdreg s4  }
0xaa: {  	[dreg:$0x4] =	wrdreg $0xC0  }
0xab: {  	_ =	task [dreg:s6], $0x5FFFF  }
0xac: {  	[dreg:$0x1] =	wrdreg $0xFFFFFFFF  }
0xad: {  	[dreg:$0x0] =	wrdreg $0x60  }
0xae: {  	[dreg:$0x2] =	wrdreg s24  }
0xaf: {  	[dreg:$0x3] =	wrdreg $0x84000  }
0xb0: {  	[dreg:$0x4] =	wrdreg $0x9  }
0xb1: {  	_ =	task.clear_ibuf [dreg:s6], $0x5FFFF;
	_ =	strace $0x9000004C  }
0xb2: {  	s29 =	simm.s32 $0x9;
	_ =	strace $0x8000004E  }
0xb3: {  	_ =	swait.ge [sflag:s29], $0x1  }
0xb4: {  	[sflag:s29] =	ssyncadd.s32 $0xFFFFFFFF  }
0xb5: {  	_ =	strace $0x9000004E  }
0xb6: {  	_ =	sfence  }
0xb7: {  	s30 =	sld [smem:$0x0];
	_ =	sdelay $0x2  }
0xb8: {  	s31 =	sshll.u32 s1, $0xD;
	s1 =	sshrl.u32 s1, $0x2  }
0xb9: {  	s3 =	sand.u32 $0x4000, s31;
	s1 =	sadd.s32 s1, s30  }
0xba: {  	s0 =	sor.u32 s3, s0;
	s1 =	sshll.u32 s1, $0x11  }
0xbb: {  	s0 =	sor.u32 s1, s0  }
0xbc: {  	s0 =	sadd.s32 $0x8F2B, s0  }
0xbd: {  	[sflag:s0] =	ssyncadd.remote.s32 $0x1  }
0xbe: {  	_ =	sfence.sel $0xFFFF  }
0xbf: {  	[dreg:$0x0] =	wrdreg $0xFFFFFFFF;
	(pc) =	sbr.abs _section_cstart, $3  }
0xc0: {  	[dreg:$0x1] =	wrdreg $0xFFFFFFFF  }
0xc1: {  	_ =	task.clear_ibuf [dreg:s6], $0x2FFFF;
	_ =	strace $0x9FFFFFFF  }
0xc2: {  	(tm) =	ssettm $0x7FFFFFFF  }
0xc3: {  	_ =	shalt  }
tec
execute0_lowered:
.L_overlay_start_1:
0x0: {  	(tag) =	ssettag $0x1  }
0x1: {  	s1 =	rddreg [dreg:$0x0]  }
0x2: {  	s2 =	rddreg [dreg:$0x1];
	s13 =	stileid.u32  }
0x3: {  	s0 =	srdreg.scid;
	s3 =	simm.s32 $0x0;
	s28 =	simm.s32 $0x80  }
0x4: {  	s29 =	simm.s32 $0x400;
	s30 =	simm.s32 $0x300;
	s31 =	simm.s32 $0x2  }
0x5: {  	s4 =	smul.u32 $0x14000, s13;
	s5 =	sand.u32 $0x1, s0;
	[smem:$0x7FF] =	sst s3  }
0x6: {  	s8 =	sadd.s32 $0x4400, s1;
	s0 =	sadd.s32 $0x40400, s1;
	s11 =	smul.u32 $0x50000, s13  }
0x7: {  	s9 =	sshll.u32 s13, $0x1;
	s14 =	sshll.u32 s13, $0x6;
	s6 =	smul.u32 $0x140000, s5  }
0x8: {  	_ =	strace $0x8000004D;
	s10 =	ssub.s32 $0x2, s5;
	s9 =	sor.u32 s5, s9  }
0x9: {  	s14 =	sor.u32 $0x1C07, s14;
	s25 =	sshrl.u32 s4, $0x3;
	s12 =	smul.u32 $0x5000, s9  }
0xa: {  	s26 =	sshrl.u32 s10, $0x1;
	s11 =	sshrl.u32 s11, $0x2;
	s9 =	smul.u32 $0x140000, s9  }
0xb: {  	[dreg:$0xb] =	wrdreg s14;
	s7 =	sadd.s32 s25, s1;
	s18 =	sadd.s32 s11, s2  }
0xc: {  	s4 =	sadd.s32 s4, s6;
	s7 =	sadd.s32 $0x18400, s7;
	[dreg:$0x9] =	wrdreg s18  }
0xd: {  	s4 =	sshrl.u32 s4, $0x3;
	s22 =	sadd.s32 $0x4000, s18;
	[dreg:$0xa] =	wrdreg s7  }
0xe: {  	s15 =	sshrl.u32 s12, $0x3;
	s24 =	sadd.s32 $0x8000, s18;
	[dreg:$0x11] =	wrdreg s22  }
0xf: {  	s9 =	sshrl.u32 s9, $0x3;
	s25 =	sadd.s32 $0xC000, s18;
	[dreg:$0x12] =	wrdreg s24  }
0x10: {  	s1 =	sadd.s32 s4, s1;
	s9 =	sadd.s32 s0, s9;
	[dreg:$0x13] =	wrdreg s25  }
0x11: {  	s4 =	ssub.s32 s10, s26;
	s10 =	sadd.s32 $0x10000, s18;
	[dreg:$0xc] =	wrdreg s9  }
0x12: {  	s19 =	sadd.s32 s8, s15;
	s25 =	simm.s32 $0x180;
	[dreg:$0x14] =	wrdreg s10  }
0x13: {  	s21 =	smul.u32 $0xA000, s13;
	s17 =	sadd.s32 $0x20, s19;
	[dreg:$0x7] =	wrdreg s25  }
0x14: {  	s5 =	smul.u32 $0x5000, s5;
	s9 =	sadd.s32 $0x800, s9;
	[dreg:$0xd] =	wrdreg s17  }
0x15: {  	s16 =	smul.u32 $0x280000, s13;
	s1 =	sadd.s32 $0x540400, s1;
	[dreg:$0xe] =	wrdreg s9  }
0x16: {  	s20 =	smax.u32 s4, $0x1;
	s4 =	sadd.s32 s5, s21;
	[dreg:$0xf] =	wrdreg s1  }
0x17: {  	s25 =	simm.s32 $0x200;
	s10 =	simm.s32 $0x6;
	[dreg:$0x10] =	wrdreg s20  }
0x18: {  	s1 =	sadd.s32 s6, s16;
	s9 =	sor.u32 $0x500, s4;
	s12 =	sor.u32 $0x400, s4  }
0x19: {  	s13 =	sor.u32 $0x300, s4;
	s4 =	sor.u32 $0x200, s4;
	s23 =	sor.u32 $0x4000, s1  }
0x1a: {  	s26 =	sshrl.u32 s1, $0x3;
	s11 =	sshrl.u32 s9, $0x3;
	s4 =	sshrl.u32 s4, $0x3  }
0x1b: {  	s16 =	sor.u32 $0xC000, s1;
	s17 =	sor.u32 $0x14000, s1;
	s20 =	sor.u32 $0x10000, s1  }
0x1c: {  	s1 =	sor.u32 $0x8000, s1;
	s6 =	sshrl.u32 s23, $0x3;
	s5 =	sadd.s32 s11, s8  }
0x1d: {  	s4 =	sadd.s32 s4, s8;
	s23 =	sshrl.u32 s20, $0x3;
	s1 =	sshrl.u32 s1, $0x3  }
0x1e: {  	s11 =	simm.s32 $0x4;
	s6 =	sadd.s32 s6, s0;
	[dreg:$0x15] =	wrdreg s5  }
0x1f: {  	s5 =	sshrl.u32 s12, $0x3;
	[dreg:$0x18] =	wrdreg s4;
	s4 =	sshrl.u32 s16, $0x3  }
0x20: {  	s24 =	sadd.s32 s23, s0;
	s23 =	simm.s32 $0x7;
	[dreg:$0x3] =	wrdreg s6  }
0x21: {  	s12 =	simm.s32 $0x0;
	s6 =	sadd.s32 s26, s0;
	[dreg:$0x6] =	wrdreg s24  }
0x22: {  	s5 =	sadd.s32 s5, s8;
	s21 =	sadd.s32 s4, s0;
	[dreg:$0x4] =	wrdreg s6  }
0x23: {  	s26 =	simm.s32 $0x380;
	s6 =	sshrl.u32 s13, $0x3;
	[dreg:$0x16] =	wrdreg s5  }
0x24: {  	s5 =	sshrl.u32 s17, $0x3;
	[dreg:$0x8] =	wrdreg s26;
	s15 =	sadd.s32 s6, s8  }
0x25: {  	s24 =	simm.s32 $0x100;
	s22 =	sadd.s32 s5, s0;
	[dreg:$0x17] =	wrdreg s15  }
0x26: {  	s26 =	simm.s32 $0x1;
	s5 =	simm.s32 $0x3;
	[dreg:$0x5] =	wrdreg s22  }
0x27: {  	v0 =	vimm.f32 $0.0e+00;
	s22 =	sadd.s32 s1, s0;
	s0 =	simm.s32 $0x4400;
	s1 =	simm.s32 $0x5  }
.LBB2_1:
0x28: {  	s6 =	sshrl.u32 s18, $0x3;
	s4 =	rddreg [dreg:$0xa]  }
0x29: {  	[dreg:$0x19] =	wrdreg s6  }
0x2a: {  	[spmem:s6], [sflag:s14] =	dma.local [hbm:s4], $0x2800  }
0x2b: {  	_ =	swait.ge [sflag:s23], $0x2800  }
0x2c: {  	[sflag:s23] =	ssyncset.done $0x0  }
0x2d: {  	[sflag:s23] =	ssyncadd.s32 $0xFFFFD800  }
0x2e: {  	[bflag:$0x0] =	sbarrier.arrive $0xFFFF  }
0x2f: {  	[tilespmem:s3], [sflag:$0x1] =	stream.linear.gather [hbm4b:s19+s3], $0x100, $0x38;
	[tilespmem:$0x1C400] =	vst v63  }
0x30: {  	p0 =	por $0x1, $0x1;
	s14 =	rddreg [dreg:$0xd]  }
0x31: {  	[tilespmem:s24], [sflag:$0x2] =	stream.linear.gather [hbm4b:s14+s3], $0x100, $0x38;
	[tilespmem:$0x1C400] =	vst v63  }
0x32: {  	s4 =	simm.s32 @!p0 $0x5;
	s15 =	rddreg [dreg:$0x18]  }
0x33: {  	[tilespmem:s25], [sflag:$0x3] =	stream.linear.gather [hbm4b:s15+s3], $0x100, $0x38;
	[tilespmem:$0x1C400] =	vst v63  }
0x34: {  	_ =	swait.ge @!p0 [sflag:s4], $0x4000  }
0x35: {  	[sflag:s4] =	ssyncset.done @!p0 $0x0  }
0x36: {  	[sflag:s4] =	ssyncadd.s32 @!p0 $0xFFFFC000  }
0x37: {  	_ =	swait.ge [sflag:s26], $0x100  }
0x38: {  	[sflag:s26] =	ssyncset.done $0x0  }
0x39: {  	[sflag:s26] =	ssyncadd.s32 $0xFFFFFF00  }
0x3a: {  	[tilespmem:s29], [sflag:$0x7] =	stream.indirect.gather [spmem:s2], $0x80, s3, s28, $0xb8;
	[tilespmem:$0x1C400] =	vst v63  }
0x3b: {  	_ =	swait.ge [sflag:s23], $0x4000  }
0x3c: {  	s16 =	rddreg [dreg:$0x4];
	[sflag:s23] =	ssyncset.done $0x0  }
0x3d: {  	[sflag:s23] =	ssyncadd.s32 $0xFFFFC000;
	s4 =	sadd.s32 $0x0, s16  }
0x3e: {  	[hbm4b:s4+s3] =	stream.linear.scatter [tilespmem:s29], [sflag:$0x5], $0x4000, $0x38;
	[tilespmem:$0x1C400] =	vst v63  }
0x3f: {  	s9 =	rddreg [dreg:$0x17];
	s4 =	simm.s32 @!p0 $0x6  }
0x40: {  	[tilespmem:s30], [sflag:$0x4] =	stream.linear.gather [hbm4b:s9+s3], $0x100, $0x38;
	[tilespmem:$0x1C400] =	vst v63  }
0x41: {  	_ =	swait.ge @!p0 [sflag:s4], $0x4000  }
0x42: {  	[sflag:s4] =	ssyncset.done @!p0 $0x0  }
0x43: {  	[sflag:s4] =	ssyncadd.s32 @!p0 $0xFFFFC000  }
0x44: {  	_ =	swait.ge [sflag:s31], $0x100  }
0x45: {  	[sflag:s31] =	ssyncset.done $0x0  }
0x46: {  	[sflag:s31] =	ssyncadd.s32 $0xFFFFFF00  }
0x47: {  	[tilespmem:s0], [sflag:$0x7] =	stream.indirect.gather [spmem:s2], $0x80, s24, s28, $0xb8;
	[tilespmem:$0x1C400] =	vst v63  }
0x48: {  	_ =	swait.ge [sflag:s23], $0x4000  }
0x49: {  	s17 =	rddreg [dreg:$0x3];
	[sflag:s23] =	ssyncset.done $0x0  }
0x4a: {  	p0 =	por $0x0, $0x0;
	[sflag:s23] =	ssyncadd.s32 $0xFFFFC000;
	s4 =	sadd.s32 $0x0, s17  }
0x4b: {  	[hbm4b:s4+s3] =	stream.linear.scatter [tilespmem:s0], [sflag:$0x6], $0x4000, $0x38;
	[tilespmem:$0x1C400] =	vst v63  }
0x4c: {  	s16 =	rddreg [dreg:$0x16];
	s4 =	simm.s32 @!p0 $0x0  }
0x4d: {  	[tilespmem:s4], [sflag:$0x1] =	stream.linear.gather @!p0 [hbm4b:s16+s4], $0x100, $0x38;
	[tilespmem:$0x1C400] =	vst v63  }
0x4e: {  	_ =	swait.ge [sflag:s1], $0x4000  }
0x4f: {  	[sflag:s1] =	ssyncset.done $0x0  }
0x50: {  	[sflag:s1] =	ssyncadd.s32 $0xFFFFC000  }
0x51: {  	_ =	swait.ge [sflag:s5], $0x100  }
0x52: {  	[sflag:s5] =	ssyncset.done $0x0  }
0x53: {  	[sflag:s5] =	ssyncadd.s32 $0xFFFFFF00  }
0x54: {  	[tilespmem:s29], [sflag:$0x7] =	stream.indirect.gather [spmem:s2], $0x80, s25, s28, $0xb8;
	[tilespmem:$0x1C400] =	vst v63  }
0x55: {  	_ =	swait.ge [sflag:s23], $0x4000  }
0x56: {  	[sflag:s23] =	ssyncset.done $0x0  }
0x57: {  	s20 =	sadd.s32 $0x0, s22;
	p0 =	por $0x0, $0x0;
	[sflag:s23] =	ssyncadd.s32 $0xFFFFC000  }
0x58: {  	[hbm4b:s20+s3] =	stream.linear.scatter [tilespmem:s29], [sflag:$0x5], $0x4000, $0x38;
	[tilespmem:$0x1C400] =	vst v63  }
0x59: {  	s4 =	simm.s32 @!p0 $0x0;
	s6 =	simm.s32 @!p0 $0x100;
	s13 =	rddreg [dreg:$0x15]  }
0x5a: {  	[tilespmem:s6], [sflag:$0x2] =	stream.linear.gather @!p0 [hbm4b:s13+s4], $0x100, $0x38;
	[tilespmem:$0x1C400] =	vst v63  }
0x5b: {  	_ =	swait.ge [sflag:s10], $0x4000  }
0x5c: {  	[sflag:s10] =	ssyncset.done $0x0  }
0x5d: {  	[sflag:s10] =	ssyncadd.s32 $0xFFFFC000  }
0x5e: {  	s7 =	sadd.s32 $0x0, s21;
	_ =	swait.ge [sflag:s11], $0x100  }
0x5f: {  	s8 =	simm.s32 $0x7;
	s14 =	sadd.s32 $0x80, s15;
	[sflag:s11] =	ssyncset.done $0x0  }
0x60: {  	s9 =	sadd.s32 $0x80, s9;
	s16 =	sadd.s32 $0x80, s16;
	[sflag:s11] =	ssyncadd.s32 $0xFFFFFF00  }
0x61: {  	[tilespmem:s0], [sflag:$0x7] =	stream.indirect.gather [spmem:s2], $0x80, s30, s28, $0xb8;
	[tilespmem:$0x1C400] =	vst v63  }
0x62: {  	s15 =	sadd.s32 $0x80, s13;
	s6 =	simm.s32 $0x2000;
	_ =	swait.ge [sflag:s23], $0x4000  }
.LBB2_2:
0x63: {  	[sflag:s23] =	ssyncset.done $0x0  }
0x64: {  	p1 =	seq.s32 s6, $0x0;
	[sflag:s23] =	ssyncadd.s32 $0xFFFFC000  }
0x65: {  	[hbm4b:s7+s3] =	stream.linear.scatter [tilespmem:s0], [sflag:$0x6], $0x4000, $0x38;
	[tilespmem:$0x1C400] =	vst v63  }
0x66: {  	s17 =	simm.s32 @!p1 $0x5  }
0x67: {  	[tilespmem:s25], [sflag:$0x3] =	stream.linear.gather [hbm4b:s14+s3], $0x100, $0x38;
	[tilespmem:$0x1C400] =	vst v63  }
0x68: {  	_ =	swait.ge @!p1 [sflag:s17], $0x4000  }
0x69: {  	[sflag:s17] =	ssyncset.done @!p1 $0x0  }
0x6a: {  	[sflag:s17] =	ssyncadd.s32 @!p1 $0xFFFFC000  }
0x6b: {  	_ =	swait.ge [sflag:s26], $0x100  }
0x6c: {  	[sflag:s26] =	ssyncset.done $0x0  }
0x6d: {  	[sflag:s26] =	ssyncadd.s32 $0xFFFFFF00  }
0x6e: {  	[tilespmem:s29], [sflag:$0x7] =	stream.indirect.gather [spmem:s2], $0x80, s3, s28, $0xb8;
	[tilespmem:$0x1C400] =	vst v63  }
0x6f: {  	s4 =	smov.u32 s6;
	_ =	swait.ge [sflag:s23], $0x4000  }
0x70: {  	s13 =	sadd.s32 s4, s21;
	[sflag:s23] =	ssyncset.done $0x0;
	s17 =	rddreg [dreg:$0x4]  }
0x71: {  	s7 =	smov.u32 s13;
	[sflag:s23] =	ssyncadd.s32 $0xFFFFC000;
	s13 =	sadd.s32 s4, s17  }
0x72: {  	[hbm4b:s13+s3] =	stream.linear.scatter [tilespmem:s29], [sflag:$0x5], $0x4000, $0x38;
	[tilespmem:$0x1C400] =	vst v63  }
0x73: {  	s13 =	simm.s32 @!p1 $0x6  }
0x74: {  	[tilespmem:s30], [sflag:$0x4] =	stream.linear.gather [hbm4b:s9+s3], $0x100, $0x38;
	[tilespmem:$0x1C400] =	vst v63  }
0x75: {  	_ =	swait.ge @!p1 [sflag:s13], $0x4000  }
0x76: {  	[sflag:s13] =	ssyncset.done @!p1 $0x0  }
0x77: {  	[sflag:s13] =	ssyncadd.s32 @!p1 $0xFFFFC000  }
0x78: {  	_ =	swait.ge [sflag:s31], $0x100  }
0x79: {  	[sflag:s31] =	ssyncset.done $0x0  }
0x7a: {  	[sflag:s31] =	ssyncadd.s32 $0xFFFFFF00  }
0x7b: {  	[tilespmem:s0], [sflag:$0x7] =	stream.indirect.gather [spmem:s2], $0x80, s24, s28, $0xb8;
	[tilespmem:$0x1C400] =	vst v63  }
0x7c: {  	_ =	swait.ge [sflag:s23], $0x4000  }
0x7d: {  	s20 =	sadd.s32 $0xFFFFFFFF, s8;
	[sflag:s23] =	ssyncset.done $0x0;
	s13 =	rddreg [dreg:$0x3]  }
0x7e: {  	p1 =	sgt.u32 s20, $0x4D;
	[sflag:s23] =	ssyncadd.s32 $0xFFFFC000;
	s13 =	sadd.s32 s4, s13  }
0x7f: {  	[hbm4b:s13+s3] =	stream.linear.scatter [tilespmem:s0], [sflag:$0x6], $0x4000, $0x38;
	[tilespmem:$0x1C400] =	vst v63  }
0x80: {  	s13 =	simm.s32 @!p1 $0x0  }
0x81: {  	[tilespmem:s13], [sflag:$0x1] =	stream.linear.gather @!p1 [hbm4b:s16+s13], $0x100, $0x38;
	[tilespmem:$0x1C400] =	vst v63  }
0x82: {  	_ =	swait.ge [sflag:s1], $0x4000  }
0x83: {  	[sflag:s1] =	ssyncset.done $0x0  }
0x84: {  	[sflag:s1] =	ssyncadd.s32 $0xFFFFC000  }
0x85: {  	_ =	swait.ge [sflag:s5], $0x100  }
0x86: {  	[sflag:s5] =	ssyncset.done $0x0  }
0x87: {  	[sflag:s5] =	ssyncadd.s32 $0xFFFFFF00  }
0x88: {  	[tilespmem:s29], [sflag:$0x7] =	stream.indirect.gather [spmem:s2], $0x80, s25, s28, $0xb8;
	[tilespmem:$0x1C400] =	vst v63  }
0x89: {  	_ =	swait.ge [sflag:s23], $0x4000  }
0x8a: {  	[sflag:s23] =	ssyncset.done $0x0  }
0x8b: {  	s4 =	sadd.s32 s4, s22;
	p1 =	sgt.u32 s8, $0x4D;
	[sflag:s23] =	ssyncadd.s32 $0xFFFFC000  }
0x8c: {  	[hbm4b:s4+s3] =	stream.linear.scatter [tilespmem:s29], [sflag:$0x5], $0x4000, $0x38;
	[tilespmem:$0x1C400] =	vst v63  }
0x8d: {  	s13 =	simm.s32 @!p1 $0x0;
	s17 =	simm.s32 @!p1 $0x100  }
0x8e: {  	[tilespmem:s17], [sflag:$0x2] =	stream.linear.gather @!p1 [hbm4b:s15+s13], $0x100, $0x38;
	[tilespmem:$0x1C400] =	vst v63  }
0x8f: {  	_ =	swait.ge [sflag:s10], $0x4000  }
0x90: {  	s6 =	sadd.s32 $0x2000, s6;
	[sflag:s10] =	ssyncset.done $0x0  }
0x91: {  	p0 =	sne.s32 s6, $0x28000;
	[sflag:s10] =	ssyncadd.s32 $0xFFFFC000  }
.Ltmp0:
0x92: {  	_ =	swait.ge [sflag:s11], $0x100;
	(pc) =	sbr.rel @p0 .LBB2_2-.Ltmp0, $4  }
0x93: {  	s14 =	sadd.s32 $0x80, s14;
	[sflag:s11] =	ssyncset.done $0x0  }
0x94: {  	s9 =	sadd.s32 $0x80, s9;
	s8 =	sadd.s32 $0x4, s8;
	[sflag:s11] =	ssyncadd.s32 $0xFFFFFF00  }
0x95: {  	[tilespmem:s0], [sflag:$0x7] =	stream.indirect.gather [spmem:s2], $0x80, s30, s28, $0xb8;
	[tilespmem:$0x1C400] =	vst v63  }
0x96: {  	s16 =	sadd.s32 $0x80, s16;
	s15 =	sadd.s32 $0x80, s15;
	_ =	swait.ge [sflag:s23], $0x4000  }
0x97: {  	[sflag:s23] =	ssyncset.done $0x0  }
0x98: {  	[sflag:s23] =	ssyncadd.s32 $0xFFFFC000  }
0x99: {  	[hbm4b:s7+s3] =	stream.linear.scatter [tilespmem:s0], [sflag:$0x6], $0x4000, $0x38;
	[tilespmem:$0x1C400] =	vst v63  }
0x9a: {  	_ =	swait.ge [sflag:s1], $0x4000  }
0x9b: {  	[sflag:s1] =	ssyncset.done $0x0  }
0x9c: {  	[sflag:s1] =	ssyncadd.s32 $0xFFFFC000  }
0x9d: {  	_ =	swait.ge [sflag:s10], $0x4000  }
0x9e: {  	[sflag:s10] =	ssyncset.done $0x0  }
0x9f: {  	[sflag:s10] =	ssyncadd.s32 $0xFFFFC000  }
0xa0: {  	s4 =	simm.s32 $0x0;
	s6 =	simm.s32 $0x200;
	[bflag:$0x0] =	sbarrier.arrive $0xFFFF  }
.LBB2_4:
0xa1: {  	p0 =	sne.s32 s6, $0xFE00;
	[tilespmem:s4+$0x470] =	vst v0  }
0xa2: {  	[tilespmem:s4+$0x400] =	vst v0  }
0xa3: {  	[tilespmem:s4+$0x410] =	vst v0  }
.Ltmp1:
0xa4: {  	[tilespmem:s4+$0x420] =	vst v0;
	(pc) =	sbr.rel @p0 .LBB2_4-.Ltmp1, $4  }
0xa5: {  	[tilespmem:s4+$0x430] =	vst v0  }
0xa6: {  	[tilespmem:s4+$0x440] =	vst v0  }
0xa7: {  	[tilespmem:s4+$0x450] =	vst v0  }
0xa8: {  	[tilespmem:s4+$0x460] =	vst v0;
	s4 =	sshra.s32 s6, $0x2;
	s6 =	sadd.s32 $0x200, s6  }
0xa9: {  	[tilespmem:s4+$0x470] =	vst v0  }
0xaa: {  	[tilespmem:s4+$0x400] =	vst v0  }
0xab: {  	[tilespmem:s4+$0x410] =	vst v0  }
0xac: {  	[tilespmem:s4+$0x420] =	vst v0  }
0xad: {  	[tilespmem:s4+$0x430] =	vst v0  }
0xae: {  	[tilespmem:s4+$0x440] =	vst v0  }
0xaf: {  	[tilespmem:s4+$0x450] =	vst v0  }
0xb0: {  	[tilespmem:s4+$0x460] =	vst v0  }
0xb1: {  	[spmem:s18] =	stream.linear.scatter [tilespmem:s29], [sflag:$0x7], $0x4000, $0x38;
	[tilespmem:$0x1C400] =	vst v63  }
0xb2: {  	_ =	swait.ge [sflag:s23], $0x4000  }
0xb3: {  	[sflag:s23] =	ssyncset.done $0x0  }
0xb4: {  	s17 =	rddreg [dreg:$0x11];
	[sflag:s23] =	ssyncadd.s32 $0xFFFFC000  }
0xb5: {  	[spmem:s17] =	stream.linear.scatter [tilespmem:s29], [sflag:$0x7], $0x4000, $0x38;
	[tilespmem:$0x1C400] =	vst v63  }
0xb6: {  	_ =	swait.ge [sflag:s23], $0x4000  }
0xb7: {  	[sflag:s23] =	ssyncset.done $0x0  }
0xb8: {  	s18 =	rddreg [dreg:$0x12];
	[sflag:s23] =	ssyncadd.s32 $0xFFFFC000  }
0xb9: {  	[spmem:s18] =	stream.linear.scatter [tilespmem:s29], [sflag:$0x7], $0x4000, $0x38;
	[tilespmem:$0x1C400] =	vst v63  }
0xba: {  	_ =	swait.ge [sflag:s23], $0x4000  }
0xbb: {  	[sflag:s23] =	ssyncset.done $0x0  }
0xbc: {  	s20 =	rddreg [dreg:$0x13];
	[sflag:s23] =	ssyncadd.s32 $0xFFFFC000  }
0xbd: {  	[spmem:s20] =	stream.linear.scatter [tilespmem:s29], [sflag:$0x7], $0x4000, $0x38;
	[tilespmem:$0x1C400] =	vst v63  }
0xbe: {  	_ =	swait.ge [sflag:s23], $0x4000  }
0xbf: {  	[sflag:s23] =	ssyncset.done $0x0  }
0xc0: {  	s6 =	rddreg [dreg:$0x14];
	[sflag:s23] =	ssyncadd.s32 $0xFFFFC000  }
0xc1: {  	[spmem:s6] =	stream.linear.scatter [tilespmem:s29], [sflag:$0x7], $0x4000, $0x38;
	[tilespmem:$0x1C400] =	vst v63  }
0xc2: {  	_ =	swait.ge [sflag:s23], $0x4000  }
0xc3: {  	[sflag:s23] =	ssyncset.done $0x0  }
0xc4: {  	[sflag:s23] =	ssyncadd.s32 $0xFFFFC000  }
0xc5: {  	s14 =	simm.s32 $0x0;
	[bflag:$0x0] =	sbarrier.arrive $0xFFFF  }
0xc6: {  	[tilespmem:s14], [sflag:$0x1] =	stream.linear.gather [hbm4b:s19+s14], $0x100, $0x38;
	[tilespmem:$0x1C400] =	vst v63  }
0xc7: {  	s7 =	rddreg [dreg:$0xd]  }
0xc8: {  	[tilespmem:s24], [sflag:$0x2] =	stream.linear.gather [hbm4b:s7+s14], $0x100, $0x38;
	[tilespmem:$0x1C400] =	vst v63  }
0xc9: {  	s8 =	rddreg [dreg:$0xc]  }
0xca: {  	[tilespmem:s29], [sflag:$0x5] =	stream.linear.gather [hbm4b:s8+s14], $0x4000, $0x38;
	[tilespmem:$0x1C400] =	vst v63  }
0xcb: {  	s9 =	rddreg [dreg:$0xe]  }
0xcc: {  	[tilespmem:s0], [sflag:$0x6] =	stream.linear.gather [hbm4b:s9+s14], $0x4000, $0x38;
	[tilespmem:$0x1C400] =	vst v63  }
0xcd: {  	s17 =	rddreg [dreg:$0x18]  }
0xce: {  	[tilespmem:s25], [sflag:$0x3] =	stream.linear.gather [hbm4b:s17+s3], $0x100, $0x38;
	[tilespmem:$0x1C400] =	vst v63  }
0xcf: {  	_ =	swait.ge [sflag:s26], $0x100  }
0xd0: {  	[sflag:s26] =	ssyncset.done $0x0  }
0xd1: {  	[sflag:s26] =	ssyncadd.s32 $0xFFFFFF00  }
0xd2: {  	_ =	swait.ge [sflag:s1], $0x4000  }
0xd3: {  	[sflag:s1] =	ssyncset.done $0x0  }
0xd4: {  	[sflag:s1] =	ssyncadd.s32 $0xFFFFC000  }
0xd5: {  	[spmem:s2] =	stream.indirect.scatter.add.f32 [tilespmem:s29], [sflag:$0x7], $0x80, s28, s28, $0xb8;
	[tilespmem:$0x1C400] =	vst v63  }
0xd6: {  	_ =	swait.ge [sflag:s23], $0x4000  }
0xd7: {  	[sflag:s23] =	ssyncset.done $0x0  }
0xd8: {  	s13 =	sadd.s32 $0x0, s22;
	[sflag:s23] =	ssyncadd.s32 $0xFFFFC000  }
0xd9: {  	[tilespmem:s29], [sflag:$0x5] =	stream.linear.gather [hbm4b:s13+s3], $0x4000, $0x38;
	[tilespmem:$0x1C400] =	vst v63  }
0xda: {  	s16 =	rddreg [dreg:$0x17]  }
0xdb: {  	[tilespmem:s30], [sflag:$0x4] =	stream.linear.gather [hbm4b:s16+s3], $0x100, $0x38;
	[tilespmem:$0x1C400] =	vst v63  }
0xdc: {  	_ =	swait.ge [sflag:s31], $0x100  }
0xdd: {  	[sflag:s31] =	ssyncset.done $0x0  }
0xde: {  	[sflag:s31] =	ssyncadd.s32 $0xFFFFFF00  }
0xdf: {  	_ =	swait.ge [sflag:s10], $0x4000  }
0xe0: {  	[sflag:s10] =	ssyncset.done $0x0  }
0xe1: {  	s15 =	rddreg [dreg:$0x7];
	[sflag:s10] =	ssyncadd.s32 $0xFFFFC000  }
0xe2: {  	[spmem:s2] =	stream.indirect.scatter.add.f32 [tilespmem:s0], [sflag:$0x7], $0x80, s15, s28, $0xb8;
	[tilespmem:$0x1C400] =	vst v63  }
0xe3: {  	_ =	swait.ge [sflag:s23], $0x4000  }
0xe4: {  	p0 =	por $0x0, $0x0;
	[sflag:s23] =	ssyncset.done $0x0  }
0xe5: {  	s4 =	simm.s32 @p0 $0x3;
	s18 =	sadd.s32 $0x0, s21;
	[sflag:s23] =	ssyncadd.s32 $0xFFFFC000  }
0xe6: {  	[tilespmem:s0], [sflag:$0x6] =	stream.linear.gather [hbm4b:s18+s3], $0x4000, $0x38;
	[tilespmem:$0x1C400] =	vst v63  }
0xe7: {  	_ =	swait.ge @p0 [sflag:s4], $0x100  }
0xe8: {  	[sflag:s4] =	ssyncset.done @p0 $0x0  }
0xe9: {  	s6 =	simm.s32 @p0 $0x5;
	[sflag:s4] =	ssyncadd.s32 @p0 $0xFFFFFF00  }
0xea: {  	_ =	swait.ge @p0 [sflag:s6], $0x4000  }
0xeb: {  	s7 =	simm.s32 @p0 $0x80;
	s8 =	simm.s32 @p0 $0x280;
	[sflag:s6] =	ssyncset.done @p0 $0x0  }
0xec: {  	s4 =	simm.s32 @p0 $0x400;
	[sflag:s6] =	ssyncadd.s32 @p0 $0xFFFFC000;
	s6 =	simm.s32 @p0 $0x7  }
0xed: {  	[spmem:s2] =	stream.indirect.scatter.add.f32 @p0 [tilespmem:s4], [sflag:$0x7], $0x80, s8, s7, $0xb8;
	[tilespmem:$0x1C400] =	vst v63  }
0xee: {  	_ =	swait.ge @p0 [sflag:s6], $0x4000  }
0xef: {  	s4 =	simm.s32 @!p0 $0x0;
	[sflag:s6] =	ssyncset.done @p0 $0x0  }
0xf0: {  	s18 =	rddreg [dreg:$0x16];
	[sflag:s6] =	ssyncadd.s32 @p0 $0xFFFFC000;
	s6 =	simm.s32 @!p0 $0x3  }
0xf1: {  	[tilespmem:s4], [sflag:$0x1] =	stream.linear.gather @!p0 [hbm4b:s18+s4], $0x100, $0x38;
	[tilespmem:$0x1C400] =	vst v63  }
0xf2: {  	_ =	swait.ge @!p0 [sflag:s6], $0x100  }
0xf3: {  	[sflag:s6] =	ssyncset.done @!p0 $0x0  }
0xf4: {  	s7 =	simm.s32 @!p0 $0x5;
	[sflag:s6] =	ssyncadd.s32 @!p0 $0xFFFFFF00  }
0xf5: {  	_ =	swait.ge @!p0 [sflag:s7], $0x4000  }
0xf6: {  	s9 =	simm.s32 @!p0 $0x280;
	s8 =	simm.s32 @!p0 $0x80;
	[sflag:s7] =	ssyncset.done @!p0 $0x0  }
0xf7: {  	s6 =	simm.s32 @!p0 $0x400;
	[sflag:s7] =	ssyncadd.s32 @!p0 $0xFFFFC000;
	s7 =	simm.s32 @!p0 $0x7  }
0xf8: {  	[spmem:s2] =	stream.indirect.scatter.add.f32 @!p0 [tilespmem:s6], [sflag:$0x7], $0x80, s9, s8, $0xb8;
	[tilespmem:$0x1C400] =	vst v63  }
0xf9: {  	_ =	swait.ge @!p0 [sflag:s7], $0x4000  }
0xfa: {  	s8 =	rddreg [dreg:$0x6];
	[sflag:s7] =	ssyncset.done @!p0 $0x0  }
0xfb: {  	[sflag:s7] =	ssyncadd.s32 @!p0 $0xFFFFC000;
	s7 =	sadd.s32 @!p0 $0x0, s8  }
0xfc: {  	[tilespmem:s6], [sflag:$0x5] =	stream.linear.gather @!p0 [hbm4b:s7+s4], $0x4000, $0x38;
	[tilespmem:$0x1C400] =	vst v63  }
0xfd: {  	s6 =	simm.s32 @!p0 $0x100;
	s7 =	rddreg [dreg:$0x15]  }
0xfe: {  	[tilespmem:s6], [sflag:$0x2] =	stream.linear.gather @!p0 [hbm4b:s7+s4], $0x100, $0x38;
	[tilespmem:$0x1C400] =	vst v63  }
0xff: {  	_ =	swait.ge [sflag:s11], $0x100  }
0x100: {  	[sflag:s11] =	ssyncset.done $0x0  }
0x101: {  	[sflag:s11] =	ssyncadd.s32 $0xFFFFFF00  }
0x102: {  	_ =	swait.ge [sflag:s10], $0x4000  }
0x103: {  	s20 =	smov.u32 s19;
	s15 =	simm.s32 $0x2000;
	[sflag:s10] =	ssyncset.done $0x0  }
0x104: {  	s9 =	sadd.s32 $0x80, s18;
	s19 =	rddreg [dreg:$0x8];
	[sflag:s10] =	ssyncadd.s32 $0xFFFFC000  }
0x105: {  	[spmem:s2] =	stream.indirect.scatter.add.f32 [tilespmem:s0], [sflag:$0x7], $0x80, s19, s28, $0xb8;
	[tilespmem:$0x1C400] =	vst v63  }
0x106: {  	s8 =	sadd.s32 $0x80, s16;
	s16 =	sadd.s32 $0x80, s17;
	_ =	swait.ge [sflag:s23], $0x4000  }
0x107: {  	s17 =	simm.s32 @!p0 $0x4400;
	s6 =	sadd.s32 $0x80, s7;
	[sflag:s23] =	ssyncset.done $0x0  }
0x108: {  	s7 =	simm.s32 $0x0;
	s13 =	rddreg [dreg:$0x5];
	[sflag:s23] =	ssyncadd.s32 $0xFFFFC000  }
.LBB2_6:
0x109: {  	s13 =	sadd.s32 @!p0 s14, s13  }
0x10a: {  	[tilespmem:s17], [sflag:$0x6] =	stream.linear.gather @!p0 [hbm4b:s13+s4], $0x4000, $0x38;
	[tilespmem:$0x1C400] =	vst v63  }
0x10b: {  	_ = 	snop  }
0x10c: {  	[tilespmem:s25], [sflag:$0x3] =	stream.linear.gather [hbm4b:s16+s3], $0x100, $0x38;
	[tilespmem:$0x1C400] =	vst v63  }
0x10d: {  	_ =	swait.ge [sflag:s26], $0x100  }
0x10e: {  	[sflag:s26] =	ssyncset.done $0x0  }
0x10f: {  	[sflag:s26] =	ssyncadd.s32 $0xFFFFFF00  }
0x110: {  	_ =	swait.ge [sflag:s1], $0x4000  }
0x111: {  	[sflag:s1] =	ssyncset.done $0x0  }
0x112: {  	[sflag:s1] =	ssyncadd.s32 $0xFFFFC000  }
0x113: {  	[spmem:s2] =	stream.indirect.scatter.add.f32 [tilespmem:s29], [sflag:$0x7], $0x80, s28, s28, $0xb8;
	[tilespmem:$0x1C400] =	vst v63  }
0x114: {  	_ =	swait.ge [sflag:s23], $0x4000  }
0x115: {  	s14 =	smov.u32 s15;
	[sflag:s23] =	ssyncset.done $0x0  }
0x116: {  	s13 =	sadd.s32 s14, s22;
	[sflag:s23] =	ssyncadd.s32 $0xFFFFC000  }
0x117: {  	[tilespmem:s29], [sflag:$0x5] =	stream.linear.gather [hbm4b:s13+s3], $0x4000, $0x38;
	[tilespmem:$0x1C400] =	vst v63  }
0x118: {  	_ = 	snop  }
0x119: {  	[tilespmem:s30], [sflag:$0x4] =	stream.linear.gather [hbm4b:s8+s3], $0x100, $0x38;
	[tilespmem:$0x1C400] =	vst v63  }
0x11a: {  	_ =	swait.ge [sflag:s31], $0x100  }
0x11b: {  	[sflag:s31] =	ssyncset.done $0x0  }
0x11c: {  	[sflag:s31] =	ssyncadd.s32 $0xFFFFFF00  }
0x11d: {  	_ =	swait.ge [sflag:s10], $0x4000  }
0x11e: {  	[sflag:s10] =	ssyncset.done $0x0  }
0x11f: {  	s17 =	rddreg [dreg:$0x7];
	[sflag:s10] =	ssyncadd.s32 $0xFFFFC000  }
0x120: {  	[spmem:s2] =	stream.indirect.scatter.add.f32 [tilespmem:s0], [sflag:$0x7], $0x80, s17, s28, $0xb8;
	[tilespmem:$0x1C400] =	vst v63  }
0x121: {  	s7 =	sadd.s32 $0x1, s7;
	_ =	swait.ge [sflag:s23], $0x4000  }
0x122: {  	p0 =	sgt.u32 s7, $0x12;
	[sflag:s23] =	ssyncset.done $0x0  }
0x123: {  	s18 =	sadd.s32 s14, s21;
	s4 =	simm.s32 @p0 $0x3;
	[sflag:s23] =	ssyncadd.s32 $0xFFFFC000  }
0x124: {  	[tilespmem:s0], [sflag:$0x6] =	stream.linear.gather [hbm4b:s18+s3], $0x4000, $0x38;
	[tilespmem:$0x1C400] =	vst v63  }
0x125: {  	_ =	swait.ge @p0 [sflag:s4], $0x100  }
0x126: {  	[sflag:s4] =	ssyncset.done @p0 $0x0  }
0x127: {  	s13 =	simm.s32 @p0 $0x5;
	[sflag:s4] =	ssyncadd.s32 @p0 $0xFFFFFF00  }
0x128: {  	_ =	swait.ge @p0 [sflag:s13], $0x4000  }
0x129: {  	s17 =	simm.s32 @p0 $0x80;
	s18 =	simm.s32 @p0 $0x280;
	[sflag:s13] =	ssyncset.done @p0 $0x0  }
0x12a: {  	s4 =	simm.s32 @p0 $0x400;
	[sflag:s13] =	ssyncadd.s32 @p0 $0xFFFFC000;
	s13 =	simm.s32 @p0 $0x7  }
0x12b: {  	[spmem:s2] =	stream.indirect.scatter.add.f32 @p0 [tilespmem:s4], [sflag:$0x7], $0x80, s18, s17, $0xb8;
	[tilespmem:$0x1C400] =	vst v63  }
0x12c: {  	_ =	swait.ge @p0 [sflag:s13], $0x4000  }
0x12d: {  	[sflag:s13] =	ssyncset.done @p0 $0x0  }
0x12e: {  	s4 =	simm.s32 @!p0 $0x0;
	[sflag:s13] =	ssyncadd.s32 @p0 $0xFFFFC000;
	s13 =	simm.s32 @!p0 $0x3  }
0x12f: {  	[tilespmem:s4], [sflag:$0x1] =	stream.linear.gather @!p0 [hbm4b:s9+s4], $0x100, $0x38;
	[tilespmem:$0x1C400] =	vst v63  }
0x130: {  	_ =	swait.ge @!p0 [sflag:s13], $0x100  }
0x131: {  	[sflag:s13] =	ssyncset.done @!p0 $0x0  }
0x132: {  	s17 =	simm.s32 @!p0 $0x5;
	[sflag:s13] =	ssyncadd.s32 @!p0 $0xFFFFFF00  }
0x133: {  	_ =	swait.ge @!p0 [sflag:s17], $0x4000  }
0x134: {  	s19 =	simm.s32 @!p0 $0x280;
	s18 =	simm.s32 @!p0 $0x80;
	[sflag:s17] =	ssyncset.done @!p0 $0x0  }
0x135: {  	s13 =	simm.s32 @!p0 $0x400;
	[sflag:s17] =	ssyncadd.s32 @!p0 $0xFFFFC000;
	s17 =	simm.s32 @!p0 $0x7  }
0x136: {  	[spmem:s2] =	stream.indirect.scatter.add.f32 @!p0 [tilespmem:s13], [sflag:$0x7], $0x80, s19, s18, $0xb8;
	[tilespmem:$0x1C400] =	vst v63  }
0x137: {  	_ =	swait.ge @!p0 [sflag:s17], $0x4000  }
0x138: {  	s18 =	rddreg [dreg:$0x6];
	[sflag:s17] =	ssyncset.done @!p0 $0x0  }
0x139: {  	[sflag:s17] =	ssyncadd.s32 @!p0 $0xFFFFC000;
	s17 =	sadd.s32 @!p0 s14, s18  }
0x13a: {  	[tilespmem:s13], [sflag:$0x5] =	stream.linear.gather @!p0 [hbm4b:s17+s4], $0x4000, $0x38;
	[tilespmem:$0x1C400] =	vst v63  }
0x13b: {  	s18 =	simm.s32 @!p0 $0x100  }
0x13c: {  	[tilespmem:s18], [sflag:$0x2] =	stream.linear.gather @!p0 [hbm4b:s6+s4], $0x100, $0x38;
	[tilespmem:$0x1C400] =	vst v63  }
0x13d: {  	_ =	swait.ge [sflag:s11], $0x100  }
0x13e: {  	[sflag:s11] =	ssyncset.done $0x0  }
0x13f: {  	[sflag:s11] =	ssyncadd.s32 $0xFFFFFF00  }
0x140: {  	s15 =	sadd.s32 $0x2000, s15;
	_ =	swait.ge [sflag:s10], $0x4000  }
0x141: {  	p1 =	sne.s32 s15, $0x28000;
	[sflag:s10] =	ssyncset.done $0x0  }
.Ltmp2:
0x142: {  	s19 =	rddreg [dreg:$0x8];
	[sflag:s10] =	ssyncadd.s32 $0xFFFFC000;
	(pc) =	sbr.rel @p1 .LBB2_6-.Ltmp2, $4  }
0x143: {  	[spmem:s2] =	stream.indirect.scatter.add.f32 [tilespmem:s0], [sflag:$0x7], $0x80, s19, s28, $0xb8;
	[tilespmem:$0x1C400] =	vst v63  }
0x144: {  	s16 =	sadd.s32 $0x80, s16;
	s8 =	sadd.s32 $0x80, s8;
	_ =	swait.ge [sflag:s23], $0x4000  }
0x145: {  	s9 =	sadd.s32 $0x80, s9;
	s17 =	simm.s32 @!p0 $0x4400;
	[sflag:s23] =	ssyncset.done $0x0  }
0x146: {  	s6 =	sadd.s32 $0x80, s6;
	s13 =	rddreg [dreg:$0x5];
	[sflag:s23] =	ssyncadd.s32 $0xFFFFC000  }
0x147: {  	s6 =	sadd.s32 @!p0 s14, s13  }
0x148: {  	[tilespmem:s17], [sflag:$0x6] =	stream.linear.gather @!p0 [hbm4b:s6+s4], $0x4000, $0x38;
	[tilespmem:$0x1C400] =	vst v63  }
0x149: {  	[bflag:$0x0] =	sbarrier.arrive $0xFFFF  }
0x14a: {  	s14 =	rddreg [dreg:$0xb]  }
0x14b: {  	s17 =	rddreg [dreg:$0xf]  }
0x14c: {  	s18 =	rddreg [dreg:$0x19]  }
0x14d: {  	[hbm:s17], [sflag:s14] =	dma.local [spmem:s18], $0x2800  }
0x14e: {  	_ =	swait.ge [sflag:s23], $0x2800  }
0x14f: {  	s12 =	sadd.s32 $0x1, s12;
	s19 =	rddreg [dreg:$0x10]  }
0x150: {  	p0 =	sne.s32 s12, s19  }
.Ltmp3:
0x151: {  	_ = 	snop;
	(pc) =	sbr.rel @p0 .LBB2_1-.Ltmp3, $3  }
0x152: {  	_ =	sdelay $0x1  }
0x153: {  	[sflag:s23] =	ssyncset.done $0x0  }
0x154: {  	s18 =	rddreg [dreg:$0x9];
	[sflag:s23] =	ssyncadd.s32 $0xFFFFD800;
	s19 =	smov.u32 s20  }
0x155: {  	_ =	sfence.sel $0x180000  }
0x156: {  	[bflag:$0x0] =	sbarrier.arrive $0xFFFF  }
0x157: {  	_ =	strace $0x9000004D  }
0x158: {  	s0 =	stileid.u32;
	[bflag:$0x2] =	sbarrier.arrive $0xFFFF  }
0x159: {  	p0 =	sne.s32 s0, $0x0;
	s0 =	rddreg [dreg:$0x2]  }
0x15a: {  	s0 =	sadd.s32 @!p0 $0x100000, s0  }
0x15b: {  	[sflag:s0] =	ssyncadd.tile.s32 @!p0 $0x1;
	_ =	shalt  }
.Lfunc_end2:
_tile_overlayer_lowered:
.L_overlay_start_2:
0x15c: {  	(tag) =	ssettag $0x2  }
0x15d: {  	s0 =	rddreg [dreg:$0x0];
	s2 =	stileid.u32  }
0x15e: {  	s1 =	rddreg [dreg:$0x1];
	p0 =	sne.s32 s2, $0x0  }
0x15f: {  	s3 =	rddreg [dreg:$0x2];
	[bflag:$0x3] =	sbarrier.arrive $0xFFFF;
	s2 =	simm.s32 @!p0 $0x1C07  }
0x160: {  	[timem:s3], [sflag:s2] =	dma.local @!p0 [hbm:s0], s1  }
0x161: {  	s0 =	simm.s32 @!p0 $0x7  }
0x162: {  	_ =	swait.ge @!p0 [sflag:s0], s1  }
0x163: {  	s1 =	ssub.s32 @!p0 $0x0, s1;
	[sflag:s0] =	ssyncset.done @!p0 $0x0  }
0x164: {  	[sflag:s0] =	ssyncadd.s32 @!p0 s1  }
0x165: {  	[bflag:$0x3] =	sbarrier.arrive $0xFFFF  }
0x166: {  	_ =	shalt  }

// kernel: kernel.20.cloned.1.call-start
scs
__scs_entry_jumppad:
0x0: {  	(pc) =	sbr.rel $0x88, $3  }
0x1: {  	(tag) =	ssettag $0x0;
	lr =	simm.s32 $0x1  }
0x2: {  	[smem:$0x3F95] =	sst lr;
	_ =	strace $0xD0000000  }
0x3: {  	_ = 	snop  }
0x4: {  	_ = 	snop  }
0x5: {  	_ = 	snop  }
0x6: {  	_ = 	snop  }
0x7: {  	_ = 	snop  }
__scs_overlays_trampoline_lowered:
0x8: {  	[smem:$0x3FA4] =	sst s0  }
0x9: {  	[smem:$0x3FA5] =	sst s1  }
0xa: {  	[smem:$0x3FA6] =	sst s2  }
0xb: {  	[smem:$0x3FA7] =	sst s3  }
0xc: {  	[smem:$0x3FA8] =	sst s4  }
0xd: {  	[smem:$0x3FA9] =	sst s5  }
0xe: {  	[smem:$0x3FAA] =	sst s6  }
0xf: {  	[smem:$0x3FAB] =	sst s7  }
0x10: {  	[smem:$0x3FAC] =	sst s8  }
0x11: {  	[smem:$0x3FAD] =	sst s9;
	s0 =	simm.s32 @!p0 $0x0  }
0x12: {  	s1 =	sld [smem:$0x3F93];
	s0 =	simm.s32 @p0 $0x1  }
0x13: {  	[smem:$0x3FAE] =	sst s0;
	s0 =	simm.s32 @!p1 $0x0  }
0x14: {  	s2 =	sld [smem:$0x3F92];
	s0 =	simm.s32 @p1 $0x1  }
0x15: {  	[smem:$0x3FAF] =	sst s0;
	s0 =	simm.s32 @!p2 $0x0  }
0x16: {  	s3 =	sld [smem:$0x3FDB];
	s0 =	simm.s32 @p2 $0x1  }
0x17: {  	s4 =	simm.s32 $0x1BF5;
	[smem:$0x3FB1] =	sst s0  }
0x18: {  	s0 =	sld [smem:$0x3F94];
	_ =	swait.ge [sflag:s4], $0x0  }
0x19: {  	s7 =	sld [smem:$0x3F95]  }
0x1a: {  	s8 =	sadd.s32 $0xFFFFE003, lr  }
0x1b: {  	s9 =	sadd.s32 $0xFFFFFEF7, lr;
	s5 =	simm.s32 $0xFFFFFFFF;
	p2 =	slt.u32 s8, $0xFFFFF086  }
0x1c: {  	p1 =	slt.u32 s9, $0xF7A;
	s5 =	simm.s32 @!p2 $0x0  }
0x1d: {  	s5 =	simm.s32 @p1 $0x1;
	p0 =	seq.s32 s7, s2  }
0x1e: {  	s7 =	smul.u32 @!p0 $0xF7A, s2;
	p2 =	seq.s32 @!p0 s5, $0x0  }
0x1f: {  	s9 =	smul.u32 $0xF7A, s1;
	s8 =	simm.s32 @!p0 $0x1BF5;
	p2 =	por !p2, p0  }
0x20: {  	[sflag:s8] =	ssyncset.s32 @!p0 $0xFFFFF086;
	s6 =	sadd.s32 @!p0 s3, s7;
	s7 =	simm.s32 @!p0 $0x108  }
0x21: {  	s3 =	sadd.s32 s3, s9;
	s6 =	sadd.s32 @!p0 $0x88, s6;
	s7 =	simm.s32 @p2 $0x1082  }
0x22: {  	[simem:s7], [sflag:s8] =	dma.local @!p0 [hbm:s6], $0xF7A  }
0x23: {  	s9 =	sor.u32 $0xD0000000, s2;
	s6 =	simm.s32 $0x108;
	_ =	swait.ge @!p0 [sflag:s8], $0x0  }
0x24: {  	s3 =	sadd.s32 $0x88, s3;
	s6 =	simm.s32 @!p1 $0x1082;
	[sflag:s4] =	ssyncset.s32 $0xFFFFF086  }
0x25: {  	[simem:s6], [sflag:s4] =	dma.local [hbm:s3], $0xF7A  }
0x26: {  	[smem:$0x3F95] =	sst s1;
	(tag) =	ssettag s2;
	_ =	strace s9  }
0x27: {  	s1 =	sld [smem:$0x3FA5]  }
0x28: {  	s2 =	sld [smem:$0x3FA6]  }
0x29: {  	s4 =	sld [smem:$0x3FA8]  }
0x2a: {  	p0 =	seq.s32 s5, $0x0;
	s5 =	sld [smem:$0x3FA9]  }
0x2b: {  	s6 =	sld [smem:$0x3FAA]  }
0x2c: {  	s7 =	sld [smem:$0x3FAB]  }
0x2d: {  	s3 =	simm.s32 $0x108;
	s8 =	sld [smem:$0x3FAC]  }
0x2e: {  	s3 =	simm.s32 @!p0 $0x1082;
	s9 =	sld [smem:$0x3FAD]  }
0x2f: {  	lr =	sadd.s32 s0, s3;
	s0 =	sld [smem:$0x3FA4]  }
0x30: {  	s3 =	sld [smem:$0x3FA7]  }
0x31: {  	[smem:$0x3FB0] =	sst s10  }
0x32: {  	s10 =	sld [smem:$0x3FAE];
	_ =	sdelay $0x3  }
0x33: {  	p0 =	seq.s32 s10, $0x1;
	s10 =	sld [smem:$0x3FB0];
	_ =	sdelay $0x3  }
0x34: {  	[smem:$0x3FB0] =	sst s10  }
0x35: {  	s10 =	sld [smem:$0x3FAF];
	_ =	sdelay $0x3  }
0x36: {  	p1 =	seq.s32 s10, $0x1;
	s10 =	sld [smem:$0x3FB0];
	_ =	sdelay $0x3  }
0x37: {  	[smem:$0x3FB0] =	sst s10  }
0x38: {  	s10 =	sld [smem:$0x3FB1]  }
0x39: {  	_ = 	snop;
	(pc) =	sbr.ind lr, $3  }
0x3a: {  	_ = 	snop  }
0x3b: {  	_ = 	snop  }
0x3c: {  	p2 =	seq.s32 s10, $0x1;
	s10 =	sld [smem:$0x3FB0]  }
0x3d: {  	_ =	shalt  }
0x3e: {  	_ =	shalt  }
0x3f: {  	_ =	shalt  }
0x40: {  	_ =	shalt  }
0x41: {  	_ =	shalt  }
0x42: {  	_ =	shalt  }
0x43: {  	_ =	shalt  }
0x44: {  	_ =	shalt  }
0x45: {  	_ =	shalt  }
0x46: {  	_ =	shalt  }
0x47: {  	_ =	shalt  }
0x48: {  	_ =	shalt  }
0x49: {  	_ =	shalt  }
0x4a: {  	_ =	shalt  }
0x4b: {  	_ =	shalt  }
0x4c: {  	_ =	shalt  }
0x4d: {  	_ =	shalt  }
0x4e: {  	_ =	shalt  }
0x4f: {  	_ =	shalt  }
0x50: {  	_ =	shalt  }
0x51: {  	_ =	shalt  }
0x52: {  	_ =	shalt  }
0x53: {  	_ =	shalt  }
0x54: {  	_ =	shalt  }
0x55: {  	_ =	shalt  }
0x56: {  	_ =	shalt  }
0x57: {  	_ =	shalt  }
0x58: {  	_ =	shalt  }
0x59: {  	_ =	shalt  }
0x5a: {  	_ =	shalt  }
0x5b: {  	_ =	shalt  }
0x5c: {  	_ =	shalt  }
0x5d: {  	_ =	shalt  }
0x5e: {  	_ =	shalt  }
0x5f: {  	_ =	shalt  }
0x60: {  	_ =	shalt  }
0x61: {  	_ =	shalt  }
0x62: {  	_ =	shalt  }
0x63: {  	_ =	shalt  }
0x64: {  	_ =	shalt  }
0x65: {  	_ =	shalt  }
0x66: {  	_ =	shalt  }
0x67: {  	_ =	shalt  }
0x68: {  	_ =	shalt  }
0x69: {  	_ =	shalt  }
0x6a: {  	_ =	shalt  }
0x6b: {  	_ =	shalt  }
0x6c: {  	_ =	shalt  }
0x6d: {  	_ =	shalt  }
0x6e: {  	_ =	shalt  }
0x6f: {  	_ =	shalt  }
0x70: {  	_ =	shalt  }
0x71: {  	_ =	shalt  }
0x72: {  	_ =	shalt  }
0x73: {  	_ =	shalt  }
0x74: {  	_ =	shalt  }
0x75: {  	_ =	shalt  }
0x76: {  	_ =	shalt  }
0x77: {  	_ =	shalt  }
0x78: {  	_ =	shalt  }
0x79: {  	_ =	shalt  }
0x7a: {  	_ =	shalt  }
0x7b: {  	_ =	shalt  }
0x7c: {  	_ =	shalt  }
0x7d: {  	_ =	shalt  }
0x7e: {  	_ =	shalt  }
0x7f: {  	_ =	shalt  }
0x80: {  	_ =	shalt  }
0x81: {  	_ =	shalt  }
0x82: {  	_ =	shalt  }
0x83: {  	_ =	shalt  }
0x84: {  	_ =	shalt  }
0x85: {  	_ =	shalt  }
0x86: {  	_ =	shalt  }
0x87: {  	_ =	shalt  }
.Lfunc_end0:
.L_simem_size_0:
called_computation.3_lowered:
.L_overlay_start_0:
0x88: {  	s2 =	sld [smem:$0x3FD9]  }
0x89: {  	s3 =	sld [smem:$0x3FFE];
	_ =	sdelay $0x1  }
0x8a: {  	s1 =	srdreg.scid  }
0x8b: {  	s0 =	sand.u32 $0x1, s1  }
0x8c: {  	s16 =	sshll.u32 s0, $0xA;
	s2 =	sadd.s32 s3, s2  }
0x8d: {  	s2 =	sadd.s32 s2, s16  }
0x8e: {  	[smem:$0x3FBC] =	sst s2  }
0x8f: {  	_ = 	snop  }
0x90: {  	(tm) =	ssettm $0x1  }
0x91: {  	s17 =	sld [smem:$0x3FFB];
	_ =	sdelay $0x3  }
0x92: {  	_ =	strace s17  }
0x93: {  	s2 =	sld [smem:$0x3FFC];
	_ =	sdelay $0x3  }
0x94: {  	_ =	strace s2  }
0x95: {  	s2 =	sld [smem:$0x3FFD];
	_ =	sdelay $0x3  }
0x96: {  	_ =	strace s2  }
0x97: {  	_ =	strace $0x8FFFFFFF  }
0x98: {  	s18 =	sld [smem:$0x3FDB];
	_ =	sdelay $0x1  }
0x99: {  	s19 =	simm.s32 $_scs_section_size  }
0x9a: {  	s4 =	simm.s32 $_size__tile_overlayer_lowered;
	s5 =	simm.s32 $_tile_overlayer_lowered  }
0x9b: {  	s22 =	simm.s32 $0x1BFF;
	s21 =	sshll.u32 s5, $0x1;
	s2 =	sadd.s32 s19, s18  }
0x9c: {  	s6 =	simm.s32 $0x0;
	s20 =	sshll.u32 s4, $0x1;
	s4 =	sadd.s32 s21, s2  }
0x9d: {  	[timem:s6], [sflag:s22] =	dma.local [hbm:s4], s20  }
0x9e: {  	_ =	swait.ge [sflag:s22], s20  }
0x9f: {  	s3 =	ssub.s32 $0x0, s20;
	[sflag:s22] =	ssyncset.done $0x0  }
0xa0: {  	[sflag:s22] =	ssyncadd.s32 s3;
	_ =	sdelay $0x1  }
0xa1: {  	s23 =	simm.s32 $0x1B8B  }
0xa2: {  	_ =	swait.ge [sflag:s23], $0x1  }
0xa3: {  	[sflag:s23] =	ssyncset.done $0x0  }
0xa4: {  	s25 =	simm.s32 $0x1B8E;
	s24 =	sld [smem:$0x3FFE];
	[sflag:s23] =	ssyncadd.s32 $0xFFFFFFFF  }
0xa5: {  	s26 =	simm.s32 $execute0_lowered;
	[smem:$0x3FD2] =	sst s25  }
0xa6: {  	s4 =	sshll.u32 s26, $0x1;
	_ =	strace $0x8000004F;
	[dreg:$0x1] =	wrdreg $0xFFFFFFFF  }
0xa7: {  	s28 =	simm.s32 $_size_execute0_lowered;
	s2 =	sadd.s32 s2, s4;
	[dreg:$0x0] =	wrdreg $0x0  }
0xa8: {  	s4 =	sshll.u32 s28, $0x1;
	[dreg:$0x2] =	wrdreg s2  }
0xa9: {  	[dreg:$0x3] =	wrdreg s4  }
0xaa: {  	[dreg:$0x4] =	wrdreg $0xC0  }
0xab: {  	_ =	task [dreg:s6], $0x5FFFF  }
0xac: {  	[dreg:$0x1] =	wrdreg $0xFFFFFFFF  }
0xad: {  	[dreg:$0x0] =	wrdreg $0x60  }
0xae: {  	[dreg:$0x2] =	wrdreg s24  }
0xaf: {  	[dreg:$0x3] =	wrdreg $0x84000  }
0xb0: {  	[dreg:$0x4] =	wrdreg $0x9  }
0xb1: {  	_ =	task.clear_ibuf [dreg:s6], $0x5FFFF;
	_ =	strace $0x9000004F  }
0xb2: {  	s29 =	simm.s32 $0x9;
	_ =	strace $0x80000051  }
0xb3: {  	_ =	swait.ge [sflag:s29], $0x1  }
0xb4: {  	[sflag:s29] =	ssyncadd.s32 $0xFFFFFFFF  }
0xb5: {  	_ =	strace $0x90000051  }
0xb6: {  	_ =	sfence  }
0xb7: {  	s30 =	sld [smem:$0x0];
	_ =	sdelay $0x2  }
0xb8: {  	s31 =	sshll.u32 s1, $0xD;
	s1 =	sshrl.u32 s1, $0x2  }
0xb9: {  	s3 =	sand.u32 $0x4000, s31;
	s1 =	sadd.s32 s1, s30  }
0xba: {  	s0 =	sor.u32 s3, s0;
	s1 =	sshll.u32 s1, $0x11  }
0xbb: {  	s0 =	sor.u32 s1, s0  }
0xbc: {  	s0 =	sadd.s32 $0x8F2B, s0  }
0xbd: {  	[sflag:s0] =	ssyncadd.remote.s32 $0x1  }
0xbe: {  	_ =	sfence.sel $0xFFFF  }
0xbf: {  	[dreg:$0x0] =	wrdreg $0xFFFFFFFF;
	(pc) =	sbr.abs _section_cstart, $3  }
0xc0: {  	[dreg:$0x1] =	wrdreg $0xFFFFFFFF  }
0xc1: {  	_ =	task.clear_ibuf [dreg:s6], $0x2FFFF;
	_ =	strace $0x9FFFFFFF  }
0xc2: {  	(tm) =	ssettm $0x7FFFFFFF  }
0xc3: {  	_ =	shalt  }
tec
execute0_lowered:
.L_overlay_start_1:
0x0: {  	(tag) =	ssettag $0x1  }
0x1: {  	s1 =	rddreg [dreg:$0x0]  }
0x2: {  	s2 =	rddreg [dreg:$0x1];
	s13 =	stileid.u32  }
0x3: {  	s0 =	srdreg.scid;
	s3 =	simm.s32 $0x0;
	s28 =	simm.s32 $0x80  }
0x4: {  	s29 =	simm.s32 $0x400;
	s30 =	simm.s32 $0x300;
	s31 =	simm.s32 $0x2  }
0x5: {  	s4 =	smul.u32 $0x14000, s13;
	s5 =	sand.u32 $0x1, s0;
	[smem:$0x7FF] =	sst s3  }
0x6: {  	s8 =	sadd.s32 $0x4400, s1;
	s0 =	sadd.s32 $0x40400, s1;
	s11 =	smul.u32 $0x50000, s13  }
0x7: {  	s9 =	sshll.u32 s13, $0x1;
	s14 =	sshll.u32 s13, $0x6;
	s6 =	smul.u32 $0x140000, s5  }
0x8: {  	_ =	strace $0x80000050;
	s10 =	ssub.s32 $0x2, s5;
	s9 =	sor.u32 s5, s9  }
0x9: {  	s14 =	sor.u32 $0x1C07, s14;
	s25 =	sshrl.u32 s4, $0x3;
	s12 =	smul.u32 $0x5000, s9  }
0xa: {  	s26 =	sshrl.u32 s10, $0x1;
	s11 =	sshrl.u32 s11, $0x2;
	s9 =	smul.u32 $0x140000, s9  }
0xb: {  	[dreg:$0xb] =	wrdreg s14;
	s7 =	sadd.s32 s25, s1;
	s18 =	sadd.s32 s11, s2  }
0xc: {  	s4 =	sadd.s32 s4, s6;
	s7 =	sadd.s32 $0x18400, s7;
	[dreg:$0x9] =	wrdreg s18  }
0xd: {  	s4 =	sshrl.u32 s4, $0x3;
	s22 =	sadd.s32 $0x4000, s18;
	[dreg:$0xa] =	wrdreg s7  }
0xe: {  	s15 =	sshrl.u32 s12, $0x3;
	s24 =	sadd.s32 $0x8000, s18;
	[dreg:$0x11] =	wrdreg s22  }
0xf: {  	s9 =	sshrl.u32 s9, $0x3;
	s25 =	sadd.s32 $0xC000, s18;
	[dreg:$0x12] =	wrdreg s24  }
0x10: {  	s1 =	sadd.s32 s4, s1;
	s9 =	sadd.s32 s0, s9;
	[dreg:$0x13] =	wrdreg s25  }
0x11: {  	s4 =	ssub.s32 s10, s26;
	s10 =	sadd.s32 $0x10000, s18;
	[dreg:$0xc] =	wrdreg s9  }
0x12: {  	s19 =	sadd.s32 s8, s15;
	s25 =	simm.s32 $0x180;
	[dreg:$0x14] =	wrdreg s10  }
0x13: {  	s21 =	smul.u32 $0xA000, s13;
	s17 =	sadd.s32 $0x20, s19;
	[dreg:$0x7] =	wrdreg s25  }
0x14: {  	s5 =	smul.u32 $0x5000, s5;
	s9 =	sadd.s32 $0x800, s9;
	[dreg:$0xd] =	wrdreg s17  }
0x15: {  	s16 =	smul.u32 $0x280000, s13;
	s1 =	sadd.s32 $0x540400, s1;
	[dreg:$0xe] =	wrdreg s9  }
0x16: {  	s20 =	smax.u32 s4, $0x1;
	s4 =	sadd.s32 s5, s21;
	[dreg:$0xf] =	wrdreg s1  }
0x17: {  	s25 =	simm.s32 $0x200;
	s10 =	simm.s32 $0x6;
	[dreg:$0x10] =	wrdreg s20  }
0x18: {  	s1 =	sadd.s32 s6, s16;
	s9 =	sor.u32 $0x500, s4;
	s12 =	sor.u32 $0x400, s4  }
0x19: {  	s13 =	sor.u32 $0x300, s4;
	s4 =	sor.u32 $0x200, s4;
	s23 =	sor.u32 $0x4000, s1  }
0x1a: {  	s26 =	sshrl.u32 s1, $0x3;
	s11 =	sshrl.u32 s9, $0x3;
	s4 =	sshrl.u32 s4, $0x3  }
0x1b: {  	s16 =	sor.u32 $0xC000, s1;
	s17 =	sor.u32 $0x14000, s1;
	s20 =	sor.u32 $0x10000, s1  }
0x1c: {  	s1 =	sor.u32 $0x8000, s1;
	s6 =	sshrl.u32 s23, $0x3;
	s5 =	sadd.s32 s11, s8  }
0x1d: {  	s4 =	sadd.s32 s4, s8;
	s23 =	sshrl.u32 s20, $0x3;
	s1 =	sshrl.u32 s1, $0x3  }
0x1e: {  	s11 =	simm.s32 $0x4;
	s6 =	sadd.s32 s6, s0;
	[dreg:$0x15] =	wrdreg s5  }
0x1f: {  	s5 =	sshrl.u32 s12, $0x3;
	[dreg:$0x18] =	wrdreg s4;
	s4 =	sshrl.u32 s16, $0x3  }
0x20: {  	s24 =	sadd.s32 s23, s0;
	s23 =	simm.s32 $0x7;
	[dreg:$0x3] =	wrdreg s6  }
0x21: {  	s12 =	simm.s32 $0x0;
	s6 =	sadd.s32 s26, s0;
	[dreg:$0x6] =	wrdreg s24  }
0x22: {  	s5 =	sadd.s32 s5, s8;
	s21 =	sadd.s32 s4, s0;
	[dreg:$0x4] =	wrdreg s6  }
0x23: {  	s26 =	simm.s32 $0x380;
	s6 =	sshrl.u32 s13, $0x3;
	[dreg:$0x16] =	wrdreg s5  }
0x24: {  	s5 =	sshrl.u32 s17, $0x3;
	[dreg:$0x8] =	wrdreg s26;
	s15 =	sadd.s32 s6, s8  }
0x25: {  	s24 =	simm.s32 $0x100;
	s22 =	sadd.s32 s5, s0;
	[dreg:$0x17] =	wrdreg s15  }
0x26: {  	s26 =	simm.s32 $0x1;
	s5 =	simm.s32 $0x3;
	[dreg:$0x5] =	wrdreg s22  }
0x27: {  	v0 =	vimm.f32 $0.0e+00;
	s22 =	sadd.s32 s1, s0;
	s0 =	simm.s32 $0x4400;
	s1 =	simm.s32 $0x5  }
.LBB2_1:
0x28: {  	s6 =	sshrl.u32 s18, $0x3;
	s4 =	rddreg [dreg:$0xa]  }
0x29: {  	[dreg:$0x19] =	wrdreg s6  }
0x2a: {  	[spmem:s6], [sflag:s14] =	dma.local [hbm:s4], $0x2800  }
0x2b: {  	_ =	swait.ge [sflag:s23], $0x2800  }
0x2c: {  	[sflag:s23] =	ssyncset.done $0x0  }
0x2d: {  	[sflag:s23] =	ssyncadd.s32 $0xFFFFD800  }
0x2e: {  	[bflag:$0x0] =	sbarrier.arrive $0xFFFF  }
0x2f: {  	[tilespmem:s3], [sflag:$0x1] =	stream.linear.gather [hbm4b:s19+s3], $0x100, $0x38;
	[tilespmem:$0x1C400] =	vst v63  }
0x30: {  	p0 =	por $0x1, $0x1;
	s14 =	rddreg [dreg:$0xd]  }
0x31: {  	[tilespmem:s24], [sflag:$0x2] =	stream.linear.gather [hbm4b:s14+s3], $0x100, $0x38;
	[tilespmem:$0x1C400] =	vst v63  }
0x32: {  	s4 =	simm.s32 @!p0 $0x5;
	s15 =	rddreg [dreg:$0x18]  }
0x33: {  	[tilespmem:s25], [sflag:$0x3] =	stream.linear.gather [hbm4b:s15+s3], $0x100, $0x38;
	[tilespmem:$0x1C400] =	vst v63  }
0x34: {  	_ =	swait.ge @!p0 [sflag:s4], $0x4000  }
0x35: {  	[sflag:s4] =	ssyncset.done @!p0 $0x0  }
0x36: {  	[sflag:s4] =	ssyncadd.s32 @!p0 $0xFFFFC000  }
0x37: {  	_ =	swait.ge [sflag:s26], $0x100  }
0x38: {  	[sflag:s26] =	ssyncset.done $0x0  }
0x39: {  	[sflag:s26] =	ssyncadd.s32 $0xFFFFFF00  }
0x3a: {  	[tilespmem:s29], [sflag:$0x7] =	stream.indirect.gather [spmem:s2], $0x80, s3, s28, $0xb8;
	[tilespmem:$0x1C400] =	vst v63  }
0x3b: {  	_ =	swait.ge [sflag:s23], $0x4000  }
0x3c: {  	s16 =	rddreg [dreg:$0x4];
	[sflag:s23] =	ssyncset.done $0x0  }
0x3d: {  	[sflag:s23] =	ssyncadd.s32 $0xFFFFC000;
	s4 =	sadd.s32 $0x0, s16  }
0x3e: {  	[hbm4b:s4+s3] =	stream.linear.scatter [tilespmem:s29], [sflag:$0x5], $0x4000, $0x38;
	[tilespmem:$0x1C400] =	vst v63  }
0x3f: {  	s9 =	rddreg [dreg:$0x17];
	s4 =	simm.s32 @!p0 $0x6  }
0x40: {  	[tilespmem:s30], [sflag:$0x4] =	stream.linear.gather [hbm4b:s9+s3], $0x100, $0x38;
	[tilespmem:$0x1C400] =	vst v63  }
0x41: {  	_ =	swait.ge @!p0 [sflag:s4], $0x4000  }
0x42: {  	[sflag:s4] =	ssyncset.done @!p0 $0x0  }
0x43: {  	[sflag:s4] =	ssyncadd.s32 @!p0 $0xFFFFC000  }
0x44: {  	_ =	swait.ge [sflag:s31], $0x100  }
0x45: {  	[sflag:s31] =	ssyncset.done $0x0  }
0x46: {  	[sflag:s31] =	ssyncadd.s32 $0xFFFFFF00  }
0x47: {  	[tilespmem:s0], [sflag:$0x7] =	stream.indirect.gather [spmem:s2], $0x80, s24, s28, $0xb8;
	[tilespmem:$0x1C400] =	vst v63  }
0x48: {  	_ =	swait.ge [sflag:s23], $0x4000  }
0x49: {  	s17 =	rddreg [dreg:$0x3];
	[sflag:s23] =	ssyncset.done $0x0  }
0x4a: {  	p0 =	por $0x0, $0x0;
	[sflag:s23] =	ssyncadd.s32 $0xFFFFC000;
	s4 =	sadd.s32 $0x0, s17  }
0x4b: {  	[hbm4b:s4+s3] =	stream.linear.scatter [tilespmem:s0], [sflag:$0x6], $0x4000, $0x38;
	[tilespmem:$0x1C400] =	vst v63  }
0x4c: {  	s16 =	rddreg [dreg:$0x16];
	s4 =	simm.s32 @!p0 $0x0  }
0x4d: {  	[tilespmem:s4], [sflag:$0x1] =	stream.linear.gather @!p0 [hbm4b:s16+s4], $0x100, $0x38;
	[tilespmem:$0x1C400] =	vst v63  }
0x4e: {  	_ =	swait.ge [sflag:s1], $0x4000  }
0x4f: {  	[sflag:s1] =	ssyncset.done $0x0  }
0x50: {  	[sflag:s1] =	ssyncadd.s32 $0xFFFFC000  }
0x51: {  	_ =	swait.ge [sflag:s5], $0x100  }
0x52: {  	[sflag:s5] =	ssyncset.done $0x0  }
0x53: {  	[sflag:s5] =	ssyncadd.s32 $0xFFFFFF00  }
0x54: {  	[tilespmem:s29], [sflag:$0x7] =	stream.indirect.gather [spmem:s2], $0x80, s25, s28, $0xb8;
	[tilespmem:$0x1C400] =	vst v63  }
0x55: {  	_ =	swait.ge [sflag:s23], $0x4000  }
0x56: {  	[sflag:s23] =	ssyncset.done $0x0  }
0x57: {  	s20 =	sadd.s32 $0x0, s22;
	p0 =	por $0x0, $0x0;
	[sflag:s23] =	ssyncadd.s32 $0xFFFFC000  }
0x58: {  	[hbm4b:s20+s3] =	stream.linear.scatter [tilespmem:s29], [sflag:$0x5], $0x4000, $0x38;
	[tilespmem:$0x1C400] =	vst v63  }
0x59: {  	s4 =	simm.s32 @!p0 $0x0;
	s6 =	simm.s32 @!p0 $0x100;
	s13 =	rddreg [dreg:$0x15]  }
0x5a: {  	[tilespmem:s6], [sflag:$0x2] =	stream.linear.gather @!p0 [hbm4b:s13+s4], $0x100, $0x38;
	[tilespmem:$0x1C400] =	vst v63  }
0x5b: {  	_ =	swait.ge [sflag:s10], $0x4000  }
0x5c: {  	[sflag:s10] =	ssyncset.done $0x0  }
0x5d: {  	[sflag:s10] =	ssyncadd.s32 $0xFFFFC000  }
0x5e: {  	s7 =	sadd.s32 $0x0, s21;
	_ =	swait.ge [sflag:s11], $0x100  }
0x5f: {  	s8 =	simm.s32 $0x7;
	s14 =	sadd.s32 $0x80, s15;
	[sflag:s11] =	ssyncset.done $0x0  }
0x60: {  	s9 =	sadd.s32 $0x80, s9;
	s16 =	sadd.s32 $0x80, s16;
	[sflag:s11] =	ssyncadd.s32 $0xFFFFFF00  }
0x61: {  	[tilespmem:s0], [sflag:$0x7] =	stream.indirect.gather [spmem:s2], $0x80, s30, s28, $0xb8;
	[tilespmem:$0x1C400] =	vst v63  }
0x62: {  	s15 =	sadd.s32 $0x80, s13;
	s6 =	simm.s32 $0x2000;
	_ =	swait.ge [sflag:s23], $0x4000  }
.LBB2_2:
0x63: {  	[sflag:s23] =	ssyncset.done $0x0  }
0x64: {  	p1 =	seq.s32 s6, $0x0;
	[sflag:s23] =	ssyncadd.s32 $0xFFFFC000  }
0x65: {  	[hbm4b:s7+s3] =	stream.linear.scatter [tilespmem:s0], [sflag:$0x6], $0x4000, $0x38;
	[tilespmem:$0x1C400] =	vst v63  }
0x66: {  	s17 =	simm.s32 @!p1 $0x5  }
0x67: {  	[tilespmem:s25], [sflag:$0x3] =	stream.linear.gather [hbm4b:s14+s3], $0x100, $0x38;
	[tilespmem:$0x1C400] =	vst v63  }
0x68: {  	_ =	swait.ge @!p1 [sflag:s17], $0x4000  }
0x69: {  	[sflag:s17] =	ssyncset.done @!p1 $0x0  }
0x6a: {  	[sflag:s17] =	ssyncadd.s32 @!p1 $0xFFFFC000  }
0x6b: {  	_ =	swait.ge [sflag:s26], $0x100  }
0x6c: {  	[sflag:s26] =	ssyncset.done $0x0  }
0x6d: {  	[sflag:s26] =	ssyncadd.s32 $0xFFFFFF00  }
0x6e: {  	[tilespmem:s29], [sflag:$0x7] =	stream.indirect.gather [spmem:s2], $0x80, s3, s28, $0xb8;
	[tilespmem:$0x1C400] =	vst v63  }
0x6f: {  	s4 =	smov.u32 s6;
	_ =	swait.ge [sflag:s23], $0x4000  }
0x70: {  	s13 =	sadd.s32 s4, s21;
	[sflag:s23] =	ssyncset.done $0x0;
	s17 =	rddreg [dreg:$0x4]  }
0x71: {  	s7 =	smov.u32 s13;
	[sflag:s23] =	ssyncadd.s32 $0xFFFFC000;
	s13 =	sadd.s32 s4, s17  }
0x72: {  	[hbm4b:s13+s3] =	stream.linear.scatter [tilespmem:s29], [sflag:$0x5], $0x4000, $0x38;
	[tilespmem:$0x1C400] =	vst v63  }
0x73: {  	s13 =	simm.s32 @!p1 $0x6  }
0x74: {  	[tilespmem:s30], [sflag:$0x4] =	stream.linear.gather [hbm4b:s9+s3], $0x100, $0x38;
	[tilespmem:$0x1C400] =	vst v63  }
0x75: {  	_ =	swait.ge @!p1 [sflag:s13], $0x4000  }
0x76: {  	[sflag:s13] =	ssyncset.done @!p1 $0x0  }
0x77: {  	[sflag:s13] =	ssyncadd.s32 @!p1 $0xFFFFC000  }
0x78: {  	_ =	swait.ge [sflag:s31], $0x100  }
0x79: {  	[sflag:s31] =	ssyncset.done $0x0  }
0x7a: {  	[sflag:s31] =	ssyncadd.s32 $0xFFFFFF00  }
0x7b: {  	[tilespmem:s0], [sflag:$0x7] =	stream.indirect.gather [spmem:s2], $0x80, s24, s28, $0xb8;
	[tilespmem:$0x1C400] =	vst v63  }
0x7c: {  	_ =	swait.ge [sflag:s23], $0x4000  }
0x7d: {  	s20 =	sadd.s32 $0xFFFFFFFF, s8;
	[sflag:s23] =	ssyncset.done $0x0;
	s13 =	rddreg [dreg:$0x3]  }
0x7e: {  	p1 =	sgt.u32 s20, $0x4D;
	[sflag:s23] =	ssyncadd.s32 $0xFFFFC000;
	s13 =	sadd.s32 s4, s13  }
0x7f: {  	[hbm4b:s13+s3] =	stream.linear.scatter [tilespmem:s0], [sflag:$0x6], $0x4000, $0x38;
	[tilespmem:$0x1C400] =	vst v63  }
0x80: {  	s13 =	simm.s32 @!p1 $0x0  }
0x81: {  	[tilespmem:s13], [sflag:$0x1] =	stream.linear.gather @!p1 [hbm4b:s16+s13], $0x100, $0x38;
	[tilespmem:$0x1C400] =	vst v63  }
0x82: {  	_ =	swait.ge [sflag:s1], $0x4000  }
0x83: {  	[sflag:s1] =	ssyncset.done $0x0  }
0x84: {  	[sflag:s1] =	ssyncadd.s32 $0xFFFFC000  }
0x85: {  	_ =	swait.ge [sflag:s5], $0x100  }
0x86: {  	[sflag:s5] =	ssyncset.done $0x0  }
0x87: {  	[sflag:s5] =	ssyncadd.s32 $0xFFFFFF00  }
0x88: {  	[tilespmem:s29], [sflag:$0x7] =	stream.indirect.gather [spmem:s2], $0x80, s25, s28, $0xb8;
	[tilespmem:$0x1C400] =	vst v63  }
0x89: {  	_ =	swait.ge [sflag:s23], $0x4000  }
0x8a: {  	[sflag:s23] =	ssyncset.done $0x0  }
0x8b: {  	s4 =	sadd.s32 s4, s22;
	p1 =	sgt.u32 s8, $0x4D;
	[sflag:s23] =	ssyncadd.s32 $0xFFFFC000  }
0x8c: {  	[hbm4b:s4+s3] =	stream.linear.scatter [tilespmem:s29], [sflag:$0x5], $0x4000, $0x38;
	[tilespmem:$0x1C400] =	vst v63  }
0x8d: {  	s13 =	simm.s32 @!p1 $0x0;
	s17 =	simm.s32 @!p1 $0x100  }
0x8e: {  	[tilespmem:s17], [sflag:$0x2] =	stream.linear.gather @!p1 [hbm4b:s15+s13], $0x100, $0x38;
	[tilespmem:$0x1C400] =	vst v63  }
0x8f: {  	_ =	swait.ge [sflag:s10], $0x4000  }
0x90: {  	s6 =	sadd.s32 $0x2000, s6;
	[sflag:s10] =	ssyncset.done $0x0  }
0x91: {  	p0 =	sne.s32 s6, $0x28000;
	[sflag:s10] =	ssyncadd.s32 $0xFFFFC000  }
.Ltmp0:
0x92: {  	_ =	swait.ge [sflag:s11], $0x100;
	(pc) =	sbr.rel @p0 .LBB2_2-.Ltmp0, $4  }
0x93: {  	s14 =	sadd.s32 $0x80, s14;
	[sflag:s11] =	ssyncset.done $0x0  }
0x94: {  	s9 =	sadd.s32 $0x80, s9;
	s8 =	sadd.s32 $0x4, s8;
	[sflag:s11] =	ssyncadd.s32 $0xFFFFFF00  }
0x95: {  	[tilespmem:s0], [sflag:$0x7] =	stream.indirect.gather [spmem:s2], $0x80, s30, s28, $0xb8;
	[tilespmem:$0x1C400] =	vst v63  }
0x96: {  	s16 =	sadd.s32 $0x80, s16;
	s15 =	sadd.s32 $0x80, s15;
	_ =	swait.ge [sflag:s23], $0x4000  }
0x97: {  	[sflag:s23] =	ssyncset.done $0x0  }
0x98: {  	[sflag:s23] =	ssyncadd.s32 $0xFFFFC000  }
0x99: {  	[hbm4b:s7+s3] =	stream.linear.scatter [tilespmem:s0], [sflag:$0x6], $0x4000, $0x38;
	[tilespmem:$0x1C400] =	vst v63  }
0x9a: {  	_ =	swait.ge [sflag:s1], $0x4000  }
0x9b: {  	[sflag:s1] =	ssyncset.done $0x0  }
0x9c: {  	[sflag:s1] =	ssyncadd.s32 $0xFFFFC000  }
0x9d: {  	_ =	swait.ge [sflag:s10], $0x4000  }
0x9e: {  	[sflag:s10] =	ssyncset.done $0x0  }
0x9f: {  	[sflag:s10] =	ssyncadd.s32 $0xFFFFC000  }
0xa0: {  	s4 =	simm.s32 $0x0;
	s6 =	simm.s32 $0x200;
	[bflag:$0x0] =	sbarrier.arrive $0xFFFF  }
.LBB2_4:
0xa1: {  	p0 =	sne.s32 s6, $0xFE00;
	[tilespmem:s4+$0x470] =	vst v0  }
0xa2: {  	[tilespmem:s4+$0x400] =	vst v0  }
0xa3: {  	[tilespmem:s4+$0x410] =	vst v0  }
.Ltmp1:
0xa4: {  	[tilespmem:s4+$0x420] =	vst v0;
	(pc) =	sbr.rel @p0 .LBB2_4-.Ltmp1, $4  }
0xa5: {  	[tilespmem:s4+$0x430] =	vst v0  }
0xa6: {  	[tilespmem:s4+$0x440] =	vst v0  }
0xa7: {  	[tilespmem:s4+$0x450] =	vst v0  }
0xa8: {  	[tilespmem:s4+$0x460] =	vst v0;
	s4 =	sshra.s32 s6, $0x2;
	s6 =	sadd.s32 $0x200, s6  }
0xa9: {  	[tilespmem:s4+$0x470] =	vst v0  }
0xaa: {  	[tilespmem:s4+$0x400] =	vst v0  }
0xab: {  	[tilespmem:s4+$0x410] =	vst v0  }
0xac: {  	[tilespmem:s4+$0x420] =	vst v0  }
0xad: {  	[tilespmem:s4+$0x430] =	vst v0  }
0xae: {  	[tilespmem:s4+$0x440] =	vst v0  }
0xaf: {  	[tilespmem:s4+$0x450] =	vst v0  }
0xb0: {  	[tilespmem:s4+$0x460] =	vst v0  }
0xb1: {  	[spmem:s18] =	stream.linear.scatter [tilespmem:s29], [sflag:$0x7], $0x4000, $0x38;
	[tilespmem:$0x1C400] =	vst v63  }
0xb2: {  	_ =	swait.ge [sflag:s23], $0x4000  }
0xb3: {  	[sflag:s23] =	ssyncset.done $0x0  }
0xb4: {  	s17 =	rddreg [dreg:$0x11];
	[sflag:s23] =	ssyncadd.s32 $0xFFFFC000  }
0xb5: {  	[spmem:s17] =	stream.linear.scatter [tilespmem:s29], [sflag:$0x7], $0x4000, $0x38;
	[tilespmem:$0x1C400] =	vst v63  }
0xb6: {  	_ =	swait.ge [sflag:s23], $0x4000  }
0xb7: {  	[sflag:s23] =	ssyncset.done $0x0  }
0xb8: {  	s18 =	rddreg [dreg:$0x12];
	[sflag:s23] =	ssyncadd.s32 $0xFFFFC000  }
0xb9: {  	[spmem:s18] =	stream.linear.scatter [tilespmem:s29], [sflag:$0x7], $0x4000, $0x38;
	[tilespmem:$0x1C400] =	vst v63  }
0xba: {  	_ =	swait.ge [sflag:s23], $0x4000  }
0xbb: {  	[sflag:s23] =	ssyncset.done $0x0  }
0xbc: {  	s20 =	rddreg [dreg:$0x13];
	[sflag:s23] =	ssyncadd.s32 $0xFFFFC000  }
0xbd: {  	[spmem:s20] =	stream.linear.scatter [tilespmem:s29], [sflag:$0x7], $0x4000, $0x38;
	[tilespmem:$0x1C400] =	vst v63  }
0xbe: {  	_ =	swait.ge [sflag:s23], $0x4000  }
0xbf: {  	[sflag:s23] =	ssyncset.done $0x0  }
0xc0: {  	s6 =	rddreg [dreg:$0x14];
	[sflag:s23] =	ssyncadd.s32 $0xFFFFC000  }
0xc1: {  	[spmem:s6] =	stream.linear.scatter [tilespmem:s29], [sflag:$0x7], $0x4000, $0x38;
	[tilespmem:$0x1C400] =	vst v63  }
0xc2: {  	_ =	swait.ge [sflag:s23], $0x4000  }
0xc3: {  	[sflag:s23] =	ssyncset.done $0x0  }
0xc4: {  	[sflag:s23] =	ssyncadd.s32 $0xFFFFC000  }
0xc5: {  	s14 =	simm.s32 $0x0;
	[bflag:$0x0] =	sbarrier.arrive $0xFFFF  }
0xc6: {  	[tilespmem:s14], [sflag:$0x1] =	stream.linear.gather [hbm4b:s19+s14], $0x100, $0x38;
	[tilespmem:$0x1C400] =	vst v63  }
0xc7: {  	s7 =	rddreg [dreg:$0xd]  }
0xc8: {  	[tilespmem:s24], [sflag:$0x2] =	stream.linear.gather [hbm4b:s7+s14], $0x100, $0x38;
	[tilespmem:$0x1C400] =	vst v63  }
0xc9: {  	s8 =	rddreg [dreg:$0xc]  }
0xca: {  	[tilespmem:s29], [sflag:$0x5] =	stream.linear.gather [hbm4b:s8+s14], $0x4000, $0x38;
	[tilespmem:$0x1C400] =	vst v63  }
0xcb: {  	s9 =	rddreg [dreg:$0xe]  }
0xcc: {  	[tilespmem:s0], [sflag:$0x6] =	stream.linear.gather [hbm4b:s9+s14], $0x4000, $0x38;
	[tilespmem:$0x1C400] =	vst v63  }
0xcd: {  	s17 =	rddreg [dreg:$0x18]  }
0xce: {  	[tilespmem:s25], [sflag:$0x3] =	stream.linear.gather [hbm4b:s17+s3], $0x100, $0x38;
	[tilespmem:$0x1C400] =	vst v63  }
0xcf: {  	_ =	swait.ge [sflag:s26], $0x100  }
0xd0: {  	[sflag:s26] =	ssyncset.done $0x0  }
0xd1: {  	[sflag:s26] =	ssyncadd.s32 $0xFFFFFF00  }
0xd2: {  	_ =	swait.ge [sflag:s1], $0x4000  }
0xd3: {  	[sflag:s1] =	ssyncset.done $0x0  }
0xd4: {  	[sflag:s1] =	ssyncadd.s32 $0xFFFFC000  }
0xd5: {  	[spmem:s2] =	stream.indirect.scatter.add.f32 [tilespmem:s29], [sflag:$0x7], $0x80, s28, s28, $0xb8;
	[tilespmem:$0x1C400] =	vst v63  }
0xd6: {  	_ =	swait.ge [sflag:s23], $0x4000  }
0xd7: {  	[sflag:s23] =	ssyncset.done $0x0  }
0xd8: {  	s13 =	sadd.s32 $0x0, s22;
	[sflag:s23] =	ssyncadd.s32 $0xFFFFC000  }
0xd9: {  	[tilespmem:s29], [sflag:$0x5] =	stream.linear.gather [hbm4b:s13+s3], $0x4000, $0x38;
	[tilespmem:$0x1C400] =	vst v63  }
0xda: {  	s16 =	rddreg [dreg:$0x17]  }
0xdb: {  	[tilespmem:s30], [sflag:$0x4] =	stream.linear.gather [hbm4b:s16+s3], $0x100, $0x38;
	[tilespmem:$0x1C400] =	vst v63  }
0xdc: {  	_ =	swait.ge [sflag:s31], $0x100  }
0xdd: {  	[sflag:s31] =	ssyncset.done $0x0  }
0xde: {  	[sflag:s31] =	ssyncadd.s32 $0xFFFFFF00  }
0xdf: {  	_ =	swait.ge [sflag:s10], $0x4000  }
0xe0: {  	[sflag:s10] =	ssyncset.done $0x0  }
0xe1: {  	s15 =	rddreg [dreg:$0x7];
	[sflag:s10] =	ssyncadd.s32 $0xFFFFC000  }
0xe2: {  	[spmem:s2] =	stream.indirect.scatter.add.f32 [tilespmem:s0], [sflag:$0x7], $0x80, s15, s28, $0xb8;
	[tilespmem:$0x1C400] =	vst v63  }
0xe3: {  	_ =	swait.ge [sflag:s23], $0x4000  }
0xe4: {  	p0 =	por $0x0, $0x0;
	[sflag:s23] =	ssyncset.done $0x0  }
0xe5: {  	s4 =	simm.s32 @p0 $0x3;
	s18 =	sadd.s32 $0x0, s21;
	[sflag:s23] =	ssyncadd.s32 $0xFFFFC000  }
0xe6: {  	[tilespmem:s0], [sflag:$0x6] =	stream.linear.gather [hbm4b:s18+s3], $0x4000, $0x38;
	[tilespmem:$0x1C400] =	vst v63  }
0xe7: {  	_ =	swait.ge @p0 [sflag:s4], $0x100  }
0xe8: {  	[sflag:s4] =	ssyncset.done @p0 $0x0  }
0xe9: {  	s6 =	simm.s32 @p0 $0x5;
	[sflag:s4] =	ssyncadd.s32 @p0 $0xFFFFFF00  }
0xea: {  	_ =	swait.ge @p0 [sflag:s6], $0x4000  }
0xeb: {  	s7 =	simm.s32 @p0 $0x80;
	s8 =	simm.s32 @p0 $0x280;
	[sflag:s6] =	ssyncset.done @p0 $0x0  }
0xec: {  	s4 =	simm.s32 @p0 $0x400;
	[sflag:s6] =	ssyncadd.s32 @p0 $0xFFFFC000;
	s6 =	simm.s32 @p0 $0x7  }
0xed: {  	[spmem:s2] =	stream.indirect.scatter.add.f32 @p0 [tilespmem:s4], [sflag:$0x7], $0x80, s8, s7, $0xb8;
	[tilespmem:$0x1C400] =	vst v63  }
0xee: {  	_ =	swait.ge @p0 [sflag:s6], $0x4000  }
0xef: {  	s4 =	simm.s32 @!p0 $0x0;
	[sflag:s6] =	ssyncset.done @p0 $0x0  }
0xf0: {  	s18 =	rddreg [dreg:$0x16];
	[sflag:s6] =	ssyncadd.s32 @p0 $0xFFFFC000;
	s6 =	simm.s32 @!p0 $0x3  }
0xf1: {  	[tilespmem:s4], [sflag:$0x1] =	stream.linear.gather @!p0 [hbm4b:s18+s4], $0x100, $0x38;
	[tilespmem:$0x1C400] =	vst v63  }
0xf2: {  	_ =	swait.ge @!p0 [sflag:s6], $0x100  }
0xf3: {  	[sflag:s6] =	ssyncset.done @!p0 $0x0  }
0xf4: {  	s7 =	simm.s32 @!p0 $0x5;
	[sflag:s6] =	ssyncadd.s32 @!p0 $0xFFFFFF00  }
0xf5: {  	_ =	swait.ge @!p0 [sflag:s7], $0x4000  }
0xf6: {  	s9 =	simm.s32 @!p0 $0x280;
	s8 =	simm.s32 @!p0 $0x80;
	[sflag:s7] =	ssyncset.done @!p0 $0x0  }
0xf7: {  	s6 =	simm.s32 @!p0 $0x400;
	[sflag:s7] =	ssyncadd.s32 @!p0 $0xFFFFC000;
	s7 =	simm.s32 @!p0 $0x7  }
0xf8: {  	[spmem:s2] =	stream.indirect.scatter.add.f32 @!p0 [tilespmem:s6], [sflag:$0x7], $0x80, s9, s8, $0xb8;
	[tilespmem:$0x1C400] =	vst v63  }
0xf9: {  	_ =	swait.ge @!p0 [sflag:s7], $0x4000  }
0xfa: {  	s8 =	rddreg [dreg:$0x6];
	[sflag:s7] =	ssyncset.done @!p0 $0x0  }
0xfb: {  	[sflag:s7] =	ssyncadd.s32 @!p0 $0xFFFFC000;
	s7 =	sadd.s32 @!p0 $0x0, s8  }
0xfc: {  	[tilespmem:s6], [sflag:$0x5] =	stream.linear.gather @!p0 [hbm4b:s7+s4], $0x4000, $0x38;
	[tilespmem:$0x1C400] =	vst v63  }
0xfd: {  	s6 =	simm.s32 @!p0 $0x100;
	s7 =	rddreg [dreg:$0x15]  }
0xfe: {  	[tilespmem:s6], [sflag:$0x2] =	stream.linear.gather @!p0 [hbm4b:s7+s4], $0x100, $0x38;
	[tilespmem:$0x1C400] =	vst v63  }
0xff: {  	_ =	swait.ge [sflag:s11], $0x100  }
0x100: {  	[sflag:s11] =	ssyncset.done $0x0  }
0x101: {  	[sflag:s11] =	ssyncadd.s32 $0xFFFFFF00  }
0x102: {  	_ =	swait.ge [sflag:s10], $0x4000  }
0x103: {  	s20 =	smov.u32 s19;
	s15 =	simm.s32 $0x2000;
	[sflag:s10] =	ssyncset.done $0x0  }
0x104: {  	s9 =	sadd.s32 $0x80, s18;
	s19 =	rddreg [dreg:$0x8];
	[sflag:s10] =	ssyncadd.s32 $0xFFFFC000  }
0x105: {  	[spmem:s2] =	stream.indirect.scatter.add.f32 [tilespmem:s0], [sflag:$0x7], $0x80, s19, s28, $0xb8;
	[tilespmem:$0x1C400] =	vst v63  }
0x106: {  	s8 =	sadd.s32 $0x80, s16;
	s16 =	sadd.s32 $0x80, s17;
	_ =	swait.ge [sflag:s23], $0x4000  }
0x107: {  	s17 =	simm.s32 @!p0 $0x4400;
	s6 =	sadd.s32 $0x80, s7;
	[sflag:s23] =	ssyncset.done $0x0  }
0x108: {  	s7 =	simm.s32 $0x0;
	s13 =	rddreg [dreg:$0x5];
	[sflag:s23] =	ssyncadd.s32 $0xFFFFC000  }
.LBB2_6:
0x109: {  	s13 =	sadd.s32 @!p0 s14, s13  }
0x10a: {  	[tilespmem:s17], [sflag:$0x6] =	stream.linear.gather @!p0 [hbm4b:s13+s4], $0x4000, $0x38;
	[tilespmem:$0x1C400] =	vst v63  }
0x10b: {  	_ = 	snop  }
0x10c: {  	[tilespmem:s25], [sflag:$0x3] =	stream.linear.gather [hbm4b:s16+s3], $0x100, $0x38;
	[tilespmem:$0x1C400] =	vst v63  }
0x10d: {  	_ =	swait.ge [sflag:s26], $0x100  }
0x10e: {  	[sflag:s26] =	ssyncset.done $0x0  }
0x10f: {  	[sflag:s26] =	ssyncadd.s32 $0xFFFFFF00  }
0x110: {  	_ =	swait.ge [sflag:s1], $0x4000  }
0x111: {  	[sflag:s1] =	ssyncset.done $0x0  }
0x112: {  	[sflag:s1] =	ssyncadd.s32 $0xFFFFC000  }
0x113: {  	[spmem:s2] =	stream.indirect.scatter.add.f32 [tilespmem:s29], [sflag:$0x7], $0x80, s28, s28, $0xb8;
	[tilespmem:$0x1C400] =	vst v63  }
0x114: {  	_ =	swait.ge [sflag:s23], $0x4000  }
0x115: {  	s14 =	smov.u32 s15;
	[sflag:s23] =	ssyncset.done $0x0  }
0x116: {  	s13 =	sadd.s32 s14, s22;
	[sflag:s23] =	ssyncadd.s32 $0xFFFFC000  }
0x117: {  	[tilespmem:s29], [sflag:$0x5] =	stream.linear.gather [hbm4b:s13+s3], $0x4000, $0x38;
	[tilespmem:$0x1C400] =	vst v63  }
0x118: {  	_ = 	snop  }
0x119: {  	[tilespmem:s30], [sflag:$0x4] =	stream.linear.gather [hbm4b:s8+s3], $0x100, $0x38;
	[tilespmem:$0x1C400] =	vst v63  }
0x11a: {  	_ =	swait.ge [sflag:s31], $0x100  }
0x11b: {  	[sflag:s31] =	ssyncset.done $0x0  }
0x11c: {  	[sflag:s31] =	ssyncadd.s32 $0xFFFFFF00  }
0x11d: {  	_ =	swait.ge [sflag:s10], $0x4000  }
0x11e: {  	[sflag:s10] =	ssyncset.done $0x0  }
0x11f: {  	s17 =	rddreg [dreg:$0x7];
	[sflag:s10] =	ssyncadd.s32 $0xFFFFC000  }
0x120: {  	[spmem:s2] =	stream.indirect.scatter.add.f32 [tilespmem:s0], [sflag:$0x7], $0x80, s17, s28, $0xb8;
	[tilespmem:$0x1C400] =	vst v63  }
0x121: {  	s7 =	sadd.s32 $0x1, s7;
	_ =	swait.ge [sflag:s23], $0x4000  }
0x122: {  	p0 =	sgt.u32 s7, $0x12;
	[sflag:s23] =	ssyncset.done $0x0  }
0x123: {  	s18 =	sadd.s32 s14, s21;
	s4 =	simm.s32 @p0 $0x3;
	[sflag:s23] =	ssyncadd.s32 $0xFFFFC000  }
0x124: {  	[tilespmem:s0], [sflag:$0x6] =	stream.linear.gather [hbm4b:s18+s3], $0x4000, $0x38;
	[tilespmem:$0x1C400] =	vst v63  }
0x125: {  	_ =	swait.ge @p0 [sflag:s4], $0x100  }
0x126: {  	[sflag:s4] =	ssyncset.done @p0 $0x0  }
0x127: {  	s13 =	simm.s32 @p0 $0x5;
	[sflag:s4] =	ssyncadd.s32 @p0 $0xFFFFFF00  }
0x128: {  	_ =	swait.ge @p0 [sflag:s13], $0x4000  }
0x129: {  	s17 =	simm.s32 @p0 $0x80;
	s18 =	simm.s32 @p0 $0x280;
	[sflag:s13] =	ssyncset.done @p0 $0x0  }
0x12a: {  	s4 =	simm.s32 @p0 $0x400;
	[sflag:s13] =	ssyncadd.s32 @p0 $0xFFFFC000;
	s13 =	simm.s32 @p0 $0x7  }
0x12b: {  	[spmem:s2] =	stream.indirect.scatter.add.f32 @p0 [tilespmem:s4], [sflag:$0x7], $0x80, s18, s17, $0xb8;
	[tilespmem:$0x1C400] =	vst v63  }
0x12c: {  	_ =	swait.ge @p0 [sflag:s13], $0x4000  }
0x12d: {  	[sflag:s13] =	ssyncset.done @p0 $0x0  }
0x12e: {  	s4 =	simm.s32 @!p0 $0x0;
	[sflag:s13] =	ssyncadd.s32 @p0 $0xFFFFC000;
	s13 =	simm.s32 @!p0 $0x3  }
0x12f: {  	[tilespmem:s4], [sflag:$0x1] =	stream.linear.gather @!p0 [hbm4b:s9+s4], $0x100, $0x38;
	[tilespmem:$0x1C400] =	vst v63  }
0x130: {  	_ =	swait.ge @!p0 [sflag:s13], $0x100  }
0x131: {  	[sflag:s13] =	ssyncset.done @!p0 $0x0  }
0x132: {  	s17 =	simm.s32 @!p0 $0x5;
	[sflag:s13] =	ssyncadd.s32 @!p0 $0xFFFFFF00  }
0x133: {  	_ =	swait.ge @!p0 [sflag:s17], $0x4000  }
0x134: {  	s19 =	simm.s32 @!p0 $0x280;
	s18 =	simm.s32 @!p0 $0x80;
	[sflag:s17] =	ssyncset.done @!p0 $0x0  }
0x135: {  	s13 =	simm.s32 @!p0 $0x400;
	[sflag:s17] =	ssyncadd.s32 @!p0 $0xFFFFC000;
	s17 =	simm.s32 @!p0 $0x7  }
0x136: {  	[spmem:s2] =	stream.indirect.scatter.add.f32 @!p0 [tilespmem:s13], [sflag:$0x7], $0x80, s19, s18, $0xb8;
	[tilespmem:$0x1C400] =	vst v63  }
0x137: {  	_ =	swait.ge @!p0 [sflag:s17], $0x4000  }
0x138: {  	s18 =	rddreg [dreg:$0x6];
	[sflag:s17] =	ssyncset.done @!p0 $0x0  }
0x139: {  	[sflag:s17] =	ssyncadd.s32 @!p0 $0xFFFFC000;
	s17 =	sadd.s32 @!p0 s14, s18  }
0x13a: {  	[tilespmem:s13], [sflag:$0x5] =	stream.linear.gather @!p0 [hbm4b:s17+s4], $0x4000, $0x38;
	[tilespmem:$0x1C400] =	vst v63  }
0x13b: {  	s18 =	simm.s32 @!p0 $0x100  }
0x13c: {  	[tilespmem:s18], [sflag:$0x2] =	stream.linear.gather @!p0 [hbm4b:s6+s4], $0x100, $0x38;
	[tilespmem:$0x1C400] =	vst v63  }
0x13d: {  	_ =	swait.ge [sflag:s11], $0x100  }
0x13e: {  	[sflag:s11] =	ssyncset.done $0x0  }
0x13f: {  	[sflag:s11] =	ssyncadd.s32 $0xFFFFFF00  }
0x140: {  	s15 =	sadd.s32 $0x2000, s15;
	_ =	swait.ge [sflag:s10], $0x4000  }
0x141: {  	p1 =	sne.s32 s15, $0x28000;
	[sflag:s10] =	ssyncset.done $0x0  }
.Ltmp2:
0x142: {  	s19 =	rddreg [dreg:$0x8];
	[sflag:s10] =	ssyncadd.s32 $0xFFFFC000;
	(pc) =	sbr.rel @p1 .LBB2_6-.Ltmp2, $4  }
0x143: {  	[spmem:s2] =	stream.indirect.scatter.add.f32 [tilespmem:s0], [sflag:$0x7], $0x80, s19, s28, $0xb8;
	[tilespmem:$0x1C400] =	vst v63  }
0x144: {  	s16 =	sadd.s32 $0x80, s16;
	s8 =	sadd.s32 $0x80, s8;
	_ =	swait.ge [sflag:s23], $0x4000  }
0x145: {  	s9 =	sadd.s32 $0x80, s9;
	s17 =	simm.s32 @!p0 $0x4400;
	[sflag:s23] =	ssyncset.done $0x0  }
0x146: {  	s6 =	sadd.s32 $0x80, s6;
	s13 =	rddreg [dreg:$0x5];
	[sflag:s23] =	ssyncadd.s32 $0xFFFFC000  }
0x147: {  	s6 =	sadd.s32 @!p0 s14, s13  }
0x148: {  	[tilespmem:s17], [sflag:$0x6] =	stream.linear.gather @!p0 [hbm4b:s6+s4], $0x4000, $0x38;
	[tilespmem:$0x1C400] =	vst v63  }
0x149: {  	[bflag:$0x0] =	sbarrier.arrive $0xFFFF  }
0x14a: {  	s14 =	rddreg [dreg:$0xb]  }
0x14b: {  	s17 =	rddreg [dreg:$0xf]  }
0x14c: {  	s18 =	rddreg [dreg:$0x19]  }
0x14d: {  	[hbm:s17], [sflag:s14] =	dma.local [spmem:s18], $0x2800  }
0x14e: {  	_ =	swait.ge [sflag:s23], $0x2800  }
0x14f: {  	s12 =	sadd.s32 $0x1, s12;
	s19 =	rddreg [dreg:$0x10]  }
0x150: {  	p0 =	sne.s32 s12, s19  }
.Ltmp3:
0x151: {  	_ = 	snop;
	(pc) =	sbr.rel @p0 .LBB2_1-.Ltmp3, $3  }
0x152: {  	_ =	sdelay $0x1  }
0x153: {  	[sflag:s23] =	ssyncset.done $0x0  }
0x154: {  	s18 =	rddreg [dreg:$0x9];
	[sflag:s23] =	ssyncadd.s32 $0xFFFFD800;
	s19 =	smov.u32 s20  }
0x155: {  	_ =	sfence.sel $0x180000  }
0x156: {  	[bflag:$0x0] =	sbarrier.arrive $0xFFFF  }
0x157: {  	_ =	strace $0x90000050  }
0x158: {  	s0 =	stileid.u32;
	[bflag:$0x2] =	sbarrier.arrive $0xFFFF  }
0x159: {  	p0 =	sne.s32 s0, $0x0;
	s0 =	rddreg [dreg:$0x2]  }
0x15a: {  	s0 =	sadd.s32 @!p0 $0x100000, s0  }
0x15b: {  	[sflag:s0] =	ssyncadd.tile.s32 @!p0 $0x1;
	_ =	shalt  }
.Lfunc_end2:
_tile_overlayer_lowered:
.L_overlay_start_2:
0x15c: {  	(tag) =	ssettag $0x2  }
0x15d: {  	s0 =	rddreg [dreg:$0x0];
	s2 =	stileid.u32  }
0x15e: {  	s1 =	rddreg [dreg:$0x1];
	p0 =	sne.s32 s2, $0x0  }
0x15f: {  	s3 =	rddreg [dreg:$0x2];
	[bflag:$0x3] =	sbarrier.arrive $0xFFFF;
	s2 =	simm.s32 @!p0 $0x1C07  }
0x160: {  	[timem:s3], [sflag:s2] =	dma.local @!p0 [hbm:s0], s1  }
0x161: {  	s0 =	simm.s32 @!p0 $0x7  }
0x162: {  	_ =	swait.ge @!p0 [sflag:s0], s1  }
0x163: {  	s1 =	ssub.s32 @!p0 $0x0, s1;
	[sflag:s0] =	ssyncset.done @!p0 $0x0  }
0x164: {  	[sflag:s0] =	ssyncadd.s32 @!p0 s1  }
0x165: {  	[bflag:$0x3] =	sbarrier.arrive $0xFFFF  }
0x166: {  	_ =	shalt  }

</sc_bundles>
